<compile_context>
chip_gen: v7x
topology: tpu7x:2x2x1
jax: 0.10.2.dev20260603
libtpu: 0.0.44.dev20260713+nightly
codegen_flags: <defaults>
</compile_context>

<pallas_src>
import functools

import jax
import jax.numpy as jnp
from jax import lax
from jax.experimental import pallas as pl
from jax.experimental.pallas import tpu as pltpu
from jax.experimental.pallas import tpu_sc as plsc

_W = 128
_L = 16


def kernel(ctx, prefix, suffix):
    n_ctx, d = ctx.shape
    n_cls = prefix.shape[0]
    n_suf = suffix.shape[1]
    seq = 1 + n_ctx + n_suf
    nc = d // _W

    info = plsc.get_sparse_core_info()
    nw = info.num_cores * info.num_subcores
    cpw = (n_cls + nw - 1) // nw

    mesh = plsc.VectorSubcoreMesh(core_axis_name="c", subcore_axis_name="s")

    @functools.partial(
        pl.kernel,
        out_type=jax.ShapeDtypeStruct((n_cls, seq, d), jnp.float32),
        mesh=mesh,
        scratch_types=[
            pltpu.VMEM((nc, seq, _W), jnp.float32),
            pltpu.VMEM((nc, n_suf, _W), jnp.float32),
            pltpu.VMEM((1, d), jnp.float32),
            pltpu.SemaphoreType.DMA,
            pltpu.SemaphoreType.DMA,
            pltpu.SemaphoreType.DMA,
        ],
    )
    def body(ctx_hbm, prefix_hbm, suffix_hbm, out_hbm, vbuf, vsuf, vpre,
             sem_in, sem_out, sem_pre):
        wid = lax.axis_index("s") * info.num_cores + lax.axis_index("c")
        base = wid * cpw

        def cls(j):
            return jnp.minimum(base + j, n_cls - 1)

        ctx_descs = [
            pltpu.async_copy(
                ctx_hbm.at[:, pl.ds(c * _W, _W)], vsuf.at[c, pl.ds(0, n_ctx)],
                sem_in,
            )
            for c in range(nc)
        ]
        for dsc in ctx_descs:
            dsc.wait()

        def copy_row(dst, dst_row, src, src_row, r):
            for k in range(_W // _L):
                s = pl.ds(k * _L, _L)
                dst[dst_row + r, s] = src[src_row + r, s]

        def ctx_body(r, _):
            for c in range(nc):
                copy_row(vbuf.at[c], 1, vsuf.at[c], 0, r)
            return ()

        lax.fori_loop(0, n_ctx, ctx_body, (), unroll=False)

        def fire_in(j, c):
            pltpu.async_copy(
                suffix_hbm.at[cls(j), :, pl.ds(c * _W, _W)],
                vsuf.at[c, pl.ds(0, n_suf)],
                sem_in,
            )

        def fire_pre(j):
            pltpu.async_copy(prefix_hbm.at[cls(j)], vpre, sem_pre)

        def wait_in(c):
            pltpu.make_async_copy(
                suffix_hbm.at[0, :, pl.ds(0, _W)],
                vsuf.at[c, pl.ds(0, n_suf)],
                sem_in,
            ).wait()

        def wait_pre():
            pltpu.make_async_copy(prefix_hbm.at[0], vpre, sem_pre).wait()

        def fire_out(j, c):
            pltpu.async_copy(
                vbuf.at[c], out_hbm.at[cls(j), :, pl.ds(c * _W, _W)], sem_out
            )

        def wait_out(c):
            pltpu.make_async_copy(
                vbuf.at[c], out_hbm.at[0, :, pl.ds(0, _W)], sem_out
            ).wait()

        fire_pre(0)
        for c in range(nc):
            fire_in(0, c)

        def class_body(j, _):
            wait_pre()
            for c in range(nc):
                wait_in(c)

                @pl.when(j > 0)
                def _():
                    wait_out(c)

                for k in range(_W // _L):
                    vbuf[c, 0, pl.ds(k * _L, _L)] = vpre[0, pl.ds(c * _W + k * _L, _L)]

                def shift_body(r, _, c=c):
                    copy_row(vbuf.at[c], 1 + n_ctx, vsuf.at[c], 0, r)
                    return ()

                lax.fori_loop(0, n_suf, shift_body, (), unroll=False)

                fire_out(j, c)
                fire_in(j + 1, c)
            fire_pre(j + 1)
            return ()

        lax.fori_loop(0, cpw, class_body, (), unroll=False)

        wait_pre()
        for c in range(nc):
            wait_out(c)
            wait_in(c)

    return body(ctx, prefix, suffix)

# --- scband reference (transcript-rebuilt; emitter-appended) ---
"""Pipeline reference for scband-proto-text-prompt-learner-61924838474031 (READ-ONLY COPY).

The authoritative reference and input builder live on the scoring server;
editing this copy changes nothing except your own understanding.
"""

import jax, jax.numpy as jnp
import numpy as np

N_CLS = 1000
N_CTX = 16
CTX_DIM = 768
SEQ_LEN = 77

def setup_inputs(seed: int = 0) -> dict:
    key = jax.random.key(seed)
    k1, k2, k3 = jax.random.split(key, 3)
    # learned context vectors (nn.init.normal_(std=0.02))
    ctx = jax.random.normal(k1, (N_CTX, CTX_DIM), dtype=jnp.float32) * 0.02
    # precomputed token-embedding prefix (SOS token embedding per class prompt)
    prefix = jax.random.normal(k2, (N_CLS, 1, CTX_DIM), dtype=jnp.float32)
    # precomputed token-embedding suffix (classname + '.' + EOS + padding embeddings)
    suffix = jax.random.normal(k3, (N_CLS, SEQ_LEN - 1 - N_CTX, CTX_DIM), dtype=jnp.float32)
    return {"ctx": ctx, "prefix": prefix, "suffix": suffix}

def reference(ctx, prefix, suffix):
    # Faithful translation of ProtoTextPromptLearner.forward with
    # class_token_position == 'end', init_concepts=False, batch_size=None.
    n_cls = prefix.shape[0]
    if ctx.ndim == 2:
        # ctx.unsqueeze(0).expand(self.num, -1, -1)
        ctx = jnp.broadcast_to(ctx[None, :, :], (n_cls, ctx.shape[0], ctx.shape[1]))
    # torch.cat([prefix, ctx, suffix], dim=-2)
    prompts = jnp.concatenate([prefix, ctx, suffix], axis=-2)
    return prompts

if __name__ == "__main__":
    import jax
    _d = setup_inputs()
    print(jax.jit(kernel)(*tuple(_d.values())))

</pallas_src>

<mosaic_0001>
#map = affine_map<(d0, d1) -> (0, 0)>
#map1 = affine_map<(d0, d1) -> (0, 0, 0)>
module attributes {stable_mosaic.version = 14 : i64} {
  func.func @body(%arg0: i32, %arg1: i32, %arg2: memref<16x768xf32, #tpu.memory_space<hbm>>, %arg3: memref<1000x1x768xf32, #tpu.memory_space<hbm>>, %arg4: memref<1000x60x768xf32, #tpu.memory_space<hbm>>, %arg5: memref<1000x77x768xf32, #tpu.memory_space<hbm>>, %arg6: memref<6x77x128xf32, #tpu.memory_space<vmem>>, %arg7: memref<6x60x128xf32, #tpu.memory_space<vmem>>, %arg8: memref<1x768xf32, #tpu.memory_space<vmem>>, %arg9: memref<!tpu.dma_semaphore, #tpu.memory_space<semaphore_mem>>, %arg10: memref<!tpu.dma_semaphore, #tpu.memory_space<semaphore_mem>>, %arg11: memref<!tpu.dma_semaphore, #tpu.memory_space<semaphore_mem>>) attributes {dimension_semantics = [#tpu.dimension_semantics<core_parallel>, #tpu.dimension_semantics<subcore_parallel>], iteration_bounds = array<i64: 2, 16>, scalar_prefetch = 0 : i64, scratch_operands = 6 : i64, tpu.core_type = #tpu.core_type<sc_vector_subcore>, window_params = [{transform_indices = #map}, {transform_indices = #map1}, {transform_indices = #map1}, {transform_indices = #map1}]} {
    %mul3A = arith.constant 2 : i32
    %mul3A_0 = arith.muli %arg1, %mul3A : i32
    %add3A = arith.addi %mul3A_0, %arg0 : i32
    %mul3A_1 = arith.constant 32 : i32
    %mul3A_2 = arith.muli %add3A, %mul3A_1 : i32
    %dma_start3A = arith.constant 0 : i32
    %dma_start3A_3 = arith.constant 0 : i32
    %dma_start3A_4 = arith.constant 0 : i32
    %dma_start3A_5 = tpu.memref_slice %arg7[%dma_start3A, %dma_start3A_3, %dma_start3A_4] : memref<6x60x128xf32, #tpu.memory_space<vmem>> -> memref<1x16x128xf32, #tpu.memory_space<vmem>>
    %dma_start3A_6 = tpu.memref_squeeze %dma_start3A_5 : memref<1x16x128xf32, #tpu.memory_space<vmem>> -> memref<16x128xf32, #tpu.memory_space<vmem>>
    %dma_start3A_7 = arith.constant 0 : i32
    %dma_start3A_8 = arith.constant 0 : i32
    %dma_start3A_9 = tpu.memref_slice %arg2[%dma_start3A_7, %dma_start3A_8] : memref<16x768xf32, #tpu.memory_space<hbm>> -> memref<16x128xf32, #tpu.memory_space<hbm>>
    %dma_start3A_10 = arith.constant 0 : i32
    %dma_start3A_11 = arith.constant 0 : i32
    %dma_start3A_12 = tpu.memref_slice %arg7[%dma_start3A, %dma_start3A_10, %dma_start3A_11] : memref<6x60x128xf32, #tpu.memory_space<vmem>> -> memref<1x16x128xf32, #tpu.memory_space<vmem>>
    %dma_start3A_13 = tpu.memref_squeeze %dma_start3A_12 : memref<1x16x128xf32, #tpu.memory_space<vmem>> -> memref<16x128xf32, #tpu.memory_space<vmem>>
    %dma_start3A_14 = arith.constant 0 : i32
    %dma_start3A_15 = arith.constant 0 : i32
    %dma_start3A_16 = tpu.memref_slice %arg2[%dma_start3A_14, %dma_start3A_15] : memref<16x768xf32, #tpu.memory_space<hbm>> -> memref<16x128xf32, #tpu.memory_space<hbm>>
    tpu.enqueue_dma source(%dma_start3A_16 : memref<16x128xf32, #tpu.memory_space<hbm>>) target(%dma_start3A_13 : memref<16x128xf32, #tpu.memory_space<vmem>>) target_semaphore(%arg9 : memref<!tpu.dma_semaphore, #tpu.memory_space<semaphore_mem>>)
    %dma_start3A_17 = arith.constant 1 : i32
    %dma_start3A_18 = arith.constant 0 : i32
    %dma_start3A_19 = arith.constant 0 : i32
    %dma_start3A_20 = tpu.memref_slice %arg7[%dma_start3A_17, %dma_start3A_18, %dma_start3A_19] : memref<6x60x128xf32, #tpu.memory_space<vmem>> -> memref<1x16x128xf32, #tpu.memory_space<vmem>>
    %dma_start3A_21 = tpu.memref_squeeze %dma_start3A_20 : memref<1x16x128xf32, #tpu.memory_space<vmem>> -> memref<16x128xf32, #tpu.memory_space<vmem>>
    %dma_start3A_22 = arith.constant 0 : i32
    %dma_start3A_23 = arith.constant 128 : i32
    %dma_start3A_24 = tpu.memref_slice %arg2[%dma_start3A_22, %dma_start3A_23] : memref<16x768xf32, #tpu.memory_space<hbm>> -> memref<16x128xf32, #tpu.memory_space<hbm>>
    %dma_start3A_25 = arith.constant 0 : i32
    %dma_start3A_26 = arith.constant 0 : i32
    %dma_start3A_27 = tpu.memref_slice %arg7[%dma_start3A_17, %dma_start3A_25, %dma_start3A_26] : memref<6x60x128xf32, #tpu.memory_space<vmem>> -> memref<1x16x128xf32, #tpu.memory_space<vmem>>
    %dma_start3A_28 = tpu.memref_squeeze %dma_start3A_27 : memref<1x16x128xf32, #tpu.memory_space<vmem>> -> memref<16x128xf32, #tpu.memory_space<vmem>>
    %dma_start3A_29 = arith.constant 0 : i32
    %dma_start3A_30 = arith.constant 128 : i32
    %dma_start3A_31 = tpu.memref_slice %arg2[%dma_start3A_29, %dma_start3A_30] : memref<16x768xf32, #tpu.memory_space<hbm>> -> memref<16x128xf32, #tpu.memory_space<hbm>>
    tpu.enqueue_dma source(%dma_start3A_31 : memref<16x128xf32, #tpu.memory_space<hbm>>) target(%dma_start3A_28 : memref<16x128xf32, #tpu.memory_space<vmem>>) target_semaphore(%arg9 : memref<!tpu.dma_semaphore, #tpu.memory_space<semaphore_mem>>)
    %dma_start3A_32 = arith.constant 2 : i32
    %dma_start3A_33 = arith.constant 0 : i32
    %dma_start3A_34 = arith.constant 0 : i32
    %dma_start3A_35 = tpu.memref_slice %arg7[%dma_start3A_32, %dma_start3A_33, %dma_start3A_34] : memref<6x60x128xf32, #tpu.memory_space<vmem>> -> memref<1x16x128xf32, #tpu.memory_space<vmem>>
    %dma_start3A_36 = tpu.memref_squeeze %dma_start3A_35 : memref<1x16x128xf32, #tpu.memory_space<vmem>> -> memref<16x128xf32, #tpu.memory_space<vmem>>
    %dma_start3A_37 = arith.constant 0 : i32
    %dma_start3A_38 = arith.constant 256 : i32
    %dma_start3A_39 = tpu.memref_slice %arg2[%dma_start3A_37, %dma_start3A_38] : memref<16x768xf32, #tpu.memory_space<hbm>> -> memref<16x128xf32, #tpu.memory_space<hbm>>
    %dma_start3A_40 = arith.constant 0 : i32
    %dma_start3A_41 = arith.constant 0 : i32
    %dma_start3A_42 = tpu.memref_slice %arg7[%dma_start3A_32, %dma_start3A_40, %dma_start3A_41] : memref<6x60x128xf32, #tpu.memory_space<vmem>> -> memref<1x16x128xf32, #tpu.memory_space<vmem>>
    %dma_start3A_43 = tpu.memref_squeeze %dma_start3A_42 : memref<1x16x128xf32, #tpu.memory_space<vmem>> -> memref<16x128xf32, #tpu.memory_space<vmem>>
    %dma_start3A_44 = arith.constant 0 : i32
    %dma_start3A_45 = arith.constant 256 : i32
    %dma_start3A_46 = tpu.memref_slice %arg2[%dma_start3A_44, %dma_start3A_45] : memref<16x768xf32, #tpu.memory_space<hbm>> -> memref<16x128xf32, #tpu.memory_space<hbm>>
    tpu.enqueue_dma source(%dma_start3A_46 : memref<16x128xf32, #tpu.memory_space<hbm>>) target(%dma_start3A_43 : memref<16x128xf32, #tpu.memory_space<vmem>>) target_semaphore(%arg9 : memref<!tpu.dma_semaphore, #tpu.memory_space<semaphore_mem>>)
    %dma_start3A_47 = arith.constant 3 : i32
    %dma_start3A_48 = arith.constant 0 : i32
    %dma_start3A_49 = arith.constant 0 : i32
    %dma_start3A_50 = tpu.memref_slice %arg7[%dma_start3A_47, %dma_start3A_48, %dma_start3A_49] : memref<6x60x128xf32, #tpu.memory_space<vmem>> -> memref<1x16x128xf32, #tpu.memory_space<vmem>>
    %dma_start3A_51 = tpu.memref_squeeze %dma_start3A_50 : memref<1x16x128xf32, #tpu.memory_space<vmem>> -> memref<16x128xf32, #tpu.memory_space<vmem>>
    %dma_start3A_52 = arith.constant 0 : i32
    %dma_start3A_53 = arith.constant 384 : i32
    %dma_start3A_54 = tpu.memref_slice %arg2[%dma_start3A_52, %dma_start3A_53] : memref<16x768xf32, #tpu.memory_space<hbm>> -> memref<16x128xf32, #tpu.memory_space<hbm>>
    %dma_start3A_55 = arith.constant 0 : i32
    %dma_start3A_56 = arith.constant 0 : i32
    %dma_start3A_57 = tpu.memref_slice %arg7[%dma_start3A_47, %dma_start3A_55, %dma_start3A_56] : memref<6x60x128xf32, #tpu.memory_space<vmem>> -> memref<1x16x128xf32, #tpu.memory_space<vmem>>
    %dma_start3A_58 = tpu.memref_squeeze %dma_start3A_57 : memref<1x16x128xf32, #tpu.memory_space<vmem>> -> memref<16x128xf32, #tpu.memory_space<vmem>>
    %dma_start3A_59 = arith.constant 0 : i32
    %dma_start3A_60 = arith.constant 384 : i32
    %dma_start3A_61 = tpu.memref_slice %arg2[%dma_start3A_59, %dma_start3A_60] : memref<16x768xf32, #tpu.memory_space<hbm>> -> memref<16x128xf32, #tpu.memory_space<hbm>>
    tpu.enqueue_dma source(%dma_start3A_61 : memref<16x128xf32, #tpu.memory_space<hbm>>) target(%dma_start3A_58 : memref<16x128xf32, #tpu.memory_space<vmem>>) target_semaphore(%arg9 : memref<!tpu.dma_semaphore, #tpu.memory_space<semaphore_mem>>)
    %dma_start3A_62 = arith.constant 4 : i32
    %dma_start3A_63 = arith.constant 0 : i32
    %dma_start3A_64 = arith.constant 0 : i32
    %dma_start3A_65 = tpu.memref_slice %arg7[%dma_start3A_62, %dma_start3A_63, %dma_start3A_64] : memref<6x60x128xf32, #tpu.memory_space<vmem>> -> memref<1x16x128xf32, #tpu.memory_space<vmem>>
    %dma_start3A_66 = tpu.memref_squeeze %dma_start3A_65 : memref<1x16x128xf32, #tpu.memory_space<vmem>> -> memref<16x128xf32, #tpu.memory_space<vmem>>
    %dma_start3A_67 = arith.constant 0 : i32
    %dma_start3A_68 = arith.constant 512 : i32
    %dma_start3A_69 = tpu.memref_slice %arg2[%dma_start3A_67, %dma_start3A_68] : memref<16x768xf32, #tpu.memory_space<hbm>> -> memref<16x128xf32, #tpu.memory_space<hbm>>
    %dma_start3A_70 = arith.constant 0 : i32
    %dma_start3A_71 = arith.constant 0 : i32
    %dma_start3A_72 = tpu.memref_slice %arg7[%dma_start3A_62, %dma_start3A_70, %dma_start3A_71] : memref<6x60x128xf32, #tpu.memory_space<vmem>> -> memref<1x16x128xf32, #tpu.memory_space<vmem>>
    %dma_start3A_73 = tpu.memref_squeeze %dma_start3A_72 : memref<1x16x128xf32, #tpu.memory_space<vmem>> -> memref<16x128xf32, #tpu.memory_space<vmem>>
    %dma_start3A_74 = arith.constant 0 : i32
    %dma_start3A_75 = arith.constant 512 : i32
    %dma_start3A_76 = tpu.memref_slice %arg2[%dma_start3A_74, %dma_start3A_75] : memref<16x768xf32, #tpu.memory_space<hbm>> -> memref<16x128xf32, #tpu.memory_space<hbm>>
    tpu.enqueue_dma source(%dma_start3A_76 : memref<16x128xf32, #tpu.memory_space<hbm>>) target(%dma_start3A_73 : memref<16x128xf32, #tpu.memory_space<vmem>>) target_semaphore(%arg9 : memref<!tpu.dma_semaphore, #tpu.memory_space<semaphore_mem>>)
    %dma_start3A_77 = arith.constant 5 : i32
    %dma_start3A_78 = arith.constant 0 : i32
    %dma_start3A_79 = arith.constant 0 : i32
    %dma_start3A_80 = tpu.memref_slice %arg7[%dma_start3A_77, %dma_start3A_78, %dma_start3A_79] : memref<6x60x128xf32, #tpu.memory_space<vmem>> -> memref<1x16x128xf32, #tpu.memory_space<vmem>>
    %dma_start3A_81 = tpu.memref_squeeze %dma_start3A_80 : memref<1x16x128xf32, #tpu.memory_space<vmem>> -> memref<16x128xf32, #tpu.memory_space<vmem>>
    %dma_start3A_82 = arith.constant 0 : i32
    %dma_start3A_83 = arith.constant 640 : i32
    %dma_start3A_84 = tpu.memref_slice %arg2[%dma_start3A_82, %dma_start3A_83] : memref<16x768xf32, #tpu.memory_space<hbm>> -> memref<16x128xf32, #tpu.memory_space<hbm>>
    %dma_start3A_85 = arith.constant 0 : i32
    %dma_start3A_86 = arith.constant 0 : i32
    %dma_start3A_87 = tpu.memref_slice %arg7[%dma_start3A_77, %dma_start3A_85, %dma_start3A_86] : memref<6x60x128xf32, #tpu.memory_space<vmem>> -> memref<1x16x128xf32, #tpu.memory_space<vmem>>
    %dma_start3A_88 = tpu.memref_squeeze %dma_start3A_87 : memref<1x16x128xf32, #tpu.memory_space<vmem>> -> memref<16x128xf32, #tpu.memory_space<vmem>>
    %dma_start3A_89 = arith.constant 0 : i32
    %dma_start3A_90 = arith.constant 640 : i32
    %dma_start3A_91 = tpu.memref_slice %arg2[%dma_start3A_89, %dma_start3A_90] : memref<16x768xf32, #tpu.memory_space<hbm>> -> memref<16x128xf32, #tpu.memory_space<hbm>>
    tpu.enqueue_dma source(%dma_start3A_91 : memref<16x128xf32, #tpu.memory_space<hbm>>) target(%dma_start3A_88 : memref<16x128xf32, #tpu.memory_space<vmem>>) target_semaphore(%arg9 : memref<!tpu.dma_semaphore, #tpu.memory_space<semaphore_mem>>)
    %dma_wait3A = arith.constant 0 : i32
    %dma_wait3A_92 = arith.constant 0 : i32
    %dma_wait3A_93 = arith.constant 0 : i32
    %dma_wait3A_94 = tpu.memref_slice %arg7[%dma_wait3A, %dma_wait3A_92, %dma_wait3A_93] : memref<6x60x128xf32, #tpu.memory_space<vmem>> -> memref<1x16x128xf32, #tpu.memory_space<vmem>>
    %dma_wait3A_95 = tpu.memref_squeeze %dma_wait3A_94 : memref<1x16x128xf32, #tpu.memory_space<vmem>> -> memref<16x128xf32, #tpu.memory_space<vmem>>
    %dma_wait3A_96 = arith.constant 0 : i32
    %dma_wait3A_97 = arith.constant 0 : i32
    %dma_wait3A_98 = tpu.memref_slice %arg2[%dma_wait3A_96, %dma_wait3A_97] : memref<16x768xf32, #tpu.memory_space<hbm>> -> memref<16x128xf32, #tpu.memory_space<hbm>>
    %dma_wait3A_99 = arith.constant 0 : i32
    %dma_wait3A_100 = arith.constant 0 : i32
    %dma_wait3A_101 = tpu.memref_slice %arg7[%dma_wait3A, %dma_wait3A_99, %dma_wait3A_100] : memref<6x60x128xf32, #tpu.memory_space<vmem>> -> memref<1x16x128xf32, #tpu.memory_space<vmem>>
    %dma_wait3A_102 = tpu.memref_squeeze %dma_wait3A_101 : memref<1x16x128xf32, #tpu.memory_space<vmem>> -> memref<16x128xf32, #tpu.memory_space<vmem>>
    %dma_wait3A_103 = arith.constant 0 : i32
    %dma_wait3A_104 = arith.constant 0 : i32
    %dma_wait3A_105 = tpu.memref_slice %arg2[%dma_wait3A_103, %dma_wait3A_104] : memref<16x768xf32, #tpu.memory_space<hbm>> -> memref<16x128xf32, #tpu.memory_space<hbm>>
    tpu.wait_dma2 semaphore(%arg9 : memref<!tpu.dma_semaphore, #tpu.memory_space<semaphore_mem>>) src(%dma_wait3A_105 : memref<16x128xf32, #tpu.memory_space<hbm>>) dst(%dma_wait3A_102 : memref<16x128xf32, #tpu.memory_space<vmem>>)
    %dma_wait3A_106 = arith.constant 1 : i32
    %dma_wait3A_107 = arith.constant 0 : i32
    %dma_wait3A_108 = arith.constant 0 : i32
    %dma_wait3A_109 = tpu.memref_slice %arg7[%dma_wait3A_106, %dma_wait3A_107, %dma_wait3A_108] : memref<6x60x128xf32, #tpu.memory_space<vmem>> -> memref<1x16x128xf32, #tpu.memory_space<vmem>>
    %dma_wait3A_110 = tpu.memref_squeeze %dma_wait3A_109 : memref<1x16x128xf32, #tpu.memory_space<vmem>> -> memref<16x128xf32, #tpu.memory_space<vmem>>
    %dma_wait3A_111 = arith.constant 0 : i32
    %dma_wait3A_112 = arith.constant 128 : i32
    %dma_wait3A_113 = tpu.memref_slice %arg2[%dma_wait3A_111, %dma_wait3A_112] : memref<16x768xf32, #tpu.memory_space<hbm>> -> memref<16x128xf32, #tpu.memory_space<hbm>>
    %dma_wait3A_114 = arith.constant 0 : i32
    %dma_wait3A_115 = arith.constant 0 : i32
    %dma_wait3A_116 = tpu.memref_slice %arg7[%dma_wait3A_106, %dma_wait3A_114, %dma_wait3A_115] : memref<6x60x128xf32, #tpu.memory_space<vmem>> -> memref<1x16x128xf32, #tpu.memory_space<vmem>>
    %dma_wait3A_117 = tpu.memref_squeeze %dma_wait3A_116 : memref<1x16x128xf32, #tpu.memory_space<vmem>> -> memref<16x128xf32, #tpu.memory_space<vmem>>
    %dma_wait3A_118 = arith.constant 0 : i32
    %dma_wait3A_119 = arith.constant 128 : i32
    %dma_wait3A_120 = tpu.memref_slice %arg2[%dma_wait3A_118, %dma_wait3A_119] : memref<16x768xf32, #tpu.memory_space<hbm>> -> memref<16x128xf32, #tpu.memory_space<hbm>>
    tpu.wait_dma2 semaphore(%arg9 : memref<!tpu.dma_semaphore, #tpu.memory_space<semaphore_mem>>) src(%dma_wait3A_120 : memref<16x128xf32, #tpu.memory_space<hbm>>) dst(%dma_wait3A_117 : memref<16x128xf32, #tpu.memory_space<vmem>>)
    %dma_wait3A_121 = arith.constant 2 : i32
    %dma_wait3A_122 = arith.constant 0 : i32
    %dma_wait3A_123 = arith.constant 0 : i32
    %dma_wait3A_124 = tpu.memref_slice %arg7[%dma_wait3A_121, %dma_wait3A_122, %dma_wait3A_123] : memref<6x60x128xf32, #tpu.memory_space<vmem>> -> memref<1x16x128xf32, #tpu.memory_space<vmem>>
    %dma_wait3A_125 = tpu.memref_squeeze %dma_wait3A_124 : memref<1x16x128xf32, #tpu.memory_space<vmem>> -> memref<16x128xf32, #tpu.memory_space<vmem>>
    %dma_wait3A_126 = arith.constant 0 : i32
    %dma_wait3A_127 = arith.constant 256 : i32
    %dma_wait3A_128 = tpu.memref_slice %arg2[%dma_wait3A_126, %dma_wait3A_127] : memref<16x768xf32, #tpu.memory_space<hbm>> -> memref<16x128xf32, #tpu.memory_space<hbm>>
    %dma_wait3A_129 = arith.constant 0 : i32
    %dma_wait3A_130 = arith.constant 0 : i32
    %dma_wait3A_131 = tpu.memref_slice %arg7[%dma_wait3A_121, %dma_wait3A_129, %dma_wait3A_130] : memref<6x60x128xf32, #tpu.memory_space<vmem>> -> memref<1x16x128xf32, #tpu.memory_space<vmem>>
    %dma_wait3A_132 = tpu.memref_squeeze %dma_wait3A_131 : memref<1x16x128xf32, #tpu.memory_space<vmem>> -> memref<16x128xf32, #tpu.memory_space<vmem>>
    %dma_wait3A_133 = arith.constant 0 : i32
    %dma_wait3A_134 = arith.constant 256 : i32
    %dma_wait3A_135 = tpu.memref_slice %arg2[%dma_wait3A_133, %dma_wait3A_134] : memref<16x768xf32, #tpu.memory_space<hbm>> -> memref<16x128xf32, #tpu.memory_space<hbm>>
    tpu.wait_dma2 semaphore(%arg9 : memref<!tpu.dma_semaphore, #tpu.memory_space<semaphore_mem>>) src(%dma_wait3A_135 : memref<16x128xf32, #tpu.memory_space<hbm>>) dst(%dma_wait3A_132 : memref<16x128xf32, #tpu.memory_space<vmem>>)
    %dma_wait3A_136 = arith.constant 3 : i32
    %dma_wait3A_137 = arith.constant 0 : i32
    %dma_wait3A_138 = arith.constant 0 : i32
    %dma_wait3A_139 = tpu.memref_slice %arg7[%dma_wait3A_136, %dma_wait3A_137, %dma_wait3A_138] : memref<6x60x128xf32, #tpu.memory_space<vmem>> -> memref<1x16x128xf32, #tpu.memory_space<vmem>>
    %dma_wait3A_140 = tpu.memref_squeeze %dma_wait3A_139 : memref<1x16x128xf32, #tpu.memory_space<vmem>> -> memref<16x128xf32, #tpu.memory_space<vmem>>
    %dma_wait3A_141 = arith.constant 0 : i32
    %dma_wait3A_142 = arith.constant 384 : i32
    %dma_wait3A_143 = tpu.memref_slice %arg2[%dma_wait3A_141, %dma_wait3A_142] : memref<16x768xf32, #tpu.memory_space<hbm>> -> memref<16x128xf32, #tpu.memory_space<hbm>>
    %dma_wait3A_144 = arith.constant 0 : i32
    %dma_wait3A_145 = arith.constant 0 : i32
    %dma_wait3A_146 = tpu.memref_slice %arg7[%dma_wait3A_136, %dma_wait3A_144, %dma_wait3A_145] : memref<6x60x128xf32, #tpu.memory_space<vmem>> -> memref<1x16x128xf32, #tpu.memory_space<vmem>>
    %dma_wait3A_147 = tpu.memref_squeeze %dma_wait3A_146 : memref<1x16x128xf32, #tpu.memory_space<vmem>> -> memref<16x128xf32, #tpu.memory_space<vmem>>
    %dma_wait3A_148 = arith.constant 0 : i32
    %dma_wait3A_149 = arith.constant 384 : i32
    %dma_wait3A_150 = tpu.memref_slice %arg2[%dma_wait3A_148, %dma_wait3A_149] : memref<16x768xf32, #tpu.memory_space<hbm>> -> memref<16x128xf32, #tpu.memory_space<hbm>>
    tpu.wait_dma2 semaphore(%arg9 : memref<!tpu.dma_semaphore, #tpu.memory_space<semaphore_mem>>) src(%dma_wait3A_150 : memref<16x128xf32, #tpu.memory_space<hbm>>) dst(%dma_wait3A_147 : memref<16x128xf32, #tpu.memory_space<vmem>>)
    %dma_wait3A_151 = arith.constant 4 : i32
    %dma_wait3A_152 = arith.constant 0 : i32
    %dma_wait3A_153 = arith.constant 0 : i32
    %dma_wait3A_154 = tpu.memref_slice %arg7[%dma_wait3A_151, %dma_wait3A_152, %dma_wait3A_153] : memref<6x60x128xf32, #tpu.memory_space<vmem>> -> memref<1x16x128xf32, #tpu.memory_space<vmem>>
    %dma_wait3A_155 = tpu.memref_squeeze %dma_wait3A_154 : memref<1x16x128xf32, #tpu.memory_space<vmem>> -> memref<16x128xf32, #tpu.memory_space<vmem>>
    %dma_wait3A_156 = arith.constant 0 : i32
    %dma_wait3A_157 = arith.constant 512 : i32
    %dma_wait3A_158 = tpu.memref_slice %arg2[%dma_wait3A_156, %dma_wait3A_157] : memref<16x768xf32, #tpu.memory_space<hbm>> -> memref<16x128xf32, #tpu.memory_space<hbm>>
    %dma_wait3A_159 = arith.constant 0 : i32
    %dma_wait3A_160 = arith.constant 0 : i32
    %dma_wait3A_161 = tpu.memref_slice %arg7[%dma_wait3A_151, %dma_wait3A_159, %dma_wait3A_160] : memref<6x60x128xf32, #tpu.memory_space<vmem>> -> memref<1x16x128xf32, #tpu.memory_space<vmem>>
    %dma_wait3A_162 = tpu.memref_squeeze %dma_wait3A_161 : memref<1x16x128xf32, #tpu.memory_space<vmem>> -> memref<16x128xf32, #tpu.memory_space<vmem>>
    %dma_wait3A_163 = arith.constant 0 : i32
    %dma_wait3A_164 = arith.constant 512 : i32
    %dma_wait3A_165 = tpu.memref_slice %arg2[%dma_wait3A_163, %dma_wait3A_164] : memref<16x768xf32, #tpu.memory_space<hbm>> -> memref<16x128xf32, #tpu.memory_space<hbm>>
    tpu.wait_dma2 semaphore(%arg9 : memref<!tpu.dma_semaphore, #tpu.memory_space<semaphore_mem>>) src(%dma_wait3A_165 : memref<16x128xf32, #tpu.memory_space<hbm>>) dst(%dma_wait3A_162 : memref<16x128xf32, #tpu.memory_space<vmem>>)
    %dma_wait3A_166 = arith.constant 5 : i32
    %dma_wait3A_167 = arith.constant 0 : i32
    %dma_wait3A_168 = arith.constant 0 : i32
    %dma_wait3A_169 = tpu.memref_slice %arg7[%dma_wait3A_166, %dma_wait3A_167, %dma_wait3A_168] : memref<6x60x128xf32, #tpu.memory_space<vmem>> -> memref<1x16x128xf32, #tpu.memory_space<vmem>>
    %dma_wait3A_170 = tpu.memref_squeeze %dma_wait3A_169 : memref<1x16x128xf32, #tpu.memory_space<vmem>> -> memref<16x128xf32, #tpu.memory_space<vmem>>
    %dma_wait3A_171 = arith.constant 0 : i32
    %dma_wait3A_172 = arith.constant 640 : i32
    %dma_wait3A_173 = tpu.memref_slice %arg2[%dma_wait3A_171, %dma_wait3A_172] : memref<16x768xf32, #tpu.memory_space<hbm>> -> memref<16x128xf32, #tpu.memory_space<hbm>>
    %dma_wait3A_174 = arith.constant 0 : i32
    %dma_wait3A_175 = arith.constant 0 : i32
    %dma_wait3A_176 = tpu.memref_slice %arg7[%dma_wait3A_166, %dma_wait3A_174, %dma_wait3A_175] : memref<6x60x128xf32, #tpu.memory_space<vmem>> -> memref<1x16x128xf32, #tpu.memory_space<vmem>>
    %dma_wait3A_177 = tpu.memref_squeeze %dma_wait3A_176 : memref<1x16x128xf32, #tpu.memory_space<vmem>> -> memref<16x128xf32, #tpu.memory_space<vmem>>
    %dma_wait3A_178 = arith.constant 0 : i32
    %dma_wait3A_179 = arith.constant 640 : i32
    %dma_wait3A_180 = tpu.memref_slice %arg2[%dma_wait3A_178, %dma_wait3A_179] : memref<16x768xf32, #tpu.memory_space<hbm>> -> memref<16x128xf32, #tpu.memory_space<hbm>>
    tpu.wait_dma2 semaphore(%arg9 : memref<!tpu.dma_semaphore, #tpu.memory_space<semaphore_mem>>) src(%dma_wait3A_180 : memref<16x128xf32, #tpu.memory_space<hbm>>) dst(%dma_wait3A_177 : memref<16x128xf32, #tpu.memory_space<vmem>>)
    %scan3A = arith.constant 0 : i32
    %scan3A_181 = arith.constant 16 : i32
    %scan3A_182 = arith.addi %scan3A, %scan3A_181 : i32
    %scan3A_183 = arith.constant 1 : i32
    scf.for %scan3A_552 = %scan3A to %scan3A_182 step %scan3A_183  : i32 {
      %add3A_553 = arith.constant 0 : i32
      %add3A_554 = arith.addi %add3A_553, %scan3A_552 : i32
      %get3A = arith.constant 0 : i32
      %get3A_555 = arith.constant 0 : i32
      %get3A_556 = arith.constant 0 : i32
      %get3A_557 = tpu.memref_slice %arg7[%get3A, %get3A_555, %get3A_556] : memref<6x60x128xf32, #tpu.memory_space<vmem>> -> memref<1x60x128xf32, #tpu.memory_space<vmem>>
      %get3A_558 = tpu.memref_squeeze %get3A_557 : memref<1x60x128xf32, #tpu.memory_space<vmem>> -> memref<60x128xf32, #tpu.memory_space<vmem>>
      %get3A_559 = arith.index_cast %add3A_554 : i32 to index
      %get3A_560 = arith.constant 0 : index
      %get3A_561 = tpu.vector_load %get3A_558[%get3A_559, %get3A_560] {strides = array<i32>} : memref<60x128xf32, #tpu.memory_space<vmem>>, vector<1x16xf32>,
      %get3A_562 = vector.shape_cast %get3A_561 : vector<1x16xf32> to vector<16xf32>
      %add3A_563 = arith.constant 1 : i32
      %add3A_564 = arith.addi %add3A_563, %scan3A_552 : i32
      %swap3A = arith.constant 0 : i32
      %swap3A_565 = arith.constant 0 : i32
      %swap3A_566 = arith.constant 0 : i32
      %swap3A_567 = tpu.memref_slice %arg6[%swap3A, %swap3A_565, %swap3A_566] : memref<6x77x128xf32, #tpu.memory_space<vmem>> -> memref<1x77x128xf32, #tpu.memory_space<vmem>>
      %swap3A_568 = tpu.memref_squeeze %swap3A_567 : memref<1x77x128xf32, #tpu.memory_space<vmem>> -> memref<77x128xf32, #tpu.memory_space<vmem>>
      %swap3A_569 = arith.index_cast %add3A_564 : i32 to index
      %swap3A_570 = arith.constant 0 : index
      %swap3A_571 = tpu.vector_load %swap3A_568[%swap3A_569, %swap3A_570] {strides = array<i32>} : memref<77x128xf32, #tpu.memory_space<vmem>>, vector<1x16xf32>,
      %swap3A_572 = vector.shape_cast %swap3A_571 : vector<1x16xf32> to vector<16xf32>
      %swap3A_573 = vector.shape_cast %get3A_562 : vector<16xf32> to vector<1x16xf32>
      tpu.vector_store %swap3A_568[%swap3A_569, %swap3A_570], %swap3A_573 {strides = array<i32>} : memref<77x128xf32, #tpu.memory_space<vmem>>, vector<1x16xf32>,
      %add3A_574 = arith.constant 0 : i32
      %add3A_575 = arith.addi %add3A_574, %scan3A_552 : i32
      %get3A_576 = arith.constant 0 : i32
      %get3A_577 = arith.constant 0 : i32
      %get3A_578 = arith.constant 0 : i32
      %get3A_579 = tpu.memref_slice %arg7[%get3A_576, %get3A_577, %get3A_578] : memref<6x60x128xf32, #tpu.memory_space<vmem>> -> memref<1x60x128xf32, #tpu.memory_space<vmem>>
      %get3A_580 = tpu.memref_squeeze %get3A_579 : memref<1x60x128xf32, #tpu.memory_space<vmem>> -> memref<60x128xf32, #tpu.memory_space<vmem>>
      %get3A_581 = arith.index_cast %add3A_575 : i32 to index
      %get3A_582 = arith.constant 16 : index
      %get3A_583 = tpu.vector_load %get3A_580[%get3A_581, %get3A_582] {strides = array<i32>} : memref<60x128xf32, #tpu.memory_space<vmem>>, vector<1x16xf32>,
      %get3A_584 = vector.shape_cast %get3A_583 : vector<1x16xf32> to vector<16xf32>
      %add3A_585 = arith.constant 1 : i32
      %add3A_586 = arith.addi %add3A_585, %scan3A_552 : i32
      %swap3A_587 = arith.constant 0 : i32
      %swap3A_588 = arith.constant 0 : i32
      %swap3A_589 = arith.constant 0 : i32
      %swap3A_590 = tpu.memref_slice %arg6[%swap3A_587, %swap3A_588, %swap3A_589] : memref<6x77x128xf32, #tpu.memory_space<vmem>> -> memref<1x77x128xf32, #tpu.memory_space<vmem>>
      %swap3A_591 = tpu.memref_squeeze %swap3A_590 : memref<1x77x128xf32, #tpu.memory_space<vmem>> -> memref<77x128xf32, #tpu.memory_space<vmem>>
      %swap3A_592 = arith.index_cast %add3A_586 : i32 to index
      %swap3A_593 = arith.constant 16 : index
      %swap3A_594 = tpu.vector_load %swap3A_591[%swap3A_592, %swap3A_593] {strides = array<i32>} : memref<77x128xf32, #tpu.memory_space<vmem>>, vector<1x16xf32>,
      %swap3A_595 = vector.shape_cast %swap3A_594 : vector<1x16xf32> to vector<16xf32>
      %swap3A_596 = vector.shape_cast %get3A_584 : vector<16xf32> to vector<1x16xf32>
      tpu.vector_store %swap3A_591[%swap3A_592, %swap3A_593], %swap3A_596 {strides = array<i32>} : memref<77x128xf32, #tpu.memory_space<vmem>>, vector<1x16xf32>,
      %add3A_597 = arith.constant 0 : i32
      %add3A_598 = arith.addi %add3A_597, %scan3A_552 : i32
      %get3A_599 = arith.constant 0 : i32
      %get3A_600 = arith.constant 0 : i32
      %get3A_601 = arith.constant 0 : i32
      %get3A_602 = tpu.memref_slice %arg7[%get3A_599, %get3A_600, %get3A_601] : memref<6x60x128xf32, #tpu.memory_space<vmem>> -> memref<1x60x128xf32, #tpu.memory_space<vmem>>
      %get3A_603 = tpu.memref_squeeze %get3A_602 : memref<1x60x128xf32, #tpu.memory_space<vmem>> -> memref<60x128xf32, #tpu.memory_space<vmem>>
      %get3A_604 = arith.index_cast %add3A_598 : i32 to index
      %get3A_605 = arith.constant 32 : index
      %get3A_606 = tpu.vector_load %get3A_603[%get3A_604, %get3A_605] {strides = array<i32>} : memref<60x128xf32, #tpu.memory_space<vmem>>, vector<1x16xf32>,
      %get3A_607 = vector.shape_cast %get3A_606 : vector<1x16xf32> to vector<16xf32>
      %add3A_608 = arith.constant 1 : i32
      %add3A_609 = arith.addi %add3A_608, %scan3A_552 : i32
      %swap3A_610 = arith.constant 0 : i32
      %swap3A_611 = arith.constant 0 : i32
      %swap3A_612 = arith.constant 0 : i32
      %swap3A_613 = tpu.memref_slice %arg6[%swap3A_610, %swap3A_611, %swap3A_612] : memref<6x77x128xf32, #tpu.memory_space<vmem>> -> memref<1x77x128xf32, #tpu.memory_space<vmem>>
      %swap3A_614 = tpu.memref_squeeze %swap3A_613 : memref<1x77x128xf32, #tpu.memory_space<vmem>> -> memref<77x128xf32, #tpu.memory_space<vmem>>
      %swap3A_615 = arith.index_cast %add3A_609 : i32 to index
      %swap3A_616 = arith.constant 32 : index
      %swap3A_617 = tpu.vector_load %swap3A_614[%swap3A_615, %swap3A_616] {strides = array<i32>} : memref<77x128xf32, #tpu.memory_space<vmem>>, vector<1x16xf32>,
      %swap3A_618 = vector.shape_cast %swap3A_617 : vector<1x16xf32> to vector<16xf32>
      %swap3A_619 = vector.shape_cast %get3A_607 : vector<16xf32> to vector<1x16xf32>
      tpu.vector_store %swap3A_614[%swap3A_615, %swap3A_616], %swap3A_619 {strides = array<i32>} : memref<77x128xf32, #tpu.memory_space<vmem>>, vector<1x16xf32>,
      %add3A_620 = arith.constant 0 : i32
      %add3A_621 = arith.addi %add3A_620, %scan3A_552 : i32
      %get3A_622 = arith.constant 0 : i32
      %get3A_623 = arith.constant 0 : i32
      %get3A_624 = arith.constant 0 : i32
      %get3A_625 = tpu.memref_slice %arg7[%get3A_622, %get3A_623, %get3A_624] : memref<6x60x128xf32, #tpu.memory_space<vmem>> -> memref<1x60x128xf32, #tpu.memory_space<vmem>>
      %get3A_626 = tpu.memref_squeeze %get3A_625 : memref<1x60x128xf32, #tpu.memory_space<vmem>> -> memref<60x128xf32, #tpu.memory_space<vmem>>
      %get3A_627 = arith.index_cast %add3A_621 : i32 to index
      %get3A_628 = arith.constant 48 : index
      %get3A_629 = tpu.vector_load %get3A_626[%get3A_627, %get3A_628] {strides = array<i32>} : memref<60x128xf32, #tpu.memory_space<vmem>>, vector<1x16xf32>,
      %get3A_630 = vector.shape_cast %get3A_629 : vector<1x16xf32> to vector<16xf32>
      %add3A_631 = arith.constant 1 : i32
      %add3A_632 = arith.addi %add3A_631, %scan3A_552 : i32
      %swap3A_633 = arith.constant 0 : i32
      %swap3A_634 = arith.constant 0 : i32
      %swap3A_635 = arith.constant 0 : i32
      %swap3A_636 = tpu.memref_slice %arg6[%swap3A_633, %swap3A_634, %swap3A_635] : memref<6x77x128xf32, #tpu.memory_space<vmem>> -> memref<1x77x128xf32, #tpu.memory_space<vmem>>
      %swap3A_637 = tpu.memref_squeeze %swap3A_636 : memref<1x77x128xf32, #tpu.memory_space<vmem>> -> memref<77x128xf32, #tpu.memory_space<vmem>>
      %swap3A_638 = arith.index_cast %add3A_632 : i32 to index
      %swap3A_639 = arith.constant 48 : index
      %swap3A_640 = tpu.vector_load %swap3A_637[%swap3A_638, %swap3A_639] {strides = array<i32>} : memref<77x128xf32, #tpu.memory_space<vmem>>, vector<1x16xf32>,
      %swap3A_641 = vector.shape_cast %swap3A_640 : vector<1x16xf32> to vector<16xf32>
      %swap3A_642 = vector.shape_cast %get3A_630 : vector<16xf32> to vector<1x16xf32>
      tpu.vector_store %swap3A_637[%swap3A_638, %swap3A_639], %swap3A_642 {strides = array<i32>} : memref<77x128xf32, #tpu.memory_space<vmem>>, vector<1x16xf32>,
      %add3A_643 = arith.constant 0 : i32
      %add3A_644 = arith.addi %add3A_643, %scan3A_552 : i32
      %get3A_645 = arith.constant 0 : i32
      %get3A_646 = arith.constant 0 : i32
      %get3A_647 = arith.constant 0 : i32
      %get3A_648 = tpu.memref_slice %arg7[%get3A_645, %get3A_646, %get3A_647] : memref<6x60x128xf32, #tpu.memory_space<vmem>> -> memref<1x60x128xf32, #tpu.memory_space<vmem>>
      %get3A_649 = tpu.memref_squeeze %get3A_648 : memref<1x60x128xf32, #tpu.memory_space<vmem>> -> memref<60x128xf32, #tpu.memory_space<vmem>>
      %get3A_650 = arith.index_cast %add3A_644 : i32 to index
      %get3A_651 = arith.constant 64 : index
      %get3A_652 = tpu.vector_load %get3A_649[%get3A_650, %get3A_651] {strides = array<i32>} : memref<60x128xf32, #tpu.memory_space<vmem>>, vector<1x16xf32>,
      %get3A_653 = vector.shape_cast %get3A_652 : vector<1x16xf32> to vector<16xf32>
      %add3A_654 = arith.constant 1 : i32
      %add3A_655 = arith.addi %add3A_654, %scan3A_552 : i32
      %swap3A_656 = arith.constant 0 : i32
      %swap3A_657 = arith.constant 0 : i32
      %swap3A_658 = arith.constant 0 : i32
      %swap3A_659 = tpu.memref_slice %arg6[%swap3A_656, %swap3A_657, %swap3A_658] : memref<6x77x128xf32, #tpu.memory_space<vmem>> -> memref<1x77x128xf32, #tpu.memory_space<vmem>>
      %swap3A_660 = tpu.memref_squeeze %swap3A_659 : memref<1x77x128xf32, #tpu.memory_space<vmem>> -> memref<77x128xf32, #tpu.memory_space<vmem>>
      %swap3A_661 = arith.index_cast %add3A_655 : i32 to index
      %swap3A_662 = arith.constant 64 : index
      %swap3A_663 = tpu.vector_load %swap3A_660[%swap3A_661, %swap3A_662] {strides = array<i32>} : memref<77x128xf32, #tpu.memory_space<vmem>>, vector<1x16xf32>,
      %swap3A_664 = vector.shape_cast %swap3A_663 : vector<1x16xf32> to vector<16xf32>
      %swap3A_665 = vector.shape_cast %get3A_653 : vector<16xf32> to vector<1x16xf32>
      tpu.vector_store %swap3A_660[%swap3A_661, %swap3A_662], %swap3A_665 {strides = array<i32>} : memref<77x128xf32, #tpu.memory_space<vmem>>, vector<1x16xf32>,
      %add3A_666 = arith.constant 0 : i32
      %add3A_667 = arith.addi %add3A_666, %scan3A_552 : i32
      %get3A_668 = arith.constant 0 : i32
      %get3A_669 = arith.constant 0 : i32
      %get3A_670 = arith.constant 0 : i32
      %get3A_671 = tpu.memref_slice %arg7[%get3A_668, %get3A_669, %get3A_670] : memref<6x60x128xf32, #tpu.memory_space<vmem>> -> memref<1x60x128xf32, #tpu.memory_space<vmem>>
      %get3A_672 = tpu.memref_squeeze %get3A_671 : memref<1x60x128xf32, #tpu.memory_space<vmem>> -> memref<60x128xf32, #tpu.memory_space<vmem>>
      %get3A_673 = arith.index_cast %add3A_667 : i32 to index
      %get3A_674 = arith.constant 80 : index
      %get3A_675 = tpu.vector_load %get3A_672[%get3A_673, %get3A_674] {strides = array<i32>} : memref<60x128xf32, #tpu.memory_space<vmem>>, vector<1x16xf32>,
      %get3A_676 = vector.shape_cast %get3A_675 : vector<1x16xf32> to vector<16xf32>
      %add3A_677 = arith.constant 1 : i32
      %add3A_678 = arith.addi %add3A_677, %scan3A_552 : i32
      %swap3A_679 = arith.constant 0 : i32
      %swap3A_680 = arith.constant 0 : i32
      %swap3A_681 = arith.constant 0 : i32
      %swap3A_682 = tpu.memref_slice %arg6[%swap3A_679, %swap3A_680, %swap3A_681] : memref<6x77x128xf32, #tpu.memory_space<vmem>> -> memref<1x77x128xf32, #tpu.memory_space<vmem>>
      %swap3A_683 = tpu.memref_squeeze %swap3A_682 : memref<1x77x128xf32, #tpu.memory_space<vmem>> -> memref<77x128xf32, #tpu.memory_space<vmem>>
      %swap3A_684 = arith.index_cast %add3A_678 : i32 to index
      %swap3A_685 = arith.constant 80 : index
      %swap3A_686 = tpu.vector_load %swap3A_683[%swap3A_684, %swap3A_685] {strides = array<i32>} : memref<77x128xf32, #tpu.memory_space<vmem>>, vector<1x16xf32>,
      %swap3A_687 = vector.shape_cast %swap3A_686 : vector<1x16xf32> to vector<16xf32>
      %swap3A_688 = vector.shape_cast %get3A_676 : vector<16xf32> to vector<1x16xf32>
      tpu.vector_store %swap3A_683[%swap3A_684, %swap3A_685], %swap3A_688 {strides = array<i32>} : memref<77x128xf32, #tpu.memory_space<vmem>>, vector<1x16xf32>,
      %add3A_689 = arith.constant 0 : i32
      %add3A_690 = arith.addi %add3A_689, %scan3A_552 : i32
      %get3A_691 = arith.constant 0 : i32
      %get3A_692 = arith.constant 0 : i32
      %get3A_693 = arith.constant 0 : i32
      %get3A_694 = tpu.memref_slice %arg7[%get3A_691, %get3A_692, %get3A_693] : memref<6x60x128xf32, #tpu.memory_space<vmem>> -> memref<1x60x128xf32, #tpu.memory_space<vmem>>
      %get3A_695 = tpu.memref_squeeze %get3A_694 : memref<1x60x128xf32, #tpu.memory_space<vmem>> -> memref<60x128xf32, #tpu.memory_space<vmem>>
      %get3A_696 = arith.index_cast %add3A_690 : i32 to index
      %get3A_697 = arith.constant 96 : index
      %get3A_698 = tpu.vector_load %get3A_695[%get3A_696, %get3A_697] {strides = array<i32>} : memref<60x128xf32, #tpu.memory_space<vmem>>, vector<1x16xf32>,
      %get3A_699 = vector.shape_cast %get3A_698 : vector<1x16xf32> to vector<16xf32>
      %add3A_700 = arith.constant 1 : i32
      %add3A_701 = arith.addi %add3A_700, %scan3A_552 : i32
      %swap3A_702 = arith.constant 0 : i32
      %swap3A_703 = arith.constant 0 : i32
      %swap3A_704 = arith.constant 0 : i32
      %swap3A_705 = tpu.memref_slice %arg6[%swap3A_702, %swap3A_703, %swap3A_704] : memref<6x77x128xf32, #tpu.memory_space<vmem>> -> memref<1x77x128xf32, #tpu.memory_space<vmem>>
      %swap3A_706 = tpu.memref_squeeze %swap3A_705 : memref<1x77x128xf32, #tpu.memory_space<vmem>> -> memref<77x128xf32, #tpu.memory_space<vmem>>
      %swap3A_707 = arith.index_cast %add3A_701 : i32 to index
      %swap3A_708 = arith.constant 96 : index
      %swap3A_709 = tpu.vector_load %swap3A_706[%swap3A_707, %swap3A_708] {strides = array<i32>} : memref<77x128xf32, #tpu.memory_space<vmem>>, vector<1x16xf32>,
      %swap3A_710 = vector.shape_cast %swap3A_709 : vector<1x16xf32> to vector<16xf32>
      %swap3A_711 = vector.shape_cast %get3A_699 : vector<16xf32> to vector<1x16xf32>
      tpu.vector_store %swap3A_706[%swap3A_707, %swap3A_708], %swap3A_711 {strides = array<i32>} : memref<77x128xf32, #tpu.memory_space<vmem>>, vector<1x16xf32>,
      %add3A_712 = arith.constant 0 : i32
      %add3A_713 = arith.addi %add3A_712, %scan3A_552 : i32
      %get3A_714 = arith.constant 0 : i32
      %get3A_715 = arith.constant 0 : i32
      %get3A_716 = arith.constant 0 : i32
      %get3A_717 = tpu.memref_slice %arg7[%get3A_714, %get3A_715, %get3A_716] : memref<6x60x128xf32, #tpu.memory_space<vmem>> -> memref<1x60x128xf32, #tpu.memory_space<vmem>>
      %get3A_718 = tpu.memref_squeeze %get3A_717 : memref<1x60x128xf32, #tpu.memory_space<vmem>> -> memref<60x128xf32, #tpu.memory_space<vmem>>
      %get3A_719 = arith.index_cast %add3A_713 : i32 to index
      %get3A_720 = arith.constant 112 : index
      %get3A_721 = tpu.vector_load %get3A_718[%get3A_719, %get3A_720] {strides = array<i32>} : memref<60x128xf32, #tpu.memory_space<vmem>>, vector<1x16xf32>,
      %get3A_722 = vector.shape_cast %get3A_721 : vector<1x16xf32> to vector<16xf32>
      %add3A_723 = arith.constant 1 : i32
      %add3A_724 = arith.addi %add3A_723, %scan3A_552 : i32
      %swap3A_725 = arith.constant 0 : i32
      %swap3A_726 = arith.constant 0 : i32
      %swap3A_727 = arith.constant 0 : i32
      %swap3A_728 = tpu.memref_slice %arg6[%swap3A_725, %swap3A_726, %swap3A_727] : memref<6x77x128xf32, #tpu.memory_space<vmem>> -> memref<1x77x128xf32, #tpu.memory_space<vmem>>
      %swap3A_729 = tpu.memref_squeeze %swap3A_728 : memref<1x77x128xf32, #tpu.memory_space<vmem>> -> memref<77x128xf32, #tpu.memory_space<vmem>>
      %swap3A_730 = arith.index_cast %add3A_724 : i32 to index
      %swap3A_731 = arith.constant 112 : index
      %swap3A_732 = tpu.vector_load %swap3A_729[%swap3A_730, %swap3A_731] {strides = array<i32>} : memref<77x128xf32, #tpu.memory_space<vmem>>, vector<1x16xf32>,
      %swap3A_733 = vector.shape_cast %swap3A_732 : vector<1x16xf32> to vector<16xf32>
      %swap3A_734 = vector.shape_cast %get3A_722 : vector<16xf32> to vector<1x16xf32>
      tpu.vector_store %swap3A_729[%swap3A_730, %swap3A_731], %swap3A_734 {strides = array<i32>} : memref<77x128xf32, #tpu.memory_space<vmem>>, vector<1x16xf32>,
      %add3A_735 = arith.constant 0 : i32
      %add3A_736 = arith.addi %add3A_735, %scan3A_552 : i32
      %get3A_737 = arith.constant 1 : i32
      %get3A_738 = arith.constant 0 : i32
      %get3A_739 = arith.constant 0 : i32
      %get3A_740 = tpu.memref_slice %arg7[%get3A_737, %get3A_738, %get3A_739] : memref<6x60x128xf32, #tpu.memory_space<vmem>> -> memref<1x60x128xf32, #tpu.memory_space<vmem>>
      %get3A_741 = tpu.memref_squeeze %get3A_740 : memref<1x60x128xf32, #tpu.memory_space<vmem>> -> memref<60x128xf32, #tpu.memory_space<vmem>>
      %get3A_742 = arith.index_cast %add3A_736 : i32 to index
      %get3A_743 = arith.constant 0 : index
      %get3A_744 = tpu.vector_load %get3A_741[%get3A_742, %get3A_743] {strides = array<i32>} : memref<60x128xf32, #tpu.memory_space<vmem>>, vector<1x16xf32>,
      %get3A_745 = vector.shape_cast %get3A_744 : vector<1x16xf32> to vector<16xf32>
      %add3A_746 = arith.constant 1 : i32
      %add3A_747 = arith.addi %add3A_746, %scan3A_552 : i32
      %swap3A_748 = arith.constant 1 : i32
      %swap3A_749 = arith.constant 0 : i32
      %swap3A_750 = arith.constant 0 : i32
      %swap3A_751 = tpu.memref_slice %arg6[%swap3A_748, %swap3A_749, %swap3A_750] : memref<6x77x128xf32, #tpu.memory_space<vmem>> -> memref<1x77x128xf32, #tpu.memory_space<vmem>>
      %swap3A_752 = tpu.memref_squeeze %swap3A_751 : memref<1x77x128xf32, #tpu.memory_space<vmem>> -> memref<77x128xf32, #tpu.memory_space<vmem>>
      %swap3A_753 = arith.index_cast %add3A_747 : i32 to index
      %swap3A_754 = arith.constant 0 : index
      %swap3A_755 = tpu.vector_load %swap3A_752[%swap3A_753, %swap3A_754] {strides = array<i32>} : memref<77x128xf32, #tpu.memory_space<vmem>>, vector<1x16xf32>,
      %swap3A_756 = vector.shape_cast %swap3A_755 : vector<1x16xf32> to vector<16xf32>
      %swap3A_757 = vector.shape_cast %get3A_745 : vector<16xf32> to vector<1x16xf32>
      tpu.vector_store %swap3A_752[%swap3A_753, %swap3A_754], %swap3A_757 {strides = array<i32>} : memref<77x128xf32, #tpu.memory_space<vmem>>, vector<1x16xf32>,
      %add3A_758 = arith.constant 0 : i32
      %add3A_759 = arith.addi %add3A_758, %scan3A_552 : i32
      %get3A_760 = arith.constant 1 : i32
      %get3A_761 = arith.constant 0 : i32
      %get3A_762 = arith.constant 0 : i32
      %get3A_763 = tpu.memref_slice %arg7[%get3A_760, %get3A_761, %get3A_762] : memref<6x60x128xf32, #tpu.memory_space<vmem>> -> memref<1x60x128xf32, #tpu.memory_space<vmem>>
      %get3A_764 = tpu.memref_squeeze %get3A_763 : memref<1x60x128xf32, #tpu.memory_space<vmem>> -> memref<60x128xf32, #tpu.memory_space<vmem>>
      %get3A_765 = arith.index_cast %add3A_759 : i32 to index
      %get3A_766 = arith.constant 16 : index
      %get3A_767 = tpu.vector_load %get3A_764[%get3A_765, %get3A_766] {strides = array<i32>} : memref<60x128xf32, #tpu.memory_space<vmem>>, vector<1x16xf32>,
      %get3A_768 = vector.shape_cast %get3A_767 : vector<1x16xf32> to vector<16xf32>
      %add3A_769 = arith.constant 1 : i32
      %add3A_770 = arith.addi %add3A_769, %scan3A_552 : i32
      %swap3A_771 = arith.constant 1 : i32
      %swap3A_772 = arith.constant 0 : i32
      %swap3A_773 = arith.constant 0 : i32
      %swap3A_774 = tpu.memref_slice %arg6[%swap3A_771, %swap3A_772, %swap3A_773] : memref<6x77x128xf32, #tpu.memory_space<vmem>> -> memref<1x77x128xf32, #tpu.memory_space<vmem>>
      %swap3A_775 = tpu.memref_squeeze %swap3A_774 : memref<1x77x128xf32, #tpu.memory_space<vmem>> -> memref<77x128xf32, #tpu.memory_space<vmem>>
      %swap3A_776 = arith.index_cast %add3A_770 : i32 to index
      %swap3A_777 = arith.constant 16 : index
      %swap3A_778 = tpu.vector_load %swap3A_775[%swap3A_776, %swap3A_777] {strides = array<i32>} : memref<77x128xf32, #tpu.memory_space<vmem>>, vector<1x16xf32>,
      %swap3A_779 = vector.shape_cast %swap3A_778 : vector<1x16xf32> to vector<16xf32>
      %swap3A_780 = vector.shape_cast %get3A_768 : vector<16xf32> to vector<1x16xf32>
      tpu.vector_store %swap3A_775[%swap3A_776, %swap3A_777], %swap3A_780 {strides = array<i32>} : memref<77x128xf32, #tpu.memory_space<vmem>>, vector<1x16xf32>,
      %add3A_781 = arith.constant 0 : i32
      %add3A_782 = arith.addi %add3A_781, %scan3A_552 : i32
      %get3A_783 = arith.constant 1 : i32
      %get3A_784 = arith.constant 0 : i32
      %get3A_785 = arith.constant 0 : i32
      %get3A_786 = tpu.memref_slice %arg7[%get3A_783, %get3A_784, %get3A_785] : memref<6x60x128xf32, #tpu.memory_space<vmem>> -> memref<1x60x128xf32, #tpu.memory_space<vmem>>
      %get3A_787 = tpu.memref_squeeze %get3A_786 : memref<1x60x128xf32, #tpu.memory_space<vmem>> -> memref<60x128xf32, #tpu.memory_space<vmem>>
      %get3A_788 = arith.index_cast %add3A_782 : i32 to index
      %get3A_789 = arith.constant 32 : index
      %get3A_790 = tpu.vector_load %get3A_787[%get3A_788, %get3A_789] {strides = array<i32>} : memref<60x128xf32, #tpu.memory_space<vmem>>, vector<1x16xf32>,
      %get3A_791 = vector.shape_cast %get3A_790 : vector<1x16xf32> to vector<16xf32>
      %add3A_792 = arith.constant 1 : i32
      %add3A_793 = arith.addi %add3A_792, %scan3A_552 : i32
      %swap3A_794 = arith.constant 1 : i32
      %swap3A_795 = arith.constant 0 : i32
      %swap3A_796 = arith.constant 0 : i32
      %swap3A_797 = tpu.memref_slice %arg6[%swap3A_794, %swap3A_795, %swap3A_796] : memref<6x77x128xf32, #tpu.memory_space<vmem>> -> memref<1x77x128xf32, #tpu.memory_space<vmem>>
      %swap3A_798 = tpu.memref_squeeze %swap3A_797 : memref<1x77x128xf32, #tpu.memory_space<vmem>> -> memref<77x128xf32, #tpu.memory_space<vmem>>
      %swap3A_799 = arith.index_cast %add3A_793 : i32 to index
      %swap3A_800 = arith.constant 32 : index
      %swap3A_801 = tpu.vector_load %swap3A_798[%swap3A_799, %swap3A_800] {strides = array<i32>} : memref<77x128xf32, #tpu.memory_space<vmem>>, vector<1x16xf32>,
      %swap3A_802 = vector.shape_cast %swap3A_801 : vector<1x16xf32> to vector<16xf32>
      %swap3A_803 = vector.shape_cast %get3A_791 : vector<16xf32> to vector<1x16xf32>
      tpu.vector_store %swap3A_798[%swap3A_799, %swap3A_800], %swap3A_803 {strides = array<i32>} : memref<77x128xf32, #tpu.memory_space<vmem>>, vector<1x16xf32>,
      %add3A_804 = arith.constant 0 : i32
      %add3A_805 = arith.addi %add3A_804, %scan3A_552 : i32
      %get3A_806 = arith.constant 1 : i32
      %get3A_807 = arith.constant 0 : i32
      %get3A_808 = arith.constant 0 : i32
      %get3A_809 = tpu.memref_slice %arg7[%get3A_806, %get3A_807, %get3A_808] : memref<6x60x128xf32, #tpu.memory_space<vmem>> -> memref<1x60x128xf32, #tpu.memory_space<vmem>>
      %get3A_810 = tpu.memref_squeeze %get3A_809 : memref<1x60x128xf32, #tpu.memory_space<vmem>> -> memref<60x128xf32, #tpu.memory_space<vmem>>
      %get3A_811 = arith.index_cast %add3A_805 : i32 to index
      %get3A_812 = arith.constant 48 : index
      %get3A_813 = tpu.vector_load %get3A_810[%get3A_811, %get3A_812] {strides = array<i32>} : memref<60x128xf32, #tpu.memory_space<vmem>>, vector<1x16xf32>,
      %get3A_814 = vector.shape_cast %get3A_813 : vector<1x16xf32> to vector<16xf32>
      %add3A_815 = arith.constant 1 : i32
      %add3A_816 = arith.addi %add3A_815, %scan3A_552 : i32
      %swap3A_817 = arith.constant 1 : i32
      %swap3A_818 = arith.constant 0 : i32
      %swap3A_819 = arith.constant 0 : i32
      %swap3A_820 = tpu.memref_slice %arg6[%swap3A_817, %swap3A_818, %swap3A_819] : memref<6x77x128xf32, #tpu.memory_space<vmem>> -> memref<1x77x128xf32, #tpu.memory_space<vmem>>
      %swap3A_821 = tpu.memref_squeeze %swap3A_820 : memref<1x77x128xf32, #tpu.memory_space<vmem>> -> memref<77x128xf32, #tpu.memory_space<vmem>>
      %swap3A_822 = arith.index_cast %add3A_816 : i32 to index
      %swap3A_823 = arith.constant 48 : index
      %swap3A_824 = tpu.vector_load %swap3A_821[%swap3A_822, %swap3A_823] {strides = array<i32>} : memref<77x128xf32, #tpu.memory_space<vmem>>, vector<1x16xf32>,
      %swap3A_825 = vector.shape_cast %swap3A_824 : vector<1x16xf32> to vector<16xf32>
      %swap3A_826 = vector.shape_cast %get3A_814 : vector<16xf32> to vector<1x16xf32>
      tpu.vector_store %swap3A_821[%swap3A_822, %swap3A_823], %swap3A_826 {strides = array<i32>} : memref<77x128xf32, #tpu.memory_space<vmem>>, vector<1x16xf32>,
      %add3A_827 = arith.constant 0 : i32
      %add3A_828 = arith.addi %add3A_827, %scan3A_552 : i32
      %get3A_829 = arith.constant 1 : i32
      %get3A_830 = arith.constant 0 : i32
      %get3A_831 = arith.constant 0 : i32
      %get3A_832 = tpu.memref_slice %arg7[%get3A_829, %get3A_830, %get3A_831] : memref<6x60x128xf32, #tpu.memory_space<vmem>> -> memref<1x60x128xf32, #tpu.memory_space<vmem>>
      %get3A_833 = tpu.memref_squeeze %get3A_832 : memref<1x60x128xf32, #tpu.memory_space<vmem>> -> memref<60x128xf32, #tpu.memory_space<vmem>>
      %get3A_834 = arith.index_cast %add3A_828 : i32 to index
      %get3A_835 = arith.constant 64 : index
      %get3A_836 = tpu.vector_load %get3A_833[%get3A_834, %get3A_835] {strides = array<i32>} : memref<60x128xf32, #tpu.memory_space<vmem>>, vector<1x16xf32>,
      %get3A_837 = vector.shape_cast %get3A_836 : vector<1x16xf32> to vector<16xf32>
      %add3A_838 = arith.constant 1 : i32
      %add3A_839 = arith.addi %add3A_838, %scan3A_552 : i32
      %swap3A_840 = arith.constant 1 : i32
      %swap3A_841 = arith.constant 0 : i32
      %swap3A_842 = arith.constant 0 : i32
      %swap3A_843 = tpu.memref_slice %arg6[%swap3A_840, %swap3A_841, %swap3A_842] : memref<6x77x128xf32, #tpu.memory_space<vmem>> -> memref<1x77x128xf32, #tpu.memory_space<vmem>>
      %swap3A_844 = tpu.memref_squeeze %swap3A_843 : memref<1x77x128xf32, #tpu.memory_space<vmem>> -> memref<77x128xf32, #tpu.memory_space<vmem>>
      %swap3A_845 = arith.index_cast %add3A_839 : i32 to index
      %swap3A_846 = arith.constant 64 : index
      %swap3A_847 = tpu.vector_load %swap3A_844[%swap3A_845, %swap3A_846] {strides = array<i32>} : memref<77x128xf32, #tpu.memory_space<vmem>>, vector<1x16xf32>,
      %swap3A_848 = vector.shape_cast %swap3A_847 : vector<1x16xf32> to vector<16xf32>
      %swap3A_849 = vector.shape_cast %get3A_837 : vector<16xf32> to vector<1x16xf32>
      tpu.vector_store %swap3A_844[%swap3A_845, %swap3A_846], %swap3A_849 {strides = array<i32>} : memref<77x128xf32, #tpu.memory_space<vmem>>, vector<1x16xf32>,
      %add3A_850 = arith.constant 0 : i32
      %add3A_851 = arith.addi %add3A_850, %scan3A_552 : i32
      %get3A_852 = arith.constant 1 : i32
      %get3A_853 = arith.constant 0 : i32
      %get3A_854 = arith.constant 0 : i32
      %get3A_855 = tpu.memref_slice %arg7[%get3A_852, %get3A_853, %get3A_854] : memref<6x60x128xf32, #tpu.memory_space<vmem>> -> memref<1x60x128xf32, #tpu.memory_space<vmem>>
      %get3A_856 = tpu.memref_squeeze %get3A_855 : memref<1x60x128xf32, #tpu.memory_space<vmem>> -> memref<60x128xf32, #tpu.memory_space<vmem>>
      %get3A_857 = arith.index_cast %add3A_851 : i32 to index
      %get3A_858 = arith.constant 80 : index
      %get3A_859 = tpu.vector_load %get3A_856[%get3A_857, %get3A_858] {strides = array<i32>} : memref<60x128xf32, #tpu.memory_space<vmem>>, vector<1x16xf32>,
      %get3A_860 = vector.shape_cast %get3A_859 : vector<1x16xf32> to vector<16xf32>
      %add3A_861 = arith.constant 1 : i32
      %add3A_862 = arith.addi %add3A_861, %scan3A_552 : i32
      %swap3A_863 = arith.constant 1 : i32
      %swap3A_864 = arith.constant 0 : i32
      %swap3A_865 = arith.constant 0 : i32
      %swap3A_866 = tpu.memref_slice %arg6[%swap3A_863, %swap3A_864, %swap3A_865] : memref<6x77x128xf32, #tpu.memory_space<vmem>> -> memref<1x77x128xf32, #tpu.memory_space<vmem>>
      %swap3A_867 = tpu.memref_squeeze %swap3A_866 : memref<1x77x128xf32, #tpu.memory_space<vmem>> -> memref<77x128xf32, #tpu.memory_space<vmem>>
      %swap3A_868 = arith.index_cast %add3A_862 : i32 to index
      %swap3A_869 = arith.constant 80 : index
      %swap3A_870 = tpu.vector_load %swap3A_867[%swap3A_868, %swap3A_869] {strides = array<i32>} : memref<77x128xf32, #tpu.memory_space<vmem>>, vector<1x16xf32>,
      %swap3A_871 = vector.shape_cast %swap3A_870 : vector<1x16xf32> to vector<16xf32>
      %swap3A_872 = vector.shape_cast %get3A_860 : vector<16xf32> to vector<1x16xf32>
      tpu.vector_store %swap3A_867[%swap3A_868, %swap3A_869], %swap3A_872 {strides = array<i32>} : memref<77x128xf32, #tpu.memory_space<vmem>>, vector<1x16xf32>,
      %add3A_873 = arith.constant 0 : i32
      %add3A_874 = arith.addi %add3A_873, %scan3A_552 : i32
      %get3A_875 = arith.constant 1 : i32
      %get3A_876 = arith.constant 0 : i32
      %get3A_877 = arith.constant 0 : i32
      %get3A_878 = tpu.memref_slice %arg7[%get3A_875, %get3A_876, %get3A_877] : memref<6x60x128xf32, #tpu.memory_space<vmem>> -> memref<1x60x128xf32, #tpu.memory_space<vmem>>
      %get3A_879 = tpu.memref_squeeze %get3A_878 : memref<1x60x128xf32, #tpu.memory_space<vmem>> -> memref<60x128xf32, #tpu.memory_space<vmem>>
      %get3A_880 = arith.index_cast %add3A_874 : i32 to index
      %get3A_881 = arith.constant 96 : index
      %get3A_882 = tpu.vector_load %get3A_879[%get3A_880, %get3A_881] {strides = array<i32>} : memref<60x128xf32, #tpu.memory_space<vmem>>, vector<1x16xf32>,
      %get3A_883 = vector.shape_cast %get3A_882 : vector<1x16xf32> to vector<16xf32>
      %add3A_884 = arith.constant 1 : i32
      %add3A_885 = arith.addi %add3A_884, %scan3A_552 : i32
      %swap3A_886 = arith.constant 1 : i32
      %swap3A_887 = arith.constant 0 : i32
      %swap3A_888 = arith.constant 0 : i32
      %swap3A_889 = tpu.memref_slice %arg6[%swap3A_886, %swap3A_887, %swap3A_888] : memref<6x77x128xf32, #tpu.memory_space<vmem>> -> memref<1x77x128xf32, #tpu.memory_space<vmem>>
      %swap3A_890 = tpu.memref_squeeze %swap3A_889 : memref<1x77x128xf32, #tpu.memory_space<vmem>> -> memref<77x128xf32, #tpu.memory_space<vmem>>
      %swap3A_891 = arith.index_cast %add3A_885 : i32 to index
      %swap3A_892 = arith.constant 96 : index
      %swap3A_893 = tpu.vector_load %swap3A_890[%swap3A_891, %swap3A_892] {strides = array<i32>} : memref<77x128xf32, #tpu.memory_space<vmem>>, vector<1x16xf32>,
      %swap3A_894 = vector.shape_cast %swap3A_893 : vector<1x16xf32> to vector<16xf32>
      %swap3A_895 = vector.shape_cast %get3A_883 : vector<16xf32> to vector<1x16xf32>
      tpu.vector_store %swap3A_890[%swap3A_891, %swap3A_892], %swap3A_895 {strides = array<i32>} : memref<77x128xf32, #tpu.memory_space<vmem>>, vector<1x16xf32>,
      %add3A_896 = arith.constant 0 : i32
      %add3A_897 = arith.addi %add3A_896, %scan3A_552 : i32
      %get3A_898 = arith.constant 1 : i32
      %get3A_899 = arith.constant 0 : i32
      %get3A_900 = arith.constant 0 : i32
      %get3A_901 = tpu.memref_slice %arg7[%get3A_898, %get3A_899, %get3A_900] : memref<6x60x128xf32, #tpu.memory_space<vmem>> -> memref<1x60x128xf32, #tpu.memory_space<vmem>>
      %get3A_902 = tpu.memref_squeeze %get3A_901 : memref<1x60x128xf32, #tpu.memory_space<vmem>> -> memref<60x128xf32, #tpu.memory_space<vmem>>
      %get3A_903 = arith.index_cast %add3A_897 : i32 to index
      %get3A_904 = arith.constant 112 : index
      %get3A_905 = tpu.vector_load %get3A_902[%get3A_903, %get3A_904] {strides = array<i32>} : memref<60x128xf32, #tpu.memory_space<vmem>>, vector<1x16xf32>,
      %get3A_906 = vector.shape_cast %get3A_905 : vector<1x16xf32> to vector<16xf32>
      %add3A_907 = arith.constant 1 : i32
      %add3A_908 = arith.addi %add3A_907, %scan3A_552 : i32
      %swap3A_909 = arith.constant 1 : i32
      %swap3A_910 = arith.constant 0 : i32
      %swap3A_911 = arith.constant 0 : i32
      %swap3A_912 = tpu.memref_slice %arg6[%swap3A_909, %swap3A_910, %swap3A_911] : memref<6x77x128xf32, #tpu.memory_space<vmem>> -> memref<1x77x128xf32, #tpu.memory_space<vmem>>
      %swap3A_913 = tpu.memref_squeeze %swap3A_912 : memref<1x77x128xf32, #tpu.memory_space<vmem>> -> memref<77x128xf32, #tpu.memory_space<vmem>>
      %swap3A_914 = arith.index_cast %add3A_908 : i32 to index
      %swap3A_915 = arith.constant 112 : index
      %swap3A_916 = tpu.vector_load %swap3A_913[%swap3A_914, %swap3A_915] {strides = array<i32>} : memref<77x128xf32, #tpu.memory_space<vmem>>, vector<1x16xf32>,
      %swap3A_917 = vector.shape_cast %swap3A_916 : vector<1x16xf32> to vector<16xf32>
      %swap3A_918 = vector.shape_cast %get3A_906 : vector<16xf32> to vector<1x16xf32>
      tpu.vector_store %swap3A_913[%swap3A_914, %swap3A_915], %swap3A_918 {strides = array<i32>} : memref<77x128xf32, #tpu.memory_space<vmem>>, vector<1x16xf32>,
      %add3A_919 = arith.constant 0 : i32
      %add3A_920 = arith.addi %add3A_919, %scan3A_552 : i32
      %get3A_921 = arith.constant 2 : i32
      %get3A_922 = arith.constant 0 : i32
      %get3A_923 = arith.constant 0 : i32
      %get3A_924 = tpu.memref_slice %arg7[%get3A_921, %get3A_922, %get3A_923] : memref<6x60x128xf32, #tpu.memory_space<vmem>> -> memref<1x60x128xf32, #tpu.memory_space<vmem>>
      %get3A_925 = tpu.memref_squeeze %get3A_924 : memref<1x60x128xf32, #tpu.memory_space<vmem>> -> memref<60x128xf32, #tpu.memory_space<vmem>>
      %get3A_926 = arith.index_cast %add3A_920 : i32 to index
      %get3A_927 = arith.constant 0 : index
      %get3A_928 = tpu.vector_load %get3A_925[%get3A_926, %get3A_927] {strides = array<i32>} : memref<60x128xf32, #tpu.memory_space<vmem>>, vector<1x16xf32>,
      %get3A_929 = vector.shape_cast %get3A_928 : vector<1x16xf32> to vector<16xf32>
      %add3A_930 = arith.constant 1 : i32
      %add3A_931 = arith.addi %add3A_930, %scan3A_552 : i32
      %swap3A_932 = arith.constant 2 : i32
      %swap3A_933 = arith.constant 0 : i32
      %swap3A_934 = arith.constant 0 : i32
      %swap3A_935 = tpu.memref_slice %arg6[%swap3A_932, %swap3A_933, %swap3A_934] : memref<6x77x128xf32, #tpu.memory_space<vmem>> -> memref<1x77x128xf32, #tpu.memory_space<vmem>>
      %swap3A_936 = tpu.memref_squeeze %swap3A_935 : memref<1x77x128xf32, #tpu.memory_space<vmem>> -> memref<77x128xf32, #tpu.memory_space<vmem>>
      %swap3A_937 = arith.index_cast %add3A_931 : i32 to index
      %swap3A_938 = arith.constant 0 : index
      %swap3A_939 = tpu.vector_load %swap3A_936[%swap3A_937, %swap3A_938] {strides = array<i32>} : memref<77x128xf32, #tpu.memory_space<vmem>>, vector<1x16xf32>,
      %swap3A_940 = vector.shape_cast %swap3A_939 : vector<1x16xf32> to vector<16xf32>
      %swap3A_941 = vector.shape_cast %get3A_929 : vector<16xf32> to vector<1x16xf32>
      tpu.vector_store %swap3A_936[%swap3A_937, %swap3A_938], %swap3A_941 {strides = array<i32>} : memref<77x128xf32, #tpu.memory_space<vmem>>, vector<1x16xf32>,
      %add3A_942 = arith.constant 0 : i32
      %add3A_943 = arith.addi %add3A_942, %scan3A_552 : i32
      %get3A_944 = arith.constant 2 : i32
      %get3A_945 = arith.constant 0 : i32
      %get3A_946 = arith.constant 0 : i32
      %get3A_947 = tpu.memref_slice %arg7[%get3A_944, %get3A_945, %get3A_946] : memref<6x60x128xf32, #tpu.memory_space<vmem>> -> memref<1x60x128xf32, #tpu.memory_space<vmem>>
      %get3A_948 = tpu.memref_squeeze %get3A_947 : memref<1x60x128xf32, #tpu.memory_space<vmem>> -> memref<60x128xf32, #tpu.memory_space<vmem>>
      %get3A_949 = arith.index_cast %add3A_943 : i32 to index
      %get3A_950 = arith.constant 16 : index
      %get3A_951 = tpu.vector_load %get3A_948[%get3A_949, %get3A_950] {strides = array<i32>} : memref<60x128xf32, #tpu.memory_space<vmem>>, vector<1x16xf32>,
      %get3A_952 = vector.shape_cast %get3A_951 : vector<1x16xf32> to vector<16xf32>
      %add3A_953 = arith.constant 1 : i32
      %add3A_954 = arith.addi %add3A_953, %scan3A_552 : i32
      %swap3A_955 = arith.constant 2 : i32
      %swap3A_956 = arith.constant 0 : i32
      %swap3A_957 = arith.constant 0 : i32
      %swap3A_958 = tpu.memref_slice %arg6[%swap3A_955, %swap3A_956, %swap3A_957] : memref<6x77x128xf32, #tpu.memory_space<vmem>> -> memref<1x77x128xf32, #tpu.memory_space<vmem>>
      %swap3A_959 = tpu.memref_squeeze %swap3A_958 : memref<1x77x128xf32, #tpu.memory_space<vmem>> -> memref<77x128xf32, #tpu.memory_space<vmem>>
      %swap3A_960 = arith.index_cast %add3A_954 : i32 to index
      %swap3A_961 = arith.constant 16 : index
      %swap3A_962 = tpu.vector_load %swap3A_959[%swap3A_960, %swap3A_961] {strides = array<i32>} : memref<77x128xf32, #tpu.memory_space<vmem>>, vector<1x16xf32>,
      %swap3A_963 = vector.shape_cast %swap3A_962 : vector<1x16xf32> to vector<16xf32>
      %swap3A_964 = vector.shape_cast %get3A_952 : vector<16xf32> to vector<1x16xf32>
      tpu.vector_store %swap3A_959[%swap3A_960, %swap3A_961], %swap3A_964 {strides = array<i32>} : memref<77x128xf32, #tpu.memory_space<vmem>>, vector<1x16xf32>,
      %add3A_965 = arith.constant 0 : i32
      %add3A_966 = arith.addi %add3A_965, %scan3A_552 : i32
      %get3A_967 = arith.constant 2 : i32
      %get3A_968 = arith.constant 0 : i32
      %get3A_969 = arith.constant 0 : i32
      %get3A_970 = tpu.memref_slice %arg7[%get3A_967, %get3A_968, %get3A_969] : memref<6x60x128xf32, #tpu.memory_space<vmem>> -> memref<1x60x128xf32, #tpu.memory_space<vmem>>
      %get3A_971 = tpu.memref_squeeze %get3A_970 : memref<1x60x128xf32, #tpu.memory_space<vmem>> -> memref<60x128xf32, #tpu.memory_space<vmem>>
      %get3A_972 = arith.index_cast %add3A_966 : i32 to index
      %get3A_973 = arith.constant 32 : index
      %get3A_974 = tpu.vector_load %get3A_971[%get3A_972, %get3A_973] {strides = array<i32>} : memref<60x128xf32, #tpu.memory_space<vmem>>, vector<1x16xf32>,
      %get3A_975 = vector.shape_cast %get3A_974 : vector<1x16xf32> to vector<16xf32>
      %add3A_976 = arith.constant 1 : i32
      %add3A_977 = arith.addi %add3A_976, %scan3A_552 : i32
      %swap3A_978 = arith.constant 2 : i32
      %swap3A_979 = arith.constant 0 : i32
      %swap3A_980 = arith.constant 0 : i32
      %swap3A_981 = tpu.memref_slice %arg6[%swap3A_978, %swap3A_979, %swap3A_980] : memref<6x77x128xf32, #tpu.memory_space<vmem>> -> memref<1x77x128xf32, #tpu.memory_space<vmem>>
      %swap3A_982 = tpu.memref_squeeze %swap3A_981 : memref<1x77x128xf32, #tpu.memory_space<vmem>> -> memref<77x128xf32, #tpu.memory_space<vmem>>
      %swap3A_983 = arith.index_cast %add3A_977 : i32 to index
      %swap3A_984 = arith.constant 32 : index
      %swap3A_985 = tpu.vector_load %swap3A_982[%swap3A_983, %swap3A_984] {strides = array<i32>} : memref<77x128xf32, #tpu.memory_space<vmem>>, vector<1x16xf32>,
      %swap3A_986 = vector.shape_cast %swap3A_985 : vector<1x16xf32> to vector<16xf32>
      %swap3A_987 = vector.shape_cast %get3A_975 : vector<16xf32> to vector<1x16xf32>
      tpu.vector_store %swap3A_982[%swap3A_983, %swap3A_984], %swap3A_987 {strides = array<i32>} : memref<77x128xf32, #tpu.memory_space<vmem>>, vector<1x16xf32>,
      %add3A_988 = arith.constant 0 : i32
      %add3A_989 = arith.addi %add3A_988, %scan3A_552 : i32
      %get3A_990 = arith.constant 2 : i32
      %get3A_991 = arith.constant 0 : i32
      %get3A_992 = arith.constant 0 : i32
      %get3A_993 = tpu.memref_slice %arg7[%get3A_990, %get3A_991, %get3A_992] : memref<6x60x128xf32, #tpu.memory_space<vmem>> -> memref<1x60x128xf32, #tpu.memory_space<vmem>>
      %get3A_994 = tpu.memref_squeeze %get3A_993 : memref<1x60x128xf32, #tpu.memory_space<vmem>> -> memref<60x128xf32, #tpu.memory_space<vmem>>
      %get3A_995 = arith.index_cast %add3A_989 : i32 to index
      %get3A_996 = arith.constant 48 : index
      %get3A_997 = tpu.vector_load %get3A_994[%get3A_995, %get3A_996] {strides = array<i32>} : memref<60x128xf32, #tpu.memory_space<vmem>>, vector<1x16xf32>,
      %get3A_998 = vector.shape_cast %get3A_997 : vector<1x16xf32> to vector<16xf32>
      %add3A_999 = arith.constant 1 : i32
      %add3A_1000 = arith.addi %add3A_999, %scan3A_552 : i32
      %swap3A_1001 = arith.constant 2 : i32
      %swap3A_1002 = arith.constant 0 : i32
      %swap3A_1003 = arith.constant 0 : i32
      %swap3A_1004 = tpu.memref_slice %arg6[%swap3A_1001, %swap3A_1002, %swap3A_1003] : memref<6x77x128xf32, #tpu.memory_space<vmem>> -> memref<1x77x128xf32, #tpu.memory_space<vmem>>
      %swap3A_1005 = tpu.memref_squeeze %swap3A_1004 : memref<1x77x128xf32, #tpu.memory_space<vmem>> -> memref<77x128xf32, #tpu.memory_space<vmem>>
      %swap3A_1006 = arith.index_cast %add3A_1000 : i32 to index
      %swap3A_1007 = arith.constant 48 : index
      %swap3A_1008 = tpu.vector_load %swap3A_1005[%swap3A_1006, %swap3A_1007] {strides = array<i32>} : memref<77x128xf32, #tpu.memory_space<vmem>>, vector<1x16xf32>,
      %swap3A_1009 = vector.shape_cast %swap3A_1008 : vector<1x16xf32> to vector<16xf32>
      %swap3A_1010 = vector.shape_cast %get3A_998 : vector<16xf32> to vector<1x16xf32>
      tpu.vector_store %swap3A_1005[%swap3A_1006, %swap3A_1007], %swap3A_1010 {strides = array<i32>} : memref<77x128xf32, #tpu.memory_space<vmem>>, vector<1x16xf32>,
      %add3A_1011 = arith.constant 0 : i32
      %add3A_1012 = arith.addi %add3A_1011, %scan3A_552 : i32
      %get3A_1013 = arith.constant 2 : i32
      %get3A_1014 = arith.constant 0 : i32
      %get3A_1015 = arith.constant 0 : i32
      %get3A_1016 = tpu.memref_slice %arg7[%get3A_1013, %get3A_1014, %get3A_1015] : memref<6x60x128xf32, #tpu.memory_space<vmem>> -> memref<1x60x128xf32, #tpu.memory_space<vmem>>
      %get3A_1017 = tpu.memref_squeeze %get3A_1016 : memref<1x60x128xf32, #tpu.memory_space<vmem>> -> memref<60x128xf32, #tpu.memory_space<vmem>>
      %get3A_1018 = arith.index_cast %add3A_1012 : i32 to index
      %get3A_1019 = arith.constant 64 : index
      %get3A_1020 = tpu.vector_load %get3A_1017[%get3A_1018, %get3A_1019] {strides = array<i32>} : memref<60x128xf32, #tpu.memory_space<vmem>>, vector<1x16xf32>,
      %get3A_1021 = vector.shape_cast %get3A_1020 : vector<1x16xf32> to vector<16xf32>
      %add3A_1022 = arith.constant 1 : i32
      %add3A_1023 = arith.addi %add3A_1022, %scan3A_552 : i32
      %swap3A_1024 = arith.constant 2 : i32
      %swap3A_1025 = arith.constant 0 : i32
      %swap3A_1026 = arith.constant 0 : i32
      %swap3A_1027 = tpu.memref_slice %arg6[%swap3A_1024, %swap3A_1025, %swap3A_1026] : memref<6x77x128xf32, #tpu.memory_space<vmem>> -> memref<1x77x128xf32, #tpu.memory_space<vmem>>
      %swap3A_1028 = tpu.memref_squeeze %swap3A_1027 : memref<1x77x128xf32, #tpu.memory_space<vmem>> -> memref<77x128xf32, #tpu.memory_space<vmem>>
      %swap3A_1029 = arith.index_cast %add3A_1023 : i32 to index
      %swap3A_1030 = arith.constant 64 : index
      %swap3A_1031 = tpu.vector_load %swap3A_1028[%swap3A_1029, %swap3A_1030] {strides = array<i32>} : memref<77x128xf32, #tpu.memory_space<vmem>>, vector<1x16xf32>,
      %swap3A_1032 = vector.shape_cast %swap3A_1031 : vector<1x16xf32> to vector<16xf32>
      %swap3A_1033 = vector.shape_cast %get3A_1021 : vector<16xf32> to vector<1x16xf32>
      tpu.vector_store %swap3A_1028[%swap3A_1029, %swap3A_1030], %swap3A_1033 {strides = array<i32>} : memref<77x128xf32, #tpu.memory_space<vmem>>, vector<1x16xf32>,
      %add3A_1034 = arith.constant 0 : i32
      %add3A_1035 = arith.addi %add3A_1034, %scan3A_552 : i32
      %get3A_1036 = arith.constant 2 : i32
      %get3A_1037 = arith.constant 0 : i32
      %get3A_1038 = arith.constant 0 : i32
      %get3A_1039 = tpu.memref_slice %arg7[%get3A_1036, %get3A_1037, %get3A_1038] : memref<6x60x128xf32, #tpu.memory_space<vmem>> -> memref<1x60x128xf32, #tpu.memory_space<vmem>>
      %get3A_1040 = tpu.memref_squeeze %get3A_1039 : memref<1x60x128xf32, #tpu.memory_space<vmem>> -> memref<60x128xf32, #tpu.memory_space<vmem>>
      %get3A_1041 = arith.index_cast %add3A_1035 : i32 to index
      %get3A_1042 = arith.constant 80 : index
      %get3A_1043 = tpu.vector_load %get3A_1040[%get3A_1041, %get3A_1042] {strides = array<i32>} : memref<60x128xf32, #tpu.memory_space<vmem>>, vector<1x16xf32>,
      %get3A_1044 = vector.shape_cast %get3A_1043 : vector<1x16xf32> to vector<16xf32>
      %add3A_1045 = arith.constant 1 : i32
      %add3A_1046 = arith.addi %add3A_1045, %scan3A_552 : i32
      %swap3A_1047 = arith.constant 2 : i32
      %swap3A_1048 = arith.constant 0 : i32
      %swap3A_1049 = arith.constant 0 : i32
      %swap3A_1050 = tpu.memref_slice %arg6[%swap3A_1047, %swap3A_1048, %swap3A_1049] : memref<6x77x128xf32, #tpu.memory_space<vmem>> -> memref<1x77x128xf32, #tpu.memory_space<vmem>>
      %swap3A_1051 = tpu.memref_squeeze %swap3A_1050 : memref<1x77x128xf32, #tpu.memory_space<vmem>> -> memref<77x128xf32, #tpu.memory_space<vmem>>
      %swap3A_1052 = arith.index_cast %add3A_1046 : i32 to index
      %swap3A_1053 = arith.constant 80 : index
      %swap3A_1054 = tpu.vector_load %swap3A_1051[%swap3A_1052, %swap3A_1053] {strides = array<i32>} : memref<77x128xf32, #tpu.memory_space<vmem>>, vector<1x16xf32>,
      %swap3A_1055 = vector.shape_cast %swap3A_1054 : vector<1x16xf32> to vector<16xf32>
      %swap3A_1056 = vector.shape_cast %get3A_1044 : vector<16xf32> to vector<1x16xf32>
      tpu.vector_store %swap3A_1051[%swap3A_1052, %swap3A_1053], %swap3A_1056 {strides = array<i32>} : memref<77x128xf32, #tpu.memory_space<vmem>>, vector<1x16xf32>,
      %add3A_1057 = arith.constant 0 : i32
      %add3A_1058 = arith.addi %add3A_1057, %scan3A_552 : i32
      %get3A_1059 = arith.constant 2 : i32
      %get3A_1060 = arith.constant 0 : i32
      %get3A_1061 = arith.constant 0 : i32
      %get3A_1062 = tpu.memref_slice %arg7[%get3A_1059, %get3A_1060, %get3A_1061] : memref<6x60x128xf32, #tpu.memory_space<vmem>> -> memref<1x60x128xf32, #tpu.memory_space<vmem>>
      %get3A_1063 = tpu.memref_squeeze %get3A_1062 : memref<1x60x128xf32, #tpu.memory_space<vmem>> -> memref<60x128xf32, #tpu.memory_space<vmem>>
      %get3A_1064 = arith.index_cast %add3A_1058 : i32 to index
      %get3A_1065 = arith.constant 96 : index
      %get3A_1066 = tpu.vector_load %get3A_1063[%get3A_1064, %get3A_1065] {strides = array<i32>} : memref<60x128xf32, #tpu.memory_space<vmem>>, vector<1x16xf32>,
      %get3A_1067 = vector.shape_cast %get3A_1066 : vector<1x16xf32> to vector<16xf32>
      %add3A_1068 = arith.constant 1 : i32
      %add3A_1069 = arith.addi %add3A_1068, %scan3A_552 : i32
      %swap3A_1070 = arith.constant 2 : i32
      %swap3A_1071 = arith.constant 0 : i32
      %swap3A_1072 = arith.constant 0 : i32
      %swap3A_1073 = tpu.memref_slice %arg6[%swap3A_1070, %swap3A_1071, %swap3A_1072] : memref<6x77x128xf32, #tpu.memory_space<vmem>> -> memref<1x77x128xf32, #tpu.memory_space<vmem>>
      %swap3A_1074 = tpu.memref_squeeze %swap3A_1073 : memref<1x77x128xf32, #tpu.memory_space<vmem>> -> memref<77x128xf32, #tpu.memory_space<vmem>>
      %swap3A_1075 = arith.index_cast %add3A_1069 : i32 to index
      %swap3A_1076 = arith.constant 96 : index
      %swap3A_1077 = tpu.vector_load %swap3A_1074[%swap3A_1075, %swap3A_1076] {strides = array<i32>} : memref<77x128xf32, #tpu.memory_space<vmem>>, vector<1x16xf32>,
      %swap3A_1078 = vector.shape_cast %swap3A_1077 : vector<1x16xf32> to vector<16xf32>
      %swap3A_1079 = vector.shape_cast %get3A_1067 : vector<16xf32> to vector<1x16xf32>
      tpu.vector_store %swap3A_1074[%swap3A_1075, %swap3A_1076], %swap3A_1079 {strides = array<i32>} : memref<77x128xf32, #tpu.memory_space<vmem>>, vector<1x16xf32>,
      %add3A_1080 = arith.constant 0 : i32
      %add3A_1081 = arith.addi %add3A_1080, %scan3A_552 : i32
      %get3A_1082 = arith.constant 2 : i32
      %get3A_1083 = arith.constant 0 : i32
      %get3A_1084 = arith.constant 0 : i32
      %get3A_1085 = tpu.memref_slice %arg7[%get3A_1082, %get3A_1083, %get3A_1084] : memref<6x60x128xf32, #tpu.memory_space<vmem>> -> memref<1x60x128xf32, #tpu.memory_space<vmem>>
      %get3A_1086 = tpu.memref_squeeze %get3A_1085 : memref<1x60x128xf32, #tpu.memory_space<vmem>> -> memref<60x128xf32, #tpu.memory_space<vmem>>
      %get3A_1087 = arith.index_cast %add3A_1081 : i32 to index
      %get3A_1088 = arith.constant 112 : index
      %get3A_1089 = tpu.vector_load %get3A_1086[%get3A_1087, %get3A_1088] {strides = array<i32>} : memref<60x128xf32, #tpu.memory_space<vmem>>, vector<1x16xf32>,
      %get3A_1090 = vector.shape_cast %get3A_1089 : vector<1x16xf32> to vector<16xf32>
      %add3A_1091 = arith.constant 1 : i32
      %add3A_1092 = arith.addi %add3A_1091, %scan3A_552 : i32
      %swap3A_1093 = arith.constant 2 : i32
      %swap3A_1094 = arith.constant 0 : i32
      %swap3A_1095 = arith.constant 0 : i32
      %swap3A_1096 = tpu.memref_slice %arg6[%swap3A_1093, %swap3A_1094, %swap3A_1095] : memref<6x77x128xf32, #tpu.memory_space<vmem>> -> memref<1x77x128xf32, #tpu.memory_space<vmem>>
      %swap3A_1097 = tpu.memref_squeeze %swap3A_1096 : memref<1x77x128xf32, #tpu.memory_space<vmem>> -> memref<77x128xf32, #tpu.memory_space<vmem>>
      %swap3A_1098 = arith.index_cast %add3A_1092 : i32 to index
      %swap3A_1099 = arith.constant 112 : index
      %swap3A_1100 = tpu.vector_load %swap3A_1097[%swap3A_1098, %swap3A_1099] {strides = array<i32>} : memref<77x128xf32, #tpu.memory_space<vmem>>, vector<1x16xf32>,
      %swap3A_1101 = vector.shape_cast %swap3A_1100 : vector<1x16xf32> to vector<16xf32>
      %swap3A_1102 = vector.shape_cast %get3A_1090 : vector<16xf32> to vector<1x16xf32>
      tpu.vector_store %swap3A_1097[%swap3A_1098, %swap3A_1099], %swap3A_1102 {strides = array<i32>} : memref<77x128xf32, #tpu.memory_space<vmem>>, vector<1x16xf32>,
      %add3A_1103 = arith.constant 0 : i32
      %add3A_1104 = arith.addi %add3A_1103, %scan3A_552 : i32
      %get3A_1105 = arith.constant 3 : i32
      %get3A_1106 = arith.constant 0 : i32
      %get3A_1107 = arith.constant 0 : i32
      %get3A_1108 = tpu.memref_slice %arg7[%get3A_1105, %get3A_1106, %get3A_1107] : memref<6x60x128xf32, #tpu.memory_space<vmem>> -> memref<1x60x128xf32, #tpu.memory_space<vmem>>
      %get3A_1109 = tpu.memref_squeeze %get3A_1108 : memref<1x60x128xf32, #tpu.memory_space<vmem>> -> memref<60x128xf32, #tpu.memory_space<vmem>>
      %get3A_1110 = arith.index_cast %add3A_1104 : i32 to index
      %get3A_1111 = arith.constant 0 : index
      %get3A_1112 = tpu.vector_load %get3A_1109[%get3A_1110, %get3A_1111] {strides = array<i32>} : memref<60x128xf32, #tpu.memory_space<vmem>>, vector<1x16xf32>,
      %get3A_1113 = vector.shape_cast %get3A_1112 : vector<1x16xf32> to vector<16xf32>
      %add3A_1114 = arith.constant 1 : i32
      %add3A_1115 = arith.addi %add3A_1114, %scan3A_552 : i32
      %swap3A_1116 = arith.constant 3 : i32
      %swap3A_1117 = arith.constant 0 : i32
      %swap3A_1118 = arith.constant 0 : i32
      %swap3A_1119 = tpu.memref_slice %arg6[%swap3A_1116, %swap3A_1117, %swap3A_1118] : memref<6x77x128xf32, #tpu.memory_space<vmem>> -> memref<1x77x128xf32, #tpu.memory_space<vmem>>
      %swap3A_1120 = tpu.memref_squeeze %swap3A_1119 : memref<1x77x128xf32, #tpu.memory_space<vmem>> -> memref<77x128xf32, #tpu.memory_space<vmem>>
      %swap3A_1121 = arith.index_cast %add3A_1115 : i32 to index
      %swap3A_1122 = arith.constant 0 : index
      %swap3A_1123 = tpu.vector_load %swap3A_1120[%swap3A_1121, %swap3A_1122] {strides = array<i32>} : memref<77x128xf32, #tpu.memory_space<vmem>>, vector<1x16xf32>,
      %swap3A_1124 = vector.shape_cast %swap3A_1123 : vector<1x16xf32> to vector<16xf32>
      %swap3A_1125 = vector.shape_cast %get3A_1113 : vector<16xf32> to vector<1x16xf32>
      tpu.vector_store %swap3A_1120[%swap3A_1121, %swap3A_1122], %swap3A_1125 {strides = array<i32>} : memref<77x128xf32, #tpu.memory_space<vmem>>, vector<1x16xf32>,
      %add3A_1126 = arith.constant 0 : i32
      %add3A_1127 = arith.addi %add3A_1126, %scan3A_552 : i32
      %get3A_1128 = arith.constant 3 : i32
      %get3A_1129 = arith.constant 0 : i32
      %get3A_1130 = arith.constant 0 : i32
      %get3A_1131 = tpu.memref_slice %arg7[%get3A_1128, %get3A_1129, %get3A_1130] : memref<6x60x128xf32, #tpu.memory_space<vmem>> -> memref<1x60x128xf32, #tpu.memory_space<vmem>>
      %get3A_1132 = tpu.memref_squeeze %get3A_1131 : memref<1x60x128xf32, #tpu.memory_space<vmem>> -> memref<60x128xf32, #tpu.memory_space<vmem>>
      %get3A_1133 = arith.index_cast %add3A_1127 : i32 to index
      %get3A_1134 = arith.constant 16 : index
      %get3A_1135 = tpu.vector_load %get3A_1132[%get3A_1133, %get3A_1134] {strides = array<i32>} : memref<60x128xf32, #tpu.memory_space<vmem>>, vector<1x16xf32>,
      %get3A_1136 = vector.shape_cast %get3A_1135 : vector<1x16xf32> to vector<16xf32>
      %add3A_1137 = arith.constant 1 : i32
      %add3A_1138 = arith.addi %add3A_1137, %scan3A_552 : i32
      %swap3A_1139 = arith.constant 3 : i32
      %swap3A_1140 = arith.constant 0 : i32
      %swap3A_1141 = arith.constant 0 : i32
      %swap3A_1142 = tpu.memref_slice %arg6[%swap3A_1139, %swap3A_1140, %swap3A_1141] : memref<6x77x128xf32, #tpu.memory_space<vmem>> -> memref<1x77x128xf32, #tpu.memory_space<vmem>>
      %swap3A_1143 = tpu.memref_squeeze %swap3A_1142 : memref<1x77x128xf32, #tpu.memory_space<vmem>> -> memref<77x128xf32, #tpu.memory_space<vmem>>
      %swap3A_1144 = arith.index_cast %add3A_1138 : i32 to index
      %swap3A_1145 = arith.constant 16 : index
      %swap3A_1146 = tpu.vector_load %swap3A_1143[%swap3A_1144, %swap3A_1145] {strides = array<i32>} : memref<77x128xf32, #tpu.memory_space<vmem>>, vector<1x16xf32>,
      %swap3A_1147 = vector.shape_cast %swap3A_1146 : vector<1x16xf32> to vector<16xf32>
      %swap3A_1148 = vector.shape_cast %get3A_1136 : vector<16xf32> to vector<1x16xf32>
      tpu.vector_store %swap3A_1143[%swap3A_1144, %swap3A_1145], %swap3A_1148 {strides = array<i32>} : memref<77x128xf32, #tpu.memory_space<vmem>>, vector<1x16xf32>,
      %add3A_1149 = arith.constant 0 : i32
      %add3A_1150 = arith.addi %add3A_1149, %scan3A_552 : i32
      %get3A_1151 = arith.constant 3 : i32
      %get3A_1152 = arith.constant 0 : i32
      %get3A_1153 = arith.constant 0 : i32
      %get3A_1154 = tpu.memref_slice %arg7[%get3A_1151, %get3A_1152, %get3A_1153] : memref<6x60x128xf32, #tpu.memory_space<vmem>> -> memref<1x60x128xf32, #tpu.memory_space<vmem>>
      %get3A_1155 = tpu.memref_squeeze %get3A_1154 : memref<1x60x128xf32, #tpu.memory_space<vmem>> -> memref<60x128xf32, #tpu.memory_space<vmem>>
      %get3A_1156 = arith.index_cast %add3A_1150 : i32 to index
      %get3A_1157 = arith.constant 32 : index
      %get3A_1158 = tpu.vector_load %get3A_1155[%get3A_1156, %get3A_1157] {strides = array<i32>} : memref<60x128xf32, #tpu.memory_space<vmem>>, vector<1x16xf32>,
      %get3A_1159 = vector.shape_cast %get3A_1158 : vector<1x16xf32> to vector<16xf32>
      %add3A_1160 = arith.constant 1 : i32
      %add3A_1161 = arith.addi %add3A_1160, %scan3A_552 : i32
      %swap3A_1162 = arith.constant 3 : i32
      %swap3A_1163 = arith.constant 0 : i32
      %swap3A_1164 = arith.constant 0 : i32
      %swap3A_1165 = tpu.memref_slice %arg6[%swap3A_1162, %swap3A_1163, %swap3A_1164] : memref<6x77x128xf32, #tpu.memory_space<vmem>> -> memref<1x77x128xf32, #tpu.memory_space<vmem>>
      %swap3A_1166 = tpu.memref_squeeze %swap3A_1165 : memref<1x77x128xf32, #tpu.memory_space<vmem>> -> memref<77x128xf32, #tpu.memory_space<vmem>>
      %swap3A_1167 = arith.index_cast %add3A_1161 : i32 to index
      %swap3A_1168 = arith.constant 32 : index
      %swap3A_1169 = tpu.vector_load %swap3A_1166[%swap3A_1167, %swap3A_1168] {strides = array<i32>} : memref<77x128xf32, #tpu.memory_space<vmem>>, vector<1x16xf32>,
      %swap3A_1170 = vector.shape_cast %swap3A_1169 : vector<1x16xf32> to vector<16xf32>
      %swap3A_1171 = vector.shape_cast %get3A_1159 : vector<16xf32> to vector<1x16xf32>
      tpu.vector_store %swap3A_1166[%swap3A_1167, %swap3A_1168], %swap3A_1171 {strides = array<i32>} : memref<77x128xf32, #tpu.memory_space<vmem>>, vector<1x16xf32>,
      %add3A_1172 = arith.constant 0 : i32
      %add3A_1173 = arith.addi %add3A_1172, %scan3A_552 : i32
      %get3A_1174 = arith.constant 3 : i32
      %get3A_1175 = arith.constant 0 : i32
      %get3A_1176 = arith.constant 0 : i32
      %get3A_1177 = tpu.memref_slice %arg7[%get3A_1174, %get3A_1175, %get3A_1176] : memref<6x60x128xf32, #tpu.memory_space<vmem>> -> memref<1x60x128xf32, #tpu.memory_space<vmem>>
      %get3A_1178 = tpu.memref_squeeze %get3A_1177 : memref<1x60x128xf32, #tpu.memory_space<vmem>> -> memref<60x128xf32, #tpu.memory_space<vmem>>
      %get3A_1179 = arith.index_cast %add3A_1173 : i32 to index
      %get3A_1180 = arith.constant 48 : index
      %get3A_1181 = tpu.vector_load %get3A_1178[%get3A_1179, %get3A_1180] {strides = array<i32>} : memref<60x128xf32, #tpu.memory_space<vmem>>, vector<1x16xf32>,
      %get3A_1182 = vector.shape_cast %get3A_1181 : vector<1x16xf32> to vector<16xf32>
      %add3A_1183 = arith.constant 1 : i32
      %add3A_1184 = arith.addi %add3A_1183, %scan3A_552 : i32
      %swap3A_1185 = arith.constant 3 : i32
      %swap3A_1186 = arith.constant 0 : i32
      %swap3A_1187 = arith.constant 0 : i32
      %swap3A_1188 = tpu.memref_slice %arg6[%swap3A_1185, %swap3A_1186, %swap3A_1187] : memref<6x77x128xf32, #tpu.memory_space<vmem>> -> memref<1x77x128xf32, #tpu.memory_space<vmem>>
      %swap3A_1189 = tpu.memref_squeeze %swap3A_1188 : memref<1x77x128xf32, #tpu.memory_space<vmem>> -> memref<77x128xf32, #tpu.memory_space<vmem>>
      %swap3A_1190 = arith.index_cast %add3A_1184 : i32 to index
      %swap3A_1191 = arith.constant 48 : index
      %swap3A_1192 = tpu.vector_load %swap3A_1189[%swap3A_1190, %swap3A_1191] {strides = array<i32>} : memref<77x128xf32, #tpu.memory_space<vmem>>, vector<1x16xf32>,
      %swap3A_1193 = vector.shape_cast %swap3A_1192 : vector<1x16xf32> to vector<16xf32>
      %swap3A_1194 = vector.shape_cast %get3A_1182 : vector<16xf32> to vector<1x16xf32>
      tpu.vector_store %swap3A_1189[%swap3A_1190, %swap3A_1191], %swap3A_1194 {strides = array<i32>} : memref<77x128xf32, #tpu.memory_space<vmem>>, vector<1x16xf32>,
      %add3A_1195 = arith.constant 0 : i32
      %add3A_1196 = arith.addi %add3A_1195, %scan3A_552 : i32
      %get3A_1197 = arith.constant 3 : i32
      %get3A_1198 = arith.constant 0 : i32
      %get3A_1199 = arith.constant 0 : i32
      %get3A_1200 = tpu.memref_slice %arg7[%get3A_1197, %get3A_1198, %get3A_1199] : memref<6x60x128xf32, #tpu.memory_space<vmem>> -> memref<1x60x128xf32, #tpu.memory_space<vmem>>
      %get3A_1201 = tpu.memref_squeeze %get3A_1200 : memref<1x60x128xf32, #tpu.memory_space<vmem>> -> memref<60x128xf32, #tpu.memory_space<vmem>>
      %get3A_1202 = arith.index_cast %add3A_1196 : i32 to index
      %get3A_1203 = arith.constant 64 : index
      %get3A_1204 = tpu.vector_load %get3A_1201[%get3A_1202, %get3A_1203] {strides = array<i32>} : memref<60x128xf32, #tpu.memory_space<vmem>>, vector<1x16xf32>,
      %get3A_1205 = vector.shape_cast %get3A_1204 : vector<1x16xf32> to vector<16xf32>
      %add3A_1206 = arith.constant 1 : i32
      %add3A_1207 = arith.addi %add3A_1206, %scan3A_552 : i32
      %swap3A_1208 = arith.constant 3 : i32
      %swap3A_1209 = arith.constant 0 : i32
      %swap3A_1210 = arith.constant 0 : i32
      %swap3A_1211 = tpu.memref_slice %arg6[%swap3A_1208, %swap3A_1209, %swap3A_1210] : memref<6x77x128xf32, #tpu.memory_space<vmem>> -> memref<1x77x128xf32, #tpu.memory_space<vmem>>
      %swap3A_1212 = tpu.memref_squeeze %swap3A_1211 : memref<1x77x128xf32, #tpu.memory_space<vmem>> -> memref<77x128xf32, #tpu.memory_space<vmem>>
      %swap3A_1213 = arith.index_cast %add3A_1207 : i32 to index
      %swap3A_1214 = arith.constant 64 : index
      %swap3A_1215 = tpu.vector_load %swap3A_1212[%swap3A_1213, %swap3A_1214] {strides = array<i32>} : memref<77x128xf32, #tpu.memory_space<vmem>>, vector<1x16xf32>,
      %swap3A_1216 = vector.shape_cast %swap3A_1215 : vector<1x16xf32> to vector<16xf32>
      %swap3A_1217 = vector.shape_cast %get3A_1205 : vector<16xf32> to vector<1x16xf32>
      tpu.vector_store %swap3A_1212[%swap3A_1213, %swap3A_1214], %swap3A_1217 {strides = array<i32>} : memref<77x128xf32, #tpu.memory_space<vmem>>, vector<1x16xf32>,
      %add3A_1218 = arith.constant 0 : i32
      %add3A_1219 = arith.addi %add3A_1218, %scan3A_552 : i32
      %get3A_1220 = arith.constant 3 : i32
      %get3A_1221 = arith.constant 0 : i32
      %get3A_1222 = arith.constant 0 : i32
      %get3A_1223 = tpu.memref_slice %arg7[%get3A_1220, %get3A_1221, %get3A_1222] : memref<6x60x128xf32, #tpu.memory_space<vmem>> -> memref<1x60x128xf32, #tpu.memory_space<vmem>>
      %get3A_1224 = tpu.memref_squeeze %get3A_1223 : memref<1x60x128xf32, #tpu.memory_space<vmem>> -> memref<60x128xf32, #tpu.memory_space<vmem>>
      %get3A_1225 = arith.index_cast %add3A_1219 : i32 to index
      %get3A_1226 = arith.constant 80 : index
      %get3A_1227 = tpu.vector_load %get3A_1224[%get3A_1225, %get3A_1226] {strides = array<i32>} : memref<60x128xf32, #tpu.memory_space<vmem>>, vector<1x16xf32>,
      %get3A_1228 = vector.shape_cast %get3A_1227 : vector<1x16xf32> to vector<16xf32>
      %add3A_1229 = arith.constant 1 : i32
      %add3A_1230 = arith.addi %add3A_1229, %scan3A_552 : i32
      %swap3A_1231 = arith.constant 3 : i32
      %swap3A_1232 = arith.constant 0 : i32
      %swap3A_1233 = arith.constant 0 : i32
      %swap3A_1234 = tpu.memref_slice %arg6[%swap3A_1231, %swap3A_1232, %swap3A_1233] : memref<6x77x128xf32, #tpu.memory_space<vmem>> -> memref<1x77x128xf32, #tpu.memory_space<vmem>>
      %swap3A_1235 = tpu.memref_squeeze %swap3A_1234 : memref<1x77x128xf32, #tpu.memory_space<vmem>> -> memref<77x128xf32, #tpu.memory_space<vmem>>
      %swap3A_1236 = arith.index_cast %add3A_1230 : i32 to index
      %swap3A_1237 = arith.constant 80 : index
      %swap3A_1238 = tpu.vector_load %swap3A_1235[%swap3A_1236, %swap3A_1237] {strides = array<i32>} : memref<77x128xf32, #tpu.memory_space<vmem>>, vector<1x16xf32>,
      %swap3A_1239 = vector.shape_cast %swap3A_1238 : vector<1x16xf32> to vector<16xf32>
      %swap3A_1240 = vector.shape_cast %get3A_1228 : vector<16xf32> to vector<1x16xf32>
      tpu.vector_store %swap3A_1235[%swap3A_1236, %swap3A_1237], %swap3A_1240 {strides = array<i32>} : memref<77x128xf32, #tpu.memory_space<vmem>>, vector<1x16xf32>,
      %add3A_1241 = arith.constant 0 : i32
      %add3A_1242 = arith.addi %add3A_1241, %scan3A_552 : i32
      %get3A_1243 = arith.constant 3 : i32
      %get3A_1244 = arith.constant 0 : i32
      %get3A_1245 = arith.constant 0 : i32
      %get3A_1246 = tpu.memref_slice %arg7[%get3A_1243, %get3A_1244, %get3A_1245] : memref<6x60x128xf32, #tpu.memory_space<vmem>> -> memref<1x60x128xf32, #tpu.memory_space<vmem>>
      %get3A_1247 = tpu.memref_squeeze %get3A_1246 : memref<1x60x128xf32, #tpu.memory_space<vmem>> -> memref<60x128xf32, #tpu.memory_space<vmem>>
      %get3A_1248 = arith.index_cast %add3A_1242 : i32 to index
      %get3A_1249 = arith.constant 96 : index
      %get3A_1250 = tpu.vector_load %get3A_1247[%get3A_1248, %get3A_1249] {strides = array<i32>} : memref<60x128xf32, #tpu.memory_space<vmem>>, vector<1x16xf32>,
      %get3A_1251 = vector.shape_cast %get3A_1250 : vector<1x16xf32> to vector<16xf32>
      %add3A_1252 = arith.constant 1 : i32
      %add3A_1253 = arith.addi %add3A_1252, %scan3A_552 : i32
      %swap3A_1254 = arith.constant 3 : i32
      %swap3A_1255 = arith.constant 0 : i32
      %swap3A_1256 = arith.constant 0 : i32
      %swap3A_1257 = tpu.memref_slice %arg6[%swap3A_1254, %swap3A_1255, %swap3A_1256] : memref<6x77x128xf32, #tpu.memory_space<vmem>> -> memref<1x77x128xf32, #tpu.memory_space<vmem>>
      %swap3A_1258 = tpu.memref_squeeze %swap3A_1257 : memref<1x77x128xf32, #tpu.memory_space<vmem>> -> memref<77x128xf32, #tpu.memory_space<vmem>>
      %swap3A_1259 = arith.index_cast %add3A_1253 : i32 to index
      %swap3A_1260 = arith.constant 96 : index
      %swap3A_1261 = tpu.vector_load %swap3A_1258[%swap3A_1259, %swap3A_1260] {strides = array<i32>} : memref<77x128xf32, #tpu.memory_space<vmem>>, vector<1x16xf32>,
      %swap3A_1262 = vector.shape_cast %swap3A_1261 : vector<1x16xf32> to vector<16xf32>
      %swap3A_1263 = vector.shape_cast %get3A_1251 : vector<16xf32> to vector<1x16xf32>
      tpu.vector_store %swap3A_1258[%swap3A_1259, %swap3A_1260], %swap3A_1263 {strides = array<i32>} : memref<77x128xf32, #tpu.memory_space<vmem>>, vector<1x16xf32>,
      %add3A_1264 = arith.constant 0 : i32
      %add3A_1265 = arith.addi %add3A_1264, %scan3A_552 : i32
      %get3A_1266 = arith.constant 3 : i32
      %get3A_1267 = arith.constant 0 : i32
      %get3A_1268 = arith.constant 0 : i32
      %get3A_1269 = tpu.memref_slice %arg7[%get3A_1266, %get3A_1267, %get3A_1268] : memref<6x60x128xf32, #tpu.memory_space<vmem>> -> memref<1x60x128xf32, #tpu.memory_space<vmem>>
      %get3A_1270 = tpu.memref_squeeze %get3A_1269 : memref<1x60x128xf32, #tpu.memory_space<vmem>> -> memref<60x128xf32, #tpu.memory_space<vmem>>
      %get3A_1271 = arith.index_cast %add3A_1265 : i32 to index
      %get3A_1272 = arith.constant 112 : index
      %get3A_1273 = tpu.vector_load %get3A_1270[%get3A_1271, %get3A_1272] {strides = array<i32>} : memref<60x128xf32, #tpu.memory_space<vmem>>, vector<1x16xf32>,
      %get3A_1274 = vector.shape_cast %get3A_1273 : vector<1x16xf32> to vector<16xf32>
      %add3A_1275 = arith.constant 1 : i32
      %add3A_1276 = arith.addi %add3A_1275, %scan3A_552 : i32
      %swap3A_1277 = arith.constant 3 : i32
      %swap3A_1278 = arith.constant 0 : i32
      %swap3A_1279 = arith.constant 0 : i32
      %swap3A_1280 = tpu.memref_slice %arg6[%swap3A_1277, %swap3A_1278, %swap3A_1279] : memref<6x77x128xf32, #tpu.memory_space<vmem>> -> memref<1x77x128xf32, #tpu.memory_space<vmem>>
      %swap3A_1281 = tpu.memref_squeeze %swap3A_1280 : memref<1x77x128xf32, #tpu.memory_space<vmem>> -> memref<77x128xf32, #tpu.memory_space<vmem>>
      %swap3A_1282 = arith.index_cast %add3A_1276 : i32 to index
      %swap3A_1283 = arith.constant 112 : index
      %swap3A_1284 = tpu.vector_load %swap3A_1281[%swap3A_1282, %swap3A_1283] {strides = array<i32>} : memref<77x128xf32, #tpu.memory_space<vmem>>, vector<1x16xf32>,
      %swap3A_1285 = vector.shape_cast %swap3A_1284 : vector<1x16xf32> to vector<16xf32>
      %swap3A_1286 = vector.shape_cast %get3A_1274 : vector<16xf32> to vector<1x16xf32>
      tpu.vector_store %swap3A_1281[%swap3A_1282, %swap3A_1283], %swap3A_1286 {strides = array<i32>} : memref<77x128xf32, #tpu.memory_space<vmem>>, vector<1x16xf32>,
      %add3A_1287 = arith.constant 0 : i32
      %add3A_1288 = arith.addi %add3A_1287, %scan3A_552 : i32
      %get3A_1289 = arith.constant 4 : i32
      %get3A_1290 = arith.constant 0 : i32
      %get3A_1291 = arith.constant 0 : i32
      %get3A_1292 = tpu.memref_slice %arg7[%get3A_1289, %get3A_1290, %get3A_1291] : memref<6x60x128xf32, #tpu.memory_space<vmem>> -> memref<1x60x128xf32, #tpu.memory_space<vmem>>
      %get3A_1293 = tpu.memref_squeeze %get3A_1292 : memref<1x60x128xf32, #tpu.memory_space<vmem>> -> memref<60x128xf32, #tpu.memory_space<vmem>>
      %get3A_1294 = arith.index_cast %add3A_1288 : i32 to index
      %get3A_1295 = arith.constant 0 : index
      %get3A_1296 = tpu.vector_load %get3A_1293[%get3A_1294, %get3A_1295] {strides = array<i32>} : memref<60x128xf32, #tpu.memory_space<vmem>>, vector<1x16xf32>,
      %get3A_1297 = vector.shape_cast %get3A_1296 : vector<1x16xf32> to vector<16xf32>
      %add3A_1298 = arith.constant 1 : i32
      %add3A_1299 = arith.addi %add3A_1298, %scan3A_552 : i32
      %swap3A_1300 = arith.constant 4 : i32
      %swap3A_1301 = arith.constant 0 : i32
      %swap3A_1302 = arith.constant 0 : i32
      %swap3A_1303 = tpu.memref_slice %arg6[%swap3A_1300, %swap3A_1301, %swap3A_1302] : memref<6x77x128xf32, #tpu.memory_space<vmem>> -> memref<1x77x128xf32, #tpu.memory_space<vmem>>
      %swap3A_1304 = tpu.memref_squeeze %swap3A_1303 : memref<1x77x128xf32, #tpu.memory_space<vmem>> -> memref<77x128xf32, #tpu.memory_space<vmem>>
      %swap3A_1305 = arith.index_cast %add3A_1299 : i32 to index
      %swap3A_1306 = arith.constant 0 : index
      %swap3A_1307 = tpu.vector_load %swap3A_1304[%swap3A_1305, %swap3A_1306] {strides = array<i32>} : memref<77x128xf32, #tpu.memory_space<vmem>>, vector<1x16xf32>,
      %swap3A_1308 = vector.shape_cast %swap3A_1307 : vector<1x16xf32> to vector<16xf32>
      %swap3A_1309 = vector.shape_cast %get3A_1297 : vector<16xf32> to vector<1x16xf32>
      tpu.vector_store %swap3A_1304[%swap3A_1305, %swap3A_1306], %swap3A_1309 {strides = array<i32>} : memref<77x128xf32, #tpu.memory_space<vmem>>, vector<1x16xf32>,
      %add3A_1310 = arith.constant 0 : i32
      %add3A_1311 = arith.addi %add3A_1310, %scan3A_552 : i32
      %get3A_1312 = arith.constant 4 : i32
      %get3A_1313 = arith.constant 0 : i32
      %get3A_1314 = arith.constant 0 : i32
      %get3A_1315 = tpu.memref_slice %arg7[%get3A_1312, %get3A_1313, %get3A_1314] : memref<6x60x128xf32, #tpu.memory_space<vmem>> -> memref<1x60x128xf32, #tpu.memory_space<vmem>>
      %get3A_1316 = tpu.memref_squeeze %get3A_1315 : memref<1x60x128xf32, #tpu.memory_space<vmem>> -> memref<60x128xf32, #tpu.memory_space<vmem>>
      %get3A_1317 = arith.index_cast %add3A_1311 : i32 to index
      %get3A_1318 = arith.constant 16 : index
      %get3A_1319 = tpu.vector_load %get3A_1316[%get3A_1317, %get3A_1318] {strides = array<i32>} : memref<60x128xf32, #tpu.memory_space<vmem>>, vector<1x16xf32>,
      %get3A_1320 = vector.shape_cast %get3A_1319 : vector<1x16xf32> to vector<16xf32>
      %add3A_1321 = arith.constant 1 : i32
      %add3A_1322 = arith.addi %add3A_1321, %scan3A_552 : i32
      %swap3A_1323 = arith.constant 4 : i32
      %swap3A_1324 = arith.constant 0 : i32
      %swap3A_1325 = arith.constant 0 : i32
      %swap3A_1326 = tpu.memref_slice %arg6[%swap3A_1323, %swap3A_1324, %swap3A_1325] : memref<6x77x128xf32, #tpu.memory_space<vmem>> -> memref<1x77x128xf32, #tpu.memory_space<vmem>>
      %swap3A_1327 = tpu.memref_squeeze %swap3A_1326 : memref<1x77x128xf32, #tpu.memory_space<vmem>> -> memref<77x128xf32, #tpu.memory_space<vmem>>
      %swap3A_1328 = arith.index_cast %add3A_1322 : i32 to index
      %swap3A_1329 = arith.constant 16 : index
      %swap3A_1330 = tpu.vector_load %swap3A_1327[%swap3A_1328, %swap3A_1329] {strides = array<i32>} : memref<77x128xf32, #tpu.memory_space<vmem>>, vector<1x16xf32>,
      %swap3A_1331 = vector.shape_cast %swap3A_1330 : vector<1x16xf32> to vector<16xf32>
      %swap3A_1332 = vector.shape_cast %get3A_1320 : vector<16xf32> to vector<1x16xf32>
      tpu.vector_store %swap3A_1327[%swap3A_1328, %swap3A_1329], %swap3A_1332 {strides = array<i32>} : memref<77x128xf32, #tpu.memory_space<vmem>>, vector<1x16xf32>,
      %add3A_1333 = arith.constant 0 : i32
      %add3A_1334 = arith.addi %add3A_1333, %scan3A_552 : i32
      %get3A_1335 = arith.constant 4 : i32
      %get3A_1336 = arith.constant 0 : i32
      %get3A_1337 = arith.constant 0 : i32
      %get3A_1338 = tpu.memref_slice %arg7[%get3A_1335, %get3A_1336, %get3A_1337] : memref<6x60x128xf32, #tpu.memory_space<vmem>> -> memref<1x60x128xf32, #tpu.memory_space<vmem>>
      %get3A_1339 = tpu.memref_squeeze %get3A_1338 : memref<1x60x128xf32, #tpu.memory_space<vmem>> -> memref<60x128xf32, #tpu.memory_space<vmem>>
      %get3A_1340 = arith.index_cast %add3A_1334 : i32 to index
      %get3A_1341 = arith.constant 32 : index
      %get3A_1342 = tpu.vector_load %get3A_1339[%get3A_1340, %get3A_1341] {strides = array<i32>} : memref<60x128xf32, #tpu.memory_space<vmem>>, vector<1x16xf32>,
      %get3A_1343 = vector.shape_cast %get3A_1342 : vector<1x16xf32> to vector<16xf32>
      %add3A_1344 = arith.constant 1 : i32
      %add3A_1345 = arith.addi %add3A_1344, %scan3A_552 : i32
      %swap3A_1346 = arith.constant 4 : i32
      %swap3A_1347 = arith.constant 0 : i32
      %swap3A_1348 = arith.constant 0 : i32
      %swap3A_1349 = tpu.memref_slice %arg6[%swap3A_1346, %swap3A_1347, %swap3A_1348] : memref<6x77x128xf32, #tpu.memory_space<vmem>> -> memref<1x77x128xf32, #tpu.memory_space<vmem>>
      %swap3A_1350 = tpu.memref_squeeze %swap3A_1349 : memref<1x77x128xf32, #tpu.memory_space<vmem>> -> memref<77x128xf32, #tpu.memory_space<vmem>>
      %swap3A_1351 = arith.index_cast %add3A_1345 : i32 to index
      %swap3A_1352 = arith.constant 32 : index
      %swap3A_1353 = tpu.vector_load %swap3A_1350[%swap3A_1351, %swap3A_1352] {strides = array<i32>} : memref<77x128xf32, #tpu.memory_space<vmem>>, vector<1x16xf32>,
      %swap3A_1354 = vector.shape_cast %swap3A_1353 : vector<1x16xf32> to vector<16xf32>
      %swap3A_1355 = vector.shape_cast %get3A_1343 : vector<16xf32> to vector<1x16xf32>
      tpu.vector_store %swap3A_1350[%swap3A_1351, %swap3A_1352], %swap3A_1355 {strides = array<i32>} : memref<77x128xf32, #tpu.memory_space<vmem>>, vector<1x16xf32>,
      %add3A_1356 = arith.constant 0 : i32
      %add3A_1357 = arith.addi %add3A_1356, %scan3A_552 : i32
      %get3A_1358 = arith.constant 4 : i32
      %get3A_1359 = arith.constant 0 : i32
      %get3A_1360 = arith.constant 0 : i32
      %get3A_1361 = tpu.memref_slice %arg7[%get3A_1358, %get3A_1359, %get3A_1360] : memref<6x60x128xf32, #tpu.memory_space<vmem>> -> memref<1x60x128xf32, #tpu.memory_space<vmem>>
      %get3A_1362 = tpu.memref_squeeze %get3A_1361 : memref<1x60x128xf32, #tpu.memory_space<vmem>> -> memref<60x128xf32, #tpu.memory_space<vmem>>
      %get3A_1363 = arith.index_cast %add3A_1357 : i32 to index
      %get3A_1364 = arith.constant 48 : index
      %get3A_1365 = tpu.vector_load %get3A_1362[%get3A_1363, %get3A_1364] {strides = array<i32>} : memref<60x128xf32, #tpu.memory_space<vmem>>, vector<1x16xf32>,
      %get3A_1366 = vector.shape_cast %get3A_1365 : vector<1x16xf32> to vector<16xf32>
      %add3A_1367 = arith.constant 1 : i32
      %add3A_1368 = arith.addi %add3A_1367, %scan3A_552 : i32
      %swap3A_1369 = arith.constant 4 : i32
      %swap3A_1370 = arith.constant 0 : i32
      %swap3A_1371 = arith.constant 0 : i32
      %swap3A_1372 = tpu.memref_slice %arg6[%swap3A_1369, %swap3A_1370, %swap3A_1371] : memref<6x77x128xf32, #tpu.memory_space<vmem>> -> memref<1x77x128xf32, #tpu.memory_space<vmem>>
      %swap3A_1373 = tpu.memref_squeeze %swap3A_1372 : memref<1x77x128xf32, #tpu.memory_space<vmem>> -> memref<77x128xf32, #tpu.memory_space<vmem>>
      %swap3A_1374 = arith.index_cast %add3A_1368 : i32 to index
      %swap3A_1375 = arith.constant 48 : index
      %swap3A_1376 = tpu.vector_load %swap3A_1373[%swap3A_1374, %swap3A_1375] {strides = array<i32>} : memref<77x128xf32, #tpu.memory_space<vmem>>, vector<1x16xf32>,
      %swap3A_1377 = vector.shape_cast %swap3A_1376 : vector<1x16xf32> to vector<16xf32>
      %swap3A_1378 = vector.shape_cast %get3A_1366 : vector<16xf32> to vector<1x16xf32>
      tpu.vector_store %swap3A_1373[%swap3A_1374, %swap3A_1375], %swap3A_1378 {strides = array<i32>} : memref<77x128xf32, #tpu.memory_space<vmem>>, vector<1x16xf32>,
      %add3A_1379 = arith.constant 0 : i32
      %add3A_1380 = arith.addi %add3A_1379, %scan3A_552 : i32
      %get3A_1381 = arith.constant 4 : i32
      %get3A_1382 = arith.constant 0 : i32
      %get3A_1383 = arith.constant 0 : i32
      %get3A_1384 = tpu.memref_slice %arg7[%get3A_1381, %get3A_1382, %get3A_1383] : memref<6x60x128xf32, #tpu.memory_space<vmem>> -> memref<1x60x128xf32, #tpu.memory_space<vmem>>
      %get3A_1385 = tpu.memref_squeeze %get3A_1384 : memref<1x60x128xf32, #tpu.memory_space<vmem>> -> memref<60x128xf32, #tpu.memory_space<vmem>>
      %get3A_1386 = arith.index_cast %add3A_1380 : i32 to index
      %get3A_1387 = arith.constant 64 : index
      %get3A_1388 = tpu.vector_load %get3A_1385[%get3A_1386, %get3A_1387] {strides = array<i32>} : memref<60x128xf32, #tpu.memory_space<vmem>>, vector<1x16xf32>,
      %get3A_1389 = vector.shape_cast %get3A_1388 : vector<1x16xf32> to vector<16xf32>
      %add3A_1390 = arith.constant 1 : i32
      %add3A_1391 = arith.addi %add3A_1390, %scan3A_552 : i32
      %swap3A_1392 = arith.constant 4 : i32
      %swap3A_1393 = arith.constant 0 : i32
      %swap3A_1394 = arith.constant 0 : i32
      %swap3A_1395 = tpu.memref_slice %arg6[%swap3A_1392, %swap3A_1393, %swap3A_1394] : memref<6x77x128xf32, #tpu.memory_space<vmem>> -> memref<1x77x128xf32, #tpu.memory_space<vmem>>
      %swap3A_1396 = tpu.memref_squeeze %swap3A_1395 : memref<1x77x128xf32, #tpu.memory_space<vmem>> -> memref<77x128xf32, #tpu.memory_space<vmem>>
      %swap3A_1397 = arith.index_cast %add3A_1391 : i32 to index
      %swap3A_1398 = arith.constant 64 : index
      %swap3A_1399 = tpu.vector_load %swap3A_1396[%swap3A_1397, %swap3A_1398] {strides = array<i32>} : memref<77x128xf32, #tpu.memory_space<vmem>>, vector<1x16xf32>,
      %swap3A_1400 = vector.shape_cast %swap3A_1399 : vector<1x16xf32> to vector<16xf32>
      %swap3A_1401 = vector.shape_cast %get3A_1389 : vector<16xf32> to vector<1x16xf32>
      tpu.vector_store %swap3A_1396[%swap3A_1397, %swap3A_1398], %swap3A_1401 {strides = array<i32>} : memref<77x128xf32, #tpu.memory_space<vmem>>, vector<1x16xf32>,
      %add3A_1402 = arith.constant 0 : i32
      %add3A_1403 = arith.addi %add3A_1402, %scan3A_552 : i32
      %get3A_1404 = arith.constant 4 : i32
      %get3A_1405 = arith.constant 0 : i32
      %get3A_1406 = arith.constant 0 : i32
      %get3A_1407 = tpu.memref_slice %arg7[%get3A_1404, %get3A_1405, %get3A_1406] : memref<6x60x128xf32, #tpu.memory_space<vmem>> -> memref<1x60x128xf32, #tpu.memory_space<vmem>>
      %get3A_1408 = tpu.memref_squeeze %get3A_1407 : memref<1x60x128xf32, #tpu.memory_space<vmem>> -> memref<60x128xf32, #tpu.memory_space<vmem>>
      %get3A_1409 = arith.index_cast %add3A_1403 : i32 to index
      %get3A_1410 = arith.constant 80 : index
      %get3A_1411 = tpu.vector_load %get3A_1408[%get3A_1409, %get3A_1410] {strides = array<i32>} : memref<60x128xf32, #tpu.memory_space<vmem>>, vector<1x16xf32>,
      %get3A_1412 = vector.shape_cast %get3A_1411 : vector<1x16xf32> to vector<16xf32>
      %add3A_1413 = arith.constant 1 : i32
      %add3A_1414 = arith.addi %add3A_1413, %scan3A_552 : i32
      %swap3A_1415 = arith.constant 4 : i32
      %swap3A_1416 = arith.constant 0 : i32
      %swap3A_1417 = arith.constant 0 : i32
      %swap3A_1418 = tpu.memref_slice %arg6[%swap3A_1415, %swap3A_1416, %swap3A_1417] : memref<6x77x128xf32, #tpu.memory_space<vmem>> -> memref<1x77x128xf32, #tpu.memory_space<vmem>>
      %swap3A_1419 = tpu.memref_squeeze %swap3A_1418 : memref<1x77x128xf32, #tpu.memory_space<vmem>> -> memref<77x128xf32, #tpu.memory_space<vmem>>
      %swap3A_1420 = arith.index_cast %add3A_1414 : i32 to index
      %swap3A_1421 = arith.constant 80 : index
      %swap3A_1422 = tpu.vector_load %swap3A_1419[%swap3A_1420, %swap3A_1421] {strides = array<i32>} : memref<77x128xf32, #tpu.memory_space<vmem>>, vector<1x16xf32>,
      %swap3A_1423 = vector.shape_cast %swap3A_1422 : vector<1x16xf32> to vector<16xf32>
      %swap3A_1424 = vector.shape_cast %get3A_1412 : vector<16xf32> to vector<1x16xf32>
      tpu.vector_store %swap3A_1419[%swap3A_1420, %swap3A_1421], %swap3A_1424 {strides = array<i32>} : memref<77x128xf32, #tpu.memory_space<vmem>>, vector<1x16xf32>,
      %add3A_1425 = arith.constant 0 : i32
      %add3A_1426 = arith.addi %add3A_1425, %scan3A_552 : i32
      %get3A_1427 = arith.constant 4 : i32
      %get3A_1428 = arith.constant 0 : i32
      %get3A_1429 = arith.constant 0 : i32
      %get3A_1430 = tpu.memref_slice %arg7[%get3A_1427, %get3A_1428, %get3A_1429] : memref<6x60x128xf32, #tpu.memory_space<vmem>> -> memref<1x60x128xf32, #tpu.memory_space<vmem>>
      %get3A_1431 = tpu.memref_squeeze %get3A_1430 : memref<1x60x128xf32, #tpu.memory_space<vmem>> -> memref<60x128xf32, #tpu.memory_space<vmem>>
      %get3A_1432 = arith.index_cast %add3A_1426 : i32 to index
      %get3A_1433 = arith.constant 96 : index
      %get3A_1434 = tpu.vector_load %get3A_1431[%get3A_1432, %get3A_1433] {strides = array<i32>} : memref<60x128xf32, #tpu.memory_space<vmem>>, vector<1x16xf32>,
      %get3A_1435 = vector.shape_cast %get3A_1434 : vector<1x16xf32> to vector<16xf32>
      %add3A_1436 = arith.constant 1 : i32
      %add3A_1437 = arith.addi %add3A_1436, %scan3A_552 : i32
      %swap3A_1438 = arith.constant 4 : i32
      %swap3A_1439 = arith.constant 0 : i32
      %swap3A_1440 = arith.constant 0 : i32
      %swap3A_1441 = tpu.memref_slice %arg6[%swap3A_1438, %swap3A_1439, %swap3A_1440] : memref<6x77x128xf32, #tpu.memory_space<vmem>> -> memref<1x77x128xf32, #tpu.memory_space<vmem>>
      %swap3A_1442 = tpu.memref_squeeze %swap3A_1441 : memref<1x77x128xf32, #tpu.memory_space<vmem>> -> memref<77x128xf32, #tpu.memory_space<vmem>>
      %swap3A_1443 = arith.index_cast %add3A_1437 : i32 to index
      %swap3A_1444 = arith.constant 96 : index
      %swap3A_1445 = tpu.vector_load %swap3A_1442[%swap3A_1443, %swap3A_1444] {strides = array<i32>} : memref<77x128xf32, #tpu.memory_space<vmem>>, vector<1x16xf32>,
      %swap3A_1446 = vector.shape_cast %swap3A_1445 : vector<1x16xf32> to vector<16xf32>
      %swap3A_1447 = vector.shape_cast %get3A_1435 : vector<16xf32> to vector<1x16xf32>
      tpu.vector_store %swap3A_1442[%swap3A_1443, %swap3A_1444], %swap3A_1447 {strides = array<i32>} : memref<77x128xf32, #tpu.memory_space<vmem>>, vector<1x16xf32>,
      %add3A_1448 = arith.constant 0 : i32
      %add3A_1449 = arith.addi %add3A_1448, %scan3A_552 : i32
      %get3A_1450 = arith.constant 4 : i32
      %get3A_1451 = arith.constant 0 : i32
      %get3A_1452 = arith.constant 0 : i32
      %get3A_1453 = tpu.memref_slice %arg7[%get3A_1450, %get3A_1451, %get3A_1452] : memref<6x60x128xf32, #tpu.memory_space<vmem>> -> memref<1x60x128xf32, #tpu.memory_space<vmem>>
      %get3A_1454 = tpu.memref_squeeze %get3A_1453 : memref<1x60x128xf32, #tpu.memory_space<vmem>> -> memref<60x128xf32, #tpu.memory_space<vmem>>
      %get3A_1455 = arith.index_cast %add3A_1449 : i32 to index
      %get3A_1456 = arith.constant 112 : index
      %get3A_1457 = tpu.vector_load %get3A_1454[%get3A_1455, %get3A_1456] {strides = array<i32>} : memref<60x128xf32, #tpu.memory_space<vmem>>, vector<1x16xf32>,
      %get3A_1458 = vector.shape_cast %get3A_1457 : vector<1x16xf32> to vector<16xf32>
      %add3A_1459 = arith.constant 1 : i32
      %add3A_1460 = arith.addi %add3A_1459, %scan3A_552 : i32
      %swap3A_1461 = arith.constant 4 : i32
      %swap3A_1462 = arith.constant 0 : i32
      %swap3A_1463 = arith.constant 0 : i32
      %swap3A_1464 = tpu.memref_slice %arg6[%swap3A_1461, %swap3A_1462, %swap3A_1463] : memref<6x77x128xf32, #tpu.memory_space<vmem>> -> memref<1x77x128xf32, #tpu.memory_space<vmem>>
      %swap3A_1465 = tpu.memref_squeeze %swap3A_1464 : memref<1x77x128xf32, #tpu.memory_space<vmem>> -> memref<77x128xf32, #tpu.memory_space<vmem>>
      %swap3A_1466 = arith.index_cast %add3A_1460 : i32 to index
      %swap3A_1467 = arith.constant 112 : index
      %swap3A_1468 = tpu.vector_load %swap3A_1465[%swap3A_1466, %swap3A_1467] {strides = array<i32>} : memref<77x128xf32, #tpu.memory_space<vmem>>, vector<1x16xf32>,
      %swap3A_1469 = vector.shape_cast %swap3A_1468 : vector<1x16xf32> to vector<16xf32>
      %swap3A_1470 = vector.shape_cast %get3A_1458 : vector<16xf32> to vector<1x16xf32>
      tpu.vector_store %swap3A_1465[%swap3A_1466, %swap3A_1467], %swap3A_1470 {strides = array<i32>} : memref<77x128xf32, #tpu.memory_space<vmem>>, vector<1x16xf32>,
      %add3A_1471 = arith.constant 0 : i32
      %add3A_1472 = arith.addi %add3A_1471, %scan3A_552 : i32
      %get3A_1473 = arith.constant 5 : i32
      %get3A_1474 = arith.constant 0 : i32
      %get3A_1475 = arith.constant 0 : i32
      %get3A_1476 = tpu.memref_slice %arg7[%get3A_1473, %get3A_1474, %get3A_1475] : memref<6x60x128xf32, #tpu.memory_space<vmem>> -> memref<1x60x128xf32, #tpu.memory_space<vmem>>
      %get3A_1477 = tpu.memref_squeeze %get3A_1476 : memref<1x60x128xf32, #tpu.memory_space<vmem>> -> memref<60x128xf32, #tpu.memory_space<vmem>>
      %get3A_1478 = arith.index_cast %add3A_1472 : i32 to index
      %get3A_1479 = arith.constant 0 : index
      %get3A_1480 = tpu.vector_load %get3A_1477[%get3A_1478, %get3A_1479] {strides = array<i32>} : memref<60x128xf32, #tpu.memory_space<vmem>>, vector<1x16xf32>,
      %get3A_1481 = vector.shape_cast %get3A_1480 : vector<1x16xf32> to vector<16xf32>
      %add3A_1482 = arith.constant 1 : i32
      %add3A_1483 = arith.addi %add3A_1482, %scan3A_552 : i32
      %swap3A_1484 = arith.constant 5 : i32
      %swap3A_1485 = arith.constant 0 : i32
      %swap3A_1486 = arith.constant 0 : i32
      %swap3A_1487 = tpu.memref_slice %arg6[%swap3A_1484, %swap3A_1485, %swap3A_1486] : memref<6x77x128xf32, #tpu.memory_space<vmem>> -> memref<1x77x128xf32, #tpu.memory_space<vmem>>
      %swap3A_1488 = tpu.memref_squeeze %swap3A_1487 : memref<1x77x128xf32, #tpu.memory_space<vmem>> -> memref<77x128xf32, #tpu.memory_space<vmem>>
      %swap3A_1489 = arith.index_cast %add3A_1483 : i32 to index
      %swap3A_1490 = arith.constant 0 : index
      %swap3A_1491 = tpu.vector_load %swap3A_1488[%swap3A_1489, %swap3A_1490] {strides = array<i32>} : memref<77x128xf32, #tpu.memory_space<vmem>>, vector<1x16xf32>,
      %swap3A_1492 = vector.shape_cast %swap3A_1491 : vector<1x16xf32> to vector<16xf32>
      %swap3A_1493 = vector.shape_cast %get3A_1481 : vector<16xf32> to vector<1x16xf32>
      tpu.vector_store %swap3A_1488[%swap3A_1489, %swap3A_1490], %swap3A_1493 {strides = array<i32>} : memref<77x128xf32, #tpu.memory_space<vmem>>, vector<1x16xf32>,
      %add3A_1494 = arith.constant 0 : i32
      %add3A_1495 = arith.addi %add3A_1494, %scan3A_552 : i32
      %get3A_1496 = arith.constant 5 : i32
      %get3A_1497 = arith.constant 0 : i32
      %get3A_1498 = arith.constant 0 : i32
      %get3A_1499 = tpu.memref_slice %arg7[%get3A_1496, %get3A_1497, %get3A_1498] : memref<6x60x128xf32, #tpu.memory_space<vmem>> -> memref<1x60x128xf32, #tpu.memory_space<vmem>>
      %get3A_1500 = tpu.memref_squeeze %get3A_1499 : memref<1x60x128xf32, #tpu.memory_space<vmem>> -> memref<60x128xf32, #tpu.memory_space<vmem>>
      %get3A_1501 = arith.index_cast %add3A_1495 : i32 to index
      %get3A_1502 = arith.constant 16 : index
      %get3A_1503 = tpu.vector_load %get3A_1500[%get3A_1501, %get3A_1502] {strides = array<i32>} : memref<60x128xf32, #tpu.memory_space<vmem>>, vector<1x16xf32>,
      %get3A_1504 = vector.shape_cast %get3A_1503 : vector<1x16xf32> to vector<16xf32>
      %add3A_1505 = arith.constant 1 : i32
      %add3A_1506 = arith.addi %add3A_1505, %scan3A_552 : i32
      %swap3A_1507 = arith.constant 5 : i32
      %swap3A_1508 = arith.constant 0 : i32
      %swap3A_1509 = arith.constant 0 : i32
      %swap3A_1510 = tpu.memref_slice %arg6[%swap3A_1507, %swap3A_1508, %swap3A_1509] : memref<6x77x128xf32, #tpu.memory_space<vmem>> -> memref<1x77x128xf32, #tpu.memory_space<vmem>>
      %swap3A_1511 = tpu.memref_squeeze %swap3A_1510 : memref<1x77x128xf32, #tpu.memory_space<vmem>> -> memref<77x128xf32, #tpu.memory_space<vmem>>
      %swap3A_1512 = arith.index_cast %add3A_1506 : i32 to index
      %swap3A_1513 = arith.constant 16 : index
      %swap3A_1514 = tpu.vector_load %swap3A_1511[%swap3A_1512, %swap3A_1513] {strides = array<i32>} : memref<77x128xf32, #tpu.memory_space<vmem>>, vector<1x16xf32>,
      %swap3A_1515 = vector.shape_cast %swap3A_1514 : vector<1x16xf32> to vector<16xf32>
      %swap3A_1516 = vector.shape_cast %get3A_1504 : vector<16xf32> to vector<1x16xf32>
      tpu.vector_store %swap3A_1511[%swap3A_1512, %swap3A_1513], %swap3A_1516 {strides = array<i32>} : memref<77x128xf32, #tpu.memory_space<vmem>>, vector<1x16xf32>,
      %add3A_1517 = arith.constant 0 : i32
      %add3A_1518 = arith.addi %add3A_1517, %scan3A_552 : i32
      %get3A_1519 = arith.constant 5 : i32
      %get3A_1520 = arith.constant 0 : i32
      %get3A_1521 = arith.constant 0 : i32
      %get3A_1522 = tpu.memref_slice %arg7[%get3A_1519, %get3A_1520, %get3A_1521] : memref<6x60x128xf32, #tpu.memory_space<vmem>> -> memref<1x60x128xf32, #tpu.memory_space<vmem>>
      %get3A_1523 = tpu.memref_squeeze %get3A_1522 : memref<1x60x128xf32, #tpu.memory_space<vmem>> -> memref<60x128xf32, #tpu.memory_space<vmem>>
      %get3A_1524 = arith.index_cast %add3A_1518 : i32 to index
      %get3A_1525 = arith.constant 32 : index
      %get3A_1526 = tpu.vector_load %get3A_1523[%get3A_1524, %get3A_1525] {strides = array<i32>} : memref<60x128xf32, #tpu.memory_space<vmem>>, vector<1x16xf32>,
      %get3A_1527 = vector.shape_cast %get3A_1526 : vector<1x16xf32> to vector<16xf32>
      %add3A_1528 = arith.constant 1 : i32
      %add3A_1529 = arith.addi %add3A_1528, %scan3A_552 : i32
      %swap3A_1530 = arith.constant 5 : i32
      %swap3A_1531 = arith.constant 0 : i32
      %swap3A_1532 = arith.constant 0 : i32
      %swap3A_1533 = tpu.memref_slice %arg6[%swap3A_1530, %swap3A_1531, %swap3A_1532] : memref<6x77x128xf32, #tpu.memory_space<vmem>> -> memref<1x77x128xf32, #tpu.memory_space<vmem>>
      %swap3A_1534 = tpu.memref_squeeze %swap3A_1533 : memref<1x77x128xf32, #tpu.memory_space<vmem>> -> memref<77x128xf32, #tpu.memory_space<vmem>>
      %swap3A_1535 = arith.index_cast %add3A_1529 : i32 to index
      %swap3A_1536 = arith.constant 32 : index
      %swap3A_1537 = tpu.vector_load %swap3A_1534[%swap3A_1535, %swap3A_1536] {strides = array<i32>} : memref<77x128xf32, #tpu.memory_space<vmem>>, vector<1x16xf32>,
      %swap3A_1538 = vector.shape_cast %swap3A_1537 : vector<1x16xf32> to vector<16xf32>
      %swap3A_1539 = vector.shape_cast %get3A_1527 : vector<16xf32> to vector<1x16xf32>
      tpu.vector_store %swap3A_1534[%swap3A_1535, %swap3A_1536], %swap3A_1539 {strides = array<i32>} : memref<77x128xf32, #tpu.memory_space<vmem>>, vector<1x16xf32>,
      %add3A_1540 = arith.constant 0 : i32
      %add3A_1541 = arith.addi %add3A_1540, %scan3A_552 : i32
      %get3A_1542 = arith.constant 5 : i32
      %get3A_1543 = arith.constant 0 : i32
      %get3A_1544 = arith.constant 0 : i32
      %get3A_1545 = tpu.memref_slice %arg7[%get3A_1542, %get3A_1543, %get3A_1544] : memref<6x60x128xf32, #tpu.memory_space<vmem>> -> memref<1x60x128xf32, #tpu.memory_space<vmem>>
      %get3A_1546 = tpu.memref_squeeze %get3A_1545 : memref<1x60x128xf32, #tpu.memory_space<vmem>> -> memref<60x128xf32, #tpu.memory_space<vmem>>
      %get3A_1547 = arith.index_cast %add3A_1541 : i32 to index
      %get3A_1548 = arith.constant 48 : index
      %get3A_1549 = tpu.vector_load %get3A_1546[%get3A_1547, %get3A_1548] {strides = array<i32>} : memref<60x128xf32, #tpu.memory_space<vmem>>, vector<1x16xf32>,
      %get3A_1550 = vector.shape_cast %get3A_1549 : vector<1x16xf32> to vector<16xf32>
      %add3A_1551 = arith.constant 1 : i32
      %add3A_1552 = arith.addi %add3A_1551, %scan3A_552 : i32
      %swap3A_1553 = arith.constant 5 : i32
      %swap3A_1554 = arith.constant 0 : i32
      %swap3A_1555 = arith.constant 0 : i32
      %swap3A_1556 = tpu.memref_slice %arg6[%swap3A_1553, %swap3A_1554, %swap3A_1555] : memref<6x77x128xf32, #tpu.memory_space<vmem>> -> memref<1x77x128xf32, #tpu.memory_space<vmem>>
      %swap3A_1557 = tpu.memref_squeeze %swap3A_1556 : memref<1x77x128xf32, #tpu.memory_space<vmem>> -> memref<77x128xf32, #tpu.memory_space<vmem>>
      %swap3A_1558 = arith.index_cast %add3A_1552 : i32 to index
      %swap3A_1559 = arith.constant 48 : index
      %swap3A_1560 = tpu.vector_load %swap3A_1557[%swap3A_1558, %swap3A_1559] {strides = array<i32>} : memref<77x128xf32, #tpu.memory_space<vmem>>, vector<1x16xf32>,
      %swap3A_1561 = vector.shape_cast %swap3A_1560 : vector<1x16xf32> to vector<16xf32>
      %swap3A_1562 = vector.shape_cast %get3A_1550 : vector<16xf32> to vector<1x16xf32>
      tpu.vector_store %swap3A_1557[%swap3A_1558, %swap3A_1559], %swap3A_1562 {strides = array<i32>} : memref<77x128xf32, #tpu.memory_space<vmem>>, vector<1x16xf32>,
      %add3A_1563 = arith.constant 0 : i32
      %add3A_1564 = arith.addi %add3A_1563, %scan3A_552 : i32
      %get3A_1565 = arith.constant 5 : i32
      %get3A_1566 = arith.constant 0 : i32
      %get3A_1567 = arith.constant 0 : i32
      %get3A_1568 = tpu.memref_slice %arg7[%get3A_1565, %get3A_1566, %get3A_1567] : memref<6x60x128xf32, #tpu.memory_space<vmem>> -> memref<1x60x128xf32, #tpu.memory_space<vmem>>
      %get3A_1569 = tpu.memref_squeeze %get3A_1568 : memref<1x60x128xf32, #tpu.memory_space<vmem>> -> memref<60x128xf32, #tpu.memory_space<vmem>>
      %get3A_1570 = arith.index_cast %add3A_1564 : i32 to index
      %get3A_1571 = arith.constant 64 : index
      %get3A_1572 = tpu.vector_load %get3A_1569[%get3A_1570, %get3A_1571] {strides = array<i32>} : memref<60x128xf32, #tpu.memory_space<vmem>>, vector<1x16xf32>,
      %get3A_1573 = vector.shape_cast %get3A_1572 : vector<1x16xf32> to vector<16xf32>
      %add3A_1574 = arith.constant 1 : i32
      %add3A_1575 = arith.addi %add3A_1574, %scan3A_552 : i32
      %swap3A_1576 = arith.constant 5 : i32
      %swap3A_1577 = arith.constant 0 : i32
      %swap3A_1578 = arith.constant 0 : i32
      %swap3A_1579 = tpu.memref_slice %arg6[%swap3A_1576, %swap3A_1577, %swap3A_1578] : memref<6x77x128xf32, #tpu.memory_space<vmem>> -> memref<1x77x128xf32, #tpu.memory_space<vmem>>
      %swap3A_1580 = tpu.memref_squeeze %swap3A_1579 : memref<1x77x128xf32, #tpu.memory_space<vmem>> -> memref<77x128xf32, #tpu.memory_space<vmem>>
      %swap3A_1581 = arith.index_cast %add3A_1575 : i32 to index
      %swap3A_1582 = arith.constant 64 : index
      %swap3A_1583 = tpu.vector_load %swap3A_1580[%swap3A_1581, %swap3A_1582] {strides = array<i32>} : memref<77x128xf32, #tpu.memory_space<vmem>>, vector<1x16xf32>,
      %swap3A_1584 = vector.shape_cast %swap3A_1583 : vector<1x16xf32> to vector<16xf32>
      %swap3A_1585 = vector.shape_cast %get3A_1573 : vector<16xf32> to vector<1x16xf32>
      tpu.vector_store %swap3A_1580[%swap3A_1581, %swap3A_1582], %swap3A_1585 {strides = array<i32>} : memref<77x128xf32, #tpu.memory_space<vmem>>, vector<1x16xf32>,
      %add3A_1586 = arith.constant 0 : i32
      %add3A_1587 = arith.addi %add3A_1586, %scan3A_552 : i32
      %get3A_1588 = arith.constant 5 : i32
      %get3A_1589 = arith.constant 0 : i32
      %get3A_1590 = arith.constant 0 : i32
      %get3A_1591 = tpu.memref_slice %arg7[%get3A_1588, %get3A_1589, %get3A_1590] : memref<6x60x128xf32, #tpu.memory_space<vmem>> -> memref<1x60x128xf32, #tpu.memory_space<vmem>>
      %get3A_1592 = tpu.memref_squeeze %get3A_1591 : memref<1x60x128xf32, #tpu.memory_space<vmem>> -> memref<60x128xf32, #tpu.memory_space<vmem>>
      %get3A_1593 = arith.index_cast %add3A_1587 : i32 to index
      %get3A_1594 = arith.constant 80 : index
      %get3A_1595 = tpu.vector_load %get3A_1592[%get3A_1593, %get3A_1594] {strides = array<i32>} : memref<60x128xf32, #tpu.memory_space<vmem>>, vector<1x16xf32>,
      %get3A_1596 = vector.shape_cast %get3A_1595 : vector<1x16xf32> to vector<16xf32>
      %add3A_1597 = arith.constant 1 : i32
      %add3A_1598 = arith.addi %add3A_1597, %scan3A_552 : i32
      %swap3A_1599 = arith.constant 5 : i32
      %swap3A_1600 = arith.constant 0 : i32
      %swap3A_1601 = arith.constant 0 : i32
      %swap3A_1602 = tpu.memref_slice %arg6[%swap3A_1599, %swap3A_1600, %swap3A_1601] : memref<6x77x128xf32, #tpu.memory_space<vmem>> -> memref<1x77x128xf32, #tpu.memory_space<vmem>>
      %swap3A_1603 = tpu.memref_squeeze %swap3A_1602 : memref<1x77x128xf32, #tpu.memory_space<vmem>> -> memref<77x128xf32, #tpu.memory_space<vmem>>
      %swap3A_1604 = arith.index_cast %add3A_1598 : i32 to index
      %swap3A_1605 = arith.constant 80 : index
      %swap3A_1606 = tpu.vector_load %swap3A_1603[%swap3A_1604, %swap3A_1605] {strides = array<i32>} : memref<77x128xf32, #tpu.memory_space<vmem>>, vector<1x16xf32>,
      %swap3A_1607 = vector.shape_cast %swap3A_1606 : vector<1x16xf32> to vector<16xf32>
      %swap3A_1608 = vector.shape_cast %get3A_1596 : vector<16xf32> to vector<1x16xf32>
      tpu.vector_store %swap3A_1603[%swap3A_1604, %swap3A_1605], %swap3A_1608 {strides = array<i32>} : memref<77x128xf32, #tpu.memory_space<vmem>>, vector<1x16xf32>,
      %add3A_1609 = arith.constant 0 : i32
      %add3A_1610 = arith.addi %add3A_1609, %scan3A_552 : i32
      %get3A_1611 = arith.constant 5 : i32
      %get3A_1612 = arith.constant 0 : i32
      %get3A_1613 = arith.constant 0 : i32
      %get3A_1614 = tpu.memref_slice %arg7[%get3A_1611, %get3A_1612, %get3A_1613] : memref<6x60x128xf32, #tpu.memory_space<vmem>> -> memref<1x60x128xf32, #tpu.memory_space<vmem>>
      %get3A_1615 = tpu.memref_squeeze %get3A_1614 : memref<1x60x128xf32, #tpu.memory_space<vmem>> -> memref<60x128xf32, #tpu.memory_space<vmem>>
      %get3A_1616 = arith.index_cast %add3A_1610 : i32 to index
      %get3A_1617 = arith.constant 96 : index
      %get3A_1618 = tpu.vector_load %get3A_1615[%get3A_1616, %get3A_1617] {strides = array<i32>} : memref<60x128xf32, #tpu.memory_space<vmem>>, vector<1x16xf32>,
      %get3A_1619 = vector.shape_cast %get3A_1618 : vector<1x16xf32> to vector<16xf32>
      %add3A_1620 = arith.constant 1 : i32
      %add3A_1621 = arith.addi %add3A_1620, %scan3A_552 : i32
      %swap3A_1622 = arith.constant 5 : i32
      %swap3A_1623 = arith.constant 0 : i32
      %swap3A_1624 = arith.constant 0 : i32
      %swap3A_1625 = tpu.memref_slice %arg6[%swap3A_1622, %swap3A_1623, %swap3A_1624] : memref<6x77x128xf32, #tpu.memory_space<vmem>> -> memref<1x77x128xf32, #tpu.memory_space<vmem>>
      %swap3A_1626 = tpu.memref_squeeze %swap3A_1625 : memref<1x77x128xf32, #tpu.memory_space<vmem>> -> memref<77x128xf32, #tpu.memory_space<vmem>>
      %swap3A_1627 = arith.index_cast %add3A_1621 : i32 to index
      %swap3A_1628 = arith.constant 96 : index
      %swap3A_1629 = tpu.vector_load %swap3A_1626[%swap3A_1627, %swap3A_1628] {strides = array<i32>} : memref<77x128xf32, #tpu.memory_space<vmem>>, vector<1x16xf32>,
      %swap3A_1630 = vector.shape_cast %swap3A_1629 : vector<1x16xf32> to vector<16xf32>
      %swap3A_1631 = vector.shape_cast %get3A_1619 : vector<16xf32> to vector<1x16xf32>
      tpu.vector_store %swap3A_1626[%swap3A_1627, %swap3A_1628], %swap3A_1631 {strides = array<i32>} : memref<77x128xf32, #tpu.memory_space<vmem>>, vector<1x16xf32>,
      %add3A_1632 = arith.constant 0 : i32
      %add3A_1633 = arith.addi %add3A_1632, %scan3A_552 : i32
      %get3A_1634 = arith.constant 5 : i32
      %get3A_1635 = arith.constant 0 : i32
      %get3A_1636 = arith.constant 0 : i32
      %get3A_1637 = tpu.memref_slice %arg7[%get3A_1634, %get3A_1635, %get3A_1636] : memref<6x60x128xf32, #tpu.memory_space<vmem>> -> memref<1x60x128xf32, #tpu.memory_space<vmem>>
      %get3A_1638 = tpu.memref_squeeze %get3A_1637 : memref<1x60x128xf32, #tpu.memory_space<vmem>> -> memref<60x128xf32, #tpu.memory_space<vmem>>
      %get3A_1639 = arith.index_cast %add3A_1633 : i32 to index
      %get3A_1640 = arith.constant 112 : index
      %get3A_1641 = tpu.vector_load %get3A_1638[%get3A_1639, %get3A_1640] {strides = array<i32>} : memref<60x128xf32, #tpu.memory_space<vmem>>, vector<1x16xf32>,
      %get3A_1642 = vector.shape_cast %get3A_1641 : vector<1x16xf32> to vector<16xf32>
      %add3A_1643 = arith.constant 1 : i32
      %add3A_1644 = arith.addi %add3A_1643, %scan3A_552 : i32
      %swap3A_1645 = arith.constant 5 : i32
      %swap3A_1646 = arith.constant 0 : i32
      %swap3A_1647 = arith.constant 0 : i32
      %swap3A_1648 = tpu.memref_slice %arg6[%swap3A_1645, %swap3A_1646, %swap3A_1647] : memref<6x77x128xf32, #tpu.memory_space<vmem>> -> memref<1x77x128xf32, #tpu.memory_space<vmem>>
      %swap3A_1649 = tpu.memref_squeeze %swap3A_1648 : memref<1x77x128xf32, #tpu.memory_space<vmem>> -> memref<77x128xf32, #tpu.memory_space<vmem>>
      %swap3A_1650 = arith.index_cast %add3A_1644 : i32 to index
      %swap3A_1651 = arith.constant 112 : index
      %swap3A_1652 = tpu.vector_load %swap3A_1649[%swap3A_1650, %swap3A_1651] {strides = array<i32>} : memref<77x128xf32, #tpu.memory_space<vmem>>, vector<1x16xf32>,
      %swap3A_1653 = vector.shape_cast %swap3A_1652 : vector<1x16xf32> to vector<16xf32>
      %swap3A_1654 = vector.shape_cast %get3A_1642 : vector<16xf32> to vector<1x16xf32>
      tpu.vector_store %swap3A_1649[%swap3A_1650, %swap3A_1651], %swap3A_1654 {strides = array<i32>} : memref<77x128xf32, #tpu.memory_space<vmem>>, vector<1x16xf32>,
    }
    %scan3A_184 = arith.constant 16 : i32
    %add3A_185 = arith.constant 0 : i32
    %add3A_186 = arith.addi %mul3A_2, %add3A_185 : i32
    %min3A = arith.constant 999 : i32
    %min3A_187 = arith.minsi %add3A_186, %min3A : i32
    %dma_start3A_188 = arith.constant 0 : i32
    %dma_start3A_189 = arith.constant 0 : i32
    %dma_start3A_190 = tpu.memref_slice %arg3[%min3A_187, %dma_start3A_188, %dma_start3A_189] : memref<1000x1x768xf32, #tpu.memory_space<hbm>> -> memref<1x1x768xf32, #tpu.memory_space<hbm>>
    %dma_start3A_191 = tpu.memref_squeeze %dma_start3A_190 : memref<1x1x768xf32, #tpu.memory_space<hbm>> -> memref<1x768xf32, #tpu.memory_space<hbm>>
    %dma_start3A_192 = arith.constant 0 : i32
    %dma_start3A_193 = arith.constant 0 : i32
    %dma_start3A_194 = tpu.memref_slice %arg3[%min3A_187, %dma_start3A_192, %dma_start3A_193] : memref<1000x1x768xf32, #tpu.memory_space<hbm>> -> memref<1x1x768xf32, #tpu.memory_space<hbm>>
    %dma_start3A_195 = tpu.memref_squeeze %dma_start3A_194 : memref<1x1x768xf32, #tpu.memory_space<hbm>> -> memref<1x768xf32, #tpu.memory_space<hbm>>
    tpu.enqueue_dma source(%dma_start3A_195 : memref<1x768xf32, #tpu.memory_space<hbm>>) target(%arg8 : memref<1x768xf32, #tpu.memory_space<vmem>>) target_semaphore(%arg11 : memref<!tpu.dma_semaphore, #tpu.memory_space<semaphore_mem>>)
    %add3A_196 = arith.constant 0 : i32
    %add3A_197 = arith.addi %mul3A_2, %add3A_196 : i32
    %min3A_198 = arith.constant 999 : i32
    %min3A_199 = arith.minsi %add3A_197, %min3A_198 : i32
    %dma_start3A_200 = arith.constant 0 : i32
    %dma_start3A_201 = arith.constant 0 : i32
    %dma_start3A_202 = arith.constant 0 : i32
    %dma_start3A_203 = tpu.memref_slice %arg7[%dma_start3A_200, %dma_start3A_201, %dma_start3A_202] : memref<6x60x128xf32, #tpu.memory_space<vmem>> -> memref<1x60x128xf32, #tpu.memory_space<vmem>>
    %dma_start3A_204 = tpu.memref_squeeze %dma_start3A_203 : memref<1x60x128xf32, #tpu.memory_space<vmem>> -> memref<60x128xf32, #tpu.memory_space<vmem>>
    %dma_start3A_205 = arith.constant 0 : i32
    %dma_start3A_206 = arith.constant 0 : i32
    %dma_start3A_207 = tpu.memref_slice %arg4[%min3A_199, %dma_start3A_205, %dma_start3A_206] : memref<1000x60x768xf32, #tpu.memory_space<hbm>> -> memref<1x60x128xf32, #tpu.memory_space<hbm>>
    %dma_start3A_208 = tpu.memref_squeeze %dma_start3A_207 : memref<1x60x128xf32, #tpu.memory_space<hbm>> -> memref<60x128xf32, #tpu.memory_space<hbm>>
    %dma_start3A_209 = arith.constant 0 : i32
    %dma_start3A_210 = arith.constant 0 : i32
    %dma_start3A_211 = tpu.memref_slice %arg7[%dma_start3A_200, %dma_start3A_209, %dma_start3A_210] : memref<6x60x128xf32, #tpu.memory_space<vmem>> -> memref<1x60x128xf32, #tpu.memory_space<vmem>>
    %dma_start3A_212 = tpu.memref_squeeze %dma_start3A_211 : memref<1x60x128xf32, #tpu.memory_space<vmem>> -> memref<60x128xf32, #tpu.memory_space<vmem>>
    %dma_start3A_213 = arith.constant 0 : i32
    %dma_start3A_214 = arith.constant 0 : i32
    %dma_start3A_215 = tpu.memref_slice %arg4[%min3A_199, %dma_start3A_213, %dma_start3A_214] : memref<1000x60x768xf32, #tpu.memory_space<hbm>> -> memref<1x60x128xf32, #tpu.memory_space<hbm>>
    %dma_start3A_216 = tpu.memref_squeeze %dma_start3A_215 : memref<1x60x128xf32, #tpu.memory_space<hbm>> -> memref<60x128xf32, #tpu.memory_space<hbm>>
    tpu.enqueue_dma source(%dma_start3A_216 : memref<60x128xf32, #tpu.memory_space<hbm>>) target(%dma_start3A_212 : memref<60x128xf32, #tpu.memory_space<vmem>>) target_semaphore(%arg9 : memref<!tpu.dma_semaphore, #tpu.memory_space<semaphore_mem>>)
    %add3A_217 = arith.constant 0 : i32
    %add3A_218 = arith.addi %mul3A_2, %add3A_217 : i32
    %min3A_219 = arith.constant 999 : i32
    %min3A_220 = arith.minsi %add3A_218, %min3A_219 : i32
    %dma_start3A_221 = arith.constant 1 : i32
    %dma_start3A_222 = arith.constant 0 : i32
    %dma_start3A_223 = arith.constant 0 : i32
    %dma_start3A_224 = tpu.memref_slice %arg7[%dma_start3A_221, %dma_start3A_222, %dma_start3A_223] : memref<6x60x128xf32, #tpu.memory_space<vmem>> -> memref<1x60x128xf32, #tpu.memory_space<vmem>>
    %dma_start3A_225 = tpu.memref_squeeze %dma_start3A_224 : memref<1x60x128xf32, #tpu.memory_space<vmem>> -> memref<60x128xf32, #tpu.memory_space<vmem>>
    %dma_start3A_226 = arith.constant 0 : i32
    %dma_start3A_227 = arith.constant 128 : i32
    %dma_start3A_228 = tpu.memref_slice %arg4[%min3A_220, %dma_start3A_226, %dma_start3A_227] : memref<1000x60x768xf32, #tpu.memory_space<hbm>> -> memref<1x60x128xf32, #tpu.memory_space<hbm>>
    %dma_start3A_229 = tpu.memref_squeeze %dma_start3A_228 : memref<1x60x128xf32, #tpu.memory_space<hbm>> -> memref<60x128xf32, #tpu.memory_space<hbm>>
    %dma_start3A_230 = arith.constant 0 : i32
    %dma_start3A_231 = arith.constant 0 : i32
    %dma_start3A_232 = tpu.memref_slice %arg7[%dma_start3A_221, %dma_start3A_230, %dma_start3A_231] : memref<6x60x128xf32, #tpu.memory_space<vmem>> -> memref<1x60x128xf32, #tpu.memory_space<vmem>>
    %dma_start3A_233 = tpu.memref_squeeze %dma_start3A_232 : memref<1x60x128xf32, #tpu.memory_space<vmem>> -> memref<60x128xf32, #tpu.memory_space<vmem>>
    %dma_start3A_234 = arith.constant 0 : i32
    %dma_start3A_235 = arith.constant 128 : i32
    %dma_start3A_236 = tpu.memref_slice %arg4[%min3A_220, %dma_start3A_234, %dma_start3A_235] : memref<1000x60x768xf32, #tpu.memory_space<hbm>> -> memref<1x60x128xf32, #tpu.memory_space<hbm>>
    %dma_start3A_237 = tpu.memref_squeeze %dma_start3A_236 : memref<1x60x128xf32, #tpu.memory_space<hbm>> -> memref<60x128xf32, #tpu.memory_space<hbm>>
    tpu.enqueue_dma source(%dma_start3A_237 : memref<60x128xf32, #tpu.memory_space<hbm>>) target(%dma_start3A_233 : memref<60x128xf32, #tpu.memory_space<vmem>>) target_semaphore(%arg9 : memref<!tpu.dma_semaphore, #tpu.memory_space<semaphore_mem>>)
    %add3A_238 = arith.constant 0 : i32
    %add3A_239 = arith.addi %mul3A_2, %add3A_238 : i32
    %min3A_240 = arith.constant 999 : i32
    %min3A_241 = arith.minsi %add3A_239, %min3A_240 : i32
    %dma_start3A_242 = arith.constant 2 : i32
    %dma_start3A_243 = arith.constant 0 : i32
    %dma_start3A_244 = arith.constant 0 : i32
    %dma_start3A_245 = tpu.memref_slice %arg7[%dma_start3A_242, %dma_start3A_243, %dma_start3A_244] : memref<6x60x128xf32, #tpu.memory_space<vmem>> -> memref<1x60x128xf32, #tpu.memory_space<vmem>>
    %dma_start3A_246 = tpu.memref_squeeze %dma_start3A_245 : memref<1x60x128xf32, #tpu.memory_space<vmem>> -> memref<60x128xf32, #tpu.memory_space<vmem>>
    %dma_start3A_247 = arith.constant 0 : i32
    %dma_start3A_248 = arith.constant 256 : i32
    %dma_start3A_249 = tpu.memref_slice %arg4[%min3A_241, %dma_start3A_247, %dma_start3A_248] : memref<1000x60x768xf32, #tpu.memory_space<hbm>> -> memref<1x60x128xf32, #tpu.memory_space<hbm>>
    %dma_start3A_250 = tpu.memref_squeeze %dma_start3A_249 : memref<1x60x128xf32, #tpu.memory_space<hbm>> -> memref<60x128xf32, #tpu.memory_space<hbm>>
    %dma_start3A_251 = arith.constant 0 : i32
    %dma_start3A_252 = arith.constant 0 : i32
    %dma_start3A_253 = tpu.memref_slice %arg7[%dma_start3A_242, %dma_start3A_251, %dma_start3A_252] : memref<6x60x128xf32, #tpu.memory_space<vmem>> -> memref<1x60x128xf32, #tpu.memory_space<vmem>>
    %dma_start3A_254 = tpu.memref_squeeze %dma_start3A_253 : memref<1x60x128xf32, #tpu.memory_space<vmem>> -> memref<60x128xf32, #tpu.memory_space<vmem>>
    %dma_start3A_255 = arith.constant 0 : i32
    %dma_start3A_256 = arith.constant 256 : i32
    %dma_start3A_257 = tpu.memref_slice %arg4[%min3A_241, %dma_start3A_255, %dma_start3A_256] : memref<1000x60x768xf32, #tpu.memory_space<hbm>> -> memref<1x60x128xf32, #tpu.memory_space<hbm>>
    %dma_start3A_258 = tpu.memref_squeeze %dma_start3A_257 : memref<1x60x128xf32, #tpu.memory_space<hbm>> -> memref<60x128xf32, #tpu.memory_space<hbm>>
    tpu.enqueue_dma source(%dma_start3A_258 : memref<60x128xf32, #tpu.memory_space<hbm>>) target(%dma_start3A_254 : memref<60x128xf32, #tpu.memory_space<vmem>>) target_semaphore(%arg9 : memref<!tpu.dma_semaphore, #tpu.memory_space<semaphore_mem>>)
    %add3A_259 = arith.constant 0 : i32
    %add3A_260 = arith.addi %mul3A_2, %add3A_259 : i32
    %min3A_261 = arith.constant 999 : i32
    %min3A_262 = arith.minsi %add3A_260, %min3A_261 : i32
    %dma_start3A_263 = arith.constant 3 : i32
    %dma_start3A_264 = arith.constant 0 : i32
    %dma_start3A_265 = arith.constant 0 : i32
    %dma_start3A_266 = tpu.memref_slice %arg7[%dma_start3A_263, %dma_start3A_264, %dma_start3A_265] : memref<6x60x128xf32, #tpu.memory_space<vmem>> -> memref<1x60x128xf32, #tpu.memory_space<vmem>>
    %dma_start3A_267 = tpu.memref_squeeze %dma_start3A_266 : memref<1x60x128xf32, #tpu.memory_space<vmem>> -> memref<60x128xf32, #tpu.memory_space<vmem>>
    %dma_start3A_268 = arith.constant 0 : i32
    %dma_start3A_269 = arith.constant 384 : i32
    %dma_start3A_270 = tpu.memref_slice %arg4[%min3A_262, %dma_start3A_268, %dma_start3A_269] : memref<1000x60x768xf32, #tpu.memory_space<hbm>> -> memref<1x60x128xf32, #tpu.memory_space<hbm>>
    %dma_start3A_271 = tpu.memref_squeeze %dma_start3A_270 : memref<1x60x128xf32, #tpu.memory_space<hbm>> -> memref<60x128xf32, #tpu.memory_space<hbm>>
    %dma_start3A_272 = arith.constant 0 : i32
    %dma_start3A_273 = arith.constant 0 : i32
    %dma_start3A_274 = tpu.memref_slice %arg7[%dma_start3A_263, %dma_start3A_272, %dma_start3A_273] : memref<6x60x128xf32, #tpu.memory_space<vmem>> -> memref<1x60x128xf32, #tpu.memory_space<vmem>>
    %dma_start3A_275 = tpu.memref_squeeze %dma_start3A_274 : memref<1x60x128xf32, #tpu.memory_space<vmem>> -> memref<60x128xf32, #tpu.memory_space<vmem>>
    %dma_start3A_276 = arith.constant 0 : i32
    %dma_start3A_277 = arith.constant 384 : i32
    %dma_start3A_278 = tpu.memref_slice %arg4[%min3A_262, %dma_start3A_276, %dma_start3A_277] : memref<1000x60x768xf32, #tpu.memory_space<hbm>> -> memref<1x60x128xf32, #tpu.memory_space<hbm>>
    %dma_start3A_279 = tpu.memref_squeeze %dma_start3A_278 : memref<1x60x128xf32, #tpu.memory_space<hbm>> -> memref<60x128xf32, #tpu.memory_space<hbm>>
    tpu.enqueue_dma source(%dma_start3A_279 : memref<60x128xf32, #tpu.memory_space<hbm>>) target(%dma_start3A_275 : memref<60x128xf32, #tpu.memory_space<vmem>>) target_semaphore(%arg9 : memref<!tpu.dma_semaphore, #tpu.memory_space<semaphore_mem>>)
    %add3A_280 = arith.constant 0 : i32
    %add3A_281 = arith.addi %mul3A_2, %add3A_280 : i32
    %min3A_282 = arith.constant 999 : i32
    %min3A_283 = arith.minsi %add3A_281, %min3A_282 : i32
    %dma_start3A_284 = arith.constant 4 : i32
    %dma_start3A_285 = arith.constant 0 : i32
    %dma_start3A_286 = arith.constant 0 : i32
    %dma_start3A_287 = tpu.memref_slice %arg7[%dma_start3A_284, %dma_start3A_285, %dma_start3A_286] : memref<6x60x128xf32, #tpu.memory_space<vmem>> -> memref<1x60x128xf32, #tpu.memory_space<vmem>>
    %dma_start3A_288 = tpu.memref_squeeze %dma_start3A_287 : memref<1x60x128xf32, #tpu.memory_space<vmem>> -> memref<60x128xf32, #tpu.memory_space<vmem>>
    %dma_start3A_289 = arith.constant 0 : i32
    %dma_start3A_290 = arith.constant 512 : i32
    %dma_start3A_291 = tpu.memref_slice %arg4[%min3A_283, %dma_start3A_289, %dma_start3A_290] : memref<1000x60x768xf32, #tpu.memory_space<hbm>> -> memref<1x60x128xf32, #tpu.memory_space<hbm>>
    %dma_start3A_292 = tpu.memref_squeeze %dma_start3A_291 : memref<1x60x128xf32, #tpu.memory_space<hbm>> -> memref<60x128xf32, #tpu.memory_space<hbm>>
    %dma_start3A_293 = arith.constant 0 : i32
    %dma_start3A_294 = arith.constant 0 : i32
    %dma_start3A_295 = tpu.memref_slice %arg7[%dma_start3A_284, %dma_start3A_293, %dma_start3A_294] : memref<6x60x128xf32, #tpu.memory_space<vmem>> -> memref<1x60x128xf32, #tpu.memory_space<vmem>>
    %dma_start3A_296 = tpu.memref_squeeze %dma_start3A_295 : memref<1x60x128xf32, #tpu.memory_space<vmem>> -> memref<60x128xf32, #tpu.memory_space<vmem>>
    %dma_start3A_297 = arith.constant 0 : i32
    %dma_start3A_298 = arith.constant 512 : i32
    %dma_start3A_299 = tpu.memref_slice %arg4[%min3A_283, %dma_start3A_297, %dma_start3A_298] : memref<1000x60x768xf32, #tpu.memory_space<hbm>> -> memref<1x60x128xf32, #tpu.memory_space<hbm>>
    %dma_start3A_300 = tpu.memref_squeeze %dma_start3A_299 : memref<1x60x128xf32, #tpu.memory_space<hbm>> -> memref<60x128xf32, #tpu.memory_space<hbm>>
    tpu.enqueue_dma source(%dma_start3A_300 : memref<60x128xf32, #tpu.memory_space<hbm>>) target(%dma_start3A_296 : memref<60x128xf32, #tpu.memory_space<vmem>>) target_semaphore(%arg9 : memref<!tpu.dma_semaphore, #tpu.memory_space<semaphore_mem>>)
    %add3A_301 = arith.constant 0 : i32
    %add3A_302 = arith.addi %mul3A_2, %add3A_301 : i32
    %min3A_303 = arith.constant 999 : i32
    %min3A_304 = arith.minsi %add3A_302, %min3A_303 : i32
    %dma_start3A_305 = arith.constant 5 : i32
    %dma_start3A_306 = arith.constant 0 : i32
    %dma_start3A_307 = arith.constant 0 : i32
    %dma_start3A_308 = tpu.memref_slice %arg7[%dma_start3A_305, %dma_start3A_306, %dma_start3A_307] : memref<6x60x128xf32, #tpu.memory_space<vmem>> -> memref<1x60x128xf32, #tpu.memory_space<vmem>>
    %dma_start3A_309 = tpu.memref_squeeze %dma_start3A_308 : memref<1x60x128xf32, #tpu.memory_space<vmem>> -> memref<60x128xf32, #tpu.memory_space<vmem>>
    %dma_start3A_310 = arith.constant 0 : i32
    %dma_start3A_311 = arith.constant 640 : i32
    %dma_start3A_312 = tpu.memref_slice %arg4[%min3A_304, %dma_start3A_310, %dma_start3A_311] : memref<1000x60x768xf32, #tpu.memory_space<hbm>> -> memref<1x60x128xf32, #tpu.memory_space<hbm>>
    %dma_start3A_313 = tpu.memref_squeeze %dma_start3A_312 : memref<1x60x128xf32, #tpu.memory_space<hbm>> -> memref<60x128xf32, #tpu.memory_space<hbm>>
    %dma_start3A_314 = arith.constant 0 : i32
    %dma_start3A_315 = arith.constant 0 : i32
    %dma_start3A_316 = tpu.memref_slice %arg7[%dma_start3A_305, %dma_start3A_314, %dma_start3A_315] : memref<6x60x128xf32, #tpu.memory_space<vmem>> -> memref<1x60x128xf32, #tpu.memory_space<vmem>>
    %dma_start3A_317 = tpu.memref_squeeze %dma_start3A_316 : memref<1x60x128xf32, #tpu.memory_space<vmem>> -> memref<60x128xf32, #tpu.memory_space<vmem>>
    %dma_start3A_318 = arith.constant 0 : i32
    %dma_start3A_319 = arith.constant 640 : i32
    %dma_start3A_320 = tpu.memref_slice %arg4[%min3A_304, %dma_start3A_318, %dma_start3A_319] : memref<1000x60x768xf32, #tpu.memory_space<hbm>> -> memref<1x60x128xf32, #tpu.memory_space<hbm>>
    %dma_start3A_321 = tpu.memref_squeeze %dma_start3A_320 : memref<1x60x128xf32, #tpu.memory_space<hbm>> -> memref<60x128xf32, #tpu.memory_space<hbm>>
    tpu.enqueue_dma source(%dma_start3A_321 : memref<60x128xf32, #tpu.memory_space<hbm>>) target(%dma_start3A_317 : memref<60x128xf32, #tpu.memory_space<vmem>>) target_semaphore(%arg9 : memref<!tpu.dma_semaphore, #tpu.memory_space<semaphore_mem>>)
    %scan3A_322 = arith.constant 0 : i32
    %scan3A_323 = arith.constant 32 : i32
    %scan3A_324 = arith.addi %scan3A_322, %scan3A_323 : i32
    %scan3A_325 = arith.constant 1 : i32
    scf.for %scan3A_552 = %scan3A_322 to %scan3A_324 step %scan3A_325  : i32 {
      %dma_wait3A_553 = arith.constant 0 : i32
      %dma_wait3A_554 = arith.constant 0 : i32
      %dma_wait3A_555 = arith.constant 0 : i32
      %dma_wait3A_556 = tpu.memref_slice %arg3[%dma_wait3A_553, %dma_wait3A_554, %dma_wait3A_555] : memref<1000x1x768xf32, #tpu.memory_space<hbm>> -> memref<1x1x768xf32, #tpu.memory_space<hbm>>
      %dma_wait3A_557 = tpu.memref_squeeze %dma_wait3A_556 : memref<1x1x768xf32, #tpu.memory_space<hbm>> -> memref<1x768xf32, #tpu.memory_space<hbm>>
      %dma_wait3A_558 = arith.constant 0 : i32
      %dma_wait3A_559 = arith.constant 0 : i32
      %dma_wait3A_560 = tpu.memref_slice %arg3[%dma_wait3A_553, %dma_wait3A_558, %dma_wait3A_559] : memref<1000x1x768xf32, #tpu.memory_space<hbm>> -> memref<1x1x768xf32, #tpu.memory_space<hbm>>
      %dma_wait3A_561 = tpu.memref_squeeze %dma_wait3A_560 : memref<1x1x768xf32, #tpu.memory_space<hbm>> -> memref<1x768xf32, #tpu.memory_space<hbm>>
      tpu.wait_dma2 semaphore(%arg11 : memref<!tpu.dma_semaphore, #tpu.memory_space<semaphore_mem>>) src(%dma_wait3A_561 : memref<1x768xf32, #tpu.memory_space<hbm>>) dst(%arg8 : memref<1x768xf32, #tpu.memory_space<vmem>>)
      %dma_wait3A_562 = arith.constant 0 : i32
      %dma_wait3A_563 = arith.constant 0 : i32
      %dma_wait3A_564 = arith.constant 0 : i32
      %dma_wait3A_565 = arith.constant 0 : i32
      %dma_wait3A_566 = tpu.memref_slice %arg7[%dma_wait3A_563, %dma_wait3A_564, %dma_wait3A_565] : memref<6x60x128xf32, #tpu.memory_space<vmem>> -> memref<1x60x128xf32, #tpu.memory_space<vmem>>
      %dma_wait3A_567 = tpu.memref_squeeze %dma_wait3A_566 : memref<1x60x128xf32, #tpu.memory_space<vmem>> -> memref<60x128xf32, #tpu.memory_space<vmem>>
      %dma_wait3A_568 = arith.constant 0 : i32
      %dma_wait3A_569 = arith.constant 0 : i32
      %dma_wait3A_570 = tpu.memref_slice %arg4[%dma_wait3A_562, %dma_wait3A_568, %dma_wait3A_569] : memref<1000x60x768xf32, #tpu.memory_space<hbm>> -> memref<1x60x128xf32, #tpu.memory_space<hbm>>
      %dma_wait3A_571 = tpu.memref_squeeze %dma_wait3A_570 : memref<1x60x128xf32, #tpu.memory_space<hbm>> -> memref<60x128xf32, #tpu.memory_space<hbm>>
      %dma_wait3A_572 = arith.constant 0 : i32
      %dma_wait3A_573 = arith.constant 0 : i32
      %dma_wait3A_574 = tpu.memref_slice %arg7[%dma_wait3A_563, %dma_wait3A_572, %dma_wait3A_573] : memref<6x60x128xf32, #tpu.memory_space<vmem>> -> memref<1x60x128xf32, #tpu.memory_space<vmem>>
      %dma_wait3A_575 = tpu.memref_squeeze %dma_wait3A_574 : memref<1x60x128xf32, #tpu.memory_space<vmem>> -> memref<60x128xf32, #tpu.memory_space<vmem>>
      %dma_wait3A_576 = arith.constant 0 : i32
      %dma_wait3A_577 = arith.constant 0 : i32
      %dma_wait3A_578 = tpu.memref_slice %arg4[%dma_wait3A_562, %dma_wait3A_576, %dma_wait3A_577] : memref<1000x60x768xf32, #tpu.memory_space<hbm>> -> memref<1x60x128xf32, #tpu.memory_space<hbm>>
      %dma_wait3A_579 = tpu.memref_squeeze %dma_wait3A_578 : memref<1x60x128xf32, #tpu.memory_space<hbm>> -> memref<60x128xf32, #tpu.memory_space<hbm>>
      tpu.wait_dma2 semaphore(%arg9 : memref<!tpu.dma_semaphore, #tpu.memory_space<semaphore_mem>>) src(%dma_wait3A_579 : memref<60x128xf32, #tpu.memory_space<hbm>>) dst(%dma_wait3A_575 : memref<60x128xf32, #tpu.memory_space<vmem>>)
      %gt3A = arith.constant 0 : i32
      %gt3A_580 = arith.cmpi sgt, %scan3A_552, %gt3A : i32
      %convert_element_type3A = arith.extui %gt3A_580 : i1 to i32
      %cond3A = arith.constant 0 : i32
      %cond3A_581 = arith.cmpi ne, %convert_element_type3A, %cond3A : i32
      scf.if %cond3A_581 {
        %dma_wait3A_1614 = arith.constant 0 : i32
        %dma_wait3A_1615 = arith.constant 0 : i32
        %dma_wait3A_1616 = arith.constant 0 : i32
        %dma_wait3A_1617 = arith.constant 0 : i32
        %dma_wait3A_1618 = tpu.memref_slice %arg6[%dma_wait3A_1614, %dma_wait3A_1616, %dma_wait3A_1617] : memref<6x77x128xf32, #tpu.memory_space<vmem>> -> memref<1x77x128xf32, #tpu.memory_space<vmem>>
        %dma_wait3A_1619 = tpu.memref_squeeze %dma_wait3A_1618 : memref<1x77x128xf32, #tpu.memory_space<vmem>> -> memref<77x128xf32, #tpu.memory_space<vmem>>
        %dma_wait3A_1620 = arith.constant 0 : i32
        %dma_wait3A_1621 = arith.constant 0 : i32
        %dma_wait3A_1622 = tpu.memref_slice %arg5[%dma_wait3A_1615, %dma_wait3A_1620, %dma_wait3A_1621] : memref<1000x77x768xf32, #tpu.memory_space<hbm>> -> memref<1x77x128xf32, #tpu.memory_space<hbm>>
        %dma_wait3A_1623 = tpu.memref_squeeze %dma_wait3A_1622 : memref<1x77x128xf32, #tpu.memory_space<hbm>> -> memref<77x128xf32, #tpu.memory_space<hbm>>
        %dma_wait3A_1624 = arith.constant 0 : i32
        %dma_wait3A_1625 = arith.constant 0 : i32
        %dma_wait3A_1626 = tpu.memref_slice %arg5[%dma_wait3A_1615, %dma_wait3A_1624, %dma_wait3A_1625] : memref<1000x77x768xf32, #tpu.memory_space<hbm>> -> memref<1x77x128xf32, #tpu.memory_space<hbm>>
        %dma_wait3A_1627 = tpu.memref_squeeze %dma_wait3A_1626 : memref<1x77x128xf32, #tpu.memory_space<hbm>> -> memref<77x128xf32, #tpu.memory_space<hbm>>
        %dma_wait3A_1628 = arith.constant 0 : i32
        %dma_wait3A_1629 = arith.constant 0 : i32
        %dma_wait3A_1630 = tpu.memref_slice %arg6[%dma_wait3A_1614, %dma_wait3A_1628, %dma_wait3A_1629] : memref<6x77x128xf32, #tpu.memory_space<vmem>> -> memref<1x77x128xf32, #tpu.memory_space<vmem>>
        %dma_wait3A_1631 = tpu.memref_squeeze %dma_wait3A_1630 : memref<1x77x128xf32, #tpu.memory_space<vmem>> -> memref<77x128xf32, #tpu.memory_space<vmem>>
        tpu.wait_dma2 semaphore(%arg10 : memref<!tpu.dma_semaphore, #tpu.memory_space<semaphore_mem>>) src(%dma_wait3A_1631 : memref<77x128xf32, #tpu.memory_space<vmem>>) dst(%dma_wait3A_1627 : memref<77x128xf32, #tpu.memory_space<hbm>>)
      } else {
      }
      %get3A = arith.constant 0 : i32
      %get3A_582 = arith.index_cast %get3A : i32 to index
      %get3A_583 = arith.constant 0 : index
      %get3A_584 = tpu.vector_load %arg8[%get3A_582, %get3A_583] {strides = array<i32>} : memref<1x768xf32, #tpu.memory_space<vmem>>, vector<1x16xf32>,
      %get3A_585 = vector.shape_cast %get3A_584 : vector<1x16xf32> to vector<16xf32>
      %swap3A = arith.constant 0 : i32
      %swap3A_586 = arith.constant 0 : i32
      %swap3A_587 = arith.index_cast %swap3A : i32 to index
      %swap3A_588 = arith.index_cast %swap3A_586 : i32 to index
      %swap3A_589 = arith.constant 0 : index
      %swap3A_590 = tpu.vector_load %arg6[%swap3A_587, %swap3A_588, %swap3A_589] {strides = array<i32>} : memref<6x77x128xf32, #tpu.memory_space<vmem>>, vector<1x1x16xf32>,
      %swap3A_591 = vector.shape_cast %swap3A_590 : vector<1x1x16xf32> to vector<16xf32>
      %swap3A_592 = vector.shape_cast %get3A_585 : vector<16xf32> to vector<1x1x16xf32>
      tpu.vector_store %arg6[%swap3A_587, %swap3A_588, %swap3A_589], %swap3A_592 {strides = array<i32>} : memref<6x77x128xf32, #tpu.memory_space<vmem>>, vector<1x1x16xf32>,
      %get3A_593 = arith.constant 0 : i32
      %get3A_594 = arith.index_cast %get3A_593 : i32 to index
      %get3A_595 = arith.constant 16 : index
      %get3A_596 = tpu.vector_load %arg8[%get3A_594, %get3A_595] {strides = array<i32>} : memref<1x768xf32, #tpu.memory_space<vmem>>, vector<1x16xf32>,
      %get3A_597 = vector.shape_cast %get3A_596 : vector<1x16xf32> to vector<16xf32>
      %swap3A_598 = arith.constant 0 : i32
      %swap3A_599 = arith.constant 0 : i32
      %swap3A_600 = arith.index_cast %swap3A_598 : i32 to index
      %swap3A_601 = arith.index_cast %swap3A_599 : i32 to index
      %swap3A_602 = arith.constant 16 : index
      %swap3A_603 = tpu.vector_load %arg6[%swap3A_600, %swap3A_601, %swap3A_602] {strides = array<i32>} : memref<6x77x128xf32, #tpu.memory_space<vmem>>, vector<1x1x16xf32>,
      %swap3A_604 = vector.shape_cast %swap3A_603 : vector<1x1x16xf32> to vector<16xf32>
      %swap3A_605 = vector.shape_cast %get3A_597 : vector<16xf32> to vector<1x1x16xf32>
      tpu.vector_store %arg6[%swap3A_600, %swap3A_601, %swap3A_602], %swap3A_605 {strides = array<i32>} : memref<6x77x128xf32, #tpu.memory_space<vmem>>, vector<1x1x16xf32>,
      %get3A_606 = arith.constant 0 : i32
      %get3A_607 = arith.index_cast %get3A_606 : i32 to index
      %get3A_608 = arith.constant 32 : index
      %get3A_609 = tpu.vector_load %arg8[%get3A_607, %get3A_608] {strides = array<i32>} : memref<1x768xf32, #tpu.memory_space<vmem>>, vector<1x16xf32>,
      %get3A_610 = vector.shape_cast %get3A_609 : vector<1x16xf32> to vector<16xf32>
      %swap3A_611 = arith.constant 0 : i32
      %swap3A_612 = arith.constant 0 : i32
      %swap3A_613 = arith.index_cast %swap3A_611 : i32 to index
      %swap3A_614 = arith.index_cast %swap3A_612 : i32 to index
      %swap3A_615 = arith.constant 32 : index
      %swap3A_616 = tpu.vector_load %arg6[%swap3A_613, %swap3A_614, %swap3A_615] {strides = array<i32>} : memref<6x77x128xf32, #tpu.memory_space<vmem>>, vector<1x1x16xf32>,
      %swap3A_617 = vector.shape_cast %swap3A_616 : vector<1x1x16xf32> to vector<16xf32>
      %swap3A_618 = vector.shape_cast %get3A_610 : vector<16xf32> to vector<1x1x16xf32>
      tpu.vector_store %arg6[%swap3A_613, %swap3A_614, %swap3A_615], %swap3A_618 {strides = array<i32>} : memref<6x77x128xf32, #tpu.memory_space<vmem>>, vector<1x1x16xf32>,
      %get3A_619 = arith.constant 0 : i32
      %get3A_620 = arith.index_cast %get3A_619 : i32 to index
      %get3A_621 = arith.constant 48 : index
      %get3A_622 = tpu.vector_load %arg8[%get3A_620, %get3A_621] {strides = array<i32>} : memref<1x768xf32, #tpu.memory_space<vmem>>, vector<1x16xf32>,
      %get3A_623 = vector.shape_cast %get3A_622 : vector<1x16xf32> to vector<16xf32>
      %swap3A_624 = arith.constant 0 : i32
      %swap3A_625 = arith.constant 0 : i32
      %swap3A_626 = arith.index_cast %swap3A_624 : i32 to index
      %swap3A_627 = arith.index_cast %swap3A_625 : i32 to index
      %swap3A_628 = arith.constant 48 : index
      %swap3A_629 = tpu.vector_load %arg6[%swap3A_626, %swap3A_627, %swap3A_628] {strides = array<i32>} : memref<6x77x128xf32, #tpu.memory_space<vmem>>, vector<1x1x16xf32>,
      %swap3A_630 = vector.shape_cast %swap3A_629 : vector<1x1x16xf32> to vector<16xf32>
      %swap3A_631 = vector.shape_cast %get3A_623 : vector<16xf32> to vector<1x1x16xf32>
      tpu.vector_store %arg6[%swap3A_626, %swap3A_627, %swap3A_628], %swap3A_631 {strides = array<i32>} : memref<6x77x128xf32, #tpu.memory_space<vmem>>, vector<1x1x16xf32>,
      %get3A_632 = arith.constant 0 : i32
      %get3A_633 = arith.index_cast %get3A_632 : i32 to index
      %get3A_634 = arith.constant 64 : index
      %get3A_635 = tpu.vector_load %arg8[%get3A_633, %get3A_634] {strides = array<i32>} : memref<1x768xf32, #tpu.memory_space<vmem>>, vector<1x16xf32>,
      %get3A_636 = vector.shape_cast %get3A_635 : vector<1x16xf32> to vector<16xf32>
      %swap3A_637 = arith.constant 0 : i32
      %swap3A_638 = arith.constant 0 : i32
      %swap3A_639 = arith.index_cast %swap3A_637 : i32 to index
      %swap3A_640 = arith.index_cast %swap3A_638 : i32 to index
      %swap3A_641 = arith.constant 64 : index
      %swap3A_642 = tpu.vector_load %arg6[%swap3A_639, %swap3A_640, %swap3A_641] {strides = array<i32>} : memref<6x77x128xf32, #tpu.memory_space<vmem>>, vector<1x1x16xf32>,
      %swap3A_643 = vector.shape_cast %swap3A_642 : vector<1x1x16xf32> to vector<16xf32>
      %swap3A_644 = vector.shape_cast %get3A_636 : vector<16xf32> to vector<1x1x16xf32>
      tpu.vector_store %arg6[%swap3A_639, %swap3A_640, %swap3A_641], %swap3A_644 {strides = array<i32>} : memref<6x77x128xf32, #tpu.memory_space<vmem>>, vector<1x1x16xf32>,
      %get3A_645 = arith.constant 0 : i32
      %get3A_646 = arith.index_cast %get3A_645 : i32 to index
      %get3A_647 = arith.constant 80 : index
      %get3A_648 = tpu.vector_load %arg8[%get3A_646, %get3A_647] {strides = array<i32>} : memref<1x768xf32, #tpu.memory_space<vmem>>, vector<1x16xf32>,
      %get3A_649 = vector.shape_cast %get3A_648 : vector<1x16xf32> to vector<16xf32>
      %swap3A_650 = arith.constant 0 : i32
      %swap3A_651 = arith.constant 0 : i32
      %swap3A_652 = arith.index_cast %swap3A_650 : i32 to index
      %swap3A_653 = arith.index_cast %swap3A_651 : i32 to index
      %swap3A_654 = arith.constant 80 : index
      %swap3A_655 = tpu.vector_load %arg6[%swap3A_652, %swap3A_653, %swap3A_654] {strides = array<i32>} : memref<6x77x128xf32, #tpu.memory_space<vmem>>, vector<1x1x16xf32>,
      %swap3A_656 = vector.shape_cast %swap3A_655 : vector<1x1x16xf32> to vector<16xf32>
      %swap3A_657 = vector.shape_cast %get3A_649 : vector<16xf32> to vector<1x1x16xf32>
      tpu.vector_store %arg6[%swap3A_652, %swap3A_653, %swap3A_654], %swap3A_657 {strides = array<i32>} : memref<6x77x128xf32, #tpu.memory_space<vmem>>, vector<1x1x16xf32>,
      %get3A_658 = arith.constant 0 : i32
      %get3A_659 = arith.index_cast %get3A_658 : i32 to index
      %get3A_660 = arith.constant 96 : index
      %get3A_661 = tpu.vector_load %arg8[%get3A_659, %get3A_660] {strides = array<i32>} : memref<1x768xf32, #tpu.memory_space<vmem>>, vector<1x16xf32>,
      %get3A_662 = vector.shape_cast %get3A_661 : vector<1x16xf32> to vector<16xf32>
      %swap3A_663 = arith.constant 0 : i32
      %swap3A_664 = arith.constant 0 : i32
      %swap3A_665 = arith.index_cast %swap3A_663 : i32 to index
      %swap3A_666 = arith.index_cast %swap3A_664 : i32 to index
      %swap3A_667 = arith.constant 96 : index
      %swap3A_668 = tpu.vector_load %arg6[%swap3A_665, %swap3A_666, %swap3A_667] {strides = array<i32>} : memref<6x77x128xf32, #tpu.memory_space<vmem>>, vector<1x1x16xf32>,
      %swap3A_669 = vector.shape_cast %swap3A_668 : vector<1x1x16xf32> to vector<16xf32>
      %swap3A_670 = vector.shape_cast %get3A_662 : vector<16xf32> to vector<1x1x16xf32>
      tpu.vector_store %arg6[%swap3A_665, %swap3A_666, %swap3A_667], %swap3A_670 {strides = array<i32>} : memref<6x77x128xf32, #tpu.memory_space<vmem>>, vector<1x1x16xf32>,
      %get3A_671 = arith.constant 0 : i32
      %get3A_672 = arith.index_cast %get3A_671 : i32 to index
      %get3A_673 = arith.constant 112 : index
      %get3A_674 = tpu.vector_load %arg8[%get3A_672, %get3A_673] {strides = array<i32>} : memref<1x768xf32, #tpu.memory_space<vmem>>, vector<1x16xf32>,
      %get3A_675 = vector.shape_cast %get3A_674 : vector<1x16xf32> to vector<16xf32>
      %swap3A_676 = arith.constant 0 : i32
      %swap3A_677 = arith.constant 0 : i32
      %swap3A_678 = arith.index_cast %swap3A_676 : i32 to index
      %swap3A_679 = arith.index_cast %swap3A_677 : i32 to index
      %swap3A_680 = arith.constant 112 : index
      %swap3A_681 = tpu.vector_load %arg6[%swap3A_678, %swap3A_679, %swap3A_680] {strides = array<i32>} : memref<6x77x128xf32, #tpu.memory_space<vmem>>, vector<1x1x16xf32>,
      %swap3A_682 = vector.shape_cast %swap3A_681 : vector<1x1x16xf32> to vector<16xf32>
      %swap3A_683 = vector.shape_cast %get3A_675 : vector<16xf32> to vector<1x1x16xf32>
      tpu.vector_store %arg6[%swap3A_678, %swap3A_679, %swap3A_680], %swap3A_683 {strides = array<i32>} : memref<6x77x128xf32, #tpu.memory_space<vmem>>, vector<1x1x16xf32>,
      %scan3A_684 = arith.constant 0 : i32
      %scan3A_685 = arith.constant 60 : i32
      %scan3A_686 = arith.addi %scan3A_684, %scan3A_685 : i32
      %scan3A_687 = arith.constant 1 : i32
      scf.for %scan3A_1614 = %scan3A_684 to %scan3A_686 step %scan3A_687  : i32 {
        %add3A_1615 = arith.constant 0 : i32
        %add3A_1616 = arith.addi %add3A_1615, %scan3A_1614 : i32
        %get3A_1617 = arith.constant 0 : i32
        %get3A_1618 = arith.constant 0 : i32
        %get3A_1619 = arith.constant 0 : i32
        %get3A_1620 = tpu.memref_slice %arg7[%get3A_1617, %get3A_1618, %get3A_1619] : memref<6x60x128xf32, #tpu.memory_space<vmem>> -> memref<1x60x128xf32, #tpu.memory_space<vmem>>
        %get3A_1621 = tpu.memref_squeeze %get3A_1620 : memref<1x60x128xf32, #tpu.memory_space<vmem>> -> memref<60x128xf32, #tpu.memory_space<vmem>>
        %get3A_1622 = arith.index_cast %add3A_1616 : i32 to index
        %get3A_1623 = arith.constant 0 : index
        %get3A_1624 = tpu.vector_load %get3A_1621[%get3A_1622, %get3A_1623] {strides = array<i32>} : memref<60x128xf32, #tpu.memory_space<vmem>>, vector<1x16xf32>,
        %get3A_1625 = vector.shape_cast %get3A_1624 : vector<1x16xf32> to vector<16xf32>
        %add3A_1626 = arith.constant 17 : i32
        %add3A_1627 = arith.addi %add3A_1626, %scan3A_1614 : i32
        %swap3A_1628 = arith.constant 0 : i32
        %swap3A_1629 = arith.constant 0 : i32
        %swap3A_1630 = arith.constant 0 : i32
        %swap3A_1631 = tpu.memref_slice %arg6[%swap3A_1628, %swap3A_1629, %swap3A_1630] : memref<6x77x128xf32, #tpu.memory_space<vmem>> -> memref<1x77x128xf32, #tpu.memory_space<vmem>>
        %swap3A_1632 = tpu.memref_squeeze %swap3A_1631 : memref<1x77x128xf32, #tpu.memory_space<vmem>> -> memref<77x128xf32, #tpu.memory_space<vmem>>
        %swap3A_1633 = arith.index_cast %add3A_1627 : i32 to index
        %swap3A_1634 = arith.constant 0 : index
        %swap3A_1635 = tpu.vector_load %swap3A_1632[%swap3A_1633, %swap3A_1634] {strides = array<i32>} : memref<77x128xf32, #tpu.memory_space<vmem>>, vector<1x16xf32>,
        %swap3A_1636 = vector.shape_cast %swap3A_1635 : vector<1x16xf32> to vector<16xf32>
        %swap3A_1637 = vector.shape_cast %get3A_1625 : vector<16xf32> to vector<1x16xf32>
        tpu.vector_store %swap3A_1632[%swap3A_1633, %swap3A_1634], %swap3A_1637 {strides = array<i32>} : memref<77x128xf32, #tpu.memory_space<vmem>>, vector<1x16xf32>,
        %add3A_1638 = arith.constant 0 : i32
        %add3A_1639 = arith.addi %add3A_1638, %scan3A_1614 : i32
        %get3A_1640 = arith.constant 0 : i32
        %get3A_1641 = arith.constant 0 : i32
        %get3A_1642 = arith.constant 0 : i32
        %get3A_1643 = tpu.memref_slice %arg7[%get3A_1640, %get3A_1641, %get3A_1642] : memref<6x60x128xf32, #tpu.memory_space<vmem>> -> memref<1x60x128xf32, #tpu.memory_space<vmem>>
        %get3A_1644 = tpu.memref_squeeze %get3A_1643 : memref<1x60x128xf32, #tpu.memory_space<vmem>> -> memref<60x128xf32, #tpu.memory_space<vmem>>
        %get3A_1645 = arith.index_cast %add3A_1639 : i32 to index
        %get3A_1646 = arith.constant 16 : index
        %get3A_1647 = tpu.vector_load %get3A_1644[%get3A_1645, %get3A_1646] {strides = array<i32>} : memref<60x128xf32, #tpu.memory_space<vmem>>, vector<1x16xf32>,
        %get3A_1648 = vector.shape_cast %get3A_1647 : vector<1x16xf32> to vector<16xf32>
        %add3A_1649 = arith.constant 17 : i32
        %add3A_1650 = arith.addi %add3A_1649, %scan3A_1614 : i32
        %swap3A_1651 = arith.constant 0 : i32
        %swap3A_1652 = arith.constant 0 : i32
        %swap3A_1653 = arith.constant 0 : i32
        %swap3A_1654 = tpu.memref_slice %arg6[%swap3A_1651, %swap3A_1652, %swap3A_1653] : memref<6x77x128xf32, #tpu.memory_space<vmem>> -> memref<1x77x128xf32, #tpu.memory_space<vmem>>
        %swap3A_1655 = tpu.memref_squeeze %swap3A_1654 : memref<1x77x128xf32, #tpu.memory_space<vmem>> -> memref<77x128xf32, #tpu.memory_space<vmem>>
        %swap3A_1656 = arith.index_cast %add3A_1650 : i32 to index
        %swap3A_1657 = arith.constant 16 : index
        %swap3A_1658 = tpu.vector_load %swap3A_1655[%swap3A_1656, %swap3A_1657] {strides = array<i32>} : memref<77x128xf32, #tpu.memory_space<vmem>>, vector<1x16xf32>,
        %swap3A_1659 = vector.shape_cast %swap3A_1658 : vector<1x16xf32> to vector<16xf32>
        %swap3A_1660 = vector.shape_cast %get3A_1648 : vector<16xf32> to vector<1x16xf32>
        tpu.vector_store %swap3A_1655[%swap3A_1656, %swap3A_1657], %swap3A_1660 {strides = array<i32>} : memref<77x128xf32, #tpu.memory_space<vmem>>, vector<1x16xf32>,
        %add3A_1661 = arith.constant 0 : i32
        %add3A_1662 = arith.addi %add3A_1661, %scan3A_1614 : i32
        %get3A_1663 = arith.constant 0 : i32
        %get3A_1664 = arith.constant 0 : i32
        %get3A_1665 = arith.constant 0 : i32
        %get3A_1666 = tpu.memref_slice %arg7[%get3A_1663, %get3A_1664, %get3A_1665] : memref<6x60x128xf32, #tpu.memory_space<vmem>> -> memref<1x60x128xf32, #tpu.memory_space<vmem>>
        %get3A_1667 = tpu.memref_squeeze %get3A_1666 : memref<1x60x128xf32, #tpu.memory_space<vmem>> -> memref<60x128xf32, #tpu.memory_space<vmem>>
        %get3A_1668 = arith.index_cast %add3A_1662 : i32 to index
        %get3A_1669 = arith.constant 32 : index
        %get3A_1670 = tpu.vector_load %get3A_1667[%get3A_1668, %get3A_1669] {strides = array<i32>} : memref<60x128xf32, #tpu.memory_space<vmem>>, vector<1x16xf32>,
        %get3A_1671 = vector.shape_cast %get3A_1670 : vector<1x16xf32> to vector<16xf32>
        %add3A_1672 = arith.constant 17 : i32
        %add3A_1673 = arith.addi %add3A_1672, %scan3A_1614 : i32
        %swap3A_1674 = arith.constant 0 : i32
        %swap3A_1675 = arith.constant 0 : i32
        %swap3A_1676 = arith.constant 0 : i32
        %swap3A_1677 = tpu.memref_slice %arg6[%swap3A_1674, %swap3A_1675, %swap3A_1676] : memref<6x77x128xf32, #tpu.memory_space<vmem>> -> memref<1x77x128xf32, #tpu.memory_space<vmem>>
        %swap3A_1678 = tpu.memref_squeeze %swap3A_1677 : memref<1x77x128xf32, #tpu.memory_space<vmem>> -> memref<77x128xf32, #tpu.memory_space<vmem>>
        %swap3A_1679 = arith.index_cast %add3A_1673 : i32 to index
        %swap3A_1680 = arith.constant 32 : index
        %swap3A_1681 = tpu.vector_load %swap3A_1678[%swap3A_1679, %swap3A_1680] {strides = array<i32>} : memref<77x128xf32, #tpu.memory_space<vmem>>, vector<1x16xf32>,
        %swap3A_1682 = vector.shape_cast %swap3A_1681 : vector<1x16xf32> to vector<16xf32>
        %swap3A_1683 = vector.shape_cast %get3A_1671 : vector<16xf32> to vector<1x16xf32>
        tpu.vector_store %swap3A_1678[%swap3A_1679, %swap3A_1680], %swap3A_1683 {strides = array<i32>} : memref<77x128xf32, #tpu.memory_space<vmem>>, vector<1x16xf32>,
        %add3A_1684 = arith.constant 0 : i32
        %add3A_1685 = arith.addi %add3A_1684, %scan3A_1614 : i32
        %get3A_1686 = arith.constant 0 : i32
        %get3A_1687 = arith.constant 0 : i32
        %get3A_1688 = arith.constant 0 : i32
        %get3A_1689 = tpu.memref_slice %arg7[%get3A_1686, %get3A_1687, %get3A_1688] : memref<6x60x128xf32, #tpu.memory_space<vmem>> -> memref<1x60x128xf32, #tpu.memory_space<vmem>>
        %get3A_1690 = tpu.memref_squeeze %get3A_1689 : memref<1x60x128xf32, #tpu.memory_space<vmem>> -> memref<60x128xf32, #tpu.memory_space<vmem>>
        %get3A_1691 = arith.index_cast %add3A_1685 : i32 to index
        %get3A_1692 = arith.constant 48 : index
        %get3A_1693 = tpu.vector_load %get3A_1690[%get3A_1691, %get3A_1692] {strides = array<i32>} : memref<60x128xf32, #tpu.memory_space<vmem>>, vector<1x16xf32>,
        %get3A_1694 = vector.shape_cast %get3A_1693 : vector<1x16xf32> to vector<16xf32>
        %add3A_1695 = arith.constant 17 : i32
        %add3A_1696 = arith.addi %add3A_1695, %scan3A_1614 : i32
        %swap3A_1697 = arith.constant 0 : i32
        %swap3A_1698 = arith.constant 0 : i32
        %swap3A_1699 = arith.constant 0 : i32
        %swap3A_1700 = tpu.memref_slice %arg6[%swap3A_1697, %swap3A_1698, %swap3A_1699] : memref<6x77x128xf32, #tpu.memory_space<vmem>> -> memref<1x77x128xf32, #tpu.memory_space<vmem>>
        %swap3A_1701 = tpu.memref_squeeze %swap3A_1700 : memref<1x77x128xf32, #tpu.memory_space<vmem>> -> memref<77x128xf32, #tpu.memory_space<vmem>>
        %swap3A_1702 = arith.index_cast %add3A_1696 : i32 to index
        %swap3A_1703 = arith.constant 48 : index
        %swap3A_1704 = tpu.vector_load %swap3A_1701[%swap3A_1702, %swap3A_1703] {strides = array<i32>} : memref<77x128xf32, #tpu.memory_space<vmem>>, vector<1x16xf32>,
        %swap3A_1705 = vector.shape_cast %swap3A_1704 : vector<1x16xf32> to vector<16xf32>
        %swap3A_1706 = vector.shape_cast %get3A_1694 : vector<16xf32> to vector<1x16xf32>
        tpu.vector_store %swap3A_1701[%swap3A_1702, %swap3A_1703], %swap3A_1706 {strides = array<i32>} : memref<77x128xf32, #tpu.memory_space<vmem>>, vector<1x16xf32>,
        %add3A_1707 = arith.constant 0 : i32
        %add3A_1708 = arith.addi %add3A_1707, %scan3A_1614 : i32
        %get3A_1709 = arith.constant 0 : i32
        %get3A_1710 = arith.constant 0 : i32
        %get3A_1711 = arith.constant 0 : i32
        %get3A_1712 = tpu.memref_slice %arg7[%get3A_1709, %get3A_1710, %get3A_1711] : memref<6x60x128xf32, #tpu.memory_space<vmem>> -> memref<1x60x128xf32, #tpu.memory_space<vmem>>
        %get3A_1713 = tpu.memref_squeeze %get3A_1712 : memref<1x60x128xf32, #tpu.memory_space<vmem>> -> memref<60x128xf32, #tpu.memory_space<vmem>>
        %get3A_1714 = arith.index_cast %add3A_1708 : i32 to index
        %get3A_1715 = arith.constant 64 : index
        %get3A_1716 = tpu.vector_load %get3A_1713[%get3A_1714, %get3A_1715] {strides = array<i32>} : memref<60x128xf32, #tpu.memory_space<vmem>>, vector<1x16xf32>,
        %get3A_1717 = vector.shape_cast %get3A_1716 : vector<1x16xf32> to vector<16xf32>
        %add3A_1718 = arith.constant 17 : i32
        %add3A_1719 = arith.addi %add3A_1718, %scan3A_1614 : i32
        %swap3A_1720 = arith.constant 0 : i32
        %swap3A_1721 = arith.constant 0 : i32
        %swap3A_1722 = arith.constant 0 : i32
        %swap3A_1723 = tpu.memref_slice %arg6[%swap3A_1720, %swap3A_1721, %swap3A_1722] : memref<6x77x128xf32, #tpu.memory_space<vmem>> -> memref<1x77x128xf32, #tpu.memory_space<vmem>>
        %swap3A_1724 = tpu.memref_squeeze %swap3A_1723 : memref<1x77x128xf32, #tpu.memory_space<vmem>> -> memref<77x128xf32, #tpu.memory_space<vmem>>
        %swap3A_1725 = arith.index_cast %add3A_1719 : i32 to index
        %swap3A_1726 = arith.constant 64 : index
        %swap3A_1727 = tpu.vector_load %swap3A_1724[%swap3A_1725, %swap3A_1726] {strides = array<i32>} : memref<77x128xf32, #tpu.memory_space<vmem>>, vector<1x16xf32>,
        %swap3A_1728 = vector.shape_cast %swap3A_1727 : vector<1x16xf32> to vector<16xf32>
        %swap3A_1729 = vector.shape_cast %get3A_1717 : vector<16xf32> to vector<1x16xf32>
        tpu.vector_store %swap3A_1724[%swap3A_1725, %swap3A_1726], %swap3A_1729 {strides = array<i32>} : memref<77x128xf32, #tpu.memory_space<vmem>>, vector<1x16xf32>,
        %add3A_1730 = arith.constant 0 : i32
        %add3A_1731 = arith.addi %add3A_1730, %scan3A_1614 : i32
        %get3A_1732 = arith.constant 0 : i32
        %get3A_1733 = arith.constant 0 : i32
        %get3A_1734 = arith.constant 0 : i32
        %get3A_1735 = tpu.memref_slice %arg7[%get3A_1732, %get3A_1733, %get3A_1734] : memref<6x60x128xf32, #tpu.memory_space<vmem>> -> memref<1x60x128xf32, #tpu.memory_space<vmem>>
        %get3A_1736 = tpu.memref_squeeze %get3A_1735 : memref<1x60x128xf32, #tpu.memory_space<vmem>> -> memref<60x128xf32, #tpu.memory_space<vmem>>
        %get3A_1737 = arith.index_cast %add3A_1731 : i32 to index
        %get3A_1738 = arith.constant 80 : index
        %get3A_1739 = tpu.vector_load %get3A_1736[%get3A_1737, %get3A_1738] {strides = array<i32>} : memref<60x128xf32, #tpu.memory_space<vmem>>, vector<1x16xf32>,
        %get3A_1740 = vector.shape_cast %get3A_1739 : vector<1x16xf32> to vector<16xf32>
        %add3A_1741 = arith.constant 17 : i32
        %add3A_1742 = arith.addi %add3A_1741, %scan3A_1614 : i32
        %swap3A_1743 = arith.constant 0 : i32
        %swap3A_1744 = arith.constant 0 : i32
        %swap3A_1745 = arith.constant 0 : i32
        %swap3A_1746 = tpu.memref_slice %arg6[%swap3A_1743, %swap3A_1744, %swap3A_1745] : memref<6x77x128xf32, #tpu.memory_space<vmem>> -> memref<1x77x128xf32, #tpu.memory_space<vmem>>
        %swap3A_1747 = tpu.memref_squeeze %swap3A_1746 : memref<1x77x128xf32, #tpu.memory_space<vmem>> -> memref<77x128xf32, #tpu.memory_space<vmem>>
        %swap3A_1748 = arith.index_cast %add3A_1742 : i32 to index
        %swap3A_1749 = arith.constant 80 : index
        %swap3A_1750 = tpu.vector_load %swap3A_1747[%swap3A_1748, %swap3A_1749] {strides = array<i32>} : memref<77x128xf32, #tpu.memory_space<vmem>>, vector<1x16xf32>,
        %swap3A_1751 = vector.shape_cast %swap3A_1750 : vector<1x16xf32> to vector<16xf32>
        %swap3A_1752 = vector.shape_cast %get3A_1740 : vector<16xf32> to vector<1x16xf32>
        tpu.vector_store %swap3A_1747[%swap3A_1748, %swap3A_1749], %swap3A_1752 {strides = array<i32>} : memref<77x128xf32, #tpu.memory_space<vmem>>, vector<1x16xf32>,
        %add3A_1753 = arith.constant 0 : i32
        %add3A_1754 = arith.addi %add3A_1753, %scan3A_1614 : i32
        %get3A_1755 = arith.constant 0 : i32
        %get3A_1756 = arith.constant 0 : i32
        %get3A_1757 = arith.constant 0 : i32
        %get3A_1758 = tpu.memref_slice %arg7[%get3A_1755, %get3A_1756, %get3A_1757] : memref<6x60x128xf32, #tpu.memory_space<vmem>> -> memref<1x60x128xf32, #tpu.memory_space<vmem>>
        %get3A_1759 = tpu.memref_squeeze %get3A_1758 : memref<1x60x128xf32, #tpu.memory_space<vmem>> -> memref<60x128xf32, #tpu.memory_space<vmem>>
        %get3A_1760 = arith.index_cast %add3A_1754 : i32 to index
        %get3A_1761 = arith.constant 96 : index
        %get3A_1762 = tpu.vector_load %get3A_1759[%get3A_1760, %get3A_1761] {strides = array<i32>} : memref<60x128xf32, #tpu.memory_space<vmem>>, vector<1x16xf32>,
        %get3A_1763 = vector.shape_cast %get3A_1762 : vector<1x16xf32> to vector<16xf32>
        %add3A_1764 = arith.constant 17 : i32
        %add3A_1765 = arith.addi %add3A_1764, %scan3A_1614 : i32
        %swap3A_1766 = arith.constant 0 : i32
        %swap3A_1767 = arith.constant 0 : i32
        %swap3A_1768 = arith.constant 0 : i32
        %swap3A_1769 = tpu.memref_slice %arg6[%swap3A_1766, %swap3A_1767, %swap3A_1768] : memref<6x77x128xf32, #tpu.memory_space<vmem>> -> memref<1x77x128xf32, #tpu.memory_space<vmem>>
        %swap3A_1770 = tpu.memref_squeeze %swap3A_1769 : memref<1x77x128xf32, #tpu.memory_space<vmem>> -> memref<77x128xf32, #tpu.memory_space<vmem>>
        %swap3A_1771 = arith.index_cast %add3A_1765 : i32 to index
        %swap3A_1772 = arith.constant 96 : index
        %swap3A_1773 = tpu.vector_load %swap3A_1770[%swap3A_1771, %swap3A_1772] {strides = array<i32>} : memref<77x128xf32, #tpu.memory_space<vmem>>, vector<1x16xf32>,
        %swap3A_1774 = vector.shape_cast %swap3A_1773 : vector<1x16xf32> to vector<16xf32>
        %swap3A_1775 = vector.shape_cast %get3A_1763 : vector<16xf32> to vector<1x16xf32>
        tpu.vector_store %swap3A_1770[%swap3A_1771, %swap3A_1772], %swap3A_1775 {strides = array<i32>} : memref<77x128xf32, #tpu.memory_space<vmem>>, vector<1x16xf32>,
        %add3A_1776 = arith.constant 0 : i32
        %add3A_1777 = arith.addi %add3A_1776, %scan3A_1614 : i32
        %get3A_1778 = arith.constant 0 : i32
        %get3A_1779 = arith.constant 0 : i32
        %get3A_1780 = arith.constant 0 : i32
        %get3A_1781 = tpu.memref_slice %arg7[%get3A_1778, %get3A_1779, %get3A_1780] : memref<6x60x128xf32, #tpu.memory_space<vmem>> -> memref<1x60x128xf32, #tpu.memory_space<vmem>>
        %get3A_1782 = tpu.memref_squeeze %get3A_1781 : memref<1x60x128xf32, #tpu.memory_space<vmem>> -> memref<60x128xf32, #tpu.memory_space<vmem>>
        %get3A_1783 = arith.index_cast %add3A_1777 : i32 to index
        %get3A_1784 = arith.constant 112 : index
        %get3A_1785 = tpu.vector_load %get3A_1782[%get3A_1783, %get3A_1784] {strides = array<i32>} : memref<60x128xf32, #tpu.memory_space<vmem>>, vector<1x16xf32>,
        %get3A_1786 = vector.shape_cast %get3A_1785 : vector<1x16xf32> to vector<16xf32>
        %add3A_1787 = arith.constant 17 : i32
        %add3A_1788 = arith.addi %add3A_1787, %scan3A_1614 : i32
        %swap3A_1789 = arith.constant 0 : i32
        %swap3A_1790 = arith.constant 0 : i32
        %swap3A_1791 = arith.constant 0 : i32
        %swap3A_1792 = tpu.memref_slice %arg6[%swap3A_1789, %swap3A_1790, %swap3A_1791] : memref<6x77x128xf32, #tpu.memory_space<vmem>> -> memref<1x77x128xf32, #tpu.memory_space<vmem>>
        %swap3A_1793 = tpu.memref_squeeze %swap3A_1792 : memref<1x77x128xf32, #tpu.memory_space<vmem>> -> memref<77x128xf32, #tpu.memory_space<vmem>>
        %swap3A_1794 = arith.index_cast %add3A_1788 : i32 to index
        %swap3A_1795 = arith.constant 112 : index
        %swap3A_1796 = tpu.vector_load %swap3A_1793[%swap3A_1794, %swap3A_1795] {strides = array<i32>} : memref<77x128xf32, #tpu.memory_space<vmem>>, vector<1x16xf32>,
        %swap3A_1797 = vector.shape_cast %swap3A_1796 : vector<1x16xf32> to vector<16xf32>
        %swap3A_1798 = vector.shape_cast %get3A_1786 : vector<16xf32> to vector<1x16xf32>
        tpu.vector_store %swap3A_1793[%swap3A_1794, %swap3A_1795], %swap3A_1798 {strides = array<i32>} : memref<77x128xf32, #tpu.memory_space<vmem>>, vector<1x16xf32>,
      }
      %scan3A_688 = arith.constant 60 : i32
      %add3A_689 = arith.addi %mul3A_2, %scan3A_552 : i32
      %min3A_690 = arith.constant 999 : i32
      %min3A_691 = arith.minsi %add3A_689, %min3A_690 : i32
      %dma_start3A_692 = arith.constant 0 : i32
      %dma_start3A_693 = arith.constant 0 : i32
      %dma_start3A_694 = arith.constant 0 : i32
      %dma_start3A_695 = tpu.memref_slice %arg6[%dma_start3A_692, %dma_start3A_693, %dma_start3A_694] : memref<6x77x128xf32, #tpu.memory_space<vmem>> -> memref<1x77x128xf32, #tpu.memory_space<vmem>>
      %dma_start3A_696 = tpu.memref_squeeze %dma_start3A_695 : memref<1x77x128xf32, #tpu.memory_space<vmem>> -> memref<77x128xf32, #tpu.memory_space<vmem>>
      %dma_start3A_697 = arith.constant 0 : i32
      %dma_start3A_698 = arith.constant 0 : i32
      %dma_start3A_699 = tpu.memref_slice %arg5[%min3A_691, %dma_start3A_697, %dma_start3A_698] : memref<1000x77x768xf32, #tpu.memory_space<hbm>> -> memref<1x77x128xf32, #tpu.memory_space<hbm>>
      %dma_start3A_700 = tpu.memref_squeeze %dma_start3A_699 : memref<1x77x128xf32, #tpu.memory_space<hbm>> -> memref<77x128xf32, #tpu.memory_space<hbm>>
      %dma_start3A_701 = arith.constant 0 : i32
      %dma_start3A_702 = arith.constant 0 : i32
      %dma_start3A_703 = tpu.memref_slice %arg5[%min3A_691, %dma_start3A_701, %dma_start3A_702] : memref<1000x77x768xf32, #tpu.memory_space<hbm>> -> memref<1x77x128xf32, #tpu.memory_space<hbm>>
      %dma_start3A_704 = tpu.memref_squeeze %dma_start3A_703 : memref<1x77x128xf32, #tpu.memory_space<hbm>> -> memref<77x128xf32, #tpu.memory_space<hbm>>
      %dma_start3A_705 = arith.constant 0 : i32
      %dma_start3A_706 = arith.constant 0 : i32
      %dma_start3A_707 = tpu.memref_slice %arg6[%dma_start3A_692, %dma_start3A_705, %dma_start3A_706] : memref<6x77x128xf32, #tpu.memory_space<vmem>> -> memref<1x77x128xf32, #tpu.memory_space<vmem>>
      %dma_start3A_708 = tpu.memref_squeeze %dma_start3A_707 : memref<1x77x128xf32, #tpu.memory_space<vmem>> -> memref<77x128xf32, #tpu.memory_space<vmem>>
      tpu.enqueue_dma source(%dma_start3A_708 : memref<77x128xf32, #tpu.memory_space<vmem>>) target(%dma_start3A_704 : memref<77x128xf32, #tpu.memory_space<hbm>>) target_semaphore(%arg10 : memref<!tpu.dma_semaphore, #tpu.memory_space<semaphore_mem>>)
      %add3A_709 = arith.constant 1 : i32
      %add3A_710 = arith.addi %scan3A_552, %add3A_709 : i32
      %add3A_711 = arith.addi %mul3A_2, %add3A_710 : i32
      %min3A_712 = arith.constant 999 : i32
      %min3A_713 = arith.minsi %add3A_711, %min3A_712 : i32
      %dma_start3A_714 = arith.constant 0 : i32
      %dma_start3A_715 = arith.constant 0 : i32
      %dma_start3A_716 = arith.constant 0 : i32
      %dma_start3A_717 = tpu.memref_slice %arg7[%dma_start3A_714, %dma_start3A_715, %dma_start3A_716] : memref<6x60x128xf32, #tpu.memory_space<vmem>> -> memref<1x60x128xf32, #tpu.memory_space<vmem>>
      %dma_start3A_718 = tpu.memref_squeeze %dma_start3A_717 : memref<1x60x128xf32, #tpu.memory_space<vmem>> -> memref<60x128xf32, #tpu.memory_space<vmem>>
      %dma_start3A_719 = arith.constant 0 : i32
      %dma_start3A_720 = arith.constant 0 : i32
      %dma_start3A_721 = tpu.memref_slice %arg4[%min3A_713, %dma_start3A_719, %dma_start3A_720] : memref<1000x60x768xf32, #tpu.memory_space<hbm>> -> memref<1x60x128xf32, #tpu.memory_space<hbm>>
      %dma_start3A_722 = tpu.memref_squeeze %dma_start3A_721 : memref<1x60x128xf32, #tpu.memory_space<hbm>> -> memref<60x128xf32, #tpu.memory_space<hbm>>
      %dma_start3A_723 = arith.constant 0 : i32
      %dma_start3A_724 = arith.constant 0 : i32
      %dma_start3A_725 = tpu.memref_slice %arg7[%dma_start3A_714, %dma_start3A_723, %dma_start3A_724] : memref<6x60x128xf32, #tpu.memory_space<vmem>> -> memref<1x60x128xf32, #tpu.memory_space<vmem>>
      %dma_start3A_726 = tpu.memref_squeeze %dma_start3A_725 : memref<1x60x128xf32, #tpu.memory_space<vmem>> -> memref<60x128xf32, #tpu.memory_space<vmem>>
      %dma_start3A_727 = arith.constant 0 : i32
      %dma_start3A_728 = arith.constant 0 : i32
      %dma_start3A_729 = tpu.memref_slice %arg4[%min3A_713, %dma_start3A_727, %dma_start3A_728] : memref<1000x60x768xf32, #tpu.memory_space<hbm>> -> memref<1x60x128xf32, #tpu.memory_space<hbm>>
      %dma_start3A_730 = tpu.memref_squeeze %dma_start3A_729 : memref<1x60x128xf32, #tpu.memory_space<hbm>> -> memref<60x128xf32, #tpu.memory_space<hbm>>
      tpu.enqueue_dma source(%dma_start3A_730 : memref<60x128xf32, #tpu.memory_space<hbm>>) target(%dma_start3A_726 : memref<60x128xf32, #tpu.memory_space<vmem>>) target_semaphore(%arg9 : memref<!tpu.dma_semaphore, #tpu.memory_space<semaphore_mem>>)
      %dma_wait3A_731 = arith.constant 0 : i32
      %dma_wait3A_732 = arith.constant 1 : i32
      %dma_wait3A_733 = arith.constant 0 : i32
      %dma_wait3A_734 = arith.constant 0 : i32
      %dma_wait3A_735 = tpu.memref_slice %arg7[%dma_wait3A_732, %dma_wait3A_733, %dma_wait3A_734] : memref<6x60x128xf32, #tpu.memory_space<vmem>> -> memref<1x60x128xf32, #tpu.memory_space<vmem>>
      %dma_wait3A_736 = tpu.memref_squeeze %dma_wait3A_735 : memref<1x60x128xf32, #tpu.memory_space<vmem>> -> memref<60x128xf32, #tpu.memory_space<vmem>>
      %dma_wait3A_737 = arith.constant 0 : i32
      %dma_wait3A_738 = arith.constant 0 : i32
      %dma_wait3A_739 = tpu.memref_slice %arg4[%dma_wait3A_731, %dma_wait3A_737, %dma_wait3A_738] : memref<1000x60x768xf32, #tpu.memory_space<hbm>> -> memref<1x60x128xf32, #tpu.memory_space<hbm>>
      %dma_wait3A_740 = tpu.memref_squeeze %dma_wait3A_739 : memref<1x60x128xf32, #tpu.memory_space<hbm>> -> memref<60x128xf32, #tpu.memory_space<hbm>>
      %dma_wait3A_741 = arith.constant 0 : i32
      %dma_wait3A_742 = arith.constant 0 : i32
      %dma_wait3A_743 = tpu.memref_slice %arg7[%dma_wait3A_732, %dma_wait3A_741, %dma_wait3A_742] : memref<6x60x128xf32, #tpu.memory_space<vmem>> -> memref<1x60x128xf32, #tpu.memory_space<vmem>>
      %dma_wait3A_744 = tpu.memref_squeeze %dma_wait3A_743 : memref<1x60x128xf32, #tpu.memory_space<vmem>> -> memref<60x128xf32, #tpu.memory_space<vmem>>
      %dma_wait3A_745 = arith.constant 0 : i32
      %dma_wait3A_746 = arith.constant 0 : i32
      %dma_wait3A_747 = tpu.memref_slice %arg4[%dma_wait3A_731, %dma_wait3A_745, %dma_wait3A_746] : memref<1000x60x768xf32, #tpu.memory_space<hbm>> -> memref<1x60x128xf32, #tpu.memory_space<hbm>>
      %dma_wait3A_748 = tpu.memref_squeeze %dma_wait3A_747 : memref<1x60x128xf32, #tpu.memory_space<hbm>> -> memref<60x128xf32, #tpu.memory_space<hbm>>
      tpu.wait_dma2 semaphore(%arg9 : memref<!tpu.dma_semaphore, #tpu.memory_space<semaphore_mem>>) src(%dma_wait3A_748 : memref<60x128xf32, #tpu.memory_space<hbm>>) dst(%dma_wait3A_744 : memref<60x128xf32, #tpu.memory_space<vmem>>)
      %gt3A_749 = arith.constant 0 : i32
      %gt3A_750 = arith.cmpi sgt, %scan3A_552, %gt3A_749 : i32
      %convert_element_type3A_751 = arith.extui %gt3A_750 : i1 to i32
      %cond3A_752 = arith.constant 0 : i32
      %cond3A_753 = arith.cmpi ne, %convert_element_type3A_751, %cond3A_752 : i32
      scf.if %cond3A_753 {
        %dma_wait3A_1614 = arith.constant 1 : i32
        %dma_wait3A_1615 = arith.constant 0 : i32
        %dma_wait3A_1616 = arith.constant 0 : i32
        %dma_wait3A_1617 = arith.constant 0 : i32
        %dma_wait3A_1618 = tpu.memref_slice %arg6[%dma_wait3A_1614, %dma_wait3A_1616, %dma_wait3A_1617] : memref<6x77x128xf32, #tpu.memory_space<vmem>> -> memref<1x77x128xf32, #tpu.memory_space<vmem>>
        %dma_wait3A_1619 = tpu.memref_squeeze %dma_wait3A_1618 : memref<1x77x128xf32, #tpu.memory_space<vmem>> -> memref<77x128xf32, #tpu.memory_space<vmem>>
        %dma_wait3A_1620 = arith.constant 0 : i32
        %dma_wait3A_1621 = arith.constant 0 : i32
        %dma_wait3A_1622 = tpu.memref_slice %arg5[%dma_wait3A_1615, %dma_wait3A_1620, %dma_wait3A_1621] : memref<1000x77x768xf32, #tpu.memory_space<hbm>> -> memref<1x77x128xf32, #tpu.memory_space<hbm>>
        %dma_wait3A_1623 = tpu.memref_squeeze %dma_wait3A_1622 : memref<1x77x128xf32, #tpu.memory_space<hbm>> -> memref<77x128xf32, #tpu.memory_space<hbm>>
        %dma_wait3A_1624 = arith.constant 0 : i32
        %dma_wait3A_1625 = arith.constant 0 : i32
        %dma_wait3A_1626 = tpu.memref_slice %arg5[%dma_wait3A_1615, %dma_wait3A_1624, %dma_wait3A_1625] : memref<1000x77x768xf32, #tpu.memory_space<hbm>> -> memref<1x77x128xf32, #tpu.memory_space<hbm>>
        %dma_wait3A_1627 = tpu.memref_squeeze %dma_wait3A_1626 : memref<1x77x128xf32, #tpu.memory_space<hbm>> -> memref<77x128xf32, #tpu.memory_space<hbm>>
        %dma_wait3A_1628 = arith.constant 0 : i32
        %dma_wait3A_1629 = arith.constant 0 : i32
        %dma_wait3A_1630 = tpu.memref_slice %arg6[%dma_wait3A_1614, %dma_wait3A_1628, %dma_wait3A_1629] : memref<6x77x128xf32, #tpu.memory_space<vmem>> -> memref<1x77x128xf32, #tpu.memory_space<vmem>>
        %dma_wait3A_1631 = tpu.memref_squeeze %dma_wait3A_1630 : memref<1x77x128xf32, #tpu.memory_space<vmem>> -> memref<77x128xf32, #tpu.memory_space<vmem>>
        tpu.wait_dma2 semaphore(%arg10 : memref<!tpu.dma_semaphore, #tpu.memory_space<semaphore_mem>>) src(%dma_wait3A_1631 : memref<77x128xf32, #tpu.memory_space<vmem>>) dst(%dma_wait3A_1627 : memref<77x128xf32, #tpu.memory_space<hbm>>)
      } else {
      }
      %get3A_754 = arith.constant 0 : i32
      %get3A_755 = arith.index_cast %get3A_754 : i32 to index
      %get3A_756 = arith.constant 128 : index
      %get3A_757 = tpu.vector_load %arg8[%get3A_755, %get3A_756] {strides = array<i32>} : memref<1x768xf32, #tpu.memory_space<vmem>>, vector<1x16xf32>,
      %get3A_758 = vector.shape_cast %get3A_757 : vector<1x16xf32> to vector<16xf32>
      %swap3A_759 = arith.constant 1 : i32
      %swap3A_760 = arith.constant 0 : i32
      %swap3A_761 = arith.index_cast %swap3A_759 : i32 to index
      %swap3A_762 = arith.index_cast %swap3A_760 : i32 to index
      %swap3A_763 = arith.constant 0 : index
      %swap3A_764 = tpu.vector_load %arg6[%swap3A_761, %swap3A_762, %swap3A_763] {strides = array<i32>} : memref<6x77x128xf32, #tpu.memory_space<vmem>>, vector<1x1x16xf32>,
      %swap3A_765 = vector.shape_cast %swap3A_764 : vector<1x1x16xf32> to vector<16xf32>
      %swap3A_766 = vector.shape_cast %get3A_758 : vector<16xf32> to vector<1x1x16xf32>
      tpu.vector_store %arg6[%swap3A_761, %swap3A_762, %swap3A_763], %swap3A_766 {strides = array<i32>} : memref<6x77x128xf32, #tpu.memory_space<vmem>>, vector<1x1x16xf32>,
      %get3A_767 = arith.constant 0 : i32
      %get3A_768 = arith.index_cast %get3A_767 : i32 to index
      %get3A_769 = arith.constant 144 : index
      %get3A_770 = tpu.vector_load %arg8[%get3A_768, %get3A_769] {strides = array<i32>} : memref<1x768xf32, #tpu.memory_space<vmem>>, vector<1x16xf32>,
      %get3A_771 = vector.shape_cast %get3A_770 : vector<1x16xf32> to vector<16xf32>
      %swap3A_772 = arith.constant 1 : i32
      %swap3A_773 = arith.constant 0 : i32
      %swap3A_774 = arith.index_cast %swap3A_772 : i32 to index
      %swap3A_775 = arith.index_cast %swap3A_773 : i32 to index
      %swap3A_776 = arith.constant 16 : index
      %swap3A_777 = tpu.vector_load %arg6[%swap3A_774, %swap3A_775, %swap3A_776] {strides = array<i32>} : memref<6x77x128xf32, #tpu.memory_space<vmem>>, vector<1x1x16xf32>,
      %swap3A_778 = vector.shape_cast %swap3A_777 : vector<1x1x16xf32> to vector<16xf32>
      %swap3A_779 = vector.shape_cast %get3A_771 : vector<16xf32> to vector<1x1x16xf32>
      tpu.vector_store %arg6[%swap3A_774, %swap3A_775, %swap3A_776], %swap3A_779 {strides = array<i32>} : memref<6x77x128xf32, #tpu.memory_space<vmem>>, vector<1x1x16xf32>,
      %get3A_780 = arith.constant 0 : i32
      %get3A_781 = arith.index_cast %get3A_780 : i32 to index
      %get3A_782 = arith.constant 160 : index
      %get3A_783 = tpu.vector_load %arg8[%get3A_781, %get3A_782] {strides = array<i32>} : memref<1x768xf32, #tpu.memory_space<vmem>>, vector<1x16xf32>,
      %get3A_784 = vector.shape_cast %get3A_783 : vector<1x16xf32> to vector<16xf32>
      %swap3A_785 = arith.constant 1 : i32
      %swap3A_786 = arith.constant 0 : i32
      %swap3A_787 = arith.index_cast %swap3A_785 : i32 to index
      %swap3A_788 = arith.index_cast %swap3A_786 : i32 to index
      %swap3A_789 = arith.constant 32 : index
      %swap3A_790 = tpu.vector_load %arg6[%swap3A_787, %swap3A_788, %swap3A_789] {strides = array<i32>} : memref<6x77x128xf32, #tpu.memory_space<vmem>>, vector<1x1x16xf32>,
      %swap3A_791 = vector.shape_cast %swap3A_790 : vector<1x1x16xf32> to vector<16xf32>
      %swap3A_792 = vector.shape_cast %get3A_784 : vector<16xf32> to vector<1x1x16xf32>
      tpu.vector_store %arg6[%swap3A_787, %swap3A_788, %swap3A_789], %swap3A_792 {strides = array<i32>} : memref<6x77x128xf32, #tpu.memory_space<vmem>>, vector<1x1x16xf32>,
      %get3A_793 = arith.constant 0 : i32
      %get3A_794 = arith.index_cast %get3A_793 : i32 to index
      %get3A_795 = arith.constant 176 : index
      %get3A_796 = tpu.vector_load %arg8[%get3A_794, %get3A_795] {strides = array<i32>} : memref<1x768xf32, #tpu.memory_space<vmem>>, vector<1x16xf32>,
      %get3A_797 = vector.shape_cast %get3A_796 : vector<1x16xf32> to vector<16xf32>
      %swap3A_798 = arith.constant 1 : i32
      %swap3A_799 = arith.constant 0 : i32
      %swap3A_800 = arith.index_cast %swap3A_798 : i32 to index
      %swap3A_801 = arith.index_cast %swap3A_799 : i32 to index
      %swap3A_802 = arith.constant 48 : index
      %swap3A_803 = tpu.vector_load %arg6[%swap3A_800, %swap3A_801, %swap3A_802] {strides = array<i32>} : memref<6x77x128xf32, #tpu.memory_space<vmem>>, vector<1x1x16xf32>,
      %swap3A_804 = vector.shape_cast %swap3A_803 : vector<1x1x16xf32> to vector<16xf32>
      %swap3A_805 = vector.shape_cast %get3A_797 : vector<16xf32> to vector<1x1x16xf32>
      tpu.vector_store %arg6[%swap3A_800, %swap3A_801, %swap3A_802], %swap3A_805 {strides = array<i32>} : memref<6x77x128xf32, #tpu.memory_space<vmem>>, vector<1x1x16xf32>,
      %get3A_806 = arith.constant 0 : i32
      %get3A_807 = arith.index_cast %get3A_806 : i32 to index
      %get3A_808 = arith.constant 192 : index
      %get3A_809 = tpu.vector_load %arg8[%get3A_807, %get3A_808] {strides = array<i32>} : memref<1x768xf32, #tpu.memory_space<vmem>>, vector<1x16xf32>,
      %get3A_810 = vector.shape_cast %get3A_809 : vector<1x16xf32> to vector<16xf32>
      %swap3A_811 = arith.constant 1 : i32
      %swap3A_812 = arith.constant 0 : i32
      %swap3A_813 = arith.index_cast %swap3A_811 : i32 to index
      %swap3A_814 = arith.index_cast %swap3A_812 : i32 to index
      %swap3A_815 = arith.constant 64 : index
      %swap3A_816 = tpu.vector_load %arg6[%swap3A_813, %swap3A_814, %swap3A_815] {strides = array<i32>} : memref<6x77x128xf32, #tpu.memory_space<vmem>>, vector<1x1x16xf32>,
      %swap3A_817 = vector.shape_cast %swap3A_816 : vector<1x1x16xf32> to vector<16xf32>
      %swap3A_818 = vector.shape_cast %get3A_810 : vector<16xf32> to vector<1x1x16xf32>
      tpu.vector_store %arg6[%swap3A_813, %swap3A_814, %swap3A_815], %swap3A_818 {strides = array<i32>} : memref<6x77x128xf32, #tpu.memory_space<vmem>>, vector<1x1x16xf32>,
      %get3A_819 = arith.constant 0 : i32
      %get3A_820 = arith.index_cast %get3A_819 : i32 to index
      %get3A_821 = arith.constant 208 : index
      %get3A_822 = tpu.vector_load %arg8[%get3A_820, %get3A_821] {strides = array<i32>} : memref<1x768xf32, #tpu.memory_space<vmem>>, vector<1x16xf32>,
      %get3A_823 = vector.shape_cast %get3A_822 : vector<1x16xf32> to vector<16xf32>
      %swap3A_824 = arith.constant 1 : i32
      %swap3A_825 = arith.constant 0 : i32
      %swap3A_826 = arith.index_cast %swap3A_824 : i32 to index
      %swap3A_827 = arith.index_cast %swap3A_825 : i32 to index
      %swap3A_828 = arith.constant 80 : index
      %swap3A_829 = tpu.vector_load %arg6[%swap3A_826, %swap3A_827, %swap3A_828] {strides = array<i32>} : memref<6x77x128xf32, #tpu.memory_space<vmem>>, vector<1x1x16xf32>,
      %swap3A_830 = vector.shape_cast %swap3A_829 : vector<1x1x16xf32> to vector<16xf32>
      %swap3A_831 = vector.shape_cast %get3A_823 : vector<16xf32> to vector<1x1x16xf32>
      tpu.vector_store %arg6[%swap3A_826, %swap3A_827, %swap3A_828], %swap3A_831 {strides = array<i32>} : memref<6x77x128xf32, #tpu.memory_space<vmem>>, vector<1x1x16xf32>,
      %get3A_832 = arith.constant 0 : i32
      %get3A_833 = arith.index_cast %get3A_832 : i32 to index
      %get3A_834 = arith.constant 224 : index
      %get3A_835 = tpu.vector_load %arg8[%get3A_833, %get3A_834] {strides = array<i32>} : memref<1x768xf32, #tpu.memory_space<vmem>>, vector<1x16xf32>,
      %get3A_836 = vector.shape_cast %get3A_835 : vector<1x16xf32> to vector<16xf32>
      %swap3A_837 = arith.constant 1 : i32
      %swap3A_838 = arith.constant 0 : i32
      %swap3A_839 = arith.index_cast %swap3A_837 : i32 to index
      %swap3A_840 = arith.index_cast %swap3A_838 : i32 to index
      %swap3A_841 = arith.constant 96 : index
      %swap3A_842 = tpu.vector_load %arg6[%swap3A_839, %swap3A_840, %swap3A_841] {strides = array<i32>} : memref<6x77x128xf32, #tpu.memory_space<vmem>>, vector<1x1x16xf32>,
      %swap3A_843 = vector.shape_cast %swap3A_842 : vector<1x1x16xf32> to vector<16xf32>
      %swap3A_844 = vector.shape_cast %get3A_836 : vector<16xf32> to vector<1x1x16xf32>
      tpu.vector_store %arg6[%swap3A_839, %swap3A_840, %swap3A_841], %swap3A_844 {strides = array<i32>} : memref<6x77x128xf32, #tpu.memory_space<vmem>>, vector<1x1x16xf32>,
      %get3A_845 = arith.constant 0 : i32
      %get3A_846 = arith.index_cast %get3A_845 : i32 to index
      %get3A_847 = arith.constant 240 : index
      %get3A_848 = tpu.vector_load %arg8[%get3A_846, %get3A_847] {strides = array<i32>} : memref<1x768xf32, #tpu.memory_space<vmem>>, vector<1x16xf32>,
      %get3A_849 = vector.shape_cast %get3A_848 : vector<1x16xf32> to vector<16xf32>
      %swap3A_850 = arith.constant 1 : i32
      %swap3A_851 = arith.constant 0 : i32
      %swap3A_852 = arith.index_cast %swap3A_850 : i32 to index
      %swap3A_853 = arith.index_cast %swap3A_851 : i32 to index
      %swap3A_854 = arith.constant 112 : index
      %swap3A_855 = tpu.vector_load %arg6[%swap3A_852, %swap3A_853, %swap3A_854] {strides = array<i32>} : memref<6x77x128xf32, #tpu.memory_space<vmem>>, vector<1x1x16xf32>,
      %swap3A_856 = vector.shape_cast %swap3A_855 : vector<1x1x16xf32> to vector<16xf32>
      %swap3A_857 = vector.shape_cast %get3A_849 : vector<16xf32> to vector<1x1x16xf32>
      tpu.vector_store %arg6[%swap3A_852, %swap3A_853, %swap3A_854], %swap3A_857 {strides = array<i32>} : memref<6x77x128xf32, #tpu.memory_space<vmem>>, vector<1x1x16xf32>,
      %scan3A_858 = arith.constant 0 : i32
      %scan3A_859 = arith.constant 60 : i32
      %scan3A_860 = arith.addi %scan3A_858, %scan3A_859 : i32
      %scan3A_861 = arith.constant 1 : i32
      scf.for %scan3A_1614 = %scan3A_858 to %scan3A_860 step %scan3A_861  : i32 {
        %add3A_1615 = arith.constant 0 : i32
        %add3A_1616 = arith.addi %add3A_1615, %scan3A_1614 : i32
        %get3A_1617 = arith.constant 1 : i32
        %get3A_1618 = arith.constant 0 : i32
        %get3A_1619 = arith.constant 0 : i32
        %get3A_1620 = tpu.memref_slice %arg7[%get3A_1617, %get3A_1618, %get3A_1619] : memref<6x60x128xf32, #tpu.memory_space<vmem>> -> memref<1x60x128xf32, #tpu.memory_space<vmem>>
        %get3A_1621 = tpu.memref_squeeze %get3A_1620 : memref<1x60x128xf32, #tpu.memory_space<vmem>> -> memref<60x128xf32, #tpu.memory_space<vmem>>
        %get3A_1622 = arith.index_cast %add3A_1616 : i32 to index
        %get3A_1623 = arith.constant 0 : index
        %get3A_1624 = tpu.vector_load %get3A_1621[%get3A_1622, %get3A_1623] {strides = array<i32>} : memref<60x128xf32, #tpu.memory_space<vmem>>, vector<1x16xf32>,
        %get3A_1625 = vector.shape_cast %get3A_1624 : vector<1x16xf32> to vector<16xf32>
        %add3A_1626 = arith.constant 17 : i32
        %add3A_1627 = arith.addi %add3A_1626, %scan3A_1614 : i32
        %swap3A_1628 = arith.constant 1 : i32
        %swap3A_1629 = arith.constant 0 : i32
        %swap3A_1630 = arith.constant 0 : i32
        %swap3A_1631 = tpu.memref_slice %arg6[%swap3A_1628, %swap3A_1629, %swap3A_1630] : memref<6x77x128xf32, #tpu.memory_space<vmem>> -> memref<1x77x128xf32, #tpu.memory_space<vmem>>
        %swap3A_1632 = tpu.memref_squeeze %swap3A_1631 : memref<1x77x128xf32, #tpu.memory_space<vmem>> -> memref<77x128xf32, #tpu.memory_space<vmem>>
        %swap3A_1633 = arith.index_cast %add3A_1627 : i32 to index
        %swap3A_1634 = arith.constant 0 : index
        %swap3A_1635 = tpu.vector_load %swap3A_1632[%swap3A_1633, %swap3A_1634] {strides = array<i32>} : memref<77x128xf32, #tpu.memory_space<vmem>>, vector<1x16xf32>,
        %swap3A_1636 = vector.shape_cast %swap3A_1635 : vector<1x16xf32> to vector<16xf32>
        %swap3A_1637 = vector.shape_cast %get3A_1625 : vector<16xf32> to vector<1x16xf32>
        tpu.vector_store %swap3A_1632[%swap3A_1633, %swap3A_1634], %swap3A_1637 {strides = array<i32>} : memref<77x128xf32, #tpu.memory_space<vmem>>, vector<1x16xf32>,
        %add3A_1638 = arith.constant 0 : i32
        %add3A_1639 = arith.addi %add3A_1638, %scan3A_1614 : i32
        %get3A_1640 = arith.constant 1 : i32
        %get3A_1641 = arith.constant 0 : i32
        %get3A_1642 = arith.constant 0 : i32
        %get3A_1643 = tpu.memref_slice %arg7[%get3A_1640, %get3A_1641, %get3A_1642] : memref<6x60x128xf32, #tpu.memory_space<vmem>> -> memref<1x60x128xf32, #tpu.memory_space<vmem>>
        %get3A_1644 = tpu.memref_squeeze %get3A_1643 : memref<1x60x128xf32, #tpu.memory_space<vmem>> -> memref<60x128xf32, #tpu.memory_space<vmem>>
        %get3A_1645 = arith.index_cast %add3A_1639 : i32 to index
        %get3A_1646 = arith.constant 16 : index
        %get3A_1647 = tpu.vector_load %get3A_1644[%get3A_1645, %get3A_1646] {strides = array<i32>} : memref<60x128xf32, #tpu.memory_space<vmem>>, vector<1x16xf32>,
        %get3A_1648 = vector.shape_cast %get3A_1647 : vector<1x16xf32> to vector<16xf32>
        %add3A_1649 = arith.constant 17 : i32
        %add3A_1650 = arith.addi %add3A_1649, %scan3A_1614 : i32
        %swap3A_1651 = arith.constant 1 : i32
        %swap3A_1652 = arith.constant 0 : i32
        %swap3A_1653 = arith.constant 0 : i32
        %swap3A_1654 = tpu.memref_slice %arg6[%swap3A_1651, %swap3A_1652, %swap3A_1653] : memref<6x77x128xf32, #tpu.memory_space<vmem>> -> memref<1x77x128xf32, #tpu.memory_space<vmem>>
        %swap3A_1655 = tpu.memref_squeeze %swap3A_1654 : memref<1x77x128xf32, #tpu.memory_space<vmem>> -> memref<77x128xf32, #tpu.memory_space<vmem>>
        %swap3A_1656 = arith.index_cast %add3A_1650 : i32 to index
        %swap3A_1657 = arith.constant 16 : index
        %swap3A_1658 = tpu.vector_load %swap3A_1655[%swap3A_1656, %swap3A_1657] {strides = array<i32>} : memref<77x128xf32, #tpu.memory_space<vmem>>, vector<1x16xf32>,
        %swap3A_1659 = vector.shape_cast %swap3A_1658 : vector<1x16xf32> to vector<16xf32>
        %swap3A_1660 = vector.shape_cast %get3A_1648 : vector<16xf32> to vector<1x16xf32>
        tpu.vector_store %swap3A_1655[%swap3A_1656, %swap3A_1657], %swap3A_1660 {strides = array<i32>} : memref<77x128xf32, #tpu.memory_space<vmem>>, vector<1x16xf32>,
        %add3A_1661 = arith.constant 0 : i32
        %add3A_1662 = arith.addi %add3A_1661, %scan3A_1614 : i32
        %get3A_1663 = arith.constant 1 : i32
        %get3A_1664 = arith.constant 0 : i32
        %get3A_1665 = arith.constant 0 : i32
        %get3A_1666 = tpu.memref_slice %arg7[%get3A_1663, %get3A_1664, %get3A_1665] : memref<6x60x128xf32, #tpu.memory_space<vmem>> -> memref<1x60x128xf32, #tpu.memory_space<vmem>>
        %get3A_1667 = tpu.memref_squeeze %get3A_1666 : memref<1x60x128xf32, #tpu.memory_space<vmem>> -> memref<60x128xf32, #tpu.memory_space<vmem>>
        %get3A_1668 = arith.index_cast %add3A_1662 : i32 to index
        %get3A_1669 = arith.constant 32 : index
        %get3A_1670 = tpu.vector_load %get3A_1667[%get3A_1668, %get3A_1669] {strides = array<i32>} : memref<60x128xf32, #tpu.memory_space<vmem>>, vector<1x16xf32>,
        %get3A_1671 = vector.shape_cast %get3A_1670 : vector<1x16xf32> to vector<16xf32>
        %add3A_1672 = arith.constant 17 : i32
        %add3A_1673 = arith.addi %add3A_1672, %scan3A_1614 : i32
        %swap3A_1674 = arith.constant 1 : i32
        %swap3A_1675 = arith.constant 0 : i32
        %swap3A_1676 = arith.constant 0 : i32
        %swap3A_1677 = tpu.memref_slice %arg6[%swap3A_1674, %swap3A_1675, %swap3A_1676] : memref<6x77x128xf32, #tpu.memory_space<vmem>> -> memref<1x77x128xf32, #tpu.memory_space<vmem>>
        %swap3A_1678 = tpu.memref_squeeze %swap3A_1677 : memref<1x77x128xf32, #tpu.memory_space<vmem>> -> memref<77x128xf32, #tpu.memory_space<vmem>>
        %swap3A_1679 = arith.index_cast %add3A_1673 : i32 to index
        %swap3A_1680 = arith.constant 32 : index
        %swap3A_1681 = tpu.vector_load %swap3A_1678[%swap3A_1679, %swap3A_1680] {strides = array<i32>} : memref<77x128xf32, #tpu.memory_space<vmem>>, vector<1x16xf32>,
        %swap3A_1682 = vector.shape_cast %swap3A_1681 : vector<1x16xf32> to vector<16xf32>
        %swap3A_1683 = vector.shape_cast %get3A_1671 : vector<16xf32> to vector<1x16xf32>
        tpu.vector_store %swap3A_1678[%swap3A_1679, %swap3A_1680], %swap3A_1683 {strides = array<i32>} : memref<77x128xf32, #tpu.memory_space<vmem>>, vector<1x16xf32>,
        %add3A_1684 = arith.constant 0 : i32
        %add3A_1685 = arith.addi %add3A_1684, %scan3A_1614 : i32
        %get3A_1686 = arith.constant 1 : i32
        %get3A_1687 = arith.constant 0 : i32
        %get3A_1688 = arith.constant 0 : i32
        %get3A_1689 = tpu.memref_slice %arg7[%get3A_1686, %get3A_1687, %get3A_1688] : memref<6x60x128xf32, #tpu.memory_space<vmem>> -> memref<1x60x128xf32, #tpu.memory_space<vmem>>
        %get3A_1690 = tpu.memref_squeeze %get3A_1689 : memref<1x60x128xf32, #tpu.memory_space<vmem>> -> memref<60x128xf32, #tpu.memory_space<vmem>>
        %get3A_1691 = arith.index_cast %add3A_1685 : i32 to index
        %get3A_1692 = arith.constant 48 : index
        %get3A_1693 = tpu.vector_load %get3A_1690[%get3A_1691, %get3A_1692] {strides = array<i32>} : memref<60x128xf32, #tpu.memory_space<vmem>>, vector<1x16xf32>,
        %get3A_1694 = vector.shape_cast %get3A_1693 : vector<1x16xf32> to vector<16xf32>
        %add3A_1695 = arith.constant 17 : i32
        %add3A_1696 = arith.addi %add3A_1695, %scan3A_1614 : i32
        %swap3A_1697 = arith.constant 1 : i32
        %swap3A_1698 = arith.constant 0 : i32
        %swap3A_1699 = arith.constant 0 : i32
        %swap3A_1700 = tpu.memref_slice %arg6[%swap3A_1697, %swap3A_1698, %swap3A_1699] : memref<6x77x128xf32, #tpu.memory_space<vmem>> -> memref<1x77x128xf32, #tpu.memory_space<vmem>>
        %swap3A_1701 = tpu.memref_squeeze %swap3A_1700 : memref<1x77x128xf32, #tpu.memory_space<vmem>> -> memref<77x128xf32, #tpu.memory_space<vmem>>
        %swap3A_1702 = arith.index_cast %add3A_1696 : i32 to index
        %swap3A_1703 = arith.constant 48 : index
        %swap3A_1704 = tpu.vector_load %swap3A_1701[%swap3A_1702, %swap3A_1703] {strides = array<i32>} : memref<77x128xf32, #tpu.memory_space<vmem>>, vector<1x16xf32>,
        %swap3A_1705 = vector.shape_cast %swap3A_1704 : vector<1x16xf32> to vector<16xf32>
        %swap3A_1706 = vector.shape_cast %get3A_1694 : vector<16xf32> to vector<1x16xf32>
        tpu.vector_store %swap3A_1701[%swap3A_1702, %swap3A_1703], %swap3A_1706 {strides = array<i32>} : memref<77x128xf32, #tpu.memory_space<vmem>>, vector<1x16xf32>,
        %add3A_1707 = arith.constant 0 : i32
        %add3A_1708 = arith.addi %add3A_1707, %scan3A_1614 : i32
        %get3A_1709 = arith.constant 1 : i32
        %get3A_1710 = arith.constant 0 : i32
        %get3A_1711 = arith.constant 0 : i32
        %get3A_1712 = tpu.memref_slice %arg7[%get3A_1709, %get3A_1710, %get3A_1711] : memref<6x60x128xf32, #tpu.memory_space<vmem>> -> memref<1x60x128xf32, #tpu.memory_space<vmem>>
        %get3A_1713 = tpu.memref_squeeze %get3A_1712 : memref<1x60x128xf32, #tpu.memory_space<vmem>> -> memref<60x128xf32, #tpu.memory_space<vmem>>
        %get3A_1714 = arith.index_cast %add3A_1708 : i32 to index
        %get3A_1715 = arith.constant 64 : index
        %get3A_1716 = tpu.vector_load %get3A_1713[%get3A_1714, %get3A_1715] {strides = array<i32>} : memref<60x128xf32, #tpu.memory_space<vmem>>, vector<1x16xf32>,
        %get3A_1717 = vector.shape_cast %get3A_1716 : vector<1x16xf32> to vector<16xf32>
        %add3A_1718 = arith.constant 17 : i32
        %add3A_1719 = arith.addi %add3A_1718, %scan3A_1614 : i32
        %swap3A_1720 = arith.constant 1 : i32
        %swap3A_1721 = arith.constant 0 : i32
        %swap3A_1722 = arith.constant 0 : i32
        %swap3A_1723 = tpu.memref_slice %arg6[%swap3A_1720, %swap3A_1721, %swap3A_1722] : memref<6x77x128xf32, #tpu.memory_space<vmem>> -> memref<1x77x128xf32, #tpu.memory_space<vmem>>
        %swap3A_1724 = tpu.memref_squeeze %swap3A_1723 : memref<1x77x128xf32, #tpu.memory_space<vmem>> -> memref<77x128xf32, #tpu.memory_space<vmem>>
        %swap3A_1725 = arith.index_cast %add3A_1719 : i32 to index
        %swap3A_1726 = arith.constant 64 : index
        %swap3A_1727 = tpu.vector_load %swap3A_1724[%swap3A_1725, %swap3A_1726] {strides = array<i32>} : memref<77x128xf32, #tpu.memory_space<vmem>>, vector<1x16xf32>,
        %swap3A_1728 = vector.shape_cast %swap3A_1727 : vector<1x16xf32> to vector<16xf32>
        %swap3A_1729 = vector.shape_cast %get3A_1717 : vector<16xf32> to vector<1x16xf32>
        tpu.vector_store %swap3A_1724[%swap3A_1725, %swap3A_1726], %swap3A_1729 {strides = array<i32>} : memref<77x128xf32, #tpu.memory_space<vmem>>, vector<1x16xf32>,
        %add3A_1730 = arith.constant 0 : i32
        %add3A_1731 = arith.addi %add3A_1730, %scan3A_1614 : i32
        %get3A_1732 = arith.constant 1 : i32
        %get3A_1733 = arith.constant 0 : i32
        %get3A_1734 = arith.constant 0 : i32
        %get3A_1735 = tpu.memref_slice %arg7[%get3A_1732, %get3A_1733, %get3A_1734] : memref<6x60x128xf32, #tpu.memory_space<vmem>> -> memref<1x60x128xf32, #tpu.memory_space<vmem>>
        %get3A_1736 = tpu.memref_squeeze %get3A_1735 : memref<1x60x128xf32, #tpu.memory_space<vmem>> -> memref<60x128xf32, #tpu.memory_space<vmem>>
        %get3A_1737 = arith.index_cast %add3A_1731 : i32 to index
        %get3A_1738 = arith.constant 80 : index
        %get3A_1739 = tpu.vector_load %get3A_1736[%get3A_1737, %get3A_1738] {strides = array<i32>} : memref<60x128xf32, #tpu.memory_space<vmem>>, vector<1x16xf32>,
        %get3A_1740 = vector.shape_cast %get3A_1739 : vector<1x16xf32> to vector<16xf32>
        %add3A_1741 = arith.constant 17 : i32
        %add3A_1742 = arith.addi %add3A_1741, %scan3A_1614 : i32
        %swap3A_1743 = arith.constant 1 : i32
        %swap3A_1744 = arith.constant 0 : i32
        %swap3A_1745 = arith.constant 0 : i32
        %swap3A_1746 = tpu.memref_slice %arg6[%swap3A_1743, %swap3A_1744, %swap3A_1745] : memref<6x77x128xf32, #tpu.memory_space<vmem>> -> memref<1x77x128xf32, #tpu.memory_space<vmem>>
        %swap3A_1747 = tpu.memref_squeeze %swap3A_1746 : memref<1x77x128xf32, #tpu.memory_space<vmem>> -> memref<77x128xf32, #tpu.memory_space<vmem>>
        %swap3A_1748 = arith.index_cast %add3A_1742 : i32 to index
        %swap3A_1749 = arith.constant 80 : index
        %swap3A_1750 = tpu.vector_load %swap3A_1747[%swap3A_1748, %swap3A_1749] {strides = array<i32>} : memref<77x128xf32, #tpu.memory_space<vmem>>, vector<1x16xf32>,
        %swap3A_1751 = vector.shape_cast %swap3A_1750 : vector<1x16xf32> to vector<16xf32>
        %swap3A_1752 = vector.shape_cast %get3A_1740 : vector<16xf32> to vector<1x16xf32>
        tpu.vector_store %swap3A_1747[%swap3A_1748, %swap3A_1749], %swap3A_1752 {strides = array<i32>} : memref<77x128xf32, #tpu.memory_space<vmem>>, vector<1x16xf32>,
        %add3A_1753 = arith.constant 0 : i32
        %add3A_1754 = arith.addi %add3A_1753, %scan3A_1614 : i32
        %get3A_1755 = arith.constant 1 : i32
        %get3A_1756 = arith.constant 0 : i32
        %get3A_1757 = arith.constant 0 : i32
        %get3A_1758 = tpu.memref_slice %arg7[%get3A_1755, %get3A_1756, %get3A_1757] : memref<6x60x128xf32, #tpu.memory_space<vmem>> -> memref<1x60x128xf32, #tpu.memory_space<vmem>>
        %get3A_1759 = tpu.memref_squeeze %get3A_1758 : memref<1x60x128xf32, #tpu.memory_space<vmem>> -> memref<60x128xf32, #tpu.memory_space<vmem>>
        %get3A_1760 = arith.index_cast %add3A_1754 : i32 to index
        %get3A_1761 = arith.constant 96 : index
        %get3A_1762 = tpu.vector_load %get3A_1759[%get3A_1760, %get3A_1761] {strides = array<i32>} : memref<60x128xf32, #tpu.memory_space<vmem>>, vector<1x16xf32>,
        %get3A_1763 = vector.shape_cast %get3A_1762 : vector<1x16xf32> to vector<16xf32>
        %add3A_1764 = arith.constant 17 : i32
        %add3A_1765 = arith.addi %add3A_1764, %scan3A_1614 : i32
        %swap3A_1766 = arith.constant 1 : i32
        %swap3A_1767 = arith.constant 0 : i32
        %swap3A_1768 = arith.constant 0 : i32
        %swap3A_1769 = tpu.memref_slice %arg6[%swap3A_1766, %swap3A_1767, %swap3A_1768] : memref<6x77x128xf32, #tpu.memory_space<vmem>> -> memref<1x77x128xf32, #tpu.memory_space<vmem>>
        %swap3A_1770 = tpu.memref_squeeze %swap3A_1769 : memref<1x77x128xf32, #tpu.memory_space<vmem>> -> memref<77x128xf32, #tpu.memory_space<vmem>>
        %swap3A_1771 = arith.index_cast %add3A_1765 : i32 to index
        %swap3A_1772 = arith.constant 96 : index
        %swap3A_1773 = tpu.vector_load %swap3A_1770[%swap3A_1771, %swap3A_1772] {strides = array<i32>} : memref<77x128xf32, #tpu.memory_space<vmem>>, vector<1x16xf32>,
        %swap3A_1774 = vector.shape_cast %swap3A_1773 : vector<1x16xf32> to vector<16xf32>
        %swap3A_1775 = vector.shape_cast %get3A_1763 : vector<16xf32> to vector<1x16xf32>
        tpu.vector_store %swap3A_1770[%swap3A_1771, %swap3A_1772], %swap3A_1775 {strides = array<i32>} : memref<77x128xf32, #tpu.memory_space<vmem>>, vector<1x16xf32>,
        %add3A_1776 = arith.constant 0 : i32
        %add3A_1777 = arith.addi %add3A_1776, %scan3A_1614 : i32
        %get3A_1778 = arith.constant 1 : i32
        %get3A_1779 = arith.constant 0 : i32
        %get3A_1780 = arith.constant 0 : i32
        %get3A_1781 = tpu.memref_slice %arg7[%get3A_1778, %get3A_1779, %get3A_1780] : memref<6x60x128xf32, #tpu.memory_space<vmem>> -> memref<1x60x128xf32, #tpu.memory_space<vmem>>
        %get3A_1782 = tpu.memref_squeeze %get3A_1781 : memref<1x60x128xf32, #tpu.memory_space<vmem>> -> memref<60x128xf32, #tpu.memory_space<vmem>>
        %get3A_1783 = arith.index_cast %add3A_1777 : i32 to index
        %get3A_1784 = arith.constant 112 : index
        %get3A_1785 = tpu.vector_load %get3A_1782[%get3A_1783, %get3A_1784] {strides = array<i32>} : memref<60x128xf32, #tpu.memory_space<vmem>>, vector<1x16xf32>,
        %get3A_1786 = vector.shape_cast %get3A_1785 : vector<1x16xf32> to vector<16xf32>
        %add3A_1787 = arith.constant 17 : i32
        %add3A_1788 = arith.addi %add3A_1787, %scan3A_1614 : i32
        %swap3A_1789 = arith.constant 1 : i32
        %swap3A_1790 = arith.constant 0 : i32
        %swap3A_1791 = arith.constant 0 : i32
        %swap3A_1792 = tpu.memref_slice %arg6[%swap3A_1789, %swap3A_1790, %swap3A_1791] : memref<6x77x128xf32, #tpu.memory_space<vmem>> -> memref<1x77x128xf32, #tpu.memory_space<vmem>>
        %swap3A_1793 = tpu.memref_squeeze %swap3A_1792 : memref<1x77x128xf32, #tpu.memory_space<vmem>> -> memref<77x128xf32, #tpu.memory_space<vmem>>
        %swap3A_1794 = arith.index_cast %add3A_1788 : i32 to index
        %swap3A_1795 = arith.constant 112 : index
        %swap3A_1796 = tpu.vector_load %swap3A_1793[%swap3A_1794, %swap3A_1795] {strides = array<i32>} : memref<77x128xf32, #tpu.memory_space<vmem>>, vector<1x16xf32>,
        %swap3A_1797 = vector.shape_cast %swap3A_1796 : vector<1x16xf32> to vector<16xf32>
        %swap3A_1798 = vector.shape_cast %get3A_1786 : vector<16xf32> to vector<1x16xf32>
        tpu.vector_store %swap3A_1793[%swap3A_1794, %swap3A_1795], %swap3A_1798 {strides = array<i32>} : memref<77x128xf32, #tpu.memory_space<vmem>>, vector<1x16xf32>,
      }
      %scan3A_862 = arith.constant 60 : i32
      %add3A_863 = arith.addi %mul3A_2, %scan3A_552 : i32
      %min3A_864 = arith.constant 999 : i32
      %min3A_865 = arith.minsi %add3A_863, %min3A_864 : i32
      %dma_start3A_866 = arith.constant 1 : i32
      %dma_start3A_867 = arith.constant 0 : i32
      %dma_start3A_868 = arith.constant 0 : i32
      %dma_start3A_869 = tpu.memref_slice %arg6[%dma_start3A_866, %dma_start3A_867, %dma_start3A_868] : memref<6x77x128xf32, #tpu.memory_space<vmem>> -> memref<1x77x128xf32, #tpu.memory_space<vmem>>
      %dma_start3A_870 = tpu.memref_squeeze %dma_start3A_869 : memref<1x77x128xf32, #tpu.memory_space<vmem>> -> memref<77x128xf32, #tpu.memory_space<vmem>>
      %dma_start3A_871 = arith.constant 0 : i32
      %dma_start3A_872 = arith.constant 128 : i32
      %dma_start3A_873 = tpu.memref_slice %arg5[%min3A_865, %dma_start3A_871, %dma_start3A_872] : memref<1000x77x768xf32, #tpu.memory_space<hbm>> -> memref<1x77x128xf32, #tpu.memory_space<hbm>>
      %dma_start3A_874 = tpu.memref_squeeze %dma_start3A_873 : memref<1x77x128xf32, #tpu.memory_space<hbm>> -> memref<77x128xf32, #tpu.memory_space<hbm>>
      %dma_start3A_875 = arith.constant 0 : i32
      %dma_start3A_876 = arith.constant 128 : i32
      %dma_start3A_877 = tpu.memref_slice %arg5[%min3A_865, %dma_start3A_875, %dma_start3A_876] : memref<1000x77x768xf32, #tpu.memory_space<hbm>> -> memref<1x77x128xf32, #tpu.memory_space<hbm>>
      %dma_start3A_878 = tpu.memref_squeeze %dma_start3A_877 : memref<1x77x128xf32, #tpu.memory_space<hbm>> -> memref<77x128xf32, #tpu.memory_space<hbm>>
      %dma_start3A_879 = arith.constant 0 : i32
      %dma_start3A_880 = arith.constant 0 : i32
      %dma_start3A_881 = tpu.memref_slice %arg6[%dma_start3A_866, %dma_start3A_879, %dma_start3A_880] : memref<6x77x128xf32, #tpu.memory_space<vmem>> -> memref<1x77x128xf32, #tpu.memory_space<vmem>>
      %dma_start3A_882 = tpu.memref_squeeze %dma_start3A_881 : memref<1x77x128xf32, #tpu.memory_space<vmem>> -> memref<77x128xf32, #tpu.memory_space<vmem>>
      tpu.enqueue_dma source(%dma_start3A_882 : memref<77x128xf32, #tpu.memory_space<vmem>>) target(%dma_start3A_878 : memref<77x128xf32, #tpu.memory_space<hbm>>) target_semaphore(%arg10 : memref<!tpu.dma_semaphore, #tpu.memory_space<semaphore_mem>>)
      %add3A_883 = arith.constant 1 : i32
      %add3A_884 = arith.addi %scan3A_552, %add3A_883 : i32
      %add3A_885 = arith.addi %mul3A_2, %add3A_884 : i32
      %min3A_886 = arith.constant 999 : i32
      %min3A_887 = arith.minsi %add3A_885, %min3A_886 : i32
      %dma_start3A_888 = arith.constant 1 : i32
      %dma_start3A_889 = arith.constant 0 : i32
      %dma_start3A_890 = arith.constant 0 : i32
      %dma_start3A_891 = tpu.memref_slice %arg7[%dma_start3A_888, %dma_start3A_889, %dma_start3A_890] : memref<6x60x128xf32, #tpu.memory_space<vmem>> -> memref<1x60x128xf32, #tpu.memory_space<vmem>>
      %dma_start3A_892 = tpu.memref_squeeze %dma_start3A_891 : memref<1x60x128xf32, #tpu.memory_space<vmem>> -> memref<60x128xf32, #tpu.memory_space<vmem>>
      %dma_start3A_893 = arith.constant 0 : i32
      %dma_start3A_894 = arith.constant 128 : i32
      %dma_start3A_895 = tpu.memref_slice %arg4[%min3A_887, %dma_start3A_893, %dma_start3A_894] : memref<1000x60x768xf32, #tpu.memory_space<hbm>> -> memref<1x60x128xf32, #tpu.memory_space<hbm>>
      %dma_start3A_896 = tpu.memref_squeeze %dma_start3A_895 : memref<1x60x128xf32, #tpu.memory_space<hbm>> -> memref<60x128xf32, #tpu.memory_space<hbm>>
      %dma_start3A_897 = arith.constant 0 : i32
      %dma_start3A_898 = arith.constant 0 : i32
      %dma_start3A_899 = tpu.memref_slice %arg7[%dma_start3A_888, %dma_start3A_897, %dma_start3A_898] : memref<6x60x128xf32, #tpu.memory_space<vmem>> -> memref<1x60x128xf32, #tpu.memory_space<vmem>>
      %dma_start3A_900 = tpu.memref_squeeze %dma_start3A_899 : memref<1x60x128xf32, #tpu.memory_space<vmem>> -> memref<60x128xf32, #tpu.memory_space<vmem>>
      %dma_start3A_901 = arith.constant 0 : i32
      %dma_start3A_902 = arith.constant 128 : i32
      %dma_start3A_903 = tpu.memref_slice %arg4[%min3A_887, %dma_start3A_901, %dma_start3A_902] : memref<1000x60x768xf32, #tpu.memory_space<hbm>> -> memref<1x60x128xf32, #tpu.memory_space<hbm>>
      %dma_start3A_904 = tpu.memref_squeeze %dma_start3A_903 : memref<1x60x128xf32, #tpu.memory_space<hbm>> -> memref<60x128xf32, #tpu.memory_space<hbm>>
      tpu.enqueue_dma source(%dma_start3A_904 : memref<60x128xf32, #tpu.memory_space<hbm>>) target(%dma_start3A_900 : memref<60x128xf32, #tpu.memory_space<vmem>>) target_semaphore(%arg9 : memref<!tpu.dma_semaphore, #tpu.memory_space<semaphore_mem>>)
      %dma_wait3A_905 = arith.constant 0 : i32
      %dma_wait3A_906 = arith.constant 2 : i32
      %dma_wait3A_907 = arith.constant 0 : i32
      %dma_wait3A_908 = arith.constant 0 : i32
      %dma_wait3A_909 = tpu.memref_slice %arg7[%dma_wait3A_906, %dma_wait3A_907, %dma_wait3A_908] : memref<6x60x128xf32, #tpu.memory_space<vmem>> -> memref<1x60x128xf32, #tpu.memory_space<vmem>>
      %dma_wait3A_910 = tpu.memref_squeeze %dma_wait3A_909 : memref<1x60x128xf32, #tpu.memory_space<vmem>> -> memref<60x128xf32, #tpu.memory_space<vmem>>
      %dma_wait3A_911 = arith.constant 0 : i32
      %dma_wait3A_912 = arith.constant 0 : i32
      %dma_wait3A_913 = tpu.memref_slice %arg4[%dma_wait3A_905, %dma_wait3A_911, %dma_wait3A_912] : memref<1000x60x768xf32, #tpu.memory_space<hbm>> -> memref<1x60x128xf32, #tpu.memory_space<hbm>>
      %dma_wait3A_914 = tpu.memref_squeeze %dma_wait3A_913 : memref<1x60x128xf32, #tpu.memory_space<hbm>> -> memref<60x128xf32, #tpu.memory_space<hbm>>
      %dma_wait3A_915 = arith.constant 0 : i32
      %dma_wait3A_916 = arith.constant 0 : i32
      %dma_wait3A_917 = tpu.memref_slice %arg7[%dma_wait3A_906, %dma_wait3A_915, %dma_wait3A_916] : memref<6x60x128xf32, #tpu.memory_space<vmem>> -> memref<1x60x128xf32, #tpu.memory_space<vmem>>
      %dma_wait3A_918 = tpu.memref_squeeze %dma_wait3A_917 : memref<1x60x128xf32, #tpu.memory_space<vmem>> -> memref<60x128xf32, #tpu.memory_space<vmem>>
      %dma_wait3A_919 = arith.constant 0 : i32
      %dma_wait3A_920 = arith.constant 0 : i32
      %dma_wait3A_921 = tpu.memref_slice %arg4[%dma_wait3A_905, %dma_wait3A_919, %dma_wait3A_920] : memref<1000x60x768xf32, #tpu.memory_space<hbm>> -> memref<1x60x128xf32, #tpu.memory_space<hbm>>
      %dma_wait3A_922 = tpu.memref_squeeze %dma_wait3A_921 : memref<1x60x128xf32, #tpu.memory_space<hbm>> -> memref<60x128xf32, #tpu.memory_space<hbm>>
      tpu.wait_dma2 semaphore(%arg9 : memref<!tpu.dma_semaphore, #tpu.memory_space<semaphore_mem>>) src(%dma_wait3A_922 : memref<60x128xf32, #tpu.memory_space<hbm>>) dst(%dma_wait3A_918 : memref<60x128xf32, #tpu.memory_space<vmem>>)
      %gt3A_923 = arith.constant 0 : i32
      %gt3A_924 = arith.cmpi sgt, %scan3A_552, %gt3A_923 : i32
      %convert_element_type3A_925 = arith.extui %gt3A_924 : i1 to i32
      %cond3A_926 = arith.constant 0 : i32
      %cond3A_927 = arith.cmpi ne, %convert_element_type3A_925, %cond3A_926 : i32
      scf.if %cond3A_927 {
        %dma_wait3A_1614 = arith.constant 2 : i32
        %dma_wait3A_1615 = arith.constant 0 : i32
        %dma_wait3A_1616 = arith.constant 0 : i32
        %dma_wait3A_1617 = arith.constant 0 : i32
        %dma_wait3A_1618 = tpu.memref_slice %arg6[%dma_wait3A_1614, %dma_wait3A_1616, %dma_wait3A_1617] : memref<6x77x128xf32, #tpu.memory_space<vmem>> -> memref<1x77x128xf32, #tpu.memory_space<vmem>>
        %dma_wait3A_1619 = tpu.memref_squeeze %dma_wait3A_1618 : memref<1x77x128xf32, #tpu.memory_space<vmem>> -> memref<77x128xf32, #tpu.memory_space<vmem>>
        %dma_wait3A_1620 = arith.constant 0 : i32
        %dma_wait3A_1621 = arith.constant 0 : i32
        %dma_wait3A_1622 = tpu.memref_slice %arg5[%dma_wait3A_1615, %dma_wait3A_1620, %dma_wait3A_1621] : memref<1000x77x768xf32, #tpu.memory_space<hbm>> -> memref<1x77x128xf32, #tpu.memory_space<hbm>>
        %dma_wait3A_1623 = tpu.memref_squeeze %dma_wait3A_1622 : memref<1x77x128xf32, #tpu.memory_space<hbm>> -> memref<77x128xf32, #tpu.memory_space<hbm>>
        %dma_wait3A_1624 = arith.constant 0 : i32
        %dma_wait3A_1625 = arith.constant 0 : i32
        %dma_wait3A_1626 = tpu.memref_slice %arg5[%dma_wait3A_1615, %dma_wait3A_1624, %dma_wait3A_1625] : memref<1000x77x768xf32, #tpu.memory_space<hbm>> -> memref<1x77x128xf32, #tpu.memory_space<hbm>>
        %dma_wait3A_1627 = tpu.memref_squeeze %dma_wait3A_1626 : memref<1x77x128xf32, #tpu.memory_space<hbm>> -> memref<77x128xf32, #tpu.memory_space<hbm>>
        %dma_wait3A_1628 = arith.constant 0 : i32
        %dma_wait3A_1629 = arith.constant 0 : i32
        %dma_wait3A_1630 = tpu.memref_slice %arg6[%dma_wait3A_1614, %dma_wait3A_1628, %dma_wait3A_1629] : memref<6x77x128xf32, #tpu.memory_space<vmem>> -> memref<1x77x128xf32, #tpu.memory_space<vmem>>
        %dma_wait3A_1631 = tpu.memref_squeeze %dma_wait3A_1630 : memref<1x77x128xf32, #tpu.memory_space<vmem>> -> memref<77x128xf32, #tpu.memory_space<vmem>>
        tpu.wait_dma2 semaphore(%arg10 : memref<!tpu.dma_semaphore, #tpu.memory_space<semaphore_mem>>) src(%dma_wait3A_1631 : memref<77x128xf32, #tpu.memory_space<vmem>>) dst(%dma_wait3A_1627 : memref<77x128xf32, #tpu.memory_space<hbm>>)
      } else {
      }
      %get3A_928 = arith.constant 0 : i32
      %get3A_929 = arith.index_cast %get3A_928 : i32 to index
      %get3A_930 = arith.constant 256 : index
      %get3A_931 = tpu.vector_load %arg8[%get3A_929, %get3A_930] {strides = array<i32>} : memref<1x768xf32, #tpu.memory_space<vmem>>, vector<1x16xf32>,
      %get3A_932 = vector.shape_cast %get3A_931 : vector<1x16xf32> to vector<16xf32>
      %swap3A_933 = arith.constant 2 : i32
      %swap3A_934 = arith.constant 0 : i32
      %swap3A_935 = arith.index_cast %swap3A_933 : i32 to index
      %swap3A_936 = arith.index_cast %swap3A_934 : i32 to index
      %swap3A_937 = arith.constant 0 : index
      %swap3A_938 = tpu.vector_load %arg6[%swap3A_935, %swap3A_936, %swap3A_937] {strides = array<i32>} : memref<6x77x128xf32, #tpu.memory_space<vmem>>, vector<1x1x16xf32>,
      %swap3A_939 = vector.shape_cast %swap3A_938 : vector<1x1x16xf32> to vector<16xf32>
      %swap3A_940 = vector.shape_cast %get3A_932 : vector<16xf32> to vector<1x1x16xf32>
      tpu.vector_store %arg6[%swap3A_935, %swap3A_936, %swap3A_937], %swap3A_940 {strides = array<i32>} : memref<6x77x128xf32, #tpu.memory_space<vmem>>, vector<1x1x16xf32>,
      %get3A_941 = arith.constant 0 : i32
      %get3A_942 = arith.index_cast %get3A_941 : i32 to index
      %get3A_943 = arith.constant 272 : index
      %get3A_944 = tpu.vector_load %arg8[%get3A_942, %get3A_943] {strides = array<i32>} : memref<1x768xf32, #tpu.memory_space<vmem>>, vector<1x16xf32>,
      %get3A_945 = vector.shape_cast %get3A_944 : vector<1x16xf32> to vector<16xf32>
      %swap3A_946 = arith.constant 2 : i32
      %swap3A_947 = arith.constant 0 : i32
      %swap3A_948 = arith.index_cast %swap3A_946 : i32 to index
      %swap3A_949 = arith.index_cast %swap3A_947 : i32 to index
      %swap3A_950 = arith.constant 16 : index
      %swap3A_951 = tpu.vector_load %arg6[%swap3A_948, %swap3A_949, %swap3A_950] {strides = array<i32>} : memref<6x77x128xf32, #tpu.memory_space<vmem>>, vector<1x1x16xf32>,
      %swap3A_952 = vector.shape_cast %swap3A_951 : vector<1x1x16xf32> to vector<16xf32>
      %swap3A_953 = vector.shape_cast %get3A_945 : vector<16xf32> to vector<1x1x16xf32>
      tpu.vector_store %arg6[%swap3A_948, %swap3A_949, %swap3A_950], %swap3A_953 {strides = array<i32>} : memref<6x77x128xf32, #tpu.memory_space<vmem>>, vector<1x1x16xf32>,
      %get3A_954 = arith.constant 0 : i32
      %get3A_955 = arith.index_cast %get3A_954 : i32 to index
      %get3A_956 = arith.constant 288 : index
      %get3A_957 = tpu.vector_load %arg8[%get3A_955, %get3A_956] {strides = array<i32>} : memref<1x768xf32, #tpu.memory_space<vmem>>, vector<1x16xf32>,
      %get3A_958 = vector.shape_cast %get3A_957 : vector<1x16xf32> to vector<16xf32>
      %swap3A_959 = arith.constant 2 : i32
      %swap3A_960 = arith.constant 0 : i32
      %swap3A_961 = arith.index_cast %swap3A_959 : i32 to index
      %swap3A_962 = arith.index_cast %swap3A_960 : i32 to index
      %swap3A_963 = arith.constant 32 : index
      %swap3A_964 = tpu.vector_load %arg6[%swap3A_961, %swap3A_962, %swap3A_963] {strides = array<i32>} : memref<6x77x128xf32, #tpu.memory_space<vmem>>, vector<1x1x16xf32>,
      %swap3A_965 = vector.shape_cast %swap3A_964 : vector<1x1x16xf32> to vector<16xf32>
      %swap3A_966 = vector.shape_cast %get3A_958 : vector<16xf32> to vector<1x1x16xf32>
      tpu.vector_store %arg6[%swap3A_961, %swap3A_962, %swap3A_963], %swap3A_966 {strides = array<i32>} : memref<6x77x128xf32, #tpu.memory_space<vmem>>, vector<1x1x16xf32>,
      %get3A_967 = arith.constant 0 : i32
      %get3A_968 = arith.index_cast %get3A_967 : i32 to index
      %get3A_969 = arith.constant 304 : index
      %get3A_970 = tpu.vector_load %arg8[%get3A_968, %get3A_969] {strides = array<i32>} : memref<1x768xf32, #tpu.memory_space<vmem>>, vector<1x16xf32>,
      %get3A_971 = vector.shape_cast %get3A_970 : vector<1x16xf32> to vector<16xf32>
      %swap3A_972 = arith.constant 2 : i32
      %swap3A_973 = arith.constant 0 : i32
      %swap3A_974 = arith.index_cast %swap3A_972 : i32 to index
      %swap3A_975 = arith.index_cast %swap3A_973 : i32 to index
      %swap3A_976 = arith.constant 48 : index
      %swap3A_977 = tpu.vector_load %arg6[%swap3A_974, %swap3A_975, %swap3A_976] {strides = array<i32>} : memref<6x77x128xf32, #tpu.memory_space<vmem>>, vector<1x1x16xf32>,
      %swap3A_978 = vector.shape_cast %swap3A_977 : vector<1x1x16xf32> to vector<16xf32>
      %swap3A_979 = vector.shape_cast %get3A_971 : vector<16xf32> to vector<1x1x16xf32>
      tpu.vector_store %arg6[%swap3A_974, %swap3A_975, %swap3A_976], %swap3A_979 {strides = array<i32>} : memref<6x77x128xf32, #tpu.memory_space<vmem>>, vector<1x1x16xf32>,
      %get3A_980 = arith.constant 0 : i32
      %get3A_981 = arith.index_cast %get3A_980 : i32 to index
      %get3A_982 = arith.constant 320 : index
      %get3A_983 = tpu.vector_load %arg8[%get3A_981, %get3A_982] {strides = array<i32>} : memref<1x768xf32, #tpu.memory_space<vmem>>, vector<1x16xf32>,
      %get3A_984 = vector.shape_cast %get3A_983 : vector<1x16xf32> to vector<16xf32>
      %swap3A_985 = arith.constant 2 : i32
      %swap3A_986 = arith.constant 0 : i32
      %swap3A_987 = arith.index_cast %swap3A_985 : i32 to index
      %swap3A_988 = arith.index_cast %swap3A_986 : i32 to index
      %swap3A_989 = arith.constant 64 : index
      %swap3A_990 = tpu.vector_load %arg6[%swap3A_987, %swap3A_988, %swap3A_989] {strides = array<i32>} : memref<6x77x128xf32, #tpu.memory_space<vmem>>, vector<1x1x16xf32>,
      %swap3A_991 = vector.shape_cast %swap3A_990 : vector<1x1x16xf32> to vector<16xf32>
      %swap3A_992 = vector.shape_cast %get3A_984 : vector<16xf32> to vector<1x1x16xf32>
      tpu.vector_store %arg6[%swap3A_987, %swap3A_988, %swap3A_989], %swap3A_992 {strides = array<i32>} : memref<6x77x128xf32, #tpu.memory_space<vmem>>, vector<1x1x16xf32>,
      %get3A_993 = arith.constant 0 : i32
      %get3A_994 = arith.index_cast %get3A_993 : i32 to index
      %get3A_995 = arith.constant 336 : index
      %get3A_996 = tpu.vector_load %arg8[%get3A_994, %get3A_995] {strides = array<i32>} : memref<1x768xf32, #tpu.memory_space<vmem>>, vector<1x16xf32>,
      %get3A_997 = vector.shape_cast %get3A_996 : vector<1x16xf32> to vector<16xf32>
      %swap3A_998 = arith.constant 2 : i32
      %swap3A_999 = arith.constant 0 : i32
      %swap3A_1000 = arith.index_cast %swap3A_998 : i32 to index
      %swap3A_1001 = arith.index_cast %swap3A_999 : i32 to index
      %swap3A_1002 = arith.constant 80 : index
      %swap3A_1003 = tpu.vector_load %arg6[%swap3A_1000, %swap3A_1001, %swap3A_1002] {strides = array<i32>} : memref<6x77x128xf32, #tpu.memory_space<vmem>>, vector<1x1x16xf32>,
      %swap3A_1004 = vector.shape_cast %swap3A_1003 : vector<1x1x16xf32> to vector<16xf32>
      %swap3A_1005 = vector.shape_cast %get3A_997 : vector<16xf32> to vector<1x1x16xf32>
      tpu.vector_store %arg6[%swap3A_1000, %swap3A_1001, %swap3A_1002], %swap3A_1005 {strides = array<i32>} : memref<6x77x128xf32, #tpu.memory_space<vmem>>, vector<1x1x16xf32>,
      %get3A_1006 = arith.constant 0 : i32
      %get3A_1007 = arith.index_cast %get3A_1006 : i32 to index
      %get3A_1008 = arith.constant 352 : index
      %get3A_1009 = tpu.vector_load %arg8[%get3A_1007, %get3A_1008] {strides = array<i32>} : memref<1x768xf32, #tpu.memory_space<vmem>>, vector<1x16xf32>,
      %get3A_1010 = vector.shape_cast %get3A_1009 : vector<1x16xf32> to vector<16xf32>
      %swap3A_1011 = arith.constant 2 : i32
      %swap3A_1012 = arith.constant 0 : i32
      %swap3A_1013 = arith.index_cast %swap3A_1011 : i32 to index
      %swap3A_1014 = arith.index_cast %swap3A_1012 : i32 to index
      %swap3A_1015 = arith.constant 96 : index
      %swap3A_1016 = tpu.vector_load %arg6[%swap3A_1013, %swap3A_1014, %swap3A_1015] {strides = array<i32>} : memref<6x77x128xf32, #tpu.memory_space<vmem>>, vector<1x1x16xf32>,
      %swap3A_1017 = vector.shape_cast %swap3A_1016 : vector<1x1x16xf32> to vector<16xf32>
      %swap3A_1018 = vector.shape_cast %get3A_1010 : vector<16xf32> to vector<1x1x16xf32>
      tpu.vector_store %arg6[%swap3A_1013, %swap3A_1014, %swap3A_1015], %swap3A_1018 {strides = array<i32>} : memref<6x77x128xf32, #tpu.memory_space<vmem>>, vector<1x1x16xf32>,
      %get3A_1019 = arith.constant 0 : i32
      %get3A_1020 = arith.index_cast %get3A_1019 : i32 to index
      %get3A_1021 = arith.constant 368 : index
      %get3A_1022 = tpu.vector_load %arg8[%get3A_1020, %get3A_1021] {strides = array<i32>} : memref<1x768xf32, #tpu.memory_space<vmem>>, vector<1x16xf32>,
      %get3A_1023 = vector.shape_cast %get3A_1022 : vector<1x16xf32> to vector<16xf32>
      %swap3A_1024 = arith.constant 2 : i32
      %swap3A_1025 = arith.constant 0 : i32
      %swap3A_1026 = arith.index_cast %swap3A_1024 : i32 to index
      %swap3A_1027 = arith.index_cast %swap3A_1025 : i32 to index
      %swap3A_1028 = arith.constant 112 : index
      %swap3A_1029 = tpu.vector_load %arg6[%swap3A_1026, %swap3A_1027, %swap3A_1028] {strides = array<i32>} : memref<6x77x128xf32, #tpu.memory_space<vmem>>, vector<1x1x16xf32>,
      %swap3A_1030 = vector.shape_cast %swap3A_1029 : vector<1x1x16xf32> to vector<16xf32>
      %swap3A_1031 = vector.shape_cast %get3A_1023 : vector<16xf32> to vector<1x1x16xf32>
      tpu.vector_store %arg6[%swap3A_1026, %swap3A_1027, %swap3A_1028], %swap3A_1031 {strides = array<i32>} : memref<6x77x128xf32, #tpu.memory_space<vmem>>, vector<1x1x16xf32>,
      %scan3A_1032 = arith.constant 0 : i32
      %scan3A_1033 = arith.constant 60 : i32
      %scan3A_1034 = arith.addi %scan3A_1032, %scan3A_1033 : i32
      %scan3A_1035 = arith.constant 1 : i32
      scf.for %scan3A_1614 = %scan3A_1032 to %scan3A_1034 step %scan3A_1035  : i32 {
        %add3A_1615 = arith.constant 0 : i32
        %add3A_1616 = arith.addi %add3A_1615, %scan3A_1614 : i32
        %get3A_1617 = arith.constant 2 : i32
        %get3A_1618 = arith.constant 0 : i32
        %get3A_1619 = arith.constant 0 : i32
        %get3A_1620 = tpu.memref_slice %arg7[%get3A_1617, %get3A_1618, %get3A_1619] : memref<6x60x128xf32, #tpu.memory_space<vmem>> -> memref<1x60x128xf32, #tpu.memory_space<vmem>>
        %get3A_1621 = tpu.memref_squeeze %get3A_1620 : memref<1x60x128xf32, #tpu.memory_space<vmem>> -> memref<60x128xf32, #tpu.memory_space<vmem>>
        %get3A_1622 = arith.index_cast %add3A_1616 : i32 to index
        %get3A_1623 = arith.constant 0 : index
        %get3A_1624 = tpu.vector_load %get3A_1621[%get3A_1622, %get3A_1623] {strides = array<i32>} : memref<60x128xf32, #tpu.memory_space<vmem>>, vector<1x16xf32>,
        %get3A_1625 = vector.shape_cast %get3A_1624 : vector<1x16xf32> to vector<16xf32>
        %add3A_1626 = arith.constant 17 : i32
        %add3A_1627 = arith.addi %add3A_1626, %scan3A_1614 : i32
        %swap3A_1628 = arith.constant 2 : i32
        %swap3A_1629 = arith.constant 0 : i32
        %swap3A_1630 = arith.constant 0 : i32
        %swap3A_1631 = tpu.memref_slice %arg6[%swap3A_1628, %swap3A_1629, %swap3A_1630] : memref<6x77x128xf32, #tpu.memory_space<vmem>> -> memref<1x77x128xf32, #tpu.memory_space<vmem>>
        %swap3A_1632 = tpu.memref_squeeze %swap3A_1631 : memref<1x77x128xf32, #tpu.memory_space<vmem>> -> memref<77x128xf32, #tpu.memory_space<vmem>>
        %swap3A_1633 = arith.index_cast %add3A_1627 : i32 to index
        %swap3A_1634 = arith.constant 0 : index
        %swap3A_1635 = tpu.vector_load %swap3A_1632[%swap3A_1633, %swap3A_1634] {strides = array<i32>} : memref<77x128xf32, #tpu.memory_space<vmem>>, vector<1x16xf32>,
        %swap3A_1636 = vector.shape_cast %swap3A_1635 : vector<1x16xf32> to vector<16xf32>
        %swap3A_1637 = vector.shape_cast %get3A_1625 : vector<16xf32> to vector<1x16xf32>
        tpu.vector_store %swap3A_1632[%swap3A_1633, %swap3A_1634], %swap3A_1637 {strides = array<i32>} : memref<77x128xf32, #tpu.memory_space<vmem>>, vector<1x16xf32>,
        %add3A_1638 = arith.constant 0 : i32
        %add3A_1639 = arith.addi %add3A_1638, %scan3A_1614 : i32
        %get3A_1640 = arith.constant 2 : i32
        %get3A_1641 = arith.constant 0 : i32
        %get3A_1642 = arith.constant 0 : i32
        %get3A_1643 = tpu.memref_slice %arg7[%get3A_1640, %get3A_1641, %get3A_1642] : memref<6x60x128xf32, #tpu.memory_space<vmem>> -> memref<1x60x128xf32, #tpu.memory_space<vmem>>
        %get3A_1644 = tpu.memref_squeeze %get3A_1643 : memref<1x60x128xf32, #tpu.memory_space<vmem>> -> memref<60x128xf32, #tpu.memory_space<vmem>>
        %get3A_1645 = arith.index_cast %add3A_1639 : i32 to index
        %get3A_1646 = arith.constant 16 : index
        %get3A_1647 = tpu.vector_load %get3A_1644[%get3A_1645, %get3A_1646] {strides = array<i32>} : memref<60x128xf32, #tpu.memory_space<vmem>>, vector<1x16xf32>,
        %get3A_1648 = vector.shape_cast %get3A_1647 : vector<1x16xf32> to vector<16xf32>
        %add3A_1649 = arith.constant 17 : i32
        %add3A_1650 = arith.addi %add3A_1649, %scan3A_1614 : i32
        %swap3A_1651 = arith.constant 2 : i32
        %swap3A_1652 = arith.constant 0 : i32
        %swap3A_1653 = arith.constant 0 : i32
        %swap3A_1654 = tpu.memref_slice %arg6[%swap3A_1651, %swap3A_1652, %swap3A_1653] : memref<6x77x128xf32, #tpu.memory_space<vmem>> -> memref<1x77x128xf32, #tpu.memory_space<vmem>>
        %swap3A_1655 = tpu.memref_squeeze %swap3A_1654 : memref<1x77x128xf32, #tpu.memory_space<vmem>> -> memref<77x128xf32, #tpu.memory_space<vmem>>
        %swap3A_1656 = arith.index_cast %add3A_1650 : i32 to index
        %swap3A_1657 = arith.constant 16 : index
        %swap3A_1658 = tpu.vector_load %swap3A_1655[%swap3A_1656, %swap3A_1657] {strides = array<i32>} : memref<77x128xf32, #tpu.memory_space<vmem>>, vector<1x16xf32>,
        %swap3A_1659 = vector.shape_cast %swap3A_1658 : vector<1x16xf32> to vector<16xf32>
        %swap3A_1660 = vector.shape_cast %get3A_1648 : vector<16xf32> to vector<1x16xf32>
        tpu.vector_store %swap3A_1655[%swap3A_1656, %swap3A_1657], %swap3A_1660 {strides = array<i32>} : memref<77x128xf32, #tpu.memory_space<vmem>>, vector<1x16xf32>,
        %add3A_1661 = arith.constant 0 : i32
        %add3A_1662 = arith.addi %add3A_1661, %scan3A_1614 : i32
        %get3A_1663 = arith.constant 2 : i32
        %get3A_1664 = arith.constant 0 : i32
        %get3A_1665 = arith.constant 0 : i32
        %get3A_1666 = tpu.memref_slice %arg7[%get3A_1663, %get3A_1664, %get3A_1665] : memref<6x60x128xf32, #tpu.memory_space<vmem>> -> memref<1x60x128xf32, #tpu.memory_space<vmem>>
        %get3A_1667 = tpu.memref_squeeze %get3A_1666 : memref<1x60x128xf32, #tpu.memory_space<vmem>> -> memref<60x128xf32, #tpu.memory_space<vmem>>
        %get3A_1668 = arith.index_cast %add3A_1662 : i32 to index
        %get3A_1669 = arith.constant 32 : index
        %get3A_1670 = tpu.vector_load %get3A_1667[%get3A_1668, %get3A_1669] {strides = array<i32>} : memref<60x128xf32, #tpu.memory_space<vmem>>, vector<1x16xf32>,
        %get3A_1671 = vector.shape_cast %get3A_1670 : vector<1x16xf32> to vector<16xf32>
        %add3A_1672 = arith.constant 17 : i32
        %add3A_1673 = arith.addi %add3A_1672, %scan3A_1614 : i32
        %swap3A_1674 = arith.constant 2 : i32
        %swap3A_1675 = arith.constant 0 : i32
        %swap3A_1676 = arith.constant 0 : i32
        %swap3A_1677 = tpu.memref_slice %arg6[%swap3A_1674, %swap3A_1675, %swap3A_1676] : memref<6x77x128xf32, #tpu.memory_space<vmem>> -> memref<1x77x128xf32, #tpu.memory_space<vmem>>
        %swap3A_1678 = tpu.memref_squeeze %swap3A_1677 : memref<1x77x128xf32, #tpu.memory_space<vmem>> -> memref<77x128xf32, #tpu.memory_space<vmem>>
        %swap3A_1679 = arith.index_cast %add3A_1673 : i32 to index
        %swap3A_1680 = arith.constant 32 : index
        %swap3A_1681 = tpu.vector_load %swap3A_1678[%swap3A_1679, %swap3A_1680] {strides = array<i32>} : memref<77x128xf32, #tpu.memory_space<vmem>>, vector<1x16xf32>,
        %swap3A_1682 = vector.shape_cast %swap3A_1681 : vector<1x16xf32> to vector<16xf32>
        %swap3A_1683 = vector.shape_cast %get3A_1671 : vector<16xf32> to vector<1x16xf32>
        tpu.vector_store %swap3A_1678[%swap3A_1679, %swap3A_1680], %swap3A_1683 {strides = array<i32>} : memref<77x128xf32, #tpu.memory_space<vmem>>, vector<1x16xf32>,
        %add3A_1684 = arith.constant 0 : i32
        %add3A_1685 = arith.addi %add3A_1684, %scan3A_1614 : i32
        %get3A_1686 = arith.constant 2 : i32
        %get3A_1687 = arith.constant 0 : i32
        %get3A_1688 = arith.constant 0 : i32
        %get3A_1689 = tpu.memref_slice %arg7[%get3A_1686, %get3A_1687, %get3A_1688] : memref<6x60x128xf32, #tpu.memory_space<vmem>> -> memref<1x60x128xf32, #tpu.memory_space<vmem>>
        %get3A_1690 = tpu.memref_squeeze %get3A_1689 : memref<1x60x128xf32, #tpu.memory_space<vmem>> -> memref<60x128xf32, #tpu.memory_space<vmem>>
        %get3A_1691 = arith.index_cast %add3A_1685 : i32 to index
        %get3A_1692 = arith.constant 48 : index
        %get3A_1693 = tpu.vector_load %get3A_1690[%get3A_1691, %get3A_1692] {strides = array<i32>} : memref<60x128xf32, #tpu.memory_space<vmem>>, vector<1x16xf32>,
        %get3A_1694 = vector.shape_cast %get3A_1693 : vector<1x16xf32> to vector<16xf32>
        %add3A_1695 = arith.constant 17 : i32
        %add3A_1696 = arith.addi %add3A_1695, %scan3A_1614 : i32
        %swap3A_1697 = arith.constant 2 : i32
        %swap3A_1698 = arith.constant 0 : i32
        %swap3A_1699 = arith.constant 0 : i32
        %swap3A_1700 = tpu.memref_slice %arg6[%swap3A_1697, %swap3A_1698, %swap3A_1699] : memref<6x77x128xf32, #tpu.memory_space<vmem>> -> memref<1x77x128xf32, #tpu.memory_space<vmem>>
        %swap3A_1701 = tpu.memref_squeeze %swap3A_1700 : memref<1x77x128xf32, #tpu.memory_space<vmem>> -> memref<77x128xf32, #tpu.memory_space<vmem>>
        %swap3A_1702 = arith.index_cast %add3A_1696 : i32 to index
        %swap3A_1703 = arith.constant 48 : index
        %swap3A_1704 = tpu.vector_load %swap3A_1701[%swap3A_1702, %swap3A_1703] {strides = array<i32>} : memref<77x128xf32, #tpu.memory_space<vmem>>, vector<1x16xf32>,
        %swap3A_1705 = vector.shape_cast %swap3A_1704 : vector<1x16xf32> to vector<16xf32>
        %swap3A_1706 = vector.shape_cast %get3A_1694 : vector<16xf32> to vector<1x16xf32>
        tpu.vector_store %swap3A_1701[%swap3A_1702, %swap3A_1703], %swap3A_1706 {strides = array<i32>} : memref<77x128xf32, #tpu.memory_space<vmem>>, vector<1x16xf32>,
        %add3A_1707 = arith.constant 0 : i32
        %add3A_1708 = arith.addi %add3A_1707, %scan3A_1614 : i32
        %get3A_1709 = arith.constant 2 : i32
        %get3A_1710 = arith.constant 0 : i32
        %get3A_1711 = arith.constant 0 : i32
        %get3A_1712 = tpu.memref_slice %arg7[%get3A_1709, %get3A_1710, %get3A_1711] : memref<6x60x128xf32, #tpu.memory_space<vmem>> -> memref<1x60x128xf32, #tpu.memory_space<vmem>>
        %get3A_1713 = tpu.memref_squeeze %get3A_1712 : memref<1x60x128xf32, #tpu.memory_space<vmem>> -> memref<60x128xf32, #tpu.memory_space<vmem>>
        %get3A_1714 = arith.index_cast %add3A_1708 : i32 to index
        %get3A_1715 = arith.constant 64 : index
        %get3A_1716 = tpu.vector_load %get3A_1713[%get3A_1714, %get3A_1715] {strides = array<i32>} : memref<60x128xf32, #tpu.memory_space<vmem>>, vector<1x16xf32>,
        %get3A_1717 = vector.shape_cast %get3A_1716 : vector<1x16xf32> to vector<16xf32>
        %add3A_1718 = arith.constant 17 : i32
        %add3A_1719 = arith.addi %add3A_1718, %scan3A_1614 : i32
        %swap3A_1720 = arith.constant 2 : i32
        %swap3A_1721 = arith.constant 0 : i32
        %swap3A_1722 = arith.constant 0 : i32
        %swap3A_1723 = tpu.memref_slice %arg6[%swap3A_1720, %swap3A_1721, %swap3A_1722] : memref<6x77x128xf32, #tpu.memory_space<vmem>> -> memref<1x77x128xf32, #tpu.memory_space<vmem>>
        %swap3A_1724 = tpu.memref_squeeze %swap3A_1723 : memref<1x77x128xf32, #tpu.memory_space<vmem>> -> memref<77x128xf32, #tpu.memory_space<vmem>>
        %swap3A_1725 = arith.index_cast %add3A_1719 : i32 to index
        %swap3A_1726 = arith.constant 64 : index
        %swap3A_1727 = tpu.vector_load %swap3A_1724[%swap3A_1725, %swap3A_1726] {strides = array<i32>} : memref<77x128xf32, #tpu.memory_space<vmem>>, vector<1x16xf32>,
        %swap3A_1728 = vector.shape_cast %swap3A_1727 : vector<1x16xf32> to vector<16xf32>
        %swap3A_1729 = vector.shape_cast %get3A_1717 : vector<16xf32> to vector<1x16xf32>
        tpu.vector_store %swap3A_1724[%swap3A_1725, %swap3A_1726], %swap3A_1729 {strides = array<i32>} : memref<77x128xf32, #tpu.memory_space<vmem>>, vector<1x16xf32>,
        %add3A_1730 = arith.constant 0 : i32
        %add3A_1731 = arith.addi %add3A_1730, %scan3A_1614 : i32
        %get3A_1732 = arith.constant 2 : i32
        %get3A_1733 = arith.constant 0 : i32
        %get3A_1734 = arith.constant 0 : i32
        %get3A_1735 = tpu.memref_slice %arg7[%get3A_1732, %get3A_1733, %get3A_1734] : memref<6x60x128xf32, #tpu.memory_space<vmem>> -> memref<1x60x128xf32, #tpu.memory_space<vmem>>
        %get3A_1736 = tpu.memref_squeeze %get3A_1735 : memref<1x60x128xf32, #tpu.memory_space<vmem>> -> memref<60x128xf32, #tpu.memory_space<vmem>>
        %get3A_1737 = arith.index_cast %add3A_1731 : i32 to index
        %get3A_1738 = arith.constant 80 : index
        %get3A_1739 = tpu.vector_load %get3A_1736[%get3A_1737, %get3A_1738] {strides = array<i32>} : memref<60x128xf32, #tpu.memory_space<vmem>>, vector<1x16xf32>,
        %get3A_1740 = vector.shape_cast %get3A_1739 : vector<1x16xf32> to vector<16xf32>
        %add3A_1741 = arith.constant 17 : i32
        %add3A_1742 = arith.addi %add3A_1741, %scan3A_1614 : i32
        %swap3A_1743 = arith.constant 2 : i32
        %swap3A_1744 = arith.constant 0 : i32
        %swap3A_1745 = arith.constant 0 : i32
        %swap3A_1746 = tpu.memref_slice %arg6[%swap3A_1743, %swap3A_1744, %swap3A_1745] : memref<6x77x128xf32, #tpu.memory_space<vmem>> -> memref<1x77x128xf32, #tpu.memory_space<vmem>>
        %swap3A_1747 = tpu.memref_squeeze %swap3A_1746 : memref<1x77x128xf32, #tpu.memory_space<vmem>> -> memref<77x128xf32, #tpu.memory_space<vmem>>
        %swap3A_1748 = arith.index_cast %add3A_1742 : i32 to index
        %swap3A_1749 = arith.constant 80 : index
        %swap3A_1750 = tpu.vector_load %swap3A_1747[%swap3A_1748, %swap3A_1749] {strides = array<i32>} : memref<77x128xf32, #tpu.memory_space<vmem>>, vector<1x16xf32>,
        %swap3A_1751 = vector.shape_cast %swap3A_1750 : vector<1x16xf32> to vector<16xf32>
        %swap3A_1752 = vector.shape_cast %get3A_1740 : vector<16xf32> to vector<1x16xf32>
        tpu.vector_store %swap3A_1747[%swap3A_1748, %swap3A_1749], %swap3A_1752 {strides = array<i32>} : memref<77x128xf32, #tpu.memory_space<vmem>>, vector<1x16xf32>,
        %add3A_1753 = arith.constant 0 : i32
        %add3A_1754 = arith.addi %add3A_1753, %scan3A_1614 : i32
        %get3A_1755 = arith.constant 2 : i32
        %get3A_1756 = arith.constant 0 : i32
        %get3A_1757 = arith.constant 0 : i32
        %get3A_1758 = tpu.memref_slice %arg7[%get3A_1755, %get3A_1756, %get3A_1757] : memref<6x60x128xf32, #tpu.memory_space<vmem>> -> memref<1x60x128xf32, #tpu.memory_space<vmem>>
        %get3A_1759 = tpu.memref_squeeze %get3A_1758 : memref<1x60x128xf32, #tpu.memory_space<vmem>> -> memref<60x128xf32, #tpu.memory_space<vmem>>
        %get3A_1760 = arith.index_cast %add3A_1754 : i32 to index
        %get3A_1761 = arith.constant 96 : index
        %get3A_1762 = tpu.vector_load %get3A_1759[%get3A_1760, %get3A_1761] {strides = array<i32>} : memref<60x128xf32, #tpu.memory_space<vmem>>, vector<1x16xf32>,
        %get3A_1763 = vector.shape_cast %get3A_1762 : vector<1x16xf32> to vector<16xf32>
        %add3A_1764 = arith.constant 17 : i32
        %add3A_1765 = arith.addi %add3A_1764, %scan3A_1614 : i32
        %swap3A_1766 = arith.constant 2 : i32
        %swap3A_1767 = arith.constant 0 : i32
        %swap3A_1768 = arith.constant 0 : i32
        %swap3A_1769 = tpu.memref_slice %arg6[%swap3A_1766, %swap3A_1767, %swap3A_1768] : memref<6x77x128xf32, #tpu.memory_space<vmem>> -> memref<1x77x128xf32, #tpu.memory_space<vmem>>
        %swap3A_1770 = tpu.memref_squeeze %swap3A_1769 : memref<1x77x128xf32, #tpu.memory_space<vmem>> -> memref<77x128xf32, #tpu.memory_space<vmem>>
        %swap3A_1771 = arith.index_cast %add3A_1765 : i32 to index
        %swap3A_1772 = arith.constant 96 : index
        %swap3A_1773 = tpu.vector_load %swap3A_1770[%swap3A_1771, %swap3A_1772] {strides = array<i32>} : memref<77x128xf32, #tpu.memory_space<vmem>>, vector<1x16xf32>,
        %swap3A_1774 = vector.shape_cast %swap3A_1773 : vector<1x16xf32> to vector<16xf32>
        %swap3A_1775 = vector.shape_cast %get3A_1763 : vector<16xf32> to vector<1x16xf32>
        tpu.vector_store %swap3A_1770[%swap3A_1771, %swap3A_1772], %swap3A_1775 {strides = array<i32>} : memref<77x128xf32, #tpu.memory_space<vmem>>, vector<1x16xf32>,
        %add3A_1776 = arith.constant 0 : i32
        %add3A_1777 = arith.addi %add3A_1776, %scan3A_1614 : i32
        %get3A_1778 = arith.constant 2 : i32
        %get3A_1779 = arith.constant 0 : i32
        %get3A_1780 = arith.constant 0 : i32
        %get3A_1781 = tpu.memref_slice %arg7[%get3A_1778, %get3A_1779, %get3A_1780] : memref<6x60x128xf32, #tpu.memory_space<vmem>> -> memref<1x60x128xf32, #tpu.memory_space<vmem>>
        %get3A_1782 = tpu.memref_squeeze %get3A_1781 : memref<1x60x128xf32, #tpu.memory_space<vmem>> -> memref<60x128xf32, #tpu.memory_space<vmem>>
        %get3A_1783 = arith.index_cast %add3A_1777 : i32 to index
        %get3A_1784 = arith.constant 112 : index
        %get3A_1785 = tpu.vector_load %get3A_1782[%get3A_1783, %get3A_1784] {strides = array<i32>} : memref<60x128xf32, #tpu.memory_space<vmem>>, vector<1x16xf32>,
        %get3A_1786 = vector.shape_cast %get3A_1785 : vector<1x16xf32> to vector<16xf32>
        %add3A_1787 = arith.constant 17 : i32
        %add3A_1788 = arith.addi %add3A_1787, %scan3A_1614 : i32
        %swap3A_1789 = arith.constant 2 : i32
        %swap3A_1790 = arith.constant 0 : i32
        %swap3A_1791 = arith.constant 0 : i32
        %swap3A_1792 = tpu.memref_slice %arg6[%swap3A_1789, %swap3A_1790, %swap3A_1791] : memref<6x77x128xf32, #tpu.memory_space<vmem>> -> memref<1x77x128xf32, #tpu.memory_space<vmem>>
        %swap3A_1793 = tpu.memref_squeeze %swap3A_1792 : memref<1x77x128xf32, #tpu.memory_space<vmem>> -> memref<77x128xf32, #tpu.memory_space<vmem>>
        %swap3A_1794 = arith.index_cast %add3A_1788 : i32 to index
        %swap3A_1795 = arith.constant 112 : index
        %swap3A_1796 = tpu.vector_load %swap3A_1793[%swap3A_1794, %swap3A_1795] {strides = array<i32>} : memref<77x128xf32, #tpu.memory_space<vmem>>, vector<1x16xf32>,
        %swap3A_1797 = vector.shape_cast %swap3A_1796 : vector<1x16xf32> to vector<16xf32>
        %swap3A_1798 = vector.shape_cast %get3A_1786 : vector<16xf32> to vector<1x16xf32>
        tpu.vector_store %swap3A_1793[%swap3A_1794, %swap3A_1795], %swap3A_1798 {strides = array<i32>} : memref<77x128xf32, #tpu.memory_space<vmem>>, vector<1x16xf32>,
      }
      %scan3A_1036 = arith.constant 60 : i32
      %add3A_1037 = arith.addi %mul3A_2, %scan3A_552 : i32
      %min3A_1038 = arith.constant 999 : i32
      %min3A_1039 = arith.minsi %add3A_1037, %min3A_1038 : i32
      %dma_start3A_1040 = arith.constant 2 : i32
      %dma_start3A_1041 = arith.constant 0 : i32
      %dma_start3A_1042 = arith.constant 0 : i32
      %dma_start3A_1043 = tpu.memref_slice %arg6[%dma_start3A_1040, %dma_start3A_1041, %dma_start3A_1042] : memref<6x77x128xf32, #tpu.memory_space<vmem>> -> memref<1x77x128xf32, #tpu.memory_space<vmem>>
      %dma_start3A_1044 = tpu.memref_squeeze %dma_start3A_1043 : memref<1x77x128xf32, #tpu.memory_space<vmem>> -> memref<77x128xf32, #tpu.memory_space<vmem>>
      %dma_start3A_1045 = arith.constant 0 : i32
      %dma_start3A_1046 = arith.constant 256 : i32
      %dma_start3A_1047 = tpu.memref_slice %arg5[%min3A_1039, %dma_start3A_1045, %dma_start3A_1046] : memref<1000x77x768xf32, #tpu.memory_space<hbm>> -> memref<1x77x128xf32, #tpu.memory_space<hbm>>
      %dma_start3A_1048 = tpu.memref_squeeze %dma_start3A_1047 : memref<1x77x128xf32, #tpu.memory_space<hbm>> -> memref<77x128xf32, #tpu.memory_space<hbm>>
      %dma_start3A_1049 = arith.constant 0 : i32
      %dma_start3A_1050 = arith.constant 256 : i32
      %dma_start3A_1051 = tpu.memref_slice %arg5[%min3A_1039, %dma_start3A_1049, %dma_start3A_1050] : memref<1000x77x768xf32, #tpu.memory_space<hbm>> -> memref<1x77x128xf32, #tpu.memory_space<hbm>>
      %dma_start3A_1052 = tpu.memref_squeeze %dma_start3A_1051 : memref<1x77x128xf32, #tpu.memory_space<hbm>> -> memref<77x128xf32, #tpu.memory_space<hbm>>
      %dma_start3A_1053 = arith.constant 0 : i32
      %dma_start3A_1054 = arith.constant 0 : i32
      %dma_start3A_1055 = tpu.memref_slice %arg6[%dma_start3A_1040, %dma_start3A_1053, %dma_start3A_1054] : memref<6x77x128xf32, #tpu.memory_space<vmem>> -> memref<1x77x128xf32, #tpu.memory_space<vmem>>
      %dma_start3A_1056 = tpu.memref_squeeze %dma_start3A_1055 : memref<1x77x128xf32, #tpu.memory_space<vmem>> -> memref<77x128xf32, #tpu.memory_space<vmem>>
      tpu.enqueue_dma source(%dma_start3A_1056 : memref<77x128xf32, #tpu.memory_space<vmem>>) target(%dma_start3A_1052 : memref<77x128xf32, #tpu.memory_space<hbm>>) target_semaphore(%arg10 : memref<!tpu.dma_semaphore, #tpu.memory_space<semaphore_mem>>)
      %add3A_1057 = arith.constant 1 : i32
      %add3A_1058 = arith.addi %scan3A_552, %add3A_1057 : i32
      %add3A_1059 = arith.addi %mul3A_2, %add3A_1058 : i32
      %min3A_1060 = arith.constant 999 : i32
      %min3A_1061 = arith.minsi %add3A_1059, %min3A_1060 : i32
      %dma_start3A_1062 = arith.constant 2 : i32
      %dma_start3A_1063 = arith.constant 0 : i32
      %dma_start3A_1064 = arith.constant 0 : i32
      %dma_start3A_1065 = tpu.memref_slice %arg7[%dma_start3A_1062, %dma_start3A_1063, %dma_start3A_1064] : memref<6x60x128xf32, #tpu.memory_space<vmem>> -> memref<1x60x128xf32, #tpu.memory_space<vmem>>
      %dma_start3A_1066 = tpu.memref_squeeze %dma_start3A_1065 : memref<1x60x128xf32, #tpu.memory_space<vmem>> -> memref<60x128xf32, #tpu.memory_space<vmem>>
      %dma_start3A_1067 = arith.constant 0 : i32
      %dma_start3A_1068 = arith.constant 256 : i32
      %dma_start3A_1069 = tpu.memref_slice %arg4[%min3A_1061, %dma_start3A_1067, %dma_start3A_1068] : memref<1000x60x768xf32, #tpu.memory_space<hbm>> -> memref<1x60x128xf32, #tpu.memory_space<hbm>>
      %dma_start3A_1070 = tpu.memref_squeeze %dma_start3A_1069 : memref<1x60x128xf32, #tpu.memory_space<hbm>> -> memref<60x128xf32, #tpu.memory_space<hbm>>
      %dma_start3A_1071 = arith.constant 0 : i32
      %dma_start3A_1072 = arith.constant 0 : i32
      %dma_start3A_1073 = tpu.memref_slice %arg7[%dma_start3A_1062, %dma_start3A_1071, %dma_start3A_1072] : memref<6x60x128xf32, #tpu.memory_space<vmem>> -> memref<1x60x128xf32, #tpu.memory_space<vmem>>
      %dma_start3A_1074 = tpu.memref_squeeze %dma_start3A_1073 : memref<1x60x128xf32, #tpu.memory_space<vmem>> -> memref<60x128xf32, #tpu.memory_space<vmem>>
      %dma_start3A_1075 = arith.constant 0 : i32
      %dma_start3A_1076 = arith.constant 256 : i32
      %dma_start3A_1077 = tpu.memref_slice %arg4[%min3A_1061, %dma_start3A_1075, %dma_start3A_1076] : memref<1000x60x768xf32, #tpu.memory_space<hbm>> -> memref<1x60x128xf32, #tpu.memory_space<hbm>>
      %dma_start3A_1078 = tpu.memref_squeeze %dma_start3A_1077 : memref<1x60x128xf32, #tpu.memory_space<hbm>> -> memref<60x128xf32, #tpu.memory_space<hbm>>
      tpu.enqueue_dma source(%dma_start3A_1078 : memref<60x128xf32, #tpu.memory_space<hbm>>) target(%dma_start3A_1074 : memref<60x128xf32, #tpu.memory_space<vmem>>) target_semaphore(%arg9 : memref<!tpu.dma_semaphore, #tpu.memory_space<semaphore_mem>>)
      %dma_wait3A_1079 = arith.constant 0 : i32
      %dma_wait3A_1080 = arith.constant 3 : i32
      %dma_wait3A_1081 = arith.constant 0 : i32
      %dma_wait3A_1082 = arith.constant 0 : i32
      %dma_wait3A_1083 = tpu.memref_slice %arg7[%dma_wait3A_1080, %dma_wait3A_1081, %dma_wait3A_1082] : memref<6x60x128xf32, #tpu.memory_space<vmem>> -> memref<1x60x128xf32, #tpu.memory_space<vmem>>
      %dma_wait3A_1084 = tpu.memref_squeeze %dma_wait3A_1083 : memref<1x60x128xf32, #tpu.memory_space<vmem>> -> memref<60x128xf32, #tpu.memory_space<vmem>>
      %dma_wait3A_1085 = arith.constant 0 : i32
      %dma_wait3A_1086 = arith.constant 0 : i32
      %dma_wait3A_1087 = tpu.memref_slice %arg4[%dma_wait3A_1079, %dma_wait3A_1085, %dma_wait3A_1086] : memref<1000x60x768xf32, #tpu.memory_space<hbm>> -> memref<1x60x128xf32, #tpu.memory_space<hbm>>
      %dma_wait3A_1088 = tpu.memref_squeeze %dma_wait3A_1087 : memref<1x60x128xf32, #tpu.memory_space<hbm>> -> memref<60x128xf32, #tpu.memory_space<hbm>>
      %dma_wait3A_1089 = arith.constant 0 : i32
      %dma_wait3A_1090 = arith.constant 0 : i32
      %dma_wait3A_1091 = tpu.memref_slice %arg7[%dma_wait3A_1080, %dma_wait3A_1089, %dma_wait3A_1090] : memref<6x60x128xf32, #tpu.memory_space<vmem>> -> memref<1x60x128xf32, #tpu.memory_space<vmem>>
      %dma_wait3A_1092 = tpu.memref_squeeze %dma_wait3A_1091 : memref<1x60x128xf32, #tpu.memory_space<vmem>> -> memref<60x128xf32, #tpu.memory_space<vmem>>
      %dma_wait3A_1093 = arith.constant 0 : i32
      %dma_wait3A_1094 = arith.constant 0 : i32
      %dma_wait3A_1095 = tpu.memref_slice %arg4[%dma_wait3A_1079, %dma_wait3A_1093, %dma_wait3A_1094] : memref<1000x60x768xf32, #tpu.memory_space<hbm>> -> memref<1x60x128xf32, #tpu.memory_space<hbm>>
      %dma_wait3A_1096 = tpu.memref_squeeze %dma_wait3A_1095 : memref<1x60x128xf32, #tpu.memory_space<hbm>> -> memref<60x128xf32, #tpu.memory_space<hbm>>
      tpu.wait_dma2 semaphore(%arg9 : memref<!tpu.dma_semaphore, #tpu.memory_space<semaphore_mem>>) src(%dma_wait3A_1096 : memref<60x128xf32, #tpu.memory_space<hbm>>) dst(%dma_wait3A_1092 : memref<60x128xf32, #tpu.memory_space<vmem>>)
      %gt3A_1097 = arith.constant 0 : i32
      %gt3A_1098 = arith.cmpi sgt, %scan3A_552, %gt3A_1097 : i32
      %convert_element_type3A_1099 = arith.extui %gt3A_1098 : i1 to i32
      %cond3A_1100 = arith.constant 0 : i32
      %cond3A_1101 = arith.cmpi ne, %convert_element_type3A_1099, %cond3A_1100 : i32
      scf.if %cond3A_1101 {
        %dma_wait3A_1614 = arith.constant 3 : i32
        %dma_wait3A_1615 = arith.constant 0 : i32
        %dma_wait3A_1616 = arith.constant 0 : i32
        %dma_wait3A_1617 = arith.constant 0 : i32
        %dma_wait3A_1618 = tpu.memref_slice %arg6[%dma_wait3A_1614, %dma_wait3A_1616, %dma_wait3A_1617] : memref<6x77x128xf32, #tpu.memory_space<vmem>> -> memref<1x77x128xf32, #tpu.memory_space<vmem>>
        %dma_wait3A_1619 = tpu.memref_squeeze %dma_wait3A_1618 : memref<1x77x128xf32, #tpu.memory_space<vmem>> -> memref<77x128xf32, #tpu.memory_space<vmem>>
        %dma_wait3A_1620 = arith.constant 0 : i32
        %dma_wait3A_1621 = arith.constant 0 : i32
        %dma_wait3A_1622 = tpu.memref_slice %arg5[%dma_wait3A_1615, %dma_wait3A_1620, %dma_wait3A_1621] : memref<1000x77x768xf32, #tpu.memory_space<hbm>> -> memref<1x77x128xf32, #tpu.memory_space<hbm>>
        %dma_wait3A_1623 = tpu.memref_squeeze %dma_wait3A_1622 : memref<1x77x128xf32, #tpu.memory_space<hbm>> -> memref<77x128xf32, #tpu.memory_space<hbm>>
        %dma_wait3A_1624 = arith.constant 0 : i32
        %dma_wait3A_1625 = arith.constant 0 : i32
        %dma_wait3A_1626 = tpu.memref_slice %arg5[%dma_wait3A_1615, %dma_wait3A_1624, %dma_wait3A_1625] : memref<1000x77x768xf32, #tpu.memory_space<hbm>> -> memref<1x77x128xf32, #tpu.memory_space<hbm>>
        %dma_wait3A_1627 = tpu.memref_squeeze %dma_wait3A_1626 : memref<1x77x128xf32, #tpu.memory_space<hbm>> -> memref<77x128xf32, #tpu.memory_space<hbm>>
        %dma_wait3A_1628 = arith.constant 0 : i32
        %dma_wait3A_1629 = arith.constant 0 : i32
        %dma_wait3A_1630 = tpu.memref_slice %arg6[%dma_wait3A_1614, %dma_wait3A_1628, %dma_wait3A_1629] : memref<6x77x128xf32, #tpu.memory_space<vmem>> -> memref<1x77x128xf32, #tpu.memory_space<vmem>>
        %dma_wait3A_1631 = tpu.memref_squeeze %dma_wait3A_1630 : memref<1x77x128xf32, #tpu.memory_space<vmem>> -> memref<77x128xf32, #tpu.memory_space<vmem>>
        tpu.wait_dma2 semaphore(%arg10 : memref<!tpu.dma_semaphore, #tpu.memory_space<semaphore_mem>>) src(%dma_wait3A_1631 : memref<77x128xf32, #tpu.memory_space<vmem>>) dst(%dma_wait3A_1627 : memref<77x128xf32, #tpu.memory_space<hbm>>)
      } else {
      }
      %get3A_1102 = arith.constant 0 : i32
      %get3A_1103 = arith.index_cast %get3A_1102 : i32 to index
      %get3A_1104 = arith.constant 384 : index
      %get3A_1105 = tpu.vector_load %arg8[%get3A_1103, %get3A_1104] {strides = array<i32>} : memref<1x768xf32, #tpu.memory_space<vmem>>, vector<1x16xf32>,
      %get3A_1106 = vector.shape_cast %get3A_1105 : vector<1x16xf32> to vector<16xf32>
      %swap3A_1107 = arith.constant 3 : i32
      %swap3A_1108 = arith.constant 0 : i32
      %swap3A_1109 = arith.index_cast %swap3A_1107 : i32 to index
      %swap3A_1110 = arith.index_cast %swap3A_1108 : i32 to index
      %swap3A_1111 = arith.constant 0 : index
      %swap3A_1112 = tpu.vector_load %arg6[%swap3A_1109, %swap3A_1110, %swap3A_1111] {strides = array<i32>} : memref<6x77x128xf32, #tpu.memory_space<vmem>>, vector<1x1x16xf32>,
      %swap3A_1113 = vector.shape_cast %swap3A_1112 : vector<1x1x16xf32> to vector<16xf32>
      %swap3A_1114 = vector.shape_cast %get3A_1106 : vector<16xf32> to vector<1x1x16xf32>
      tpu.vector_store %arg6[%swap3A_1109, %swap3A_1110, %swap3A_1111], %swap3A_1114 {strides = array<i32>} : memref<6x77x128xf32, #tpu.memory_space<vmem>>, vector<1x1x16xf32>,
      %get3A_1115 = arith.constant 0 : i32
      %get3A_1116 = arith.index_cast %get3A_1115 : i32 to index
      %get3A_1117 = arith.constant 400 : index
      %get3A_1118 = tpu.vector_load %arg8[%get3A_1116, %get3A_1117] {strides = array<i32>} : memref<1x768xf32, #tpu.memory_space<vmem>>, vector<1x16xf32>,
      %get3A_1119 = vector.shape_cast %get3A_1118 : vector<1x16xf32> to vector<16xf32>
      %swap3A_1120 = arith.constant 3 : i32
      %swap3A_1121 = arith.constant 0 : i32
      %swap3A_1122 = arith.index_cast %swap3A_1120 : i32 to index
      %swap3A_1123 = arith.index_cast %swap3A_1121 : i32 to index
      %swap3A_1124 = arith.constant 16 : index
      %swap3A_1125 = tpu.vector_load %arg6[%swap3A_1122, %swap3A_1123, %swap3A_1124] {strides = array<i32>} : memref<6x77x128xf32, #tpu.memory_space<vmem>>, vector<1x1x16xf32>,
      %swap3A_1126 = vector.shape_cast %swap3A_1125 : vector<1x1x16xf32> to vector<16xf32>
      %swap3A_1127 = vector.shape_cast %get3A_1119 : vector<16xf32> to vector<1x1x16xf32>
      tpu.vector_store %arg6[%swap3A_1122, %swap3A_1123, %swap3A_1124], %swap3A_1127 {strides = array<i32>} : memref<6x77x128xf32, #tpu.memory_space<vmem>>, vector<1x1x16xf32>,
      %get3A_1128 = arith.constant 0 : i32
      %get3A_1129 = arith.index_cast %get3A_1128 : i32 to index
      %get3A_1130 = arith.constant 416 : index
      %get3A_1131 = tpu.vector_load %arg8[%get3A_1129, %get3A_1130] {strides = array<i32>} : memref<1x768xf32, #tpu.memory_space<vmem>>, vector<1x16xf32>,
      %get3A_1132 = vector.shape_cast %get3A_1131 : vector<1x16xf32> to vector<16xf32>
      %swap3A_1133 = arith.constant 3 : i32
      %swap3A_1134 = arith.constant 0 : i32
      %swap3A_1135 = arith.index_cast %swap3A_1133 : i32 to index
      %swap3A_1136 = arith.index_cast %swap3A_1134 : i32 to index
      %swap3A_1137 = arith.constant 32 : index
      %swap3A_1138 = tpu.vector_load %arg6[%swap3A_1135, %swap3A_1136, %swap3A_1137] {strides = array<i32>} : memref<6x77x128xf32, #tpu.memory_space<vmem>>, vector<1x1x16xf32>,
      %swap3A_1139 = vector.shape_cast %swap3A_1138 : vector<1x1x16xf32> to vector<16xf32>
      %swap3A_1140 = vector.shape_cast %get3A_1132 : vector<16xf32> to vector<1x1x16xf32>
      tpu.vector_store %arg6[%swap3A_1135, %swap3A_1136, %swap3A_1137], %swap3A_1140 {strides = array<i32>} : memref<6x77x128xf32, #tpu.memory_space<vmem>>, vector<1x1x16xf32>,
      %get3A_1141 = arith.constant 0 : i32
      %get3A_1142 = arith.index_cast %get3A_1141 : i32 to index
      %get3A_1143 = arith.constant 432 : index
      %get3A_1144 = tpu.vector_load %arg8[%get3A_1142, %get3A_1143] {strides = array<i32>} : memref<1x768xf32, #tpu.memory_space<vmem>>, vector<1x16xf32>,
      %get3A_1145 = vector.shape_cast %get3A_1144 : vector<1x16xf32> to vector<16xf32>
      %swap3A_1146 = arith.constant 3 : i32
      %swap3A_1147 = arith.constant 0 : i32
      %swap3A_1148 = arith.index_cast %swap3A_1146 : i32 to index
      %swap3A_1149 = arith.index_cast %swap3A_1147 : i32 to index
      %swap3A_1150 = arith.constant 48 : index
      %swap3A_1151 = tpu.vector_load %arg6[%swap3A_1148, %swap3A_1149, %swap3A_1150] {strides = array<i32>} : memref<6x77x128xf32, #tpu.memory_space<vmem>>, vector<1x1x16xf32>,
      %swap3A_1152 = vector.shape_cast %swap3A_1151 : vector<1x1x16xf32> to vector<16xf32>
      %swap3A_1153 = vector.shape_cast %get3A_1145 : vector<16xf32> to vector<1x1x16xf32>
      tpu.vector_store %arg6[%swap3A_1148, %swap3A_1149, %swap3A_1150], %swap3A_1153 {strides = array<i32>} : memref<6x77x128xf32, #tpu.memory_space<vmem>>, vector<1x1x16xf32>,
      %get3A_1154 = arith.constant 0 : i32
      %get3A_1155 = arith.index_cast %get3A_1154 : i32 to index
      %get3A_1156 = arith.constant 448 : index
      %get3A_1157 = tpu.vector_load %arg8[%get3A_1155, %get3A_1156] {strides = array<i32>} : memref<1x768xf32, #tpu.memory_space<vmem>>, vector<1x16xf32>,
      %get3A_1158 = vector.shape_cast %get3A_1157 : vector<1x16xf32> to vector<16xf32>
      %swap3A_1159 = arith.constant 3 : i32
      %swap3A_1160 = arith.constant 0 : i32
      %swap3A_1161 = arith.index_cast %swap3A_1159 : i32 to index
      %swap3A_1162 = arith.index_cast %swap3A_1160 : i32 to index
      %swap3A_1163 = arith.constant 64 : index
      %swap3A_1164 = tpu.vector_load %arg6[%swap3A_1161, %swap3A_1162, %swap3A_1163] {strides = array<i32>} : memref<6x77x128xf32, #tpu.memory_space<vmem>>, vector<1x1x16xf32>,
      %swap3A_1165 = vector.shape_cast %swap3A_1164 : vector<1x1x16xf32> to vector<16xf32>
      %swap3A_1166 = vector.shape_cast %get3A_1158 : vector<16xf32> to vector<1x1x16xf32>
      tpu.vector_store %arg6[%swap3A_1161, %swap3A_1162, %swap3A_1163], %swap3A_1166 {strides = array<i32>} : memref<6x77x128xf32, #tpu.memory_space<vmem>>, vector<1x1x16xf32>,
      %get3A_1167 = arith.constant 0 : i32
      %get3A_1168 = arith.index_cast %get3A_1167 : i32 to index
      %get3A_1169 = arith.constant 464 : index
      %get3A_1170 = tpu.vector_load %arg8[%get3A_1168, %get3A_1169] {strides = array<i32>} : memref<1x768xf32, #tpu.memory_space<vmem>>, vector<1x16xf32>,
      %get3A_1171 = vector.shape_cast %get3A_1170 : vector<1x16xf32> to vector<16xf32>
      %swap3A_1172 = arith.constant 3 : i32
      %swap3A_1173 = arith.constant 0 : i32
      %swap3A_1174 = arith.index_cast %swap3A_1172 : i32 to index
      %swap3A_1175 = arith.index_cast %swap3A_1173 : i32 to index
      %swap3A_1176 = arith.constant 80 : index
      %swap3A_1177 = tpu.vector_load %arg6[%swap3A_1174, %swap3A_1175, %swap3A_1176] {strides = array<i32>} : memref<6x77x128xf32, #tpu.memory_space<vmem>>, vector<1x1x16xf32>,
      %swap3A_1178 = vector.shape_cast %swap3A_1177 : vector<1x1x16xf32> to vector<16xf32>
      %swap3A_1179 = vector.shape_cast %get3A_1171 : vector<16xf32> to vector<1x1x16xf32>
      tpu.vector_store %arg6[%swap3A_1174, %swap3A_1175, %swap3A_1176], %swap3A_1179 {strides = array<i32>} : memref<6x77x128xf32, #tpu.memory_space<vmem>>, vector<1x1x16xf32>,
      %get3A_1180 = arith.constant 0 : i32
      %get3A_1181 = arith.index_cast %get3A_1180 : i32 to index
      %get3A_1182 = arith.constant 480 : index
      %get3A_1183 = tpu.vector_load %arg8[%get3A_1181, %get3A_1182] {strides = array<i32>} : memref<1x768xf32, #tpu.memory_space<vmem>>, vector<1x16xf32>,
      %get3A_1184 = vector.shape_cast %get3A_1183 : vector<1x16xf32> to vector<16xf32>
      %swap3A_1185 = arith.constant 3 : i32
      %swap3A_1186 = arith.constant 0 : i32
      %swap3A_1187 = arith.index_cast %swap3A_1185 : i32 to index
      %swap3A_1188 = arith.index_cast %swap3A_1186 : i32 to index
      %swap3A_1189 = arith.constant 96 : index
      %swap3A_1190 = tpu.vector_load %arg6[%swap3A_1187, %swap3A_1188, %swap3A_1189] {strides = array<i32>} : memref<6x77x128xf32, #tpu.memory_space<vmem>>, vector<1x1x16xf32>,
      %swap3A_1191 = vector.shape_cast %swap3A_1190 : vector<1x1x16xf32> to vector<16xf32>
      %swap3A_1192 = vector.shape_cast %get3A_1184 : vector<16xf32> to vector<1x1x16xf32>
      tpu.vector_store %arg6[%swap3A_1187, %swap3A_1188, %swap3A_1189], %swap3A_1192 {strides = array<i32>} : memref<6x77x128xf32, #tpu.memory_space<vmem>>, vector<1x1x16xf32>,
      %get3A_1193 = arith.constant 0 : i32
      %get3A_1194 = arith.index_cast %get3A_1193 : i32 to index
      %get3A_1195 = arith.constant 496 : index
      %get3A_1196 = tpu.vector_load %arg8[%get3A_1194, %get3A_1195] {strides = array<i32>} : memref<1x768xf32, #tpu.memory_space<vmem>>, vector<1x16xf32>,
      %get3A_1197 = vector.shape_cast %get3A_1196 : vector<1x16xf32> to vector<16xf32>
      %swap3A_1198 = arith.constant 3 : i32
      %swap3A_1199 = arith.constant 0 : i32
      %swap3A_1200 = arith.index_cast %swap3A_1198 : i32 to index
      %swap3A_1201 = arith.index_cast %swap3A_1199 : i32 to index
      %swap3A_1202 = arith.constant 112 : index
      %swap3A_1203 = tpu.vector_load %arg6[%swap3A_1200, %swap3A_1201, %swap3A_1202] {strides = array<i32>} : memref<6x77x128xf32, #tpu.memory_space<vmem>>, vector<1x1x16xf32>,
      %swap3A_1204 = vector.shape_cast %swap3A_1203 : vector<1x1x16xf32> to vector<16xf32>
      %swap3A_1205 = vector.shape_cast %get3A_1197 : vector<16xf32> to vector<1x1x16xf32>
      tpu.vector_store %arg6[%swap3A_1200, %swap3A_1201, %swap3A_1202], %swap3A_1205 {strides = array<i32>} : memref<6x77x128xf32, #tpu.memory_space<vmem>>, vector<1x1x16xf32>,
      %scan3A_1206 = arith.constant 0 : i32
      %scan3A_1207 = arith.constant 60 : i32
      %scan3A_1208 = arith.addi %scan3A_1206, %scan3A_1207 : i32
      %scan3A_1209 = arith.constant 1 : i32
      scf.for %scan3A_1614 = %scan3A_1206 to %scan3A_1208 step %scan3A_1209  : i32 {
        %add3A_1615 = arith.constant 0 : i32
        %add3A_1616 = arith.addi %add3A_1615, %scan3A_1614 : i32
        %get3A_1617 = arith.constant 3 : i32
        %get3A_1618 = arith.constant 0 : i32
        %get3A_1619 = arith.constant 0 : i32
        %get3A_1620 = tpu.memref_slice %arg7[%get3A_1617, %get3A_1618, %get3A_1619] : memref<6x60x128xf32, #tpu.memory_space<vmem>> -> memref<1x60x128xf32, #tpu.memory_space<vmem>>
        %get3A_1621 = tpu.memref_squeeze %get3A_1620 : memref<1x60x128xf32, #tpu.memory_space<vmem>> -> memref<60x128xf32, #tpu.memory_space<vmem>>
        %get3A_1622 = arith.index_cast %add3A_1616 : i32 to index
        %get3A_1623 = arith.constant 0 : index
        %get3A_1624 = tpu.vector_load %get3A_1621[%get3A_1622, %get3A_1623] {strides = array<i32>} : memref<60x128xf32, #tpu.memory_space<vmem>>, vector<1x16xf32>,
        %get3A_1625 = vector.shape_cast %get3A_1624 : vector<1x16xf32> to vector<16xf32>
        %add3A_1626 = arith.constant 17 : i32
        %add3A_1627 = arith.addi %add3A_1626, %scan3A_1614 : i32
        %swap3A_1628 = arith.constant 3 : i32
        %swap3A_1629 = arith.constant 0 : i32
        %swap3A_1630 = arith.constant 0 : i32
        %swap3A_1631 = tpu.memref_slice %arg6[%swap3A_1628, %swap3A_1629, %swap3A_1630] : memref<6x77x128xf32, #tpu.memory_space<vmem>> -> memref<1x77x128xf32, #tpu.memory_space<vmem>>
        %swap3A_1632 = tpu.memref_squeeze %swap3A_1631 : memref<1x77x128xf32, #tpu.memory_space<vmem>> -> memref<77x128xf32, #tpu.memory_space<vmem>>
        %swap3A_1633 = arith.index_cast %add3A_1627 : i32 to index
        %swap3A_1634 = arith.constant 0 : index
        %swap3A_1635 = tpu.vector_load %swap3A_1632[%swap3A_1633, %swap3A_1634] {strides = array<i32>} : memref<77x128xf32, #tpu.memory_space<vmem>>, vector<1x16xf32>,
        %swap3A_1636 = vector.shape_cast %swap3A_1635 : vector<1x16xf32> to vector<16xf32>
        %swap3A_1637 = vector.shape_cast %get3A_1625 : vector<16xf32> to vector<1x16xf32>
        tpu.vector_store %swap3A_1632[%swap3A_1633, %swap3A_1634], %swap3A_1637 {strides = array<i32>} : memref<77x128xf32, #tpu.memory_space<vmem>>, vector<1x16xf32>,
        %add3A_1638 = arith.constant 0 : i32
        %add3A_1639 = arith.addi %add3A_1638, %scan3A_1614 : i32
        %get3A_1640 = arith.constant 3 : i32
        %get3A_1641 = arith.constant 0 : i32
        %get3A_1642 = arith.constant 0 : i32
        %get3A_1643 = tpu.memref_slice %arg7[%get3A_1640, %get3A_1641, %get3A_1642] : memref<6x60x128xf32, #tpu.memory_space<vmem>> -> memref<1x60x128xf32, #tpu.memory_space<vmem>>
        %get3A_1644 = tpu.memref_squeeze %get3A_1643 : memref<1x60x128xf32, #tpu.memory_space<vmem>> -> memref<60x128xf32, #tpu.memory_space<vmem>>
        %get3A_1645 = arith.index_cast %add3A_1639 : i32 to index
        %get3A_1646 = arith.constant 16 : index
        %get3A_1647 = tpu.vector_load %get3A_1644[%get3A_1645, %get3A_1646] {strides = array<i32>} : memref<60x128xf32, #tpu.memory_space<vmem>>, vector<1x16xf32>,
        %get3A_1648 = vector.shape_cast %get3A_1647 : vector<1x16xf32> to vector<16xf32>
        %add3A_1649 = arith.constant 17 : i32
        %add3A_1650 = arith.addi %add3A_1649, %scan3A_1614 : i32
        %swap3A_1651 = arith.constant 3 : i32
        %swap3A_1652 = arith.constant 0 : i32
        %swap3A_1653 = arith.constant 0 : i32
        %swap3A_1654 = tpu.memref_slice %arg6[%swap3A_1651, %swap3A_1652, %swap3A_1653] : memref<6x77x128xf32, #tpu.memory_space<vmem>> -> memref<1x77x128xf32, #tpu.memory_space<vmem>>
        %swap3A_1655 = tpu.memref_squeeze %swap3A_1654 : memref<1x77x128xf32, #tpu.memory_space<vmem>> -> memref<77x128xf32, #tpu.memory_space<vmem>>
        %swap3A_1656 = arith.index_cast %add3A_1650 : i32 to index
        %swap3A_1657 = arith.constant 16 : index
        %swap3A_1658 = tpu.vector_load %swap3A_1655[%swap3A_1656, %swap3A_1657] {strides = array<i32>} : memref<77x128xf32, #tpu.memory_space<vmem>>, vector<1x16xf32>,
        %swap3A_1659 = vector.shape_cast %swap3A_1658 : vector<1x16xf32> to vector<16xf32>
        %swap3A_1660 = vector.shape_cast %get3A_1648 : vector<16xf32> to vector<1x16xf32>
        tpu.vector_store %swap3A_1655[%swap3A_1656, %swap3A_1657], %swap3A_1660 {strides = array<i32>} : memref<77x128xf32, #tpu.memory_space<vmem>>, vector<1x16xf32>,
        %add3A_1661 = arith.constant 0 : i32
        %add3A_1662 = arith.addi %add3A_1661, %scan3A_1614 : i32
        %get3A_1663 = arith.constant 3 : i32
        %get3A_1664 = arith.constant 0 : i32
        %get3A_1665 = arith.constant 0 : i32
        %get3A_1666 = tpu.memref_slice %arg7[%get3A_1663, %get3A_1664, %get3A_1665] : memref<6x60x128xf32, #tpu.memory_space<vmem>> -> memref<1x60x128xf32, #tpu.memory_space<vmem>>
        %get3A_1667 = tpu.memref_squeeze %get3A_1666 : memref<1x60x128xf32, #tpu.memory_space<vmem>> -> memref<60x128xf32, #tpu.memory_space<vmem>>
        %get3A_1668 = arith.index_cast %add3A_1662 : i32 to index
        %get3A_1669 = arith.constant 32 : index
        %get3A_1670 = tpu.vector_load %get3A_1667[%get3A_1668, %get3A_1669] {strides = array<i32>} : memref<60x128xf32, #tpu.memory_space<vmem>>, vector<1x16xf32>,
        %get3A_1671 = vector.shape_cast %get3A_1670 : vector<1x16xf32> to vector<16xf32>
        %add3A_1672 = arith.constant 17 : i32
        %add3A_1673 = arith.addi %add3A_1672, %scan3A_1614 : i32
        %swap3A_1674 = arith.constant 3 : i32
        %swap3A_1675 = arith.constant 0 : i32
        %swap3A_1676 = arith.constant 0 : i32
        %swap3A_1677 = tpu.memref_slice %arg6[%swap3A_1674, %swap3A_1675, %swap3A_1676] : memref<6x77x128xf32, #tpu.memory_space<vmem>> -> memref<1x77x128xf32, #tpu.memory_space<vmem>>
        %swap3A_1678 = tpu.memref_squeeze %swap3A_1677 : memref<1x77x128xf32, #tpu.memory_space<vmem>> -> memref<77x128xf32, #tpu.memory_space<vmem>>
        %swap3A_1679 = arith.index_cast %add3A_1673 : i32 to index
        %swap3A_1680 = arith.constant 32 : index
        %swap3A_1681 = tpu.vector_load %swap3A_1678[%swap3A_1679, %swap3A_1680] {strides = array<i32>} : memref<77x128xf32, #tpu.memory_space<vmem>>, vector<1x16xf32>,
        %swap3A_1682 = vector.shape_cast %swap3A_1681 : vector<1x16xf32> to vector<16xf32>
        %swap3A_1683 = vector.shape_cast %get3A_1671 : vector<16xf32> to vector<1x16xf32>
        tpu.vector_store %swap3A_1678[%swap3A_1679, %swap3A_1680], %swap3A_1683 {strides = array<i32>} : memref<77x128xf32, #tpu.memory_space<vmem>>, vector<1x16xf32>,
        %add3A_1684 = arith.constant 0 : i32
        %add3A_1685 = arith.addi %add3A_1684, %scan3A_1614 : i32
        %get3A_1686 = arith.constant 3 : i32
        %get3A_1687 = arith.constant 0 : i32
        %get3A_1688 = arith.constant 0 : i32
        %get3A_1689 = tpu.memref_slice %arg7[%get3A_1686, %get3A_1687, %get3A_1688] : memref<6x60x128xf32, #tpu.memory_space<vmem>> -> memref<1x60x128xf32, #tpu.memory_space<vmem>>
        %get3A_1690 = tpu.memref_squeeze %get3A_1689 : memref<1x60x128xf32, #tpu.memory_space<vmem>> -> memref<60x128xf32, #tpu.memory_space<vmem>>
        %get3A_1691 = arith.index_cast %add3A_1685 : i32 to index
        %get3A_1692 = arith.constant 48 : index
        %get3A_1693 = tpu.vector_load %get3A_1690[%get3A_1691, %get3A_1692] {strides = array<i32>} : memref<60x128xf32, #tpu.memory_space<vmem>>, vector<1x16xf32>,
        %get3A_1694 = vector.shape_cast %get3A_1693 : vector<1x16xf32> to vector<16xf32>
        %add3A_1695 = arith.constant 17 : i32
        %add3A_1696 = arith.addi %add3A_1695, %scan3A_1614 : i32
        %swap3A_1697 = arith.constant 3 : i32
        %swap3A_1698 = arith.constant 0 : i32
        %swap3A_1699 = arith.constant 0 : i32
        %swap3A_1700 = tpu.memref_slice %arg6[%swap3A_1697, %swap3A_1698, %swap3A_1699] : memref<6x77x128xf32, #tpu.memory_space<vmem>> -> memref<1x77x128xf32, #tpu.memory_space<vmem>>
        %swap3A_1701 = tpu.memref_squeeze %swap3A_1700 : memref<1x77x128xf32, #tpu.memory_space<vmem>> -> memref<77x128xf32, #tpu.memory_space<vmem>>
        %swap3A_1702 = arith.index_cast %add3A_1696 : i32 to index
        %swap3A_1703 = arith.constant 48 : index
        %swap3A_1704 = tpu.vector_load %swap3A_1701[%swap3A_1702, %swap3A_1703] {strides = array<i32>} : memref<77x128xf32, #tpu.memory_space<vmem>>, vector<1x16xf32>,
        %swap3A_1705 = vector.shape_cast %swap3A_1704 : vector<1x16xf32> to vector<16xf32>
        %swap3A_1706 = vector.shape_cast %get3A_1694 : vector<16xf32> to vector<1x16xf32>
        tpu.vector_store %swap3A_1701[%swap3A_1702, %swap3A_1703], %swap3A_1706 {strides = array<i32>} : memref<77x128xf32, #tpu.memory_space<vmem>>, vector<1x16xf32>,
        %add3A_1707 = arith.constant 0 : i32
        %add3A_1708 = arith.addi %add3A_1707, %scan3A_1614 : i32
        %get3A_1709 = arith.constant 3 : i32
        %get3A_1710 = arith.constant 0 : i32
        %get3A_1711 = arith.constant 0 : i32
        %get3A_1712 = tpu.memref_slice %arg7[%get3A_1709, %get3A_1710, %get3A_1711] : memref<6x60x128xf32, #tpu.memory_space<vmem>> -> memref<1x60x128xf32, #tpu.memory_space<vmem>>
        %get3A_1713 = tpu.memref_squeeze %get3A_1712 : memref<1x60x128xf32, #tpu.memory_space<vmem>> -> memref<60x128xf32, #tpu.memory_space<vmem>>
        %get3A_1714 = arith.index_cast %add3A_1708 : i32 to index
        %get3A_1715 = arith.constant 64 : index
        %get3A_1716 = tpu.vector_load %get3A_1713[%get3A_1714, %get3A_1715] {strides = array<i32>} : memref<60x128xf32, #tpu.memory_space<vmem>>, vector<1x16xf32>,
        %get3A_1717 = vector.shape_cast %get3A_1716 : vector<1x16xf32> to vector<16xf32>
        %add3A_1718 = arith.constant 17 : i32
        %add3A_1719 = arith.addi %add3A_1718, %scan3A_1614 : i32
        %swap3A_1720 = arith.constant 3 : i32
        %swap3A_1721 = arith.constant 0 : i32
        %swap3A_1722 = arith.constant 0 : i32
        %swap3A_1723 = tpu.memref_slice %arg6[%swap3A_1720, %swap3A_1721, %swap3A_1722] : memref<6x77x128xf32, #tpu.memory_space<vmem>> -> memref<1x77x128xf32, #tpu.memory_space<vmem>>
        %swap3A_1724 = tpu.memref_squeeze %swap3A_1723 : memref<1x77x128xf32, #tpu.memory_space<vmem>> -> memref<77x128xf32, #tpu.memory_space<vmem>>
        %swap3A_1725 = arith.index_cast %add3A_1719 : i32 to index
        %swap3A_1726 = arith.constant 64 : index
        %swap3A_1727 = tpu.vector_load %swap3A_1724[%swap3A_1725, %swap3A_1726] {strides = array<i32>} : memref<77x128xf32, #tpu.memory_space<vmem>>, vector<1x16xf32>,
        %swap3A_1728 = vector.shape_cast %swap3A_1727 : vector<1x16xf32> to vector<16xf32>
        %swap3A_1729 = vector.shape_cast %get3A_1717 : vector<16xf32> to vector<1x16xf32>
        tpu.vector_store %swap3A_1724[%swap3A_1725, %swap3A_1726], %swap3A_1729 {strides = array<i32>} : memref<77x128xf32, #tpu.memory_space<vmem>>, vector<1x16xf32>,
        %add3A_1730 = arith.constant 0 : i32
        %add3A_1731 = arith.addi %add3A_1730, %scan3A_1614 : i32
        %get3A_1732 = arith.constant 3 : i32
        %get3A_1733 = arith.constant 0 : i32
        %get3A_1734 = arith.constant 0 : i32
        %get3A_1735 = tpu.memref_slice %arg7[%get3A_1732, %get3A_1733, %get3A_1734] : memref<6x60x128xf32, #tpu.memory_space<vmem>> -> memref<1x60x128xf32, #tpu.memory_space<vmem>>
        %get3A_1736 = tpu.memref_squeeze %get3A_1735 : memref<1x60x128xf32, #tpu.memory_space<vmem>> -> memref<60x128xf32, #tpu.memory_space<vmem>>
        %get3A_1737 = arith.index_cast %add3A_1731 : i32 to index
        %get3A_1738 = arith.constant 80 : index
        %get3A_1739 = tpu.vector_load %get3A_1736[%get3A_1737, %get3A_1738] {strides = array<i32>} : memref<60x128xf32, #tpu.memory_space<vmem>>, vector<1x16xf32>,
        %get3A_1740 = vector.shape_cast %get3A_1739 : vector<1x16xf32> to vector<16xf32>
        %add3A_1741 = arith.constant 17 : i32
        %add3A_1742 = arith.addi %add3A_1741, %scan3A_1614 : i32
        %swap3A_1743 = arith.constant 3 : i32
        %swap3A_1744 = arith.constant 0 : i32
        %swap3A_1745 = arith.constant 0 : i32
        %swap3A_1746 = tpu.memref_slice %arg6[%swap3A_1743, %swap3A_1744, %swap3A_1745] : memref<6x77x128xf32, #tpu.memory_space<vmem>> -> memref<1x77x128xf32, #tpu.memory_space<vmem>>
        %swap3A_1747 = tpu.memref_squeeze %swap3A_1746 : memref<1x77x128xf32, #tpu.memory_space<vmem>> -> memref<77x128xf32, #tpu.memory_space<vmem>>
        %swap3A_1748 = arith.index_cast %add3A_1742 : i32 to index
        %swap3A_1749 = arith.constant 80 : index
        %swap3A_1750 = tpu.vector_load %swap3A_1747[%swap3A_1748, %swap3A_1749] {strides = array<i32>} : memref<77x128xf32, #tpu.memory_space<vmem>>, vector<1x16xf32>,
        %swap3A_1751 = vector.shape_cast %swap3A_1750 : vector<1x16xf32> to vector<16xf32>
        %swap3A_1752 = vector.shape_cast %get3A_1740 : vector<16xf32> to vector<1x16xf32>
        tpu.vector_store %swap3A_1747[%swap3A_1748, %swap3A_1749], %swap3A_1752 {strides = array<i32>} : memref<77x128xf32, #tpu.memory_space<vmem>>, vector<1x16xf32>,
        %add3A_1753 = arith.constant 0 : i32
        %add3A_1754 = arith.addi %add3A_1753, %scan3A_1614 : i32
        %get3A_1755 = arith.constant 3 : i32
        %get3A_1756 = arith.constant 0 : i32
        %get3A_1757 = arith.constant 0 : i32
        %get3A_1758 = tpu.memref_slice %arg7[%get3A_1755, %get3A_1756, %get3A_1757] : memref<6x60x128xf32, #tpu.memory_space<vmem>> -> memref<1x60x128xf32, #tpu.memory_space<vmem>>
        %get3A_1759 = tpu.memref_squeeze %get3A_1758 : memref<1x60x128xf32, #tpu.memory_space<vmem>> -> memref<60x128xf32, #tpu.memory_space<vmem>>
        %get3A_1760 = arith.index_cast %add3A_1754 : i32 to index
        %get3A_1761 = arith.constant 96 : index
        %get3A_1762 = tpu.vector_load %get3A_1759[%get3A_1760, %get3A_1761] {strides = array<i32>} : memref<60x128xf32, #tpu.memory_space<vmem>>, vector<1x16xf32>,
        %get3A_1763 = vector.shape_cast %get3A_1762 : vector<1x16xf32> to vector<16xf32>
        %add3A_1764 = arith.constant 17 : i32
        %add3A_1765 = arith.addi %add3A_1764, %scan3A_1614 : i32
        %swap3A_1766 = arith.constant 3 : i32
        %swap3A_1767 = arith.constant 0 : i32
        %swap3A_1768 = arith.constant 0 : i32
        %swap3A_1769 = tpu.memref_slice %arg6[%swap3A_1766, %swap3A_1767, %swap3A_1768] : memref<6x77x128xf32, #tpu.memory_space<vmem>> -> memref<1x77x128xf32, #tpu.memory_space<vmem>>
        %swap3A_1770 = tpu.memref_squeeze %swap3A_1769 : memref<1x77x128xf32, #tpu.memory_space<vmem>> -> memref<77x128xf32, #tpu.memory_space<vmem>>
        %swap3A_1771 = arith.index_cast %add3A_1765 : i32 to index
        %swap3A_1772 = arith.constant 96 : index
        %swap3A_1773 = tpu.vector_load %swap3A_1770[%swap3A_1771, %swap3A_1772] {strides = array<i32>} : memref<77x128xf32, #tpu.memory_space<vmem>>, vector<1x16xf32>,
        %swap3A_1774 = vector.shape_cast %swap3A_1773 : vector<1x16xf32> to vector<16xf32>
        %swap3A_1775 = vector.shape_cast %get3A_1763 : vector<16xf32> to vector<1x16xf32>
        tpu.vector_store %swap3A_1770[%swap3A_1771, %swap3A_1772], %swap3A_1775 {strides = array<i32>} : memref<77x128xf32, #tpu.memory_space<vmem>>, vector<1x16xf32>,
        %add3A_1776 = arith.constant 0 : i32
        %add3A_1777 = arith.addi %add3A_1776, %scan3A_1614 : i32
        %get3A_1778 = arith.constant 3 : i32
        %get3A_1779 = arith.constant 0 : i32
        %get3A_1780 = arith.constant 0 : i32
        %get3A_1781 = tpu.memref_slice %arg7[%get3A_1778, %get3A_1779, %get3A_1780] : memref<6x60x128xf32, #tpu.memory_space<vmem>> -> memref<1x60x128xf32, #tpu.memory_space<vmem>>
        %get3A_1782 = tpu.memref_squeeze %get3A_1781 : memref<1x60x128xf32, #tpu.memory_space<vmem>> -> memref<60x128xf32, #tpu.memory_space<vmem>>
        %get3A_1783 = arith.index_cast %add3A_1777 : i32 to index
        %get3A_1784 = arith.constant 112 : index
        %get3A_1785 = tpu.vector_load %get3A_1782[%get3A_1783, %get3A_1784] {strides = array<i32>} : memref<60x128xf32, #tpu.memory_space<vmem>>, vector<1x16xf32>,
        %get3A_1786 = vector.shape_cast %get3A_1785 : vector<1x16xf32> to vector<16xf32>
        %add3A_1787 = arith.constant 17 : i32
        %add3A_1788 = arith.addi %add3A_1787, %scan3A_1614 : i32
        %swap3A_1789 = arith.constant 3 : i32
        %swap3A_1790 = arith.constant 0 : i32
        %swap3A_1791 = arith.constant 0 : i32
        %swap3A_1792 = tpu.memref_slice %arg6[%swap3A_1789, %swap3A_1790, %swap3A_1791] : memref<6x77x128xf32, #tpu.memory_space<vmem>> -> memref<1x77x128xf32, #tpu.memory_space<vmem>>
        %swap3A_1793 = tpu.memref_squeeze %swap3A_1792 : memref<1x77x128xf32, #tpu.memory_space<vmem>> -> memref<77x128xf32, #tpu.memory_space<vmem>>
        %swap3A_1794 = arith.index_cast %add3A_1788 : i32 to index
        %swap3A_1795 = arith.constant 112 : index
        %swap3A_1796 = tpu.vector_load %swap3A_1793[%swap3A_1794, %swap3A_1795] {strides = array<i32>} : memref<77x128xf32, #tpu.memory_space<vmem>>, vector<1x16xf32>,
        %swap3A_1797 = vector.shape_cast %swap3A_1796 : vector<1x16xf32> to vector<16xf32>
        %swap3A_1798 = vector.shape_cast %get3A_1786 : vector<16xf32> to vector<1x16xf32>
        tpu.vector_store %swap3A_1793[%swap3A_1794, %swap3A_1795], %swap3A_1798 {strides = array<i32>} : memref<77x128xf32, #tpu.memory_space<vmem>>, vector<1x16xf32>,
      }
      %scan3A_1210 = arith.constant 60 : i32
      %add3A_1211 = arith.addi %mul3A_2, %scan3A_552 : i32
      %min3A_1212 = arith.constant 999 : i32
      %min3A_1213 = arith.minsi %add3A_1211, %min3A_1212 : i32
      %dma_start3A_1214 = arith.constant 3 : i32
      %dma_start3A_1215 = arith.constant 0 : i32
      %dma_start3A_1216 = arith.constant 0 : i32
      %dma_start3A_1217 = tpu.memref_slice %arg6[%dma_start3A_1214, %dma_start3A_1215, %dma_start3A_1216] : memref<6x77x128xf32, #tpu.memory_space<vmem>> -> memref<1x77x128xf32, #tpu.memory_space<vmem>>
      %dma_start3A_1218 = tpu.memref_squeeze %dma_start3A_1217 : memref<1x77x128xf32, #tpu.memory_space<vmem>> -> memref<77x128xf32, #tpu.memory_space<vmem>>
      %dma_start3A_1219 = arith.constant 0 : i32
      %dma_start3A_1220 = arith.constant 384 : i32
      %dma_start3A_1221 = tpu.memref_slice %arg5[%min3A_1213, %dma_start3A_1219, %dma_start3A_1220] : memref<1000x77x768xf32, #tpu.memory_space<hbm>> -> memref<1x77x128xf32, #tpu.memory_space<hbm>>
      %dma_start3A_1222 = tpu.memref_squeeze %dma_start3A_1221 : memref<1x77x128xf32, #tpu.memory_space<hbm>> -> memref<77x128xf32, #tpu.memory_space<hbm>>
      %dma_start3A_1223 = arith.constant 0 : i32
      %dma_start3A_1224 = arith.constant 384 : i32
      %dma_start3A_1225 = tpu.memref_slice %arg5[%min3A_1213, %dma_start3A_1223, %dma_start3A_1224] : memref<1000x77x768xf32, #tpu.memory_space<hbm>> -> memref<1x77x128xf32, #tpu.memory_space<hbm>>
      %dma_start3A_1226 = tpu.memref_squeeze %dma_start3A_1225 : memref<1x77x128xf32, #tpu.memory_space<hbm>> -> memref<77x128xf32, #tpu.memory_space<hbm>>
      %dma_start3A_1227 = arith.constant 0 : i32
      %dma_start3A_1228 = arith.constant 0 : i32
      %dma_start3A_1229 = tpu.memref_slice %arg6[%dma_start3A_1214, %dma_start3A_1227, %dma_start3A_1228] : memref<6x77x128xf32, #tpu.memory_space<vmem>> -> memref<1x77x128xf32, #tpu.memory_space<vmem>>
      %dma_start3A_1230 = tpu.memref_squeeze %dma_start3A_1229 : memref<1x77x128xf32, #tpu.memory_space<vmem>> -> memref<77x128xf32, #tpu.memory_space<vmem>>
      tpu.enqueue_dma source(%dma_start3A_1230 : memref<77x128xf32, #tpu.memory_space<vmem>>) target(%dma_start3A_1226 : memref<77x128xf32, #tpu.memory_space<hbm>>) target_semaphore(%arg10 : memref<!tpu.dma_semaphore, #tpu.memory_space<semaphore_mem>>)
      %add3A_1231 = arith.constant 1 : i32
      %add3A_1232 = arith.addi %scan3A_552, %add3A_1231 : i32
      %add3A_1233 = arith.addi %mul3A_2, %add3A_1232 : i32
      %min3A_1234 = arith.constant 999 : i32
      %min3A_1235 = arith.minsi %add3A_1233, %min3A_1234 : i32
      %dma_start3A_1236 = arith.constant 3 : i32
      %dma_start3A_1237 = arith.constant 0 : i32
      %dma_start3A_1238 = arith.constant 0 : i32
      %dma_start3A_1239 = tpu.memref_slice %arg7[%dma_start3A_1236, %dma_start3A_1237, %dma_start3A_1238] : memref<6x60x128xf32, #tpu.memory_space<vmem>> -> memref<1x60x128xf32, #tpu.memory_space<vmem>>
      %dma_start3A_1240 = tpu.memref_squeeze %dma_start3A_1239 : memref<1x60x128xf32, #tpu.memory_space<vmem>> -> memref<60x128xf32, #tpu.memory_space<vmem>>
      %dma_start3A_1241 = arith.constant 0 : i32
      %dma_start3A_1242 = arith.constant 384 : i32
      %dma_start3A_1243 = tpu.memref_slice %arg4[%min3A_1235, %dma_start3A_1241, %dma_start3A_1242] : memref<1000x60x768xf32, #tpu.memory_space<hbm>> -> memref<1x60x128xf32, #tpu.memory_space<hbm>>
      %dma_start3A_1244 = tpu.memref_squeeze %dma_start3A_1243 : memref<1x60x128xf32, #tpu.memory_space<hbm>> -> memref<60x128xf32, #tpu.memory_space<hbm>>
      %dma_start3A_1245 = arith.constant 0 : i32
      %dma_start3A_1246 = arith.constant 0 : i32
      %dma_start3A_1247 = tpu.memref_slice %arg7[%dma_start3A_1236, %dma_start3A_1245, %dma_start3A_1246] : memref<6x60x128xf32, #tpu.memory_space<vmem>> -> memref<1x60x128xf32, #tpu.memory_space<vmem>>
      %dma_start3A_1248 = tpu.memref_squeeze %dma_start3A_1247 : memref<1x60x128xf32, #tpu.memory_space<vmem>> -> memref<60x128xf32, #tpu.memory_space<vmem>>
      %dma_start3A_1249 = arith.constant 0 : i32
      %dma_start3A_1250 = arith.constant 384 : i32
      %dma_start3A_1251 = tpu.memref_slice %arg4[%min3A_1235, %dma_start3A_1249, %dma_start3A_1250] : memref<1000x60x768xf32, #tpu.memory_space<hbm>> -> memref<1x60x128xf32, #tpu.memory_space<hbm>>
      %dma_start3A_1252 = tpu.memref_squeeze %dma_start3A_1251 : memref<1x60x128xf32, #tpu.memory_space<hbm>> -> memref<60x128xf32, #tpu.memory_space<hbm>>
      tpu.enqueue_dma source(%dma_start3A_1252 : memref<60x128xf32, #tpu.memory_space<hbm>>) target(%dma_start3A_1248 : memref<60x128xf32, #tpu.memory_space<vmem>>) target_semaphore(%arg9 : memref<!tpu.dma_semaphore, #tpu.memory_space<semaphore_mem>>)
      %dma_wait3A_1253 = arith.constant 0 : i32
      %dma_wait3A_1254 = arith.constant 4 : i32
      %dma_wait3A_1255 = arith.constant 0 : i32
      %dma_wait3A_1256 = arith.constant 0 : i32
      %dma_wait3A_1257 = tpu.memref_slice %arg7[%dma_wait3A_1254, %dma_wait3A_1255, %dma_wait3A_1256] : memref<6x60x128xf32, #tpu.memory_space<vmem>> -> memref<1x60x128xf32, #tpu.memory_space<vmem>>
      %dma_wait3A_1258 = tpu.memref_squeeze %dma_wait3A_1257 : memref<1x60x128xf32, #tpu.memory_space<vmem>> -> memref<60x128xf32, #tpu.memory_space<vmem>>
      %dma_wait3A_1259 = arith.constant 0 : i32
      %dma_wait3A_1260 = arith.constant 0 : i32
      %dma_wait3A_1261 = tpu.memref_slice %arg4[%dma_wait3A_1253, %dma_wait3A_1259, %dma_wait3A_1260] : memref<1000x60x768xf32, #tpu.memory_space<hbm>> -> memref<1x60x128xf32, #tpu.memory_space<hbm>>
      %dma_wait3A_1262 = tpu.memref_squeeze %dma_wait3A_1261 : memref<1x60x128xf32, #tpu.memory_space<hbm>> -> memref<60x128xf32, #tpu.memory_space<hbm>>
      %dma_wait3A_1263 = arith.constant 0 : i32
      %dma_wait3A_1264 = arith.constant 0 : i32
      %dma_wait3A_1265 = tpu.memref_slice %arg7[%dma_wait3A_1254, %dma_wait3A_1263, %dma_wait3A_1264] : memref<6x60x128xf32, #tpu.memory_space<vmem>> -> memref<1x60x128xf32, #tpu.memory_space<vmem>>
      %dma_wait3A_1266 = tpu.memref_squeeze %dma_wait3A_1265 : memref<1x60x128xf32, #tpu.memory_space<vmem>> -> memref<60x128xf32, #tpu.memory_space<vmem>>
      %dma_wait3A_1267 = arith.constant 0 : i32
      %dma_wait3A_1268 = arith.constant 0 : i32
      %dma_wait3A_1269 = tpu.memref_slice %arg4[%dma_wait3A_1253, %dma_wait3A_1267, %dma_wait3A_1268] : memref<1000x60x768xf32, #tpu.memory_space<hbm>> -> memref<1x60x128xf32, #tpu.memory_space<hbm>>
      %dma_wait3A_1270 = tpu.memref_squeeze %dma_wait3A_1269 : memref<1x60x128xf32, #tpu.memory_space<hbm>> -> memref<60x128xf32, #tpu.memory_space<hbm>>
      tpu.wait_dma2 semaphore(%arg9 : memref<!tpu.dma_semaphore, #tpu.memory_space<semaphore_mem>>) src(%dma_wait3A_1270 : memref<60x128xf32, #tpu.memory_space<hbm>>) dst(%dma_wait3A_1266 : memref<60x128xf32, #tpu.memory_space<vmem>>)
      %gt3A_1271 = arith.constant 0 : i32
      %gt3A_1272 = arith.cmpi sgt, %scan3A_552, %gt3A_1271 : i32
      %convert_element_type3A_1273 = arith.extui %gt3A_1272 : i1 to i32
      %cond3A_1274 = arith.constant 0 : i32
      %cond3A_1275 = arith.cmpi ne, %convert_element_type3A_1273, %cond3A_1274 : i32
      scf.if %cond3A_1275 {
        %dma_wait3A_1614 = arith.constant 4 : i32
        %dma_wait3A_1615 = arith.constant 0 : i32
        %dma_wait3A_1616 = arith.constant 0 : i32
        %dma_wait3A_1617 = arith.constant 0 : i32
        %dma_wait3A_1618 = tpu.memref_slice %arg6[%dma_wait3A_1614, %dma_wait3A_1616, %dma_wait3A_1617] : memref<6x77x128xf32, #tpu.memory_space<vmem>> -> memref<1x77x128xf32, #tpu.memory_space<vmem>>
        %dma_wait3A_1619 = tpu.memref_squeeze %dma_wait3A_1618 : memref<1x77x128xf32, #tpu.memory_space<vmem>> -> memref<77x128xf32, #tpu.memory_space<vmem>>
        %dma_wait3A_1620 = arith.constant 0 : i32
        %dma_wait3A_1621 = arith.constant 0 : i32
        %dma_wait3A_1622 = tpu.memref_slice %arg5[%dma_wait3A_1615, %dma_wait3A_1620, %dma_wait3A_1621] : memref<1000x77x768xf32, #tpu.memory_space<hbm>> -> memref<1x77x128xf32, #tpu.memory_space<hbm>>
        %dma_wait3A_1623 = tpu.memref_squeeze %dma_wait3A_1622 : memref<1x77x128xf32, #tpu.memory_space<hbm>> -> memref<77x128xf32, #tpu.memory_space<hbm>>
        %dma_wait3A_1624 = arith.constant 0 : i32
        %dma_wait3A_1625 = arith.constant 0 : i32
        %dma_wait3A_1626 = tpu.memref_slice %arg5[%dma_wait3A_1615, %dma_wait3A_1624, %dma_wait3A_1625] : memref<1000x77x768xf32, #tpu.memory_space<hbm>> -> memref<1x77x128xf32, #tpu.memory_space<hbm>>
        %dma_wait3A_1627 = tpu.memref_squeeze %dma_wait3A_1626 : memref<1x77x128xf32, #tpu.memory_space<hbm>> -> memref<77x128xf32, #tpu.memory_space<hbm>>
        %dma_wait3A_1628 = arith.constant 0 : i32
        %dma_wait3A_1629 = arith.constant 0 : i32
        %dma_wait3A_1630 = tpu.memref_slice %arg6[%dma_wait3A_1614, %dma_wait3A_1628, %dma_wait3A_1629] : memref<6x77x128xf32, #tpu.memory_space<vmem>> -> memref<1x77x128xf32, #tpu.memory_space<vmem>>
        %dma_wait3A_1631 = tpu.memref_squeeze %dma_wait3A_1630 : memref<1x77x128xf32, #tpu.memory_space<vmem>> -> memref<77x128xf32, #tpu.memory_space<vmem>>
        tpu.wait_dma2 semaphore(%arg10 : memref<!tpu.dma_semaphore, #tpu.memory_space<semaphore_mem>>) src(%dma_wait3A_1631 : memref<77x128xf32, #tpu.memory_space<vmem>>) dst(%dma_wait3A_1627 : memref<77x128xf32, #tpu.memory_space<hbm>>)
      } else {
      }
      %get3A_1276 = arith.constant 0 : i32
      %get3A_1277 = arith.index_cast %get3A_1276 : i32 to index
      %get3A_1278 = arith.constant 512 : index
      %get3A_1279 = tpu.vector_load %arg8[%get3A_1277, %get3A_1278] {strides = array<i32>} : memref<1x768xf32, #tpu.memory_space<vmem>>, vector<1x16xf32>,
      %get3A_1280 = vector.shape_cast %get3A_1279 : vector<1x16xf32> to vector<16xf32>
      %swap3A_1281 = arith.constant 4 : i32
      %swap3A_1282 = arith.constant 0 : i32
      %swap3A_1283 = arith.index_cast %swap3A_1281 : i32 to index
      %swap3A_1284 = arith.index_cast %swap3A_1282 : i32 to index
      %swap3A_1285 = arith.constant 0 : index
      %swap3A_1286 = tpu.vector_load %arg6[%swap3A_1283, %swap3A_1284, %swap3A_1285] {strides = array<i32>} : memref<6x77x128xf32, #tpu.memory_space<vmem>>, vector<1x1x16xf32>,
      %swap3A_1287 = vector.shape_cast %swap3A_1286 : vector<1x1x16xf32> to vector<16xf32>
      %swap3A_1288 = vector.shape_cast %get3A_1280 : vector<16xf32> to vector<1x1x16xf32>
      tpu.vector_store %arg6[%swap3A_1283, %swap3A_1284, %swap3A_1285], %swap3A_1288 {strides = array<i32>} : memref<6x77x128xf32, #tpu.memory_space<vmem>>, vector<1x1x16xf32>,
      %get3A_1289 = arith.constant 0 : i32
      %get3A_1290 = arith.index_cast %get3A_1289 : i32 to index
      %get3A_1291 = arith.constant 528 : index
      %get3A_1292 = tpu.vector_load %arg8[%get3A_1290, %get3A_1291] {strides = array<i32>} : memref<1x768xf32, #tpu.memory_space<vmem>>, vector<1x16xf32>,
      %get3A_1293 = vector.shape_cast %get3A_1292 : vector<1x16xf32> to vector<16xf32>
      %swap3A_1294 = arith.constant 4 : i32
      %swap3A_1295 = arith.constant 0 : i32
      %swap3A_1296 = arith.index_cast %swap3A_1294 : i32 to index
      %swap3A_1297 = arith.index_cast %swap3A_1295 : i32 to index
      %swap3A_1298 = arith.constant 16 : index
      %swap3A_1299 = tpu.vector_load %arg6[%swap3A_1296, %swap3A_1297, %swap3A_1298] {strides = array<i32>} : memref<6x77x128xf32, #tpu.memory_space<vmem>>, vector<1x1x16xf32>,
      %swap3A_1300 = vector.shape_cast %swap3A_1299 : vector<1x1x16xf32> to vector<16xf32>
      %swap3A_1301 = vector.shape_cast %get3A_1293 : vector<16xf32> to vector<1x1x16xf32>
      tpu.vector_store %arg6[%swap3A_1296, %swap3A_1297, %swap3A_1298], %swap3A_1301 {strides = array<i32>} : memref<6x77x128xf32, #tpu.memory_space<vmem>>, vector<1x1x16xf32>,
      %get3A_1302 = arith.constant 0 : i32
      %get3A_1303 = arith.index_cast %get3A_1302 : i32 to index
      %get3A_1304 = arith.constant 544 : index
      %get3A_1305 = tpu.vector_load %arg8[%get3A_1303, %get3A_1304] {strides = array<i32>} : memref<1x768xf32, #tpu.memory_space<vmem>>, vector<1x16xf32>,
      %get3A_1306 = vector.shape_cast %get3A_1305 : vector<1x16xf32> to vector<16xf32>
      %swap3A_1307 = arith.constant 4 : i32
      %swap3A_1308 = arith.constant 0 : i32
      %swap3A_1309 = arith.index_cast %swap3A_1307 : i32 to index
      %swap3A_1310 = arith.index_cast %swap3A_1308 : i32 to index
      %swap3A_1311 = arith.constant 32 : index
      %swap3A_1312 = tpu.vector_load %arg6[%swap3A_1309, %swap3A_1310, %swap3A_1311] {strides = array<i32>} : memref<6x77x128xf32, #tpu.memory_space<vmem>>, vector<1x1x16xf32>,
      %swap3A_1313 = vector.shape_cast %swap3A_1312 : vector<1x1x16xf32> to vector<16xf32>
      %swap3A_1314 = vector.shape_cast %get3A_1306 : vector<16xf32> to vector<1x1x16xf32>
      tpu.vector_store %arg6[%swap3A_1309, %swap3A_1310, %swap3A_1311], %swap3A_1314 {strides = array<i32>} : memref<6x77x128xf32, #tpu.memory_space<vmem>>, vector<1x1x16xf32>,
      %get3A_1315 = arith.constant 0 : i32
      %get3A_1316 = arith.index_cast %get3A_1315 : i32 to index
      %get3A_1317 = arith.constant 560 : index
      %get3A_1318 = tpu.vector_load %arg8[%get3A_1316, %get3A_1317] {strides = array<i32>} : memref<1x768xf32, #tpu.memory_space<vmem>>, vector<1x16xf32>,
      %get3A_1319 = vector.shape_cast %get3A_1318 : vector<1x16xf32> to vector<16xf32>
      %swap3A_1320 = arith.constant 4 : i32
      %swap3A_1321 = arith.constant 0 : i32
      %swap3A_1322 = arith.index_cast %swap3A_1320 : i32 to index
      %swap3A_1323 = arith.index_cast %swap3A_1321 : i32 to index
      %swap3A_1324 = arith.constant 48 : index
      %swap3A_1325 = tpu.vector_load %arg6[%swap3A_1322, %swap3A_1323, %swap3A_1324] {strides = array<i32>} : memref<6x77x128xf32, #tpu.memory_space<vmem>>, vector<1x1x16xf32>,
      %swap3A_1326 = vector.shape_cast %swap3A_1325 : vector<1x1x16xf32> to vector<16xf32>
      %swap3A_1327 = vector.shape_cast %get3A_1319 : vector<16xf32> to vector<1x1x16xf32>
      tpu.vector_store %arg6[%swap3A_1322, %swap3A_1323, %swap3A_1324], %swap3A_1327 {strides = array<i32>} : memref<6x77x128xf32, #tpu.memory_space<vmem>>, vector<1x1x16xf32>,
      %get3A_1328 = arith.constant 0 : i32
      %get3A_1329 = arith.index_cast %get3A_1328 : i32 to index
      %get3A_1330 = arith.constant 576 : index
      %get3A_1331 = tpu.vector_load %arg8[%get3A_1329, %get3A_1330] {strides = array<i32>} : memref<1x768xf32, #tpu.memory_space<vmem>>, vector<1x16xf32>,
      %get3A_1332 = vector.shape_cast %get3A_1331 : vector<1x16xf32> to vector<16xf32>
      %swap3A_1333 = arith.constant 4 : i32
      %swap3A_1334 = arith.constant 0 : i32
      %swap3A_1335 = arith.index_cast %swap3A_1333 : i32 to index
      %swap3A_1336 = arith.index_cast %swap3A_1334 : i32 to index
      %swap3A_1337 = arith.constant 64 : index
      %swap3A_1338 = tpu.vector_load %arg6[%swap3A_1335, %swap3A_1336, %swap3A_1337] {strides = array<i32>} : memref<6x77x128xf32, #tpu.memory_space<vmem>>, vector<1x1x16xf32>,
      %swap3A_1339 = vector.shape_cast %swap3A_1338 : vector<1x1x16xf32> to vector<16xf32>
      %swap3A_1340 = vector.shape_cast %get3A_1332 : vector<16xf32> to vector<1x1x16xf32>
      tpu.vector_store %arg6[%swap3A_1335, %swap3A_1336, %swap3A_1337], %swap3A_1340 {strides = array<i32>} : memref<6x77x128xf32, #tpu.memory_space<vmem>>, vector<1x1x16xf32>,
      %get3A_1341 = arith.constant 0 : i32
      %get3A_1342 = arith.index_cast %get3A_1341 : i32 to index
      %get3A_1343 = arith.constant 592 : index
      %get3A_1344 = tpu.vector_load %arg8[%get3A_1342, %get3A_1343] {strides = array<i32>} : memref<1x768xf32, #tpu.memory_space<vmem>>, vector<1x16xf32>,
      %get3A_1345 = vector.shape_cast %get3A_1344 : vector<1x16xf32> to vector<16xf32>
      %swap3A_1346 = arith.constant 4 : i32
      %swap3A_1347 = arith.constant 0 : i32
      %swap3A_1348 = arith.index_cast %swap3A_1346 : i32 to index
      %swap3A_1349 = arith.index_cast %swap3A_1347 : i32 to index
      %swap3A_1350 = arith.constant 80 : index
      %swap3A_1351 = tpu.vector_load %arg6[%swap3A_1348, %swap3A_1349, %swap3A_1350] {strides = array<i32>} : memref<6x77x128xf32, #tpu.memory_space<vmem>>, vector<1x1x16xf32>,
      %swap3A_1352 = vector.shape_cast %swap3A_1351 : vector<1x1x16xf32> to vector<16xf32>
      %swap3A_1353 = vector.shape_cast %get3A_1345 : vector<16xf32> to vector<1x1x16xf32>
      tpu.vector_store %arg6[%swap3A_1348, %swap3A_1349, %swap3A_1350], %swap3A_1353 {strides = array<i32>} : memref<6x77x128xf32, #tpu.memory_space<vmem>>, vector<1x1x16xf32>,
      %get3A_1354 = arith.constant 0 : i32
      %get3A_1355 = arith.index_cast %get3A_1354 : i32 to index
      %get3A_1356 = arith.constant 608 : index
      %get3A_1357 = tpu.vector_load %arg8[%get3A_1355, %get3A_1356] {strides = array<i32>} : memref<1x768xf32, #tpu.memory_space<vmem>>, vector<1x16xf32>,
      %get3A_1358 = vector.shape_cast %get3A_1357 : vector<1x16xf32> to vector<16xf32>
      %swap3A_1359 = arith.constant 4 : i32
      %swap3A_1360 = arith.constant 0 : i32
      %swap3A_1361 = arith.index_cast %swap3A_1359 : i32 to index
      %swap3A_1362 = arith.index_cast %swap3A_1360 : i32 to index
      %swap3A_1363 = arith.constant 96 : index
      %swap3A_1364 = tpu.vector_load %arg6[%swap3A_1361, %swap3A_1362, %swap3A_1363] {strides = array<i32>} : memref<6x77x128xf32, #tpu.memory_space<vmem>>, vector<1x1x16xf32>,
      %swap3A_1365 = vector.shape_cast %swap3A_1364 : vector<1x1x16xf32> to vector<16xf32>
      %swap3A_1366 = vector.shape_cast %get3A_1358 : vector<16xf32> to vector<1x1x16xf32>
      tpu.vector_store %arg6[%swap3A_1361, %swap3A_1362, %swap3A_1363], %swap3A_1366 {strides = array<i32>} : memref<6x77x128xf32, #tpu.memory_space<vmem>>, vector<1x1x16xf32>,
      %get3A_1367 = arith.constant 0 : i32
      %get3A_1368 = arith.index_cast %get3A_1367 : i32 to index
      %get3A_1369 = arith.constant 624 : index
      %get3A_1370 = tpu.vector_load %arg8[%get3A_1368, %get3A_1369] {strides = array<i32>} : memref<1x768xf32, #tpu.memory_space<vmem>>, vector<1x16xf32>,
      %get3A_1371 = vector.shape_cast %get3A_1370 : vector<1x16xf32> to vector<16xf32>
      %swap3A_1372 = arith.constant 4 : i32
      %swap3A_1373 = arith.constant 0 : i32
      %swap3A_1374 = arith.index_cast %swap3A_1372 : i32 to index
      %swap3A_1375 = arith.index_cast %swap3A_1373 : i32 to index
      %swap3A_1376 = arith.constant 112 : index
      %swap3A_1377 = tpu.vector_load %arg6[%swap3A_1374, %swap3A_1375, %swap3A_1376] {strides = array<i32>} : memref<6x77x128xf32, #tpu.memory_space<vmem>>, vector<1x1x16xf32>,
      %swap3A_1378 = vector.shape_cast %swap3A_1377 : vector<1x1x16xf32> to vector<16xf32>
      %swap3A_1379 = vector.shape_cast %get3A_1371 : vector<16xf32> to vector<1x1x16xf32>
      tpu.vector_store %arg6[%swap3A_1374, %swap3A_1375, %swap3A_1376], %swap3A_1379 {strides = array<i32>} : memref<6x77x128xf32, #tpu.memory_space<vmem>>, vector<1x1x16xf32>,
      %scan3A_1380 = arith.constant 0 : i32
      %scan3A_1381 = arith.constant 60 : i32
      %scan3A_1382 = arith.addi %scan3A_1380, %scan3A_1381 : i32
      %scan3A_1383 = arith.constant 1 : i32
      scf.for %scan3A_1614 = %scan3A_1380 to %scan3A_1382 step %scan3A_1383  : i32 {
        %add3A_1615 = arith.constant 0 : i32
        %add3A_1616 = arith.addi %add3A_1615, %scan3A_1614 : i32
        %get3A_1617 = arith.constant 4 : i32
        %get3A_1618 = arith.constant 0 : i32
        %get3A_1619 = arith.constant 0 : i32
        %get3A_1620 = tpu.memref_slice %arg7[%get3A_1617, %get3A_1618, %get3A_1619] : memref<6x60x128xf32, #tpu.memory_space<vmem>> -> memref<1x60x128xf32, #tpu.memory_space<vmem>>
        %get3A_1621 = tpu.memref_squeeze %get3A_1620 : memref<1x60x128xf32, #tpu.memory_space<vmem>> -> memref<60x128xf32, #tpu.memory_space<vmem>>
        %get3A_1622 = arith.index_cast %add3A_1616 : i32 to index
        %get3A_1623 = arith.constant 0 : index
        %get3A_1624 = tpu.vector_load %get3A_1621[%get3A_1622, %get3A_1623] {strides = array<i32>} : memref<60x128xf32, #tpu.memory_space<vmem>>, vector<1x16xf32>,
        %get3A_1625 = vector.shape_cast %get3A_1624 : vector<1x16xf32> to vector<16xf32>
        %add3A_1626 = arith.constant 17 : i32
        %add3A_1627 = arith.addi %add3A_1626, %scan3A_1614 : i32
        %swap3A_1628 = arith.constant 4 : i32
        %swap3A_1629 = arith.constant 0 : i32
        %swap3A_1630 = arith.constant 0 : i32
        %swap3A_1631 = tpu.memref_slice %arg6[%swap3A_1628, %swap3A_1629, %swap3A_1630] : memref<6x77x128xf32, #tpu.memory_space<vmem>> -> memref<1x77x128xf32, #tpu.memory_space<vmem>>
        %swap3A_1632 = tpu.memref_squeeze %swap3A_1631 : memref<1x77x128xf32, #tpu.memory_space<vmem>> -> memref<77x128xf32, #tpu.memory_space<vmem>>
        %swap3A_1633 = arith.index_cast %add3A_1627 : i32 to index
        %swap3A_1634 = arith.constant 0 : index
        %swap3A_1635 = tpu.vector_load %swap3A_1632[%swap3A_1633, %swap3A_1634] {strides = array<i32>} : memref<77x128xf32, #tpu.memory_space<vmem>>, vector<1x16xf32>,
        %swap3A_1636 = vector.shape_cast %swap3A_1635 : vector<1x16xf32> to vector<16xf32>
        %swap3A_1637 = vector.shape_cast %get3A_1625 : vector<16xf32> to vector<1x16xf32>
        tpu.vector_store %swap3A_1632[%swap3A_1633, %swap3A_1634], %swap3A_1637 {strides = array<i32>} : memref<77x128xf32, #tpu.memory_space<vmem>>, vector<1x16xf32>,
        %add3A_1638 = arith.constant 0 : i32
        %add3A_1639 = arith.addi %add3A_1638, %scan3A_1614 : i32
        %get3A_1640 = arith.constant 4 : i32
        %get3A_1641 = arith.constant 0 : i32
        %get3A_1642 = arith.constant 0 : i32
        %get3A_1643 = tpu.memref_slice %arg7[%get3A_1640, %get3A_1641, %get3A_1642] : memref<6x60x128xf32, #tpu.memory_space<vmem>> -> memref<1x60x128xf32, #tpu.memory_space<vmem>>
        %get3A_1644 = tpu.memref_squeeze %get3A_1643 : memref<1x60x128xf32, #tpu.memory_space<vmem>> -> memref<60x128xf32, #tpu.memory_space<vmem>>
        %get3A_1645 = arith.index_cast %add3A_1639 : i32 to index
        %get3A_1646 = arith.constant 16 : index
        %get3A_1647 = tpu.vector_load %get3A_1644[%get3A_1645, %get3A_1646] {strides = array<i32>} : memref<60x128xf32, #tpu.memory_space<vmem>>, vector<1x16xf32>,
        %get3A_1648 = vector.shape_cast %get3A_1647 : vector<1x16xf32> to vector<16xf32>
        %add3A_1649 = arith.constant 17 : i32
        %add3A_1650 = arith.addi %add3A_1649, %scan3A_1614 : i32
        %swap3A_1651 = arith.constant 4 : i32
        %swap3A_1652 = arith.constant 0 : i32
        %swap3A_1653 = arith.constant 0 : i32
        %swap3A_1654 = tpu.memref_slice %arg6[%swap3A_1651, %swap3A_1652, %swap3A_1653] : memref<6x77x128xf32, #tpu.memory_space<vmem>> -> memref<1x77x128xf32, #tpu.memory_space<vmem>>
        %swap3A_1655 = tpu.memref_squeeze %swap3A_1654 : memref<1x77x128xf32, #tpu.memory_space<vmem>> -> memref<77x128xf32, #tpu.memory_space<vmem>>
        %swap3A_1656 = arith.index_cast %add3A_1650 : i32 to index
        %swap3A_1657 = arith.constant 16 : index
        %swap3A_1658 = tpu.vector_load %swap3A_1655[%swap3A_1656, %swap3A_1657] {strides = array<i32>} : memref<77x128xf32, #tpu.memory_space<vmem>>, vector<1x16xf32>,
        %swap3A_1659 = vector.shape_cast %swap3A_1658 : vector<1x16xf32> to vector<16xf32>
        %swap3A_1660 = vector.shape_cast %get3A_1648 : vector<16xf32> to vector<1x16xf32>
        tpu.vector_store %swap3A_1655[%swap3A_1656, %swap3A_1657], %swap3A_1660 {strides = array<i32>} : memref<77x128xf32, #tpu.memory_space<vmem>>, vector<1x16xf32>,
        %add3A_1661 = arith.constant 0 : i32
        %add3A_1662 = arith.addi %add3A_1661, %scan3A_1614 : i32
        %get3A_1663 = arith.constant 4 : i32
        %get3A_1664 = arith.constant 0 : i32
        %get3A_1665 = arith.constant 0 : i32
        %get3A_1666 = tpu.memref_slice %arg7[%get3A_1663, %get3A_1664, %get3A_1665] : memref<6x60x128xf32, #tpu.memory_space<vmem>> -> memref<1x60x128xf32, #tpu.memory_space<vmem>>
        %get3A_1667 = tpu.memref_squeeze %get3A_1666 : memref<1x60x128xf32, #tpu.memory_space<vmem>> -> memref<60x128xf32, #tpu.memory_space<vmem>>
        %get3A_1668 = arith.index_cast %add3A_1662 : i32 to index
        %get3A_1669 = arith.constant 32 : index
        %get3A_1670 = tpu.vector_load %get3A_1667[%get3A_1668, %get3A_1669] {strides = array<i32>} : memref<60x128xf32, #tpu.memory_space<vmem>>, vector<1x16xf32>,
        %get3A_1671 = vector.shape_cast %get3A_1670 : vector<1x16xf32> to vector<16xf32>
        %add3A_1672 = arith.constant 17 : i32
        %add3A_1673 = arith.addi %add3A_1672, %scan3A_1614 : i32
        %swap3A_1674 = arith.constant 4 : i32
        %swap3A_1675 = arith.constant 0 : i32
        %swap3A_1676 = arith.constant 0 : i32
        %swap3A_1677 = tpu.memref_slice %arg6[%swap3A_1674, %swap3A_1675, %swap3A_1676] : memref<6x77x128xf32, #tpu.memory_space<vmem>> -> memref<1x77x128xf32, #tpu.memory_space<vmem>>
        %swap3A_1678 = tpu.memref_squeeze %swap3A_1677 : memref<1x77x128xf32, #tpu.memory_space<vmem>> -> memref<77x128xf32, #tpu.memory_space<vmem>>
        %swap3A_1679 = arith.index_cast %add3A_1673 : i32 to index
        %swap3A_1680 = arith.constant 32 : index
        %swap3A_1681 = tpu.vector_load %swap3A_1678[%swap3A_1679, %swap3A_1680] {strides = array<i32>} : memref<77x128xf32, #tpu.memory_space<vmem>>, vector<1x16xf32>,
        %swap3A_1682 = vector.shape_cast %swap3A_1681 : vector<1x16xf32> to vector<16xf32>
        %swap3A_1683 = vector.shape_cast %get3A_1671 : vector<16xf32> to vector<1x16xf32>
        tpu.vector_store %swap3A_1678[%swap3A_1679, %swap3A_1680], %swap3A_1683 {strides = array<i32>} : memref<77x128xf32, #tpu.memory_space<vmem>>, vector<1x16xf32>,
        %add3A_1684 = arith.constant 0 : i32
        %add3A_1685 = arith.addi %add3A_1684, %scan3A_1614 : i32
        %get3A_1686 = arith.constant 4 : i32
        %get3A_1687 = arith.constant 0 : i32
        %get3A_1688 = arith.constant 0 : i32
        %get3A_1689 = tpu.memref_slice %arg7[%get3A_1686, %get3A_1687, %get3A_1688] : memref<6x60x128xf32, #tpu.memory_space<vmem>> -> memref<1x60x128xf32, #tpu.memory_space<vmem>>
        %get3A_1690 = tpu.memref_squeeze %get3A_1689 : memref<1x60x128xf32, #tpu.memory_space<vmem>> -> memref<60x128xf32, #tpu.memory_space<vmem>>
        %get3A_1691 = arith.index_cast %add3A_1685 : i32 to index
        %get3A_1692 = arith.constant 48 : index
        %get3A_1693 = tpu.vector_load %get3A_1690[%get3A_1691, %get3A_1692] {strides = array<i32>} : memref<60x128xf32, #tpu.memory_space<vmem>>, vector<1x16xf32>,
        %get3A_1694 = vector.shape_cast %get3A_1693 : vector<1x16xf32> to vector<16xf32>
        %add3A_1695 = arith.constant 17 : i32
        %add3A_1696 = arith.addi %add3A_1695, %scan3A_1614 : i32
        %swap3A_1697 = arith.constant 4 : i32
        %swap3A_1698 = arith.constant 0 : i32
        %swap3A_1699 = arith.constant 0 : i32
        %swap3A_1700 = tpu.memref_slice %arg6[%swap3A_1697, %swap3A_1698, %swap3A_1699] : memref<6x77x128xf32, #tpu.memory_space<vmem>> -> memref<1x77x128xf32, #tpu.memory_space<vmem>>
        %swap3A_1701 = tpu.memref_squeeze %swap3A_1700 : memref<1x77x128xf32, #tpu.memory_space<vmem>> -> memref<77x128xf32, #tpu.memory_space<vmem>>
        %swap3A_1702 = arith.index_cast %add3A_1696 : i32 to index
        %swap3A_1703 = arith.constant 48 : index
        %swap3A_1704 = tpu.vector_load %swap3A_1701[%swap3A_1702, %swap3A_1703] {strides = array<i32>} : memref<77x128xf32, #tpu.memory_space<vmem>>, vector<1x16xf32>,
        %swap3A_1705 = vector.shape_cast %swap3A_1704 : vector<1x16xf32> to vector<16xf32>
        %swap3A_1706 = vector.shape_cast %get3A_1694 : vector<16xf32> to vector<1x16xf32>
        tpu.vector_store %swap3A_1701[%swap3A_1702, %swap3A_1703], %swap3A_1706 {strides = array<i32>} : memref<77x128xf32, #tpu.memory_space<vmem>>, vector<1x16xf32>,
        %add3A_1707 = arith.constant 0 : i32
        %add3A_1708 = arith.addi %add3A_1707, %scan3A_1614 : i32
        %get3A_1709 = arith.constant 4 : i32
        %get3A_1710 = arith.constant 0 : i32
        %get3A_1711 = arith.constant 0 : i32
        %get3A_1712 = tpu.memref_slice %arg7[%get3A_1709, %get3A_1710, %get3A_1711] : memref<6x60x128xf32, #tpu.memory_space<vmem>> -> memref<1x60x128xf32, #tpu.memory_space<vmem>>
        %get3A_1713 = tpu.memref_squeeze %get3A_1712 : memref<1x60x128xf32, #tpu.memory_space<vmem>> -> memref<60x128xf32, #tpu.memory_space<vmem>>
        %get3A_1714 = arith.index_cast %add3A_1708 : i32 to index
        %get3A_1715 = arith.constant 64 : index
        %get3A_1716 = tpu.vector_load %get3A_1713[%get3A_1714, %get3A_1715] {strides = array<i32>} : memref<60x128xf32, #tpu.memory_space<vmem>>, vector<1x16xf32>,
        %get3A_1717 = vector.shape_cast %get3A_1716 : vector<1x16xf32> to vector<16xf32>
        %add3A_1718 = arith.constant 17 : i32
        %add3A_1719 = arith.addi %add3A_1718, %scan3A_1614 : i32
        %swap3A_1720 = arith.constant 4 : i32
        %swap3A_1721 = arith.constant 0 : i32
        %swap3A_1722 = arith.constant 0 : i32
        %swap3A_1723 = tpu.memref_slice %arg6[%swap3A_1720, %swap3A_1721, %swap3A_1722] : memref<6x77x128xf32, #tpu.memory_space<vmem>> -> memref<1x77x128xf32, #tpu.memory_space<vmem>>
        %swap3A_1724 = tpu.memref_squeeze %swap3A_1723 : memref<1x77x128xf32, #tpu.memory_space<vmem>> -> memref<77x128xf32, #tpu.memory_space<vmem>>
        %swap3A_1725 = arith.index_cast %add3A_1719 : i32 to index
        %swap3A_1726 = arith.constant 64 : index
        %swap3A_1727 = tpu.vector_load %swap3A_1724[%swap3A_1725, %swap3A_1726] {strides = array<i32>} : memref<77x128xf32, #tpu.memory_space<vmem>>, vector<1x16xf32>,
        %swap3A_1728 = vector.shape_cast %swap3A_1727 : vector<1x16xf32> to vector<16xf32>
        %swap3A_1729 = vector.shape_cast %get3A_1717 : vector<16xf32> to vector<1x16xf32>
        tpu.vector_store %swap3A_1724[%swap3A_1725, %swap3A_1726], %swap3A_1729 {strides = array<i32>} : memref<77x128xf32, #tpu.memory_space<vmem>>, vector<1x16xf32>,
        %add3A_1730 = arith.constant 0 : i32
        %add3A_1731 = arith.addi %add3A_1730, %scan3A_1614 : i32
        %get3A_1732 = arith.constant 4 : i32
        %get3A_1733 = arith.constant 0 : i32
        %get3A_1734 = arith.constant 0 : i32
        %get3A_1735 = tpu.memref_slice %arg7[%get3A_1732, %get3A_1733, %get3A_1734] : memref<6x60x128xf32, #tpu.memory_space<vmem>> -> memref<1x60x128xf32, #tpu.memory_space<vmem>>
        %get3A_1736 = tpu.memref_squeeze %get3A_1735 : memref<1x60x128xf32, #tpu.memory_space<vmem>> -> memref<60x128xf32, #tpu.memory_space<vmem>>
        %get3A_1737 = arith.index_cast %add3A_1731 : i32 to index
        %get3A_1738 = arith.constant 80 : index
        %get3A_1739 = tpu.vector_load %get3A_1736[%get3A_1737, %get3A_1738] {strides = array<i32>} : memref<60x128xf32, #tpu.memory_space<vmem>>, vector<1x16xf32>,
        %get3A_1740 = vector.shape_cast %get3A_1739 : vector<1x16xf32> to vector<16xf32>
        %add3A_1741 = arith.constant 17 : i32
        %add3A_1742 = arith.addi %add3A_1741, %scan3A_1614 : i32
        %swap3A_1743 = arith.constant 4 : i32
        %swap3A_1744 = arith.constant 0 : i32
        %swap3A_1745 = arith.constant 0 : i32
        %swap3A_1746 = tpu.memref_slice %arg6[%swap3A_1743, %swap3A_1744, %swap3A_1745] : memref<6x77x128xf32, #tpu.memory_space<vmem>> -> memref<1x77x128xf32, #tpu.memory_space<vmem>>
        %swap3A_1747 = tpu.memref_squeeze %swap3A_1746 : memref<1x77x128xf32, #tpu.memory_space<vmem>> -> memref<77x128xf32, #tpu.memory_space<vmem>>
        %swap3A_1748 = arith.index_cast %add3A_1742 : i32 to index
        %swap3A_1749 = arith.constant 80 : index
        %swap3A_1750 = tpu.vector_load %swap3A_1747[%swap3A_1748, %swap3A_1749] {strides = array<i32>} : memref<77x128xf32, #tpu.memory_space<vmem>>, vector<1x16xf32>,
        %swap3A_1751 = vector.shape_cast %swap3A_1750 : vector<1x16xf32> to vector<16xf32>
        %swap3A_1752 = vector.shape_cast %get3A_1740 : vector<16xf32> to vector<1x16xf32>
        tpu.vector_store %swap3A_1747[%swap3A_1748, %swap3A_1749], %swap3A_1752 {strides = array<i32>} : memref<77x128xf32, #tpu.memory_space<vmem>>, vector<1x16xf32>,
        %add3A_1753 = arith.constant 0 : i32
        %add3A_1754 = arith.addi %add3A_1753, %scan3A_1614 : i32
        %get3A_1755 = arith.constant 4 : i32
        %get3A_1756 = arith.constant 0 : i32
        %get3A_1757 = arith.constant 0 : i32
        %get3A_1758 = tpu.memref_slice %arg7[%get3A_1755, %get3A_1756, %get3A_1757] : memref<6x60x128xf32, #tpu.memory_space<vmem>> -> memref<1x60x128xf32, #tpu.memory_space<vmem>>
        %get3A_1759 = tpu.memref_squeeze %get3A_1758 : memref<1x60x128xf32, #tpu.memory_space<vmem>> -> memref<60x128xf32, #tpu.memory_space<vmem>>
        %get3A_1760 = arith.index_cast %add3A_1754 : i32 to index
        %get3A_1761 = arith.constant 96 : index
        %get3A_1762 = tpu.vector_load %get3A_1759[%get3A_1760, %get3A_1761] {strides = array<i32>} : memref<60x128xf32, #tpu.memory_space<vmem>>, vector<1x16xf32>,
        %get3A_1763 = vector.shape_cast %get3A_1762 : vector<1x16xf32> to vector<16xf32>
        %add3A_1764 = arith.constant 17 : i32
        %add3A_1765 = arith.addi %add3A_1764, %scan3A_1614 : i32
        %swap3A_1766 = arith.constant 4 : i32
        %swap3A_1767 = arith.constant 0 : i32
        %swap3A_1768 = arith.constant 0 : i32
        %swap3A_1769 = tpu.memref_slice %arg6[%swap3A_1766, %swap3A_1767, %swap3A_1768] : memref<6x77x128xf32, #tpu.memory_space<vmem>> -> memref<1x77x128xf32, #tpu.memory_space<vmem>>
        %swap3A_1770 = tpu.memref_squeeze %swap3A_1769 : memref<1x77x128xf32, #tpu.memory_space<vmem>> -> memref<77x128xf32, #tpu.memory_space<vmem>>
        %swap3A_1771 = arith.index_cast %add3A_1765 : i32 to index
        %swap3A_1772 = arith.constant 96 : index
        %swap3A_1773 = tpu.vector_load %swap3A_1770[%swap3A_1771, %swap3A_1772] {strides = array<i32>} : memref<77x128xf32, #tpu.memory_space<vmem>>, vector<1x16xf32>,
        %swap3A_1774 = vector.shape_cast %swap3A_1773 : vector<1x16xf32> to vector<16xf32>
        %swap3A_1775 = vector.shape_cast %get3A_1763 : vector<16xf32> to vector<1x16xf32>
        tpu.vector_store %swap3A_1770[%swap3A_1771, %swap3A_1772], %swap3A_1775 {strides = array<i32>} : memref<77x128xf32, #tpu.memory_space<vmem>>, vector<1x16xf32>,
        %add3A_1776 = arith.constant 0 : i32
        %add3A_1777 = arith.addi %add3A_1776, %scan3A_1614 : i32
        %get3A_1778 = arith.constant 4 : i32
        %get3A_1779 = arith.constant 0 : i32
        %get3A_1780 = arith.constant 0 : i32
        %get3A_1781 = tpu.memref_slice %arg7[%get3A_1778, %get3A_1779, %get3A_1780] : memref<6x60x128xf32, #tpu.memory_space<vmem>> -> memref<1x60x128xf32, #tpu.memory_space<vmem>>
        %get3A_1782 = tpu.memref_squeeze %get3A_1781 : memref<1x60x128xf32, #tpu.memory_space<vmem>> -> memref<60x128xf32, #tpu.memory_space<vmem>>
        %get3A_1783 = arith.index_cast %add3A_1777 : i32 to index
        %get3A_1784 = arith.constant 112 : index
        %get3A_1785 = tpu.vector_load %get3A_1782[%get3A_1783, %get3A_1784] {strides = array<i32>} : memref<60x128xf32, #tpu.memory_space<vmem>>, vector<1x16xf32>,
        %get3A_1786 = vector.shape_cast %get3A_1785 : vector<1x16xf32> to vector<16xf32>
        %add3A_1787 = arith.constant 17 : i32
        %add3A_1788 = arith.addi %add3A_1787, %scan3A_1614 : i32
        %swap3A_1789 = arith.constant 4 : i32
        %swap3A_1790 = arith.constant 0 : i32
        %swap3A_1791 = arith.constant 0 : i32
        %swap3A_1792 = tpu.memref_slice %arg6[%swap3A_1789, %swap3A_1790, %swap3A_1791] : memref<6x77x128xf32, #tpu.memory_space<vmem>> -> memref<1x77x128xf32, #tpu.memory_space<vmem>>
        %swap3A_1793 = tpu.memref_squeeze %swap3A_1792 : memref<1x77x128xf32, #tpu.memory_space<vmem>> -> memref<77x128xf32, #tpu.memory_space<vmem>>
        %swap3A_1794 = arith.index_cast %add3A_1788 : i32 to index
        %swap3A_1795 = arith.constant 112 : index
        %swap3A_1796 = tpu.vector_load %swap3A_1793[%swap3A_1794, %swap3A_1795] {strides = array<i32>} : memref<77x128xf32, #tpu.memory_space<vmem>>, vector<1x16xf32>,
        %swap3A_1797 = vector.shape_cast %swap3A_1796 : vector<1x16xf32> to vector<16xf32>
        %swap3A_1798 = vector.shape_cast %get3A_1786 : vector<16xf32> to vector<1x16xf32>
        tpu.vector_store %swap3A_1793[%swap3A_1794, %swap3A_1795], %swap3A_1798 {strides = array<i32>} : memref<77x128xf32, #tpu.memory_space<vmem>>, vector<1x16xf32>,
      }
      %scan3A_1384 = arith.constant 60 : i32
      %add3A_1385 = arith.addi %mul3A_2, %scan3A_552 : i32
      %min3A_1386 = arith.constant 999 : i32
      %min3A_1387 = arith.minsi %add3A_1385, %min3A_1386 : i32
      %dma_start3A_1388 = arith.constant 4 : i32
      %dma_start3A_1389 = arith.constant 0 : i32
      %dma_start3A_1390 = arith.constant 0 : i32
      %dma_start3A_1391 = tpu.memref_slice %arg6[%dma_start3A_1388, %dma_start3A_1389, %dma_start3A_1390] : memref<6x77x128xf32, #tpu.memory_space<vmem>> -> memref<1x77x128xf32, #tpu.memory_space<vmem>>
      %dma_start3A_1392 = tpu.memref_squeeze %dma_start3A_1391 : memref<1x77x128xf32, #tpu.memory_space<vmem>> -> memref<77x128xf32, #tpu.memory_space<vmem>>
      %dma_start3A_1393 = arith.constant 0 : i32
      %dma_start3A_1394 = arith.constant 512 : i32
      %dma_start3A_1395 = tpu.memref_slice %arg5[%min3A_1387, %dma_start3A_1393, %dma_start3A_1394] : memref<1000x77x768xf32, #tpu.memory_space<hbm>> -> memref<1x77x128xf32, #tpu.memory_space<hbm>>
      %dma_start3A_1396 = tpu.memref_squeeze %dma_start3A_1395 : memref<1x77x128xf32, #tpu.memory_space<hbm>> -> memref<77x128xf32, #tpu.memory_space<hbm>>
      %dma_start3A_1397 = arith.constant 0 : i32
      %dma_start3A_1398 = arith.constant 512 : i32
      %dma_start3A_1399 = tpu.memref_slice %arg5[%min3A_1387, %dma_start3A_1397, %dma_start3A_1398] : memref<1000x77x768xf32, #tpu.memory_space<hbm>> -> memref<1x77x128xf32, #tpu.memory_space<hbm>>
      %dma_start3A_1400 = tpu.memref_squeeze %dma_start3A_1399 : memref<1x77x128xf32, #tpu.memory_space<hbm>> -> memref<77x128xf32, #tpu.memory_space<hbm>>
      %dma_start3A_1401 = arith.constant 0 : i32
      %dma_start3A_1402 = arith.constant 0 : i32
      %dma_start3A_1403 = tpu.memref_slice %arg6[%dma_start3A_1388, %dma_start3A_1401, %dma_start3A_1402] : memref<6x77x128xf32, #tpu.memory_space<vmem>> -> memref<1x77x128xf32, #tpu.memory_space<vmem>>
      %dma_start3A_1404 = tpu.memref_squeeze %dma_start3A_1403 : memref<1x77x128xf32, #tpu.memory_space<vmem>> -> memref<77x128xf32, #tpu.memory_space<vmem>>
      tpu.enqueue_dma source(%dma_start3A_1404 : memref<77x128xf32, #tpu.memory_space<vmem>>) target(%dma_start3A_1400 : memref<77x128xf32, #tpu.memory_space<hbm>>) target_semaphore(%arg10 : memref<!tpu.dma_semaphore, #tpu.memory_space<semaphore_mem>>)
      %add3A_1405 = arith.constant 1 : i32
      %add3A_1406 = arith.addi %scan3A_552, %add3A_1405 : i32
      %add3A_1407 = arith.addi %mul3A_2, %add3A_1406 : i32
      %min3A_1408 = arith.constant 999 : i32
      %min3A_1409 = arith.minsi %add3A_1407, %min3A_1408 : i32
      %dma_start3A_1410 = arith.constant 4 : i32
      %dma_start3A_1411 = arith.constant 0 : i32
      %dma_start3A_1412 = arith.constant 0 : i32
      %dma_start3A_1413 = tpu.memref_slice %arg7[%dma_start3A_1410, %dma_start3A_1411, %dma_start3A_1412] : memref<6x60x128xf32, #tpu.memory_space<vmem>> -> memref<1x60x128xf32, #tpu.memory_space<vmem>>
      %dma_start3A_1414 = tpu.memref_squeeze %dma_start3A_1413 : memref<1x60x128xf32, #tpu.memory_space<vmem>> -> memref<60x128xf32, #tpu.memory_space<vmem>>
      %dma_start3A_1415 = arith.constant 0 : i32
      %dma_start3A_1416 = arith.constant 512 : i32
      %dma_start3A_1417 = tpu.memref_slice %arg4[%min3A_1409, %dma_start3A_1415, %dma_start3A_1416] : memref<1000x60x768xf32, #tpu.memory_space<hbm>> -> memref<1x60x128xf32, #tpu.memory_space<hbm>>
      %dma_start3A_1418 = tpu.memref_squeeze %dma_start3A_1417 : memref<1x60x128xf32, #tpu.memory_space<hbm>> -> memref<60x128xf32, #tpu.memory_space<hbm>>
      %dma_start3A_1419 = arith.constant 0 : i32
      %dma_start3A_1420 = arith.constant 0 : i32
      %dma_start3A_1421 = tpu.memref_slice %arg7[%dma_start3A_1410, %dma_start3A_1419, %dma_start3A_1420] : memref<6x60x128xf32, #tpu.memory_space<vmem>> -> memref<1x60x128xf32, #tpu.memory_space<vmem>>
      %dma_start3A_1422 = tpu.memref_squeeze %dma_start3A_1421 : memref<1x60x128xf32, #tpu.memory_space<vmem>> -> memref<60x128xf32, #tpu.memory_space<vmem>>
      %dma_start3A_1423 = arith.constant 0 : i32
      %dma_start3A_1424 = arith.constant 512 : i32
      %dma_start3A_1425 = tpu.memref_slice %arg4[%min3A_1409, %dma_start3A_1423, %dma_start3A_1424] : memref<1000x60x768xf32, #tpu.memory_space<hbm>> -> memref<1x60x128xf32, #tpu.memory_space<hbm>>
      %dma_start3A_1426 = tpu.memref_squeeze %dma_start3A_1425 : memref<1x60x128xf32, #tpu.memory_space<hbm>> -> memref<60x128xf32, #tpu.memory_space<hbm>>
      tpu.enqueue_dma source(%dma_start3A_1426 : memref<60x128xf32, #tpu.memory_space<hbm>>) target(%dma_start3A_1422 : memref<60x128xf32, #tpu.memory_space<vmem>>) target_semaphore(%arg9 : memref<!tpu.dma_semaphore, #tpu.memory_space<semaphore_mem>>)
      %dma_wait3A_1427 = arith.constant 0 : i32
      %dma_wait3A_1428 = arith.constant 5 : i32
      %dma_wait3A_1429 = arith.constant 0 : i32
      %dma_wait3A_1430 = arith.constant 0 : i32
      %dma_wait3A_1431 = tpu.memref_slice %arg7[%dma_wait3A_1428, %dma_wait3A_1429, %dma_wait3A_1430] : memref<6x60x128xf32, #tpu.memory_space<vmem>> -> memref<1x60x128xf32, #tpu.memory_space<vmem>>
      %dma_wait3A_1432 = tpu.memref_squeeze %dma_wait3A_1431 : memref<1x60x128xf32, #tpu.memory_space<vmem>> -> memref<60x128xf32, #tpu.memory_space<vmem>>
      %dma_wait3A_1433 = arith.constant 0 : i32
      %dma_wait3A_1434 = arith.constant 0 : i32
      %dma_wait3A_1435 = tpu.memref_slice %arg4[%dma_wait3A_1427, %dma_wait3A_1433, %dma_wait3A_1434] : memref<1000x60x768xf32, #tpu.memory_space<hbm>> -> memref<1x60x128xf32, #tpu.memory_space<hbm>>
      %dma_wait3A_1436 = tpu.memref_squeeze %dma_wait3A_1435 : memref<1x60x128xf32, #tpu.memory_space<hbm>> -> memref<60x128xf32, #tpu.memory_space<hbm>>
      %dma_wait3A_1437 = arith.constant 0 : i32
      %dma_wait3A_1438 = arith.constant 0 : i32
      %dma_wait3A_1439 = tpu.memref_slice %arg7[%dma_wait3A_1428, %dma_wait3A_1437, %dma_wait3A_1438] : memref<6x60x128xf32, #tpu.memory_space<vmem>> -> memref<1x60x128xf32, #tpu.memory_space<vmem>>
      %dma_wait3A_1440 = tpu.memref_squeeze %dma_wait3A_1439 : memref<1x60x128xf32, #tpu.memory_space<vmem>> -> memref<60x128xf32, #tpu.memory_space<vmem>>
      %dma_wait3A_1441 = arith.constant 0 : i32
      %dma_wait3A_1442 = arith.constant 0 : i32
      %dma_wait3A_1443 = tpu.memref_slice %arg4[%dma_wait3A_1427, %dma_wait3A_1441, %dma_wait3A_1442] : memref<1000x60x768xf32, #tpu.memory_space<hbm>> -> memref<1x60x128xf32, #tpu.memory_space<hbm>>
      %dma_wait3A_1444 = tpu.memref_squeeze %dma_wait3A_1443 : memref<1x60x128xf32, #tpu.memory_space<hbm>> -> memref<60x128xf32, #tpu.memory_space<hbm>>
      tpu.wait_dma2 semaphore(%arg9 : memref<!tpu.dma_semaphore, #tpu.memory_space<semaphore_mem>>) src(%dma_wait3A_1444 : memref<60x128xf32, #tpu.memory_space<hbm>>) dst(%dma_wait3A_1440 : memref<60x128xf32, #tpu.memory_space<vmem>>)
      %gt3A_1445 = arith.constant 0 : i32
      %gt3A_1446 = arith.cmpi sgt, %scan3A_552, %gt3A_1445 : i32
      %convert_element_type3A_1447 = arith.extui %gt3A_1446 : i1 to i32
      %cond3A_1448 = arith.constant 0 : i32
      %cond3A_1449 = arith.cmpi ne, %convert_element_type3A_1447, %cond3A_1448 : i32
      scf.if %cond3A_1449 {
        %dma_wait3A_1614 = arith.constant 5 : i32
        %dma_wait3A_1615 = arith.constant 0 : i32
        %dma_wait3A_1616 = arith.constant 0 : i32
        %dma_wait3A_1617 = arith.constant 0 : i32
        %dma_wait3A_1618 = tpu.memref_slice %arg6[%dma_wait3A_1614, %dma_wait3A_1616, %dma_wait3A_1617] : memref<6x77x128xf32, #tpu.memory_space<vmem>> -> memref<1x77x128xf32, #tpu.memory_space<vmem>>
        %dma_wait3A_1619 = tpu.memref_squeeze %dma_wait3A_1618 : memref<1x77x128xf32, #tpu.memory_space<vmem>> -> memref<77x128xf32, #tpu.memory_space<vmem>>
        %dma_wait3A_1620 = arith.constant 0 : i32
        %dma_wait3A_1621 = arith.constant 0 : i32
        %dma_wait3A_1622 = tpu.memref_slice %arg5[%dma_wait3A_1615, %dma_wait3A_1620, %dma_wait3A_1621] : memref<1000x77x768xf32, #tpu.memory_space<hbm>> -> memref<1x77x128xf32, #tpu.memory_space<hbm>>
        %dma_wait3A_1623 = tpu.memref_squeeze %dma_wait3A_1622 : memref<1x77x128xf32, #tpu.memory_space<hbm>> -> memref<77x128xf32, #tpu.memory_space<hbm>>
        %dma_wait3A_1624 = arith.constant 0 : i32
        %dma_wait3A_1625 = arith.constant 0 : i32
        %dma_wait3A_1626 = tpu.memref_slice %arg5[%dma_wait3A_1615, %dma_wait3A_1624, %dma_wait3A_1625] : memref<1000x77x768xf32, #tpu.memory_space<hbm>> -> memref<1x77x128xf32, #tpu.memory_space<hbm>>
        %dma_wait3A_1627 = tpu.memref_squeeze %dma_wait3A_1626 : memref<1x77x128xf32, #tpu.memory_space<hbm>> -> memref<77x128xf32, #tpu.memory_space<hbm>>
        %dma_wait3A_1628 = arith.constant 0 : i32
        %dma_wait3A_1629 = arith.constant 0 : i32
        %dma_wait3A_1630 = tpu.memref_slice %arg6[%dma_wait3A_1614, %dma_wait3A_1628, %dma_wait3A_1629] : memref<6x77x128xf32, #tpu.memory_space<vmem>> -> memref<1x77x128xf32, #tpu.memory_space<vmem>>
        %dma_wait3A_1631 = tpu.memref_squeeze %dma_wait3A_1630 : memref<1x77x128xf32, #tpu.memory_space<vmem>> -> memref<77x128xf32, #tpu.memory_space<vmem>>
        tpu.wait_dma2 semaphore(%arg10 : memref<!tpu.dma_semaphore, #tpu.memory_space<semaphore_mem>>) src(%dma_wait3A_1631 : memref<77x128xf32, #tpu.memory_space<vmem>>) dst(%dma_wait3A_1627 : memref<77x128xf32, #tpu.memory_space<hbm>>)
      } else {
      }
      %get3A_1450 = arith.constant 0 : i32
      %get3A_1451 = arith.index_cast %get3A_1450 : i32 to index
      %get3A_1452 = arith.constant 640 : index
      %get3A_1453 = tpu.vector_load %arg8[%get3A_1451, %get3A_1452] {strides = array<i32>} : memref<1x768xf32, #tpu.memory_space<vmem>>, vector<1x16xf32>,
      %get3A_1454 = vector.shape_cast %get3A_1453 : vector<1x16xf32> to vector<16xf32>
      %swap3A_1455 = arith.constant 5 : i32
      %swap3A_1456 = arith.constant 0 : i32
      %swap3A_1457 = arith.index_cast %swap3A_1455 : i32 to index
      %swap3A_1458 = arith.index_cast %swap3A_1456 : i32 to index
      %swap3A_1459 = arith.constant 0 : index
      %swap3A_1460 = tpu.vector_load %arg6[%swap3A_1457, %swap3A_1458, %swap3A_1459] {strides = array<i32>} : memref<6x77x128xf32, #tpu.memory_space<vmem>>, vector<1x1x16xf32>,
      %swap3A_1461 = vector.shape_cast %swap3A_1460 : vector<1x1x16xf32> to vector<16xf32>
      %swap3A_1462 = vector.shape_cast %get3A_1454 : vector<16xf32> to vector<1x1x16xf32>
      tpu.vector_store %arg6[%swap3A_1457, %swap3A_1458, %swap3A_1459], %swap3A_1462 {strides = array<i32>} : memref<6x77x128xf32, #tpu.memory_space<vmem>>, vector<1x1x16xf32>,
      %get3A_1463 = arith.constant 0 : i32
      %get3A_1464 = arith.index_cast %get3A_1463 : i32 to index
      %get3A_1465 = arith.constant 656 : index
      %get3A_1466 = tpu.vector_load %arg8[%get3A_1464, %get3A_1465] {strides = array<i32>} : memref<1x768xf32, #tpu.memory_space<vmem>>, vector<1x16xf32>,
      %get3A_1467 = vector.shape_cast %get3A_1466 : vector<1x16xf32> to vector<16xf32>
      %swap3A_1468 = arith.constant 5 : i32
      %swap3A_1469 = arith.constant 0 : i32
      %swap3A_1470 = arith.index_cast %swap3A_1468 : i32 to index
      %swap3A_1471 = arith.index_cast %swap3A_1469 : i32 to index
      %swap3A_1472 = arith.constant 16 : index
      %swap3A_1473 = tpu.vector_load %arg6[%swap3A_1470, %swap3A_1471, %swap3A_1472] {strides = array<i32>} : memref<6x77x128xf32, #tpu.memory_space<vmem>>, vector<1x1x16xf32>,
      %swap3A_1474 = vector.shape_cast %swap3A_1473 : vector<1x1x16xf32> to vector<16xf32>
      %swap3A_1475 = vector.shape_cast %get3A_1467 : vector<16xf32> to vector<1x1x16xf32>
      tpu.vector_store %arg6[%swap3A_1470, %swap3A_1471, %swap3A_1472], %swap3A_1475 {strides = array<i32>} : memref<6x77x128xf32, #tpu.memory_space<vmem>>, vector<1x1x16xf32>,
      %get3A_1476 = arith.constant 0 : i32
      %get3A_1477 = arith.index_cast %get3A_1476 : i32 to index
      %get3A_1478 = arith.constant 672 : index
      %get3A_1479 = tpu.vector_load %arg8[%get3A_1477, %get3A_1478] {strides = array<i32>} : memref<1x768xf32, #tpu.memory_space<vmem>>, vector<1x16xf32>,
      %get3A_1480 = vector.shape_cast %get3A_1479 : vector<1x16xf32> to vector<16xf32>
      %swap3A_1481 = arith.constant 5 : i32
      %swap3A_1482 = arith.constant 0 : i32
      %swap3A_1483 = arith.index_cast %swap3A_1481 : i32 to index
      %swap3A_1484 = arith.index_cast %swap3A_1482 : i32 to index
      %swap3A_1485 = arith.constant 32 : index
      %swap3A_1486 = tpu.vector_load %arg6[%swap3A_1483, %swap3A_1484, %swap3A_1485] {strides = array<i32>} : memref<6x77x128xf32, #tpu.memory_space<vmem>>, vector<1x1x16xf32>,
      %swap3A_1487 = vector.shape_cast %swap3A_1486 : vector<1x1x16xf32> to vector<16xf32>
      %swap3A_1488 = vector.shape_cast %get3A_1480 : vector<16xf32> to vector<1x1x16xf32>
      tpu.vector_store %arg6[%swap3A_1483, %swap3A_1484, %swap3A_1485], %swap3A_1488 {strides = array<i32>} : memref<6x77x128xf32, #tpu.memory_space<vmem>>, vector<1x1x16xf32>,
      %get3A_1489 = arith.constant 0 : i32
      %get3A_1490 = arith.index_cast %get3A_1489 : i32 to index
      %get3A_1491 = arith.constant 688 : index
      %get3A_1492 = tpu.vector_load %arg8[%get3A_1490, %get3A_1491] {strides = array<i32>} : memref<1x768xf32, #tpu.memory_space<vmem>>, vector<1x16xf32>,
      %get3A_1493 = vector.shape_cast %get3A_1492 : vector<1x16xf32> to vector<16xf32>
      %swap3A_1494 = arith.constant 5 : i32
      %swap3A_1495 = arith.constant 0 : i32
      %swap3A_1496 = arith.index_cast %swap3A_1494 : i32 to index
      %swap3A_1497 = arith.index_cast %swap3A_1495 : i32 to index
      %swap3A_1498 = arith.constant 48 : index
      %swap3A_1499 = tpu.vector_load %arg6[%swap3A_1496, %swap3A_1497, %swap3A_1498] {strides = array<i32>} : memref<6x77x128xf32, #tpu.memory_space<vmem>>, vector<1x1x16xf32>,
      %swap3A_1500 = vector.shape_cast %swap3A_1499 : vector<1x1x16xf32> to vector<16xf32>
      %swap3A_1501 = vector.shape_cast %get3A_1493 : vector<16xf32> to vector<1x1x16xf32>
      tpu.vector_store %arg6[%swap3A_1496, %swap3A_1497, %swap3A_1498], %swap3A_1501 {strides = array<i32>} : memref<6x77x128xf32, #tpu.memory_space<vmem>>, vector<1x1x16xf32>,
      %get3A_1502 = arith.constant 0 : i32
      %get3A_1503 = arith.index_cast %get3A_1502 : i32 to index
      %get3A_1504 = arith.constant 704 : index
      %get3A_1505 = tpu.vector_load %arg8[%get3A_1503, %get3A_1504] {strides = array<i32>} : memref<1x768xf32, #tpu.memory_space<vmem>>, vector<1x16xf32>,
      %get3A_1506 = vector.shape_cast %get3A_1505 : vector<1x16xf32> to vector<16xf32>
      %swap3A_1507 = arith.constant 5 : i32
      %swap3A_1508 = arith.constant 0 : i32
      %swap3A_1509 = arith.index_cast %swap3A_1507 : i32 to index
      %swap3A_1510 = arith.index_cast %swap3A_1508 : i32 to index
      %swap3A_1511 = arith.constant 64 : index
      %swap3A_1512 = tpu.vector_load %arg6[%swap3A_1509, %swap3A_1510, %swap3A_1511] {strides = array<i32>} : memref<6x77x128xf32, #tpu.memory_space<vmem>>, vector<1x1x16xf32>,
      %swap3A_1513 = vector.shape_cast %swap3A_1512 : vector<1x1x16xf32> to vector<16xf32>
      %swap3A_1514 = vector.shape_cast %get3A_1506 : vector<16xf32> to vector<1x1x16xf32>
      tpu.vector_store %arg6[%swap3A_1509, %swap3A_1510, %swap3A_1511], %swap3A_1514 {strides = array<i32>} : memref<6x77x128xf32, #tpu.memory_space<vmem>>, vector<1x1x16xf32>,
      %get3A_1515 = arith.constant 0 : i32
      %get3A_1516 = arith.index_cast %get3A_1515 : i32 to index
      %get3A_1517 = arith.constant 720 : index
      %get3A_1518 = tpu.vector_load %arg8[%get3A_1516, %get3A_1517] {strides = array<i32>} : memref<1x768xf32, #tpu.memory_space<vmem>>, vector<1x16xf32>,
      %get3A_1519 = vector.shape_cast %get3A_1518 : vector<1x16xf32> to vector<16xf32>
      %swap3A_1520 = arith.constant 5 : i32
      %swap3A_1521 = arith.constant 0 : i32
      %swap3A_1522 = arith.index_cast %swap3A_1520 : i32 to index
      %swap3A_1523 = arith.index_cast %swap3A_1521 : i32 to index
      %swap3A_1524 = arith.constant 80 : index
      %swap3A_1525 = tpu.vector_load %arg6[%swap3A_1522, %swap3A_1523, %swap3A_1524] {strides = array<i32>} : memref<6x77x128xf32, #tpu.memory_space<vmem>>, vector<1x1x16xf32>,
      %swap3A_1526 = vector.shape_cast %swap3A_1525 : vector<1x1x16xf32> to vector<16xf32>
      %swap3A_1527 = vector.shape_cast %get3A_1519 : vector<16xf32> to vector<1x1x16xf32>
      tpu.vector_store %arg6[%swap3A_1522, %swap3A_1523, %swap3A_1524], %swap3A_1527 {strides = array<i32>} : memref<6x77x128xf32, #tpu.memory_space<vmem>>, vector<1x1x16xf32>,
      %get3A_1528 = arith.constant 0 : i32
      %get3A_1529 = arith.index_cast %get3A_1528 : i32 to index
      %get3A_1530 = arith.constant 736 : index
      %get3A_1531 = tpu.vector_load %arg8[%get3A_1529, %get3A_1530] {strides = array<i32>} : memref<1x768xf32, #tpu.memory_space<vmem>>, vector<1x16xf32>,
      %get3A_1532 = vector.shape_cast %get3A_1531 : vector<1x16xf32> to vector<16xf32>
      %swap3A_1533 = arith.constant 5 : i32
      %swap3A_1534 = arith.constant 0 : i32
      %swap3A_1535 = arith.index_cast %swap3A_1533 : i32 to index
      %swap3A_1536 = arith.index_cast %swap3A_1534 : i32 to index
      %swap3A_1537 = arith.constant 96 : index
      %swap3A_1538 = tpu.vector_load %arg6[%swap3A_1535, %swap3A_1536, %swap3A_1537] {strides = array<i32>} : memref<6x77x128xf32, #tpu.memory_space<vmem>>, vector<1x1x16xf32>,
      %swap3A_1539 = vector.shape_cast %swap3A_1538 : vector<1x1x16xf32> to vector<16xf32>
      %swap3A_1540 = vector.shape_cast %get3A_1532 : vector<16xf32> to vector<1x1x16xf32>
      tpu.vector_store %arg6[%swap3A_1535, %swap3A_1536, %swap3A_1537], %swap3A_1540 {strides = array<i32>} : memref<6x77x128xf32, #tpu.memory_space<vmem>>, vector<1x1x16xf32>,
      %get3A_1541 = arith.constant 0 : i32
      %get3A_1542 = arith.index_cast %get3A_1541 : i32 to index
      %get3A_1543 = arith.constant 752 : index
      %get3A_1544 = tpu.vector_load %arg8[%get3A_1542, %get3A_1543] {strides = array<i32>} : memref<1x768xf32, #tpu.memory_space<vmem>>, vector<1x16xf32>,
      %get3A_1545 = vector.shape_cast %get3A_1544 : vector<1x16xf32> to vector<16xf32>
      %swap3A_1546 = arith.constant 5 : i32
      %swap3A_1547 = arith.constant 0 : i32
      %swap3A_1548 = arith.index_cast %swap3A_1546 : i32 to index
      %swap3A_1549 = arith.index_cast %swap3A_1547 : i32 to index
      %swap3A_1550 = arith.constant 112 : index
      %swap3A_1551 = tpu.vector_load %arg6[%swap3A_1548, %swap3A_1549, %swap3A_1550] {strides = array<i32>} : memref<6x77x128xf32, #tpu.memory_space<vmem>>, vector<1x1x16xf32>,
      %swap3A_1552 = vector.shape_cast %swap3A_1551 : vector<1x1x16xf32> to vector<16xf32>
      %swap3A_1553 = vector.shape_cast %get3A_1545 : vector<16xf32> to vector<1x1x16xf32>
      tpu.vector_store %arg6[%swap3A_1548, %swap3A_1549, %swap3A_1550], %swap3A_1553 {strides = array<i32>} : memref<6x77x128xf32, #tpu.memory_space<vmem>>, vector<1x1x16xf32>,
      %scan3A_1554 = arith.constant 0 : i32
      %scan3A_1555 = arith.constant 60 : i32
      %scan3A_1556 = arith.addi %scan3A_1554, %scan3A_1555 : i32
      %scan3A_1557 = arith.constant 1 : i32
      scf.for %scan3A_1614 = %scan3A_1554 to %scan3A_1556 step %scan3A_1557  : i32 {
        %add3A_1615 = arith.constant 0 : i32
        %add3A_1616 = arith.addi %add3A_1615, %scan3A_1614 : i32
        %get3A_1617 = arith.constant 5 : i32
        %get3A_1618 = arith.constant 0 : i32
        %get3A_1619 = arith.constant 0 : i32
        %get3A_1620 = tpu.memref_slice %arg7[%get3A_1617, %get3A_1618, %get3A_1619] : memref<6x60x128xf32, #tpu.memory_space<vmem>> -> memref<1x60x128xf32, #tpu.memory_space<vmem>>
        %get3A_1621 = tpu.memref_squeeze %get3A_1620 : memref<1x60x128xf32, #tpu.memory_space<vmem>> -> memref<60x128xf32, #tpu.memory_space<vmem>>
        %get3A_1622 = arith.index_cast %add3A_1616 : i32 to index
        %get3A_1623 = arith.constant 0 : index
        %get3A_1624 = tpu.vector_load %get3A_1621[%get3A_1622, %get3A_1623] {strides = array<i32>} : memref<60x128xf32, #tpu.memory_space<vmem>>, vector<1x16xf32>,
        %get3A_1625 = vector.shape_cast %get3A_1624 : vector<1x16xf32> to vector<16xf32>
        %add3A_1626 = arith.constant 17 : i32
        %add3A_1627 = arith.addi %add3A_1626, %scan3A_1614 : i32
        %swap3A_1628 = arith.constant 5 : i32
        %swap3A_1629 = arith.constant 0 : i32
        %swap3A_1630 = arith.constant 0 : i32
        %swap3A_1631 = tpu.memref_slice %arg6[%swap3A_1628, %swap3A_1629, %swap3A_1630] : memref<6x77x128xf32, #tpu.memory_space<vmem>> -> memref<1x77x128xf32, #tpu.memory_space<vmem>>
        %swap3A_1632 = tpu.memref_squeeze %swap3A_1631 : memref<1x77x128xf32, #tpu.memory_space<vmem>> -> memref<77x128xf32, #tpu.memory_space<vmem>>
        %swap3A_1633 = arith.index_cast %add3A_1627 : i32 to index
        %swap3A_1634 = arith.constant 0 : index
        %swap3A_1635 = tpu.vector_load %swap3A_1632[%swap3A_1633, %swap3A_1634] {strides = array<i32>} : memref<77x128xf32, #tpu.memory_space<vmem>>, vector<1x16xf32>,
        %swap3A_1636 = vector.shape_cast %swap3A_1635 : vector<1x16xf32> to vector<16xf32>
        %swap3A_1637 = vector.shape_cast %get3A_1625 : vector<16xf32> to vector<1x16xf32>
        tpu.vector_store %swap3A_1632[%swap3A_1633, %swap3A_1634], %swap3A_1637 {strides = array<i32>} : memref<77x128xf32, #tpu.memory_space<vmem>>, vector<1x16xf32>,
        %add3A_1638 = arith.constant 0 : i32
        %add3A_1639 = arith.addi %add3A_1638, %scan3A_1614 : i32
        %get3A_1640 = arith.constant 5 : i32
        %get3A_1641 = arith.constant 0 : i32
        %get3A_1642 = arith.constant 0 : i32
        %get3A_1643 = tpu.memref_slice %arg7[%get3A_1640, %get3A_1641, %get3A_1642] : memref<6x60x128xf32, #tpu.memory_space<vmem>> -> memref<1x60x128xf32, #tpu.memory_space<vmem>>
        %get3A_1644 = tpu.memref_squeeze %get3A_1643 : memref<1x60x128xf32, #tpu.memory_space<vmem>> -> memref<60x128xf32, #tpu.memory_space<vmem>>
        %get3A_1645 = arith.index_cast %add3A_1639 : i32 to index
        %get3A_1646 = arith.constant 16 : index
        %get3A_1647 = tpu.vector_load %get3A_1644[%get3A_1645, %get3A_1646] {strides = array<i32>} : memref<60x128xf32, #tpu.memory_space<vmem>>, vector<1x16xf32>,
        %get3A_1648 = vector.shape_cast %get3A_1647 : vector<1x16xf32> to vector<16xf32>
        %add3A_1649 = arith.constant 17 : i32
        %add3A_1650 = arith.addi %add3A_1649, %scan3A_1614 : i32
        %swap3A_1651 = arith.constant 5 : i32
        %swap3A_1652 = arith.constant 0 : i32
        %swap3A_1653 = arith.constant 0 : i32
        %swap3A_1654 = tpu.memref_slice %arg6[%swap3A_1651, %swap3A_1652, %swap3A_1653] : memref<6x77x128xf32, #tpu.memory_space<vmem>> -> memref<1x77x128xf32, #tpu.memory_space<vmem>>
        %swap3A_1655 = tpu.memref_squeeze %swap3A_1654 : memref<1x77x128xf32, #tpu.memory_space<vmem>> -> memref<77x128xf32, #tpu.memory_space<vmem>>
        %swap3A_1656 = arith.index_cast %add3A_1650 : i32 to index
        %swap3A_1657 = arith.constant 16 : index
        %swap3A_1658 = tpu.vector_load %swap3A_1655[%swap3A_1656, %swap3A_1657] {strides = array<i32>} : memref<77x128xf32, #tpu.memory_space<vmem>>, vector<1x16xf32>,
        %swap3A_1659 = vector.shape_cast %swap3A_1658 : vector<1x16xf32> to vector<16xf32>
        %swap3A_1660 = vector.shape_cast %get3A_1648 : vector<16xf32> to vector<1x16xf32>
        tpu.vector_store %swap3A_1655[%swap3A_1656, %swap3A_1657], %swap3A_1660 {strides = array<i32>} : memref<77x128xf32, #tpu.memory_space<vmem>>, vector<1x16xf32>,
        %add3A_1661 = arith.constant 0 : i32
        %add3A_1662 = arith.addi %add3A_1661, %scan3A_1614 : i32
        %get3A_1663 = arith.constant 5 : i32
        %get3A_1664 = arith.constant 0 : i32
        %get3A_1665 = arith.constant 0 : i32
        %get3A_1666 = tpu.memref_slice %arg7[%get3A_1663, %get3A_1664, %get3A_1665] : memref<6x60x128xf32, #tpu.memory_space<vmem>> -> memref<1x60x128xf32, #tpu.memory_space<vmem>>
        %get3A_1667 = tpu.memref_squeeze %get3A_1666 : memref<1x60x128xf32, #tpu.memory_space<vmem>> -> memref<60x128xf32, #tpu.memory_space<vmem>>
        %get3A_1668 = arith.index_cast %add3A_1662 : i32 to index
        %get3A_1669 = arith.constant 32 : index
        %get3A_1670 = tpu.vector_load %get3A_1667[%get3A_1668, %get3A_1669] {strides = array<i32>} : memref<60x128xf32, #tpu.memory_space<vmem>>, vector<1x16xf32>,
        %get3A_1671 = vector.shape_cast %get3A_1670 : vector<1x16xf32> to vector<16xf32>
        %add3A_1672 = arith.constant 17 : i32
        %add3A_1673 = arith.addi %add3A_1672, %scan3A_1614 : i32
        %swap3A_1674 = arith.constant 5 : i32
        %swap3A_1675 = arith.constant 0 : i32
        %swap3A_1676 = arith.constant 0 : i32
        %swap3A_1677 = tpu.memref_slice %arg6[%swap3A_1674, %swap3A_1675, %swap3A_1676] : memref<6x77x128xf32, #tpu.memory_space<vmem>> -> memref<1x77x128xf32, #tpu.memory_space<vmem>>
        %swap3A_1678 = tpu.memref_squeeze %swap3A_1677 : memref<1x77x128xf32, #tpu.memory_space<vmem>> -> memref<77x128xf32, #tpu.memory_space<vmem>>
        %swap3A_1679 = arith.index_cast %add3A_1673 : i32 to index
        %swap3A_1680 = arith.constant 32 : index
        %swap3A_1681 = tpu.vector_load %swap3A_1678[%swap3A_1679, %swap3A_1680] {strides = array<i32>} : memref<77x128xf32, #tpu.memory_space<vmem>>, vector<1x16xf32>,
        %swap3A_1682 = vector.shape_cast %swap3A_1681 : vector<1x16xf32> to vector<16xf32>
        %swap3A_1683 = vector.shape_cast %get3A_1671 : vector<16xf32> to vector<1x16xf32>
        tpu.vector_store %swap3A_1678[%swap3A_1679, %swap3A_1680], %swap3A_1683 {strides = array<i32>} : memref<77x128xf32, #tpu.memory_space<vmem>>, vector<1x16xf32>,
        %add3A_1684 = arith.constant 0 : i32
        %add3A_1685 = arith.addi %add3A_1684, %scan3A_1614 : i32
        %get3A_1686 = arith.constant 5 : i32
        %get3A_1687 = arith.constant 0 : i32
        %get3A_1688 = arith.constant 0 : i32
        %get3A_1689 = tpu.memref_slice %arg7[%get3A_1686, %get3A_1687, %get3A_1688] : memref<6x60x128xf32, #tpu.memory_space<vmem>> -> memref<1x60x128xf32, #tpu.memory_space<vmem>>
        %get3A_1690 = tpu.memref_squeeze %get3A_1689 : memref<1x60x128xf32, #tpu.memory_space<vmem>> -> memref<60x128xf32, #tpu.memory_space<vmem>>
        %get3A_1691 = arith.index_cast %add3A_1685 : i32 to index
        %get3A_1692 = arith.constant 48 : index
        %get3A_1693 = tpu.vector_load %get3A_1690[%get3A_1691, %get3A_1692] {strides = array<i32>} : memref<60x128xf32, #tpu.memory_space<vmem>>, vector<1x16xf32>,
        %get3A_1694 = vector.shape_cast %get3A_1693 : vector<1x16xf32> to vector<16xf32>
        %add3A_1695 = arith.constant 17 : i32
        %add3A_1696 = arith.addi %add3A_1695, %scan3A_1614 : i32
        %swap3A_1697 = arith.constant 5 : i32
        %swap3A_1698 = arith.constant 0 : i32
        %swap3A_1699 = arith.constant 0 : i32
        %swap3A_1700 = tpu.memref_slice %arg6[%swap3A_1697, %swap3A_1698, %swap3A_1699] : memref<6x77x128xf32, #tpu.memory_space<vmem>> -> memref<1x77x128xf32, #tpu.memory_space<vmem>>
        %swap3A_1701 = tpu.memref_squeeze %swap3A_1700 : memref<1x77x128xf32, #tpu.memory_space<vmem>> -> memref<77x128xf32, #tpu.memory_space<vmem>>
        %swap3A_1702 = arith.index_cast %add3A_1696 : i32 to index
        %swap3A_1703 = arith.constant 48 : index
        %swap3A_1704 = tpu.vector_load %swap3A_1701[%swap3A_1702, %swap3A_1703] {strides = array<i32>} : memref<77x128xf32, #tpu.memory_space<vmem>>, vector<1x16xf32>,
        %swap3A_1705 = vector.shape_cast %swap3A_1704 : vector<1x16xf32> to vector<16xf32>
        %swap3A_1706 = vector.shape_cast %get3A_1694 : vector<16xf32> to vector<1x16xf32>
        tpu.vector_store %swap3A_1701[%swap3A_1702, %swap3A_1703], %swap3A_1706 {strides = array<i32>} : memref<77x128xf32, #tpu.memory_space<vmem>>, vector<1x16xf32>,
        %add3A_1707 = arith.constant 0 : i32
        %add3A_1708 = arith.addi %add3A_1707, %scan3A_1614 : i32
        %get3A_1709 = arith.constant 5 : i32
        %get3A_1710 = arith.constant 0 : i32
        %get3A_1711 = arith.constant 0 : i32
        %get3A_1712 = tpu.memref_slice %arg7[%get3A_1709, %get3A_1710, %get3A_1711] : memref<6x60x128xf32, #tpu.memory_space<vmem>> -> memref<1x60x128xf32, #tpu.memory_space<vmem>>
        %get3A_1713 = tpu.memref_squeeze %get3A_1712 : memref<1x60x128xf32, #tpu.memory_space<vmem>> -> memref<60x128xf32, #tpu.memory_space<vmem>>
        %get3A_1714 = arith.index_cast %add3A_1708 : i32 to index
        %get3A_1715 = arith.constant 64 : index
        %get3A_1716 = tpu.vector_load %get3A_1713[%get3A_1714, %get3A_1715] {strides = array<i32>} : memref<60x128xf32, #tpu.memory_space<vmem>>, vector<1x16xf32>,
        %get3A_1717 = vector.shape_cast %get3A_1716 : vector<1x16xf32> to vector<16xf32>
        %add3A_1718 = arith.constant 17 : i32
        %add3A_1719 = arith.addi %add3A_1718, %scan3A_1614 : i32
        %swap3A_1720 = arith.constant 5 : i32
        %swap3A_1721 = arith.constant 0 : i32
        %swap3A_1722 = arith.constant 0 : i32
        %swap3A_1723 = tpu.memref_slice %arg6[%swap3A_1720, %swap3A_1721, %swap3A_1722] : memref<6x77x128xf32, #tpu.memory_space<vmem>> -> memref<1x77x128xf32, #tpu.memory_space<vmem>>
        %swap3A_1724 = tpu.memref_squeeze %swap3A_1723 : memref<1x77x128xf32, #tpu.memory_space<vmem>> -> memref<77x128xf32, #tpu.memory_space<vmem>>
        %swap3A_1725 = arith.index_cast %add3A_1719 : i32 to index
        %swap3A_1726 = arith.constant 64 : index
        %swap3A_1727 = tpu.vector_load %swap3A_1724[%swap3A_1725, %swap3A_1726] {strides = array<i32>} : memref<77x128xf32, #tpu.memory_space<vmem>>, vector<1x16xf32>,
        %swap3A_1728 = vector.shape_cast %swap3A_1727 : vector<1x16xf32> to vector<16xf32>
        %swap3A_1729 = vector.shape_cast %get3A_1717 : vector<16xf32> to vector<1x16xf32>
        tpu.vector_store %swap3A_1724[%swap3A_1725, %swap3A_1726], %swap3A_1729 {strides = array<i32>} : memref<77x128xf32, #tpu.memory_space<vmem>>, vector<1x16xf32>,
        %add3A_1730 = arith.constant 0 : i32
        %add3A_1731 = arith.addi %add3A_1730, %scan3A_1614 : i32
        %get3A_1732 = arith.constant 5 : i32
        %get3A_1733 = arith.constant 0 : i32
        %get3A_1734 = arith.constant 0 : i32
        %get3A_1735 = tpu.memref_slice %arg7[%get3A_1732, %get3A_1733, %get3A_1734] : memref<6x60x128xf32, #tpu.memory_space<vmem>> -> memref<1x60x128xf32, #tpu.memory_space<vmem>>
        %get3A_1736 = tpu.memref_squeeze %get3A_1735 : memref<1x60x128xf32, #tpu.memory_space<vmem>> -> memref<60x128xf32, #tpu.memory_space<vmem>>
        %get3A_1737 = arith.index_cast %add3A_1731 : i32 to index
        %get3A_1738 = arith.constant 80 : index
        %get3A_1739 = tpu.vector_load %get3A_1736[%get3A_1737, %get3A_1738] {strides = array<i32>} : memref<60x128xf32, #tpu.memory_space<vmem>>, vector<1x16xf32>,
        %get3A_1740 = vector.shape_cast %get3A_1739 : vector<1x16xf32> to vector<16xf32>
        %add3A_1741 = arith.constant 17 : i32
        %add3A_1742 = arith.addi %add3A_1741, %scan3A_1614 : i32
        %swap3A_1743 = arith.constant 5 : i32
        %swap3A_1744 = arith.constant 0 : i32
        %swap3A_1745 = arith.constant 0 : i32
        %swap3A_1746 = tpu.memref_slice %arg6[%swap3A_1743, %swap3A_1744, %swap3A_1745] : memref<6x77x128xf32, #tpu.memory_space<vmem>> -> memref<1x77x128xf32, #tpu.memory_space<vmem>>
        %swap3A_1747 = tpu.memref_squeeze %swap3A_1746 : memref<1x77x128xf32, #tpu.memory_space<vmem>> -> memref<77x128xf32, #tpu.memory_space<vmem>>
        %swap3A_1748 = arith.index_cast %add3A_1742 : i32 to index
        %swap3A_1749 = arith.constant 80 : index
        %swap3A_1750 = tpu.vector_load %swap3A_1747[%swap3A_1748, %swap3A_1749] {strides = array<i32>} : memref<77x128xf32, #tpu.memory_space<vmem>>, vector<1x16xf32>,
        %swap3A_1751 = vector.shape_cast %swap3A_1750 : vector<1x16xf32> to vector<16xf32>
        %swap3A_1752 = vector.shape_cast %get3A_1740 : vector<16xf32> to vector<1x16xf32>
        tpu.vector_store %swap3A_1747[%swap3A_1748, %swap3A_1749], %swap3A_1752 {strides = array<i32>} : memref<77x128xf32, #tpu.memory_space<vmem>>, vector<1x16xf32>,
        %add3A_1753 = arith.constant 0 : i32
        %add3A_1754 = arith.addi %add3A_1753, %scan3A_1614 : i32
        %get3A_1755 = arith.constant 5 : i32
        %get3A_1756 = arith.constant 0 : i32
        %get3A_1757 = arith.constant 0 : i32
        %get3A_1758 = tpu.memref_slice %arg7[%get3A_1755, %get3A_1756, %get3A_1757] : memref<6x60x128xf32, #tpu.memory_space<vmem>> -> memref<1x60x128xf32, #tpu.memory_space<vmem>>
        %get3A_1759 = tpu.memref_squeeze %get3A_1758 : memref<1x60x128xf32, #tpu.memory_space<vmem>> -> memref<60x128xf32, #tpu.memory_space<vmem>>
        %get3A_1760 = arith.index_cast %add3A_1754 : i32 to index
        %get3A_1761 = arith.constant 96 : index
        %get3A_1762 = tpu.vector_load %get3A_1759[%get3A_1760, %get3A_1761] {strides = array<i32>} : memref<60x128xf32, #tpu.memory_space<vmem>>, vector<1x16xf32>,
        %get3A_1763 = vector.shape_cast %get3A_1762 : vector<1x16xf32> to vector<16xf32>
        %add3A_1764 = arith.constant 17 : i32
        %add3A_1765 = arith.addi %add3A_1764, %scan3A_1614 : i32
        %swap3A_1766 = arith.constant 5 : i32
        %swap3A_1767 = arith.constant 0 : i32
        %swap3A_1768 = arith.constant 0 : i32
        %swap3A_1769 = tpu.memref_slice %arg6[%swap3A_1766, %swap3A_1767, %swap3A_1768] : memref<6x77x128xf32, #tpu.memory_space<vmem>> -> memref<1x77x128xf32, #tpu.memory_space<vmem>>
        %swap3A_1770 = tpu.memref_squeeze %swap3A_1769 : memref<1x77x128xf32, #tpu.memory_space<vmem>> -> memref<77x128xf32, #tpu.memory_space<vmem>>
        %swap3A_1771 = arith.index_cast %add3A_1765 : i32 to index
        %swap3A_1772 = arith.constant 96 : index
        %swap3A_1773 = tpu.vector_load %swap3A_1770[%swap3A_1771, %swap3A_1772] {strides = array<i32>} : memref<77x128xf32, #tpu.memory_space<vmem>>, vector<1x16xf32>,
        %swap3A_1774 = vector.shape_cast %swap3A_1773 : vector<1x16xf32> to vector<16xf32>
        %swap3A_1775 = vector.shape_cast %get3A_1763 : vector<16xf32> to vector<1x16xf32>
        tpu.vector_store %swap3A_1770[%swap3A_1771, %swap3A_1772], %swap3A_1775 {strides = array<i32>} : memref<77x128xf32, #tpu.memory_space<vmem>>, vector<1x16xf32>,
        %add3A_1776 = arith.constant 0 : i32
        %add3A_1777 = arith.addi %add3A_1776, %scan3A_1614 : i32
        %get3A_1778 = arith.constant 5 : i32
        %get3A_1779 = arith.constant 0 : i32
        %get3A_1780 = arith.constant 0 : i32
        %get3A_1781 = tpu.memref_slice %arg7[%get3A_1778, %get3A_1779, %get3A_1780] : memref<6x60x128xf32, #tpu.memory_space<vmem>> -> memref<1x60x128xf32, #tpu.memory_space<vmem>>
        %get3A_1782 = tpu.memref_squeeze %get3A_1781 : memref<1x60x128xf32, #tpu.memory_space<vmem>> -> memref<60x128xf32, #tpu.memory_space<vmem>>
        %get3A_1783 = arith.index_cast %add3A_1777 : i32 to index
        %get3A_1784 = arith.constant 112 : index
        %get3A_1785 = tpu.vector_load %get3A_1782[%get3A_1783, %get3A_1784] {strides = array<i32>} : memref<60x128xf32, #tpu.memory_space<vmem>>, vector<1x16xf32>,
        %get3A_1786 = vector.shape_cast %get3A_1785 : vector<1x16xf32> to vector<16xf32>
        %add3A_1787 = arith.constant 17 : i32
        %add3A_1788 = arith.addi %add3A_1787, %scan3A_1614 : i32
        %swap3A_1789 = arith.constant 5 : i32
        %swap3A_1790 = arith.constant 0 : i32
        %swap3A_1791 = arith.constant 0 : i32
        %swap3A_1792 = tpu.memref_slice %arg6[%swap3A_1789, %swap3A_1790, %swap3A_1791] : memref<6x77x128xf32, #tpu.memory_space<vmem>> -> memref<1x77x128xf32, #tpu.memory_space<vmem>>
        %swap3A_1793 = tpu.memref_squeeze %swap3A_1792 : memref<1x77x128xf32, #tpu.memory_space<vmem>> -> memref<77x128xf32, #tpu.memory_space<vmem>>
        %swap3A_1794 = arith.index_cast %add3A_1788 : i32 to index
        %swap3A_1795 = arith.constant 112 : index
        %swap3A_1796 = tpu.vector_load %swap3A_1793[%swap3A_1794, %swap3A_1795] {strides = array<i32>} : memref<77x128xf32, #tpu.memory_space<vmem>>, vector<1x16xf32>,
        %swap3A_1797 = vector.shape_cast %swap3A_1796 : vector<1x16xf32> to vector<16xf32>
        %swap3A_1798 = vector.shape_cast %get3A_1786 : vector<16xf32> to vector<1x16xf32>
        tpu.vector_store %swap3A_1793[%swap3A_1794, %swap3A_1795], %swap3A_1798 {strides = array<i32>} : memref<77x128xf32, #tpu.memory_space<vmem>>, vector<1x16xf32>,
      }
      %scan3A_1558 = arith.constant 60 : i32
      %add3A_1559 = arith.addi %mul3A_2, %scan3A_552 : i32
      %min3A_1560 = arith.constant 999 : i32
      %min3A_1561 = arith.minsi %add3A_1559, %min3A_1560 : i32
      %dma_start3A_1562 = arith.constant 5 : i32
      %dma_start3A_1563 = arith.constant 0 : i32
      %dma_start3A_1564 = arith.constant 0 : i32
      %dma_start3A_1565 = tpu.memref_slice %arg6[%dma_start3A_1562, %dma_start3A_1563, %dma_start3A_1564] : memref<6x77x128xf32, #tpu.memory_space<vmem>> -> memref<1x77x128xf32, #tpu.memory_space<vmem>>
      %dma_start3A_1566 = tpu.memref_squeeze %dma_start3A_1565 : memref<1x77x128xf32, #tpu.memory_space<vmem>> -> memref<77x128xf32, #tpu.memory_space<vmem>>
      %dma_start3A_1567 = arith.constant 0 : i32
      %dma_start3A_1568 = arith.constant 640 : i32
      %dma_start3A_1569 = tpu.memref_slice %arg5[%min3A_1561, %dma_start3A_1567, %dma_start3A_1568] : memref<1000x77x768xf32, #tpu.memory_space<hbm>> -> memref<1x77x128xf32, #tpu.memory_space<hbm>>
      %dma_start3A_1570 = tpu.memref_squeeze %dma_start3A_1569 : memref<1x77x128xf32, #tpu.memory_space<hbm>> -> memref<77x128xf32, #tpu.memory_space<hbm>>
      %dma_start3A_1571 = arith.constant 0 : i32
      %dma_start3A_1572 = arith.constant 640 : i32
      %dma_start3A_1573 = tpu.memref_slice %arg5[%min3A_1561, %dma_start3A_1571, %dma_start3A_1572] : memref<1000x77x768xf32, #tpu.memory_space<hbm>> -> memref<1x77x128xf32, #tpu.memory_space<hbm>>
      %dma_start3A_1574 = tpu.memref_squeeze %dma_start3A_1573 : memref<1x77x128xf32, #tpu.memory_space<hbm>> -> memref<77x128xf32, #tpu.memory_space<hbm>>
      %dma_start3A_1575 = arith.constant 0 : i32
      %dma_start3A_1576 = arith.constant 0 : i32
      %dma_start3A_1577 = tpu.memref_slice %arg6[%dma_start3A_1562, %dma_start3A_1575, %dma_start3A_1576] : memref<6x77x128xf32, #tpu.memory_space<vmem>> -> memref<1x77x128xf32, #tpu.memory_space<vmem>>
      %dma_start3A_1578 = tpu.memref_squeeze %dma_start3A_1577 : memref<1x77x128xf32, #tpu.memory_space<vmem>> -> memref<77x128xf32, #tpu.memory_space<vmem>>
      tpu.enqueue_dma source(%dma_start3A_1578 : memref<77x128xf32, #tpu.memory_space<vmem>>) target(%dma_start3A_1574 : memref<77x128xf32, #tpu.memory_space<hbm>>) target_semaphore(%arg10 : memref<!tpu.dma_semaphore, #tpu.memory_space<semaphore_mem>>)
      %add3A_1579 = arith.constant 1 : i32
      %add3A_1580 = arith.addi %scan3A_552, %add3A_1579 : i32
      %add3A_1581 = arith.addi %mul3A_2, %add3A_1580 : i32
      %min3A_1582 = arith.constant 999 : i32
      %min3A_1583 = arith.minsi %add3A_1581, %min3A_1582 : i32
      %dma_start3A_1584 = arith.constant 5 : i32
      %dma_start3A_1585 = arith.constant 0 : i32
      %dma_start3A_1586 = arith.constant 0 : i32
      %dma_start3A_1587 = tpu.memref_slice %arg7[%dma_start3A_1584, %dma_start3A_1585, %dma_start3A_1586] : memref<6x60x128xf32, #tpu.memory_space<vmem>> -> memref<1x60x128xf32, #tpu.memory_space<vmem>>
      %dma_start3A_1588 = tpu.memref_squeeze %dma_start3A_1587 : memref<1x60x128xf32, #tpu.memory_space<vmem>> -> memref<60x128xf32, #tpu.memory_space<vmem>>
      %dma_start3A_1589 = arith.constant 0 : i32
      %dma_start3A_1590 = arith.constant 640 : i32
      %dma_start3A_1591 = tpu.memref_slice %arg4[%min3A_1583, %dma_start3A_1589, %dma_start3A_1590] : memref<1000x60x768xf32, #tpu.memory_space<hbm>> -> memref<1x60x128xf32, #tpu.memory_space<hbm>>
      %dma_start3A_1592 = tpu.memref_squeeze %dma_start3A_1591 : memref<1x60x128xf32, #tpu.memory_space<hbm>> -> memref<60x128xf32, #tpu.memory_space<hbm>>
      %dma_start3A_1593 = arith.constant 0 : i32
      %dma_start3A_1594 = arith.constant 0 : i32
      %dma_start3A_1595 = tpu.memref_slice %arg7[%dma_start3A_1584, %dma_start3A_1593, %dma_start3A_1594] : memref<6x60x128xf32, #tpu.memory_space<vmem>> -> memref<1x60x128xf32, #tpu.memory_space<vmem>>
      %dma_start3A_1596 = tpu.memref_squeeze %dma_start3A_1595 : memref<1x60x128xf32, #tpu.memory_space<vmem>> -> memref<60x128xf32, #tpu.memory_space<vmem>>
      %dma_start3A_1597 = arith.constant 0 : i32
      %dma_start3A_1598 = arith.constant 640 : i32
      %dma_start3A_1599 = tpu.memref_slice %arg4[%min3A_1583, %dma_start3A_1597, %dma_start3A_1598] : memref<1000x60x768xf32, #tpu.memory_space<hbm>> -> memref<1x60x128xf32, #tpu.memory_space<hbm>>
      %dma_start3A_1600 = tpu.memref_squeeze %dma_start3A_1599 : memref<1x60x128xf32, #tpu.memory_space<hbm>> -> memref<60x128xf32, #tpu.memory_space<hbm>>
      tpu.enqueue_dma source(%dma_start3A_1600 : memref<60x128xf32, #tpu.memory_space<hbm>>) target(%dma_start3A_1596 : memref<60x128xf32, #tpu.memory_space<vmem>>) target_semaphore(%arg9 : memref<!tpu.dma_semaphore, #tpu.memory_space<semaphore_mem>>)
      %add3A_1601 = arith.constant 1 : i32
      %add3A_1602 = arith.addi %scan3A_552, %add3A_1601 : i32
      %add3A_1603 = arith.addi %mul3A_2, %add3A_1602 : i32
      %min3A_1604 = arith.constant 999 : i32
      %min3A_1605 = arith.minsi %add3A_1603, %min3A_1604 : i32
      %dma_start3A_1606 = arith.constant 0 : i32
      %dma_start3A_1607 = arith.constant 0 : i32
      %dma_start3A_1608 = tpu.memref_slice %arg3[%min3A_1605, %dma_start3A_1606, %dma_start3A_1607] : memref<1000x1x768xf32, #tpu.memory_space<hbm>> -> memref<1x1x768xf32, #tpu.memory_space<hbm>>
      %dma_start3A_1609 = tpu.memref_squeeze %dma_start3A_1608 : memref<1x1x768xf32, #tpu.memory_space<hbm>> -> memref<1x768xf32, #tpu.memory_space<hbm>>
      %dma_start3A_1610 = arith.constant 0 : i32
      %dma_start3A_1611 = arith.constant 0 : i32
      %dma_start3A_1612 = tpu.memref_slice %arg3[%min3A_1605, %dma_start3A_1610, %dma_start3A_1611] : memref<1000x1x768xf32, #tpu.memory_space<hbm>> -> memref<1x1x768xf32, #tpu.memory_space<hbm>>
      %dma_start3A_1613 = tpu.memref_squeeze %dma_start3A_1612 : memref<1x1x768xf32, #tpu.memory_space<hbm>> -> memref<1x768xf32, #tpu.memory_space<hbm>>
      tpu.enqueue_dma source(%dma_start3A_1613 : memref<1x768xf32, #tpu.memory_space<hbm>>) target(%arg8 : memref<1x768xf32, #tpu.memory_space<vmem>>) target_semaphore(%arg11 : memref<!tpu.dma_semaphore, #tpu.memory_space<semaphore_mem>>)
    }
    %scan3A_326 = arith.constant 32 : i32
    %dma_wait3A_327 = arith.constant 0 : i32
    %dma_wait3A_328 = arith.constant 0 : i32
    %dma_wait3A_329 = arith.constant 0 : i32
    %dma_wait3A_330 = tpu.memref_slice %arg3[%dma_wait3A_327, %dma_wait3A_328, %dma_wait3A_329] : memref<1000x1x768xf32, #tpu.memory_space<hbm>> -> memref<1x1x768xf32, #tpu.memory_space<hbm>>
    %dma_wait3A_331 = tpu.memref_squeeze %dma_wait3A_330 : memref<1x1x768xf32, #tpu.memory_space<hbm>> -> memref<1x768xf32, #tpu.memory_space<hbm>>
    %dma_wait3A_332 = arith.constant 0 : i32
    %dma_wait3A_333 = arith.constant 0 : i32
    %dma_wait3A_334 = tpu.memref_slice %arg3[%dma_wait3A_327, %dma_wait3A_332, %dma_wait3A_333] : memref<1000x1x768xf32, #tpu.memory_space<hbm>> -> memref<1x1x768xf32, #tpu.memory_space<hbm>>
    %dma_wait3A_335 = tpu.memref_squeeze %dma_wait3A_334 : memref<1x1x768xf32, #tpu.memory_space<hbm>> -> memref<1x768xf32, #tpu.memory_space<hbm>>
    tpu.wait_dma2 semaphore(%arg11 : memref<!tpu.dma_semaphore, #tpu.memory_space<semaphore_mem>>) src(%dma_wait3A_335 : memref<1x768xf32, #tpu.memory_space<hbm>>) dst(%arg8 : memref<1x768xf32, #tpu.memory_space<vmem>>)
    %dma_wait3A_336 = arith.constant 0 : i32
    %dma_wait3A_337 = arith.constant 0 : i32
    %dma_wait3A_338 = arith.constant 0 : i32
    %dma_wait3A_339 = arith.constant 0 : i32
    %dma_wait3A_340 = tpu.memref_slice %arg6[%dma_wait3A_336, %dma_wait3A_338, %dma_wait3A_339] : memref<6x77x128xf32, #tpu.memory_space<vmem>> -> memref<1x77x128xf32, #tpu.memory_space<vmem>>
    %dma_wait3A_341 = tpu.memref_squeeze %dma_wait3A_340 : memref<1x77x128xf32, #tpu.memory_space<vmem>> -> memref<77x128xf32, #tpu.memory_space<vmem>>
    %dma_wait3A_342 = arith.constant 0 : i32
    %dma_wait3A_343 = arith.constant 0 : i32
    %dma_wait3A_344 = tpu.memref_slice %arg5[%dma_wait3A_337, %dma_wait3A_342, %dma_wait3A_343] : memref<1000x77x768xf32, #tpu.memory_space<hbm>> -> memref<1x77x128xf32, #tpu.memory_space<hbm>>
    %dma_wait3A_345 = tpu.memref_squeeze %dma_wait3A_344 : memref<1x77x128xf32, #tpu.memory_space<hbm>> -> memref<77x128xf32, #tpu.memory_space<hbm>>
    %dma_wait3A_346 = arith.constant 0 : i32
    %dma_wait3A_347 = arith.constant 0 : i32
    %dma_wait3A_348 = tpu.memref_slice %arg5[%dma_wait3A_337, %dma_wait3A_346, %dma_wait3A_347] : memref<1000x77x768xf32, #tpu.memory_space<hbm>> -> memref<1x77x128xf32, #tpu.memory_space<hbm>>
    %dma_wait3A_349 = tpu.memref_squeeze %dma_wait3A_348 : memref<1x77x128xf32, #tpu.memory_space<hbm>> -> memref<77x128xf32, #tpu.memory_space<hbm>>
    %dma_wait3A_350 = arith.constant 0 : i32
    %dma_wait3A_351 = arith.constant 0 : i32
    %dma_wait3A_352 = tpu.memref_slice %arg6[%dma_wait3A_336, %dma_wait3A_350, %dma_wait3A_351] : memref<6x77x128xf32, #tpu.memory_space<vmem>> -> memref<1x77x128xf32, #tpu.memory_space<vmem>>
    %dma_wait3A_353 = tpu.memref_squeeze %dma_wait3A_352 : memref<1x77x128xf32, #tpu.memory_space<vmem>> -> memref<77x128xf32, #tpu.memory_space<vmem>>
    tpu.wait_dma2 semaphore(%arg10 : memref<!tpu.dma_semaphore, #tpu.memory_space<semaphore_mem>>) src(%dma_wait3A_353 : memref<77x128xf32, #tpu.memory_space<vmem>>) dst(%dma_wait3A_349 : memref<77x128xf32, #tpu.memory_space<hbm>>)
    %dma_wait3A_354 = arith.constant 0 : i32
    %dma_wait3A_355 = arith.constant 0 : i32
    %dma_wait3A_356 = arith.constant 0 : i32
    %dma_wait3A_357 = arith.constant 0 : i32
    %dma_wait3A_358 = tpu.memref_slice %arg7[%dma_wait3A_355, %dma_wait3A_356, %dma_wait3A_357] : memref<6x60x128xf32, #tpu.memory_space<vmem>> -> memref<1x60x128xf32, #tpu.memory_space<vmem>>
    %dma_wait3A_359 = tpu.memref_squeeze %dma_wait3A_358 : memref<1x60x128xf32, #tpu.memory_space<vmem>> -> memref<60x128xf32, #tpu.memory_space<vmem>>
    %dma_wait3A_360 = arith.constant 0 : i32
    %dma_wait3A_361 = arith.constant 0 : i32
    %dma_wait3A_362 = tpu.memref_slice %arg4[%dma_wait3A_354, %dma_wait3A_360, %dma_wait3A_361] : memref<1000x60x768xf32, #tpu.memory_space<hbm>> -> memref<1x60x128xf32, #tpu.memory_space<hbm>>
    %dma_wait3A_363 = tpu.memref_squeeze %dma_wait3A_362 : memref<1x60x128xf32, #tpu.memory_space<hbm>> -> memref<60x128xf32, #tpu.memory_space<hbm>>
    %dma_wait3A_364 = arith.constant 0 : i32
    %dma_wait3A_365 = arith.constant 0 : i32
    %dma_wait3A_366 = tpu.memref_slice %arg7[%dma_wait3A_355, %dma_wait3A_364, %dma_wait3A_365] : memref<6x60x128xf32, #tpu.memory_space<vmem>> -> memref<1x60x128xf32, #tpu.memory_space<vmem>>
    %dma_wait3A_367 = tpu.memref_squeeze %dma_wait3A_366 : memref<1x60x128xf32, #tpu.memory_space<vmem>> -> memref<60x128xf32, #tpu.memory_space<vmem>>
    %dma_wait3A_368 = arith.constant 0 : i32
    %dma_wait3A_369 = arith.constant 0 : i32
    %dma_wait3A_370 = tpu.memref_slice %arg4[%dma_wait3A_354, %dma_wait3A_368, %dma_wait3A_369] : memref<1000x60x768xf32, #tpu.memory_space<hbm>> -> memref<1x60x128xf32, #tpu.memory_space<hbm>>
    %dma_wait3A_371 = tpu.memref_squeeze %dma_wait3A_370 : memref<1x60x128xf32, #tpu.memory_space<hbm>> -> memref<60x128xf32, #tpu.memory_space<hbm>>
    tpu.wait_dma2 semaphore(%arg9 : memref<!tpu.dma_semaphore, #tpu.memory_space<semaphore_mem>>) src(%dma_wait3A_371 : memref<60x128xf32, #tpu.memory_space<hbm>>) dst(%dma_wait3A_367 : memref<60x128xf32, #tpu.memory_space<vmem>>)
    %dma_wait3A_372 = arith.constant 1 : i32
    %dma_wait3A_373 = arith.constant 0 : i32
    %dma_wait3A_374 = arith.constant 0 : i32
    %dma_wait3A_375 = arith.constant 0 : i32
    %dma_wait3A_376 = tpu.memref_slice %arg6[%dma_wait3A_372, %dma_wait3A_374, %dma_wait3A_375] : memref<6x77x128xf32, #tpu.memory_space<vmem>> -> memref<1x77x128xf32, #tpu.memory_space<vmem>>
    %dma_wait3A_377 = tpu.memref_squeeze %dma_wait3A_376 : memref<1x77x128xf32, #tpu.memory_space<vmem>> -> memref<77x128xf32, #tpu.memory_space<vmem>>
    %dma_wait3A_378 = arith.constant 0 : i32
    %dma_wait3A_379 = arith.constant 0 : i32
    %dma_wait3A_380 = tpu.memref_slice %arg5[%dma_wait3A_373, %dma_wait3A_378, %dma_wait3A_379] : memref<1000x77x768xf32, #tpu.memory_space<hbm>> -> memref<1x77x128xf32, #tpu.memory_space<hbm>>
    %dma_wait3A_381 = tpu.memref_squeeze %dma_wait3A_380 : memref<1x77x128xf32, #tpu.memory_space<hbm>> -> memref<77x128xf32, #tpu.memory_space<hbm>>
    %dma_wait3A_382 = arith.constant 0 : i32
    %dma_wait3A_383 = arith.constant 0 : i32
    %dma_wait3A_384 = tpu.memref_slice %arg5[%dma_wait3A_373, %dma_wait3A_382, %dma_wait3A_383] : memref<1000x77x768xf32, #tpu.memory_space<hbm>> -> memref<1x77x128xf32, #tpu.memory_space<hbm>>
    %dma_wait3A_385 = tpu.memref_squeeze %dma_wait3A_384 : memref<1x77x128xf32, #tpu.memory_space<hbm>> -> memref<77x128xf32, #tpu.memory_space<hbm>>
    %dma_wait3A_386 = arith.constant 0 : i32
    %dma_wait3A_387 = arith.constant 0 : i32
    %dma_wait3A_388 = tpu.memref_slice %arg6[%dma_wait3A_372, %dma_wait3A_386, %dma_wait3A_387] : memref<6x77x128xf32, #tpu.memory_space<vmem>> -> memref<1x77x128xf32, #tpu.memory_space<vmem>>
    %dma_wait3A_389 = tpu.memref_squeeze %dma_wait3A_388 : memref<1x77x128xf32, #tpu.memory_space<vmem>> -> memref<77x128xf32, #tpu.memory_space<vmem>>
    tpu.wait_dma2 semaphore(%arg10 : memref<!tpu.dma_semaphore, #tpu.memory_space<semaphore_mem>>) src(%dma_wait3A_389 : memref<77x128xf32, #tpu.memory_space<vmem>>) dst(%dma_wait3A_385 : memref<77x128xf32, #tpu.memory_space<hbm>>)
    %dma_wait3A_390 = arith.constant 0 : i32
    %dma_wait3A_391 = arith.constant 1 : i32
    %dma_wait3A_392 = arith.constant 0 : i32
    %dma_wait3A_393 = arith.constant 0 : i32
    %dma_wait3A_394 = tpu.memref_slice %arg7[%dma_wait3A_391, %dma_wait3A_392, %dma_wait3A_393] : memref<6x60x128xf32, #tpu.memory_space<vmem>> -> memref<1x60x128xf32, #tpu.memory_space<vmem>>
    %dma_wait3A_395 = tpu.memref_squeeze %dma_wait3A_394 : memref<1x60x128xf32, #tpu.memory_space<vmem>> -> memref<60x128xf32, #tpu.memory_space<vmem>>
    %dma_wait3A_396 = arith.constant 0 : i32
    %dma_wait3A_397 = arith.constant 0 : i32
    %dma_wait3A_398 = tpu.memref_slice %arg4[%dma_wait3A_390, %dma_wait3A_396, %dma_wait3A_397] : memref<1000x60x768xf32, #tpu.memory_space<hbm>> -> memref<1x60x128xf32, #tpu.memory_space<hbm>>
    %dma_wait3A_399 = tpu.memref_squeeze %dma_wait3A_398 : memref<1x60x128xf32, #tpu.memory_space<hbm>> -> memref<60x128xf32, #tpu.memory_space<hbm>>
    %dma_wait3A_400 = arith.constant 0 : i32
    %dma_wait3A_401 = arith.constant 0 : i32
    %dma_wait3A_402 = tpu.memref_slice %arg7[%dma_wait3A_391, %dma_wait3A_400, %dma_wait3A_401] : memref<6x60x128xf32, #tpu.memory_space<vmem>> -> memref<1x60x128xf32, #tpu.memory_space<vmem>>
    %dma_wait3A_403 = tpu.memref_squeeze %dma_wait3A_402 : memref<1x60x128xf32, #tpu.memory_space<vmem>> -> memref<60x128xf32, #tpu.memory_space<vmem>>
    %dma_wait3A_404 = arith.constant 0 : i32
    %dma_wait3A_405 = arith.constant 0 : i32
    %dma_wait3A_406 = tpu.memref_slice %arg4[%dma_wait3A_390, %dma_wait3A_404, %dma_wait3A_405] : memref<1000x60x768xf32, #tpu.memory_space<hbm>> -> memref<1x60x128xf32, #tpu.memory_space<hbm>>
    %dma_wait3A_407 = tpu.memref_squeeze %dma_wait3A_406 : memref<1x60x128xf32, #tpu.memory_space<hbm>> -> memref<60x128xf32, #tpu.memory_space<hbm>>
    tpu.wait_dma2 semaphore(%arg9 : memref<!tpu.dma_semaphore, #tpu.memory_space<semaphore_mem>>) src(%dma_wait3A_407 : memref<60x128xf32, #tpu.memory_space<hbm>>) dst(%dma_wait3A_403 : memref<60x128xf32, #tpu.memory_space<vmem>>)
    %dma_wait3A_408 = arith.constant 2 : i32
    %dma_wait3A_409 = arith.constant 0 : i32
    %dma_wait3A_410 = arith.constant 0 : i32
    %dma_wait3A_411 = arith.constant 0 : i32
    %dma_wait3A_412 = tpu.memref_slice %arg6[%dma_wait3A_408, %dma_wait3A_410, %dma_wait3A_411] : memref<6x77x128xf32, #tpu.memory_space<vmem>> -> memref<1x77x128xf32, #tpu.memory_space<vmem>>
    %dma_wait3A_413 = tpu.memref_squeeze %dma_wait3A_412 : memref<1x77x128xf32, #tpu.memory_space<vmem>> -> memref<77x128xf32, #tpu.memory_space<vmem>>
    %dma_wait3A_414 = arith.constant 0 : i32
    %dma_wait3A_415 = arith.constant 0 : i32
    %dma_wait3A_416 = tpu.memref_slice %arg5[%dma_wait3A_409, %dma_wait3A_414, %dma_wait3A_415] : memref<1000x77x768xf32, #tpu.memory_space<hbm>> -> memref<1x77x128xf32, #tpu.memory_space<hbm>>
    %dma_wait3A_417 = tpu.memref_squeeze %dma_wait3A_416 : memref<1x77x128xf32, #tpu.memory_space<hbm>> -> memref<77x128xf32, #tpu.memory_space<hbm>>
    %dma_wait3A_418 = arith.constant 0 : i32
    %dma_wait3A_419 = arith.constant 0 : i32
    %dma_wait3A_420 = tpu.memref_slice %arg5[%dma_wait3A_409, %dma_wait3A_418, %dma_wait3A_419] : memref<1000x77x768xf32, #tpu.memory_space<hbm>> -> memref<1x77x128xf32, #tpu.memory_space<hbm>>
    %dma_wait3A_421 = tpu.memref_squeeze %dma_wait3A_420 : memref<1x77x128xf32, #tpu.memory_space<hbm>> -> memref<77x128xf32, #tpu.memory_space<hbm>>
    %dma_wait3A_422 = arith.constant 0 : i32
    %dma_wait3A_423 = arith.constant 0 : i32
    %dma_wait3A_424 = tpu.memref_slice %arg6[%dma_wait3A_408, %dma_wait3A_422, %dma_wait3A_423] : memref<6x77x128xf32, #tpu.memory_space<vmem>> -> memref<1x77x128xf32, #tpu.memory_space<vmem>>
    %dma_wait3A_425 = tpu.memref_squeeze %dma_wait3A_424 : memref<1x77x128xf32, #tpu.memory_space<vmem>> -> memref<77x128xf32, #tpu.memory_space<vmem>>
    tpu.wait_dma2 semaphore(%arg10 : memref<!tpu.dma_semaphore, #tpu.memory_space<semaphore_mem>>) src(%dma_wait3A_425 : memref<77x128xf32, #tpu.memory_space<vmem>>) dst(%dma_wait3A_421 : memref<77x128xf32, #tpu.memory_space<hbm>>)
    %dma_wait3A_426 = arith.constant 0 : i32
    %dma_wait3A_427 = arith.constant 2 : i32
    %dma_wait3A_428 = arith.constant 0 : i32
    %dma_wait3A_429 = arith.constant 0 : i32
    %dma_wait3A_430 = tpu.memref_slice %arg7[%dma_wait3A_427, %dma_wait3A_428, %dma_wait3A_429] : memref<6x60x128xf32, #tpu.memory_space<vmem>> -> memref<1x60x128xf32, #tpu.memory_space<vmem>>
    %dma_wait3A_431 = tpu.memref_squeeze %dma_wait3A_430 : memref<1x60x128xf32, #tpu.memory_space<vmem>> -> memref<60x128xf32, #tpu.memory_space<vmem>>
    %dma_wait3A_432 = arith.constant 0 : i32
    %dma_wait3A_433 = arith.constant 0 : i32
    %dma_wait3A_434 = tpu.memref_slice %arg4[%dma_wait3A_426, %dma_wait3A_432, %dma_wait3A_433] : memref<1000x60x768xf32, #tpu.memory_space<hbm>> -> memref<1x60x128xf32, #tpu.memory_space<hbm>>
    %dma_wait3A_435 = tpu.memref_squeeze %dma_wait3A_434 : memref<1x60x128xf32, #tpu.memory_space<hbm>> -> memref<60x128xf32, #tpu.memory_space<hbm>>
    %dma_wait3A_436 = arith.constant 0 : i32
    %dma_wait3A_437 = arith.constant 0 : i32
    %dma_wait3A_438 = tpu.memref_slice %arg7[%dma_wait3A_427, %dma_wait3A_436, %dma_wait3A_437] : memref<6x60x128xf32, #tpu.memory_space<vmem>> -> memref<1x60x128xf32, #tpu.memory_space<vmem>>
    %dma_wait3A_439 = tpu.memref_squeeze %dma_wait3A_438 : memref<1x60x128xf32, #tpu.memory_space<vmem>> -> memref<60x128xf32, #tpu.memory_space<vmem>>
    %dma_wait3A_440 = arith.constant 0 : i32
    %dma_wait3A_441 = arith.constant 0 : i32
    %dma_wait3A_442 = tpu.memref_slice %arg4[%dma_wait3A_426, %dma_wait3A_440, %dma_wait3A_441] : memref<1000x60x768xf32, #tpu.memory_space<hbm>> -> memref<1x60x128xf32, #tpu.memory_space<hbm>>
    %dma_wait3A_443 = tpu.memref_squeeze %dma_wait3A_442 : memref<1x60x128xf32, #tpu.memory_space<hbm>> -> memref<60x128xf32, #tpu.memory_space<hbm>>
    tpu.wait_dma2 semaphore(%arg9 : memref<!tpu.dma_semaphore, #tpu.memory_space<semaphore_mem>>) src(%dma_wait3A_443 : memref<60x128xf32, #tpu.memory_space<hbm>>) dst(%dma_wait3A_439 : memref<60x128xf32, #tpu.memory_space<vmem>>)
    %dma_wait3A_444 = arith.constant 3 : i32
    %dma_wait3A_445 = arith.constant 0 : i32
    %dma_wait3A_446 = arith.constant 0 : i32
    %dma_wait3A_447 = arith.constant 0 : i32
    %dma_wait3A_448 = tpu.memref_slice %arg6[%dma_wait3A_444, %dma_wait3A_446, %dma_wait3A_447] : memref<6x77x128xf32, #tpu.memory_space<vmem>> -> memref<1x77x128xf32, #tpu.memory_space<vmem>>
    %dma_wait3A_449 = tpu.memref_squeeze %dma_wait3A_448 : memref<1x77x128xf32, #tpu.memory_space<vmem>> -> memref<77x128xf32, #tpu.memory_space<vmem>>
    %dma_wait3A_450 = arith.constant 0 : i32
    %dma_wait3A_451 = arith.constant 0 : i32
    %dma_wait3A_452 = tpu.memref_slice %arg5[%dma_wait3A_445, %dma_wait3A_450, %dma_wait3A_451] : memref<1000x77x768xf32, #tpu.memory_space<hbm>> -> memref<1x77x128xf32, #tpu.memory_space<hbm>>
    %dma_wait3A_453 = tpu.memref_squeeze %dma_wait3A_452 : memref<1x77x128xf32, #tpu.memory_space<hbm>> -> memref<77x128xf32, #tpu.memory_space<hbm>>
    %dma_wait3A_454 = arith.constant 0 : i32
    %dma_wait3A_455 = arith.constant 0 : i32
    %dma_wait3A_456 = tpu.memref_slice %arg5[%dma_wait3A_445, %dma_wait3A_454, %dma_wait3A_455] : memref<1000x77x768xf32, #tpu.memory_space<hbm>> -> memref<1x77x128xf32, #tpu.memory_space<hbm>>
    %dma_wait3A_457 = tpu.memref_squeeze %dma_wait3A_456 : memref<1x77x128xf32, #tpu.memory_space<hbm>> -> memref<77x128xf32, #tpu.memory_space<hbm>>
    %dma_wait3A_458 = arith.constant 0 : i32
    %dma_wait3A_459 = arith.constant 0 : i32
    %dma_wait3A_460 = tpu.memref_slice %arg6[%dma_wait3A_444, %dma_wait3A_458, %dma_wait3A_459] : memref<6x77x128xf32, #tpu.memory_space<vmem>> -> memref<1x77x128xf32, #tpu.memory_space<vmem>>
    %dma_wait3A_461 = tpu.memref_squeeze %dma_wait3A_460 : memref<1x77x128xf32, #tpu.memory_space<vmem>> -> memref<77x128xf32, #tpu.memory_space<vmem>>
    tpu.wait_dma2 semaphore(%arg10 : memref<!tpu.dma_semaphore, #tpu.memory_space<semaphore_mem>>) src(%dma_wait3A_461 : memref<77x128xf32, #tpu.memory_space<vmem>>) dst(%dma_wait3A_457 : memref<77x128xf32, #tpu.memory_space<hbm>>)
    %dma_wait3A_462 = arith.constant 0 : i32
    %dma_wait3A_463 = arith.constant 3 : i32
    %dma_wait3A_464 = arith.constant 0 : i32
    %dma_wait3A_465 = arith.constant 0 : i32
    %dma_wait3A_466 = tpu.memref_slice %arg7[%dma_wait3A_463, %dma_wait3A_464, %dma_wait3A_465] : memref<6x60x128xf32, #tpu.memory_space<vmem>> -> memref<1x60x128xf32, #tpu.memory_space<vmem>>
    %dma_wait3A_467 = tpu.memref_squeeze %dma_wait3A_466 : memref<1x60x128xf32, #tpu.memory_space<vmem>> -> memref<60x128xf32, #tpu.memory_space<vmem>>
    %dma_wait3A_468 = arith.constant 0 : i32
    %dma_wait3A_469 = arith.constant 0 : i32
    %dma_wait3A_470 = tpu.memref_slice %arg4[%dma_wait3A_462, %dma_wait3A_468, %dma_wait3A_469] : memref<1000x60x768xf32, #tpu.memory_space<hbm>> -> memref<1x60x128xf32, #tpu.memory_space<hbm>>
    %dma_wait3A_471 = tpu.memref_squeeze %dma_wait3A_470 : memref<1x60x128xf32, #tpu.memory_space<hbm>> -> memref<60x128xf32, #tpu.memory_space<hbm>>
    %dma_wait3A_472 = arith.constant 0 : i32
    %dma_wait3A_473 = arith.constant 0 : i32
    %dma_wait3A_474 = tpu.memref_slice %arg7[%dma_wait3A_463, %dma_wait3A_472, %dma_wait3A_473] : memref<6x60x128xf32, #tpu.memory_space<vmem>> -> memref<1x60x128xf32, #tpu.memory_space<vmem>>
    %dma_wait3A_475 = tpu.memref_squeeze %dma_wait3A_474 : memref<1x60x128xf32, #tpu.memory_space<vmem>> -> memref<60x128xf32, #tpu.memory_space<vmem>>
    %dma_wait3A_476 = arith.constant 0 : i32
    %dma_wait3A_477 = arith.constant 0 : i32
    %dma_wait3A_478 = tpu.memref_slice %arg4[%dma_wait3A_462, %dma_wait3A_476, %dma_wait3A_477] : memref<1000x60x768xf32, #tpu.memory_space<hbm>> -> memref<1x60x128xf32, #tpu.memory_space<hbm>>
    %dma_wait3A_479 = tpu.memref_squeeze %dma_wait3A_478 : memref<1x60x128xf32, #tpu.memory_space<hbm>> -> memref<60x128xf32, #tpu.memory_space<hbm>>
    tpu.wait_dma2 semaphore(%arg9 : memref<!tpu.dma_semaphore, #tpu.memory_space<semaphore_mem>>) src(%dma_wait3A_479 : memref<60x128xf32, #tpu.memory_space<hbm>>) dst(%dma_wait3A_475 : memref<60x128xf32, #tpu.memory_space<vmem>>)
    %dma_wait3A_480 = arith.constant 4 : i32
    %dma_wait3A_481 = arith.constant 0 : i32
    %dma_wait3A_482 = arith.constant 0 : i32
    %dma_wait3A_483 = arith.constant 0 : i32
    %dma_wait3A_484 = tpu.memref_slice %arg6[%dma_wait3A_480, %dma_wait3A_482, %dma_wait3A_483] : memref<6x77x128xf32, #tpu.memory_space<vmem>> -> memref<1x77x128xf32, #tpu.memory_space<vmem>>
    %dma_wait3A_485 = tpu.memref_squeeze %dma_wait3A_484 : memref<1x77x128xf32, #tpu.memory_space<vmem>> -> memref<77x128xf32, #tpu.memory_space<vmem>>
    %dma_wait3A_486 = arith.constant 0 : i32
    %dma_wait3A_487 = arith.constant 0 : i32
    %dma_wait3A_488 = tpu.memref_slice %arg5[%dma_wait3A_481, %dma_wait3A_486, %dma_wait3A_487] : memref<1000x77x768xf32, #tpu.memory_space<hbm>> -> memref<1x77x128xf32, #tpu.memory_space<hbm>>
    %dma_wait3A_489 = tpu.memref_squeeze %dma_wait3A_488 : memref<1x77x128xf32, #tpu.memory_space<hbm>> -> memref<77x128xf32, #tpu.memory_space<hbm>>
    %dma_wait3A_490 = arith.constant 0 : i32
    %dma_wait3A_491 = arith.constant 0 : i32
    %dma_wait3A_492 = tpu.memref_slice %arg5[%dma_wait3A_481, %dma_wait3A_490, %dma_wait3A_491] : memref<1000x77x768xf32, #tpu.memory_space<hbm>> -> memref<1x77x128xf32, #tpu.memory_space<hbm>>
    %dma_wait3A_493 = tpu.memref_squeeze %dma_wait3A_492 : memref<1x77x128xf32, #tpu.memory_space<hbm>> -> memref<77x128xf32, #tpu.memory_space<hbm>>
    %dma_wait3A_494 = arith.constant 0 : i32
    %dma_wait3A_495 = arith.constant 0 : i32
    %dma_wait3A_496 = tpu.memref_slice %arg6[%dma_wait3A_480, %dma_wait3A_494, %dma_wait3A_495] : memref<6x77x128xf32, #tpu.memory_space<vmem>> -> memref<1x77x128xf32, #tpu.memory_space<vmem>>
    %dma_wait3A_497 = tpu.memref_squeeze %dma_wait3A_496 : memref<1x77x128xf32, #tpu.memory_space<vmem>> -> memref<77x128xf32, #tpu.memory_space<vmem>>
    tpu.wait_dma2 semaphore(%arg10 : memref<!tpu.dma_semaphore, #tpu.memory_space<semaphore_mem>>) src(%dma_wait3A_497 : memref<77x128xf32, #tpu.memory_space<vmem>>) dst(%dma_wait3A_493 : memref<77x128xf32, #tpu.memory_space<hbm>>)
    %dma_wait3A_498 = arith.constant 0 : i32
    %dma_wait3A_499 = arith.constant 4 : i32
    %dma_wait3A_500 = arith.constant 0 : i32
    %dma_wait3A_501 = arith.constant 0 : i32
    %dma_wait3A_502 = tpu.memref_slice %arg7[%dma_wait3A_499, %dma_wait3A_500, %dma_wait3A_501] : memref<6x60x128xf32, #tpu.memory_space<vmem>> -> memref<1x60x128xf32, #tpu.memory_space<vmem>>
    %dma_wait3A_503 = tpu.memref_squeeze %dma_wait3A_502 : memref<1x60x128xf32, #tpu.memory_space<vmem>> -> memref<60x128xf32, #tpu.memory_space<vmem>>
    %dma_wait3A_504 = arith.constant 0 : i32
    %dma_wait3A_505 = arith.constant 0 : i32
    %dma_wait3A_506 = tpu.memref_slice %arg4[%dma_wait3A_498, %dma_wait3A_504, %dma_wait3A_505] : memref<1000x60x768xf32, #tpu.memory_space<hbm>> -> memref<1x60x128xf32, #tpu.memory_space<hbm>>
    %dma_wait3A_507 = tpu.memref_squeeze %dma_wait3A_506 : memref<1x60x128xf32, #tpu.memory_space<hbm>> -> memref<60x128xf32, #tpu.memory_space<hbm>>
    %dma_wait3A_508 = arith.constant 0 : i32
    %dma_wait3A_509 = arith.constant 0 : i32
    %dma_wait3A_510 = tpu.memref_slice %arg7[%dma_wait3A_499, %dma_wait3A_508, %dma_wait3A_509] : memref<6x60x128xf32, #tpu.memory_space<vmem>> -> memref<1x60x128xf32, #tpu.memory_space<vmem>>
    %dma_wait3A_511 = tpu.memref_squeeze %dma_wait3A_510 : memref<1x60x128xf32, #tpu.memory_space<vmem>> -> memref<60x128xf32, #tpu.memory_space<vmem>>
    %dma_wait3A_512 = arith.constant 0 : i32
    %dma_wait3A_513 = arith.constant 0 : i32
    %dma_wait3A_514 = tpu.memref_slice %arg4[%dma_wait3A_498, %dma_wait3A_512, %dma_wait3A_513] : memref<1000x60x768xf32, #tpu.memory_space<hbm>> -> memref<1x60x128xf32, #tpu.memory_space<hbm>>
    %dma_wait3A_515 = tpu.memref_squeeze %dma_wait3A_514 : memref<1x60x128xf32, #tpu.memory_space<hbm>> -> memref<60x128xf32, #tpu.memory_space<hbm>>
    tpu.wait_dma2 semaphore(%arg9 : memref<!tpu.dma_semaphore, #tpu.memory_space<semaphore_mem>>) src(%dma_wait3A_515 : memref<60x128xf32, #tpu.memory_space<hbm>>) dst(%dma_wait3A_511 : memref<60x128xf32, #tpu.memory_space<vmem>>)
    %dma_wait3A_516 = arith.constant 5 : i32
    %dma_wait3A_517 = arith.constant 0 : i32
    %dma_wait3A_518 = arith.constant 0 : i32
    %dma_wait3A_519 = arith.constant 0 : i32
    %dma_wait3A_520 = tpu.memref_slice %arg6[%dma_wait3A_516, %dma_wait3A_518, %dma_wait3A_519] : memref<6x77x128xf32, #tpu.memory_space<vmem>> -> memref<1x77x128xf32, #tpu.memory_space<vmem>>
    %dma_wait3A_521 = tpu.memref_squeeze %dma_wait3A_520 : memref<1x77x128xf32, #tpu.memory_space<vmem>> -> memref<77x128xf32, #tpu.memory_space<vmem>>
    %dma_wait3A_522 = arith.constant 0 : i32
    %dma_wait3A_523 = arith.constant 0 : i32
    %dma_wait3A_524 = tpu.memref_slice %arg5[%dma_wait3A_517, %dma_wait3A_522, %dma_wait3A_523] : memref<1000x77x768xf32, #tpu.memory_space<hbm>> -> memref<1x77x128xf32, #tpu.memory_space<hbm>>
    %dma_wait3A_525 = tpu.memref_squeeze %dma_wait3A_524 : memref<1x77x128xf32, #tpu.memory_space<hbm>> -> memref<77x128xf32, #tpu.memory_space<hbm>>
    %dma_wait3A_526 = arith.constant 0 : i32
    %dma_wait3A_527 = arith.constant 0 : i32
    %dma_wait3A_528 = tpu.memref_slice %arg5[%dma_wait3A_517, %dma_wait3A_526, %dma_wait3A_527] : memref<1000x77x768xf32, #tpu.memory_space<hbm>> -> memref<1x77x128xf32, #tpu.memory_space<hbm>>
    %dma_wait3A_529 = tpu.memref_squeeze %dma_wait3A_528 : memref<1x77x128xf32, #tpu.memory_space<hbm>> -> memref<77x128xf32, #tpu.memory_space<hbm>>
    %dma_wait3A_530 = arith.constant 0 : i32
    %dma_wait3A_531 = arith.constant 0 : i32
    %dma_wait3A_532 = tpu.memref_slice %arg6[%dma_wait3A_516, %dma_wait3A_530, %dma_wait3A_531] : memref<6x77x128xf32, #tpu.memory_space<vmem>> -> memref<1x77x128xf32, #tpu.memory_space<vmem>>
    %dma_wait3A_533 = tpu.memref_squeeze %dma_wait3A_532 : memref<1x77x128xf32, #tpu.memory_space<vmem>> -> memref<77x128xf32, #tpu.memory_space<vmem>>
    tpu.wait_dma2 semaphore(%arg10 : memref<!tpu.dma_semaphore, #tpu.memory_space<semaphore_mem>>) src(%dma_wait3A_533 : memref<77x128xf32, #tpu.memory_space<vmem>>) dst(%dma_wait3A_529 : memref<77x128xf32, #tpu.memory_space<hbm>>)
    %dma_wait3A_534 = arith.constant 0 : i32
    %dma_wait3A_535 = arith.constant 5 : i32
    %dma_wait3A_536 = arith.constant 0 : i32
    %dma_wait3A_537 = arith.constant 0 : i32
    %dma_wait3A_538 = tpu.memref_slice %arg7[%dma_wait3A_535, %dma_wait3A_536, %dma_wait3A_537] : memref<6x60x128xf32, #tpu.memory_space<vmem>> -> memref<1x60x128xf32, #tpu.memory_space<vmem>>
    %dma_wait3A_539 = tpu.memref_squeeze %dma_wait3A_538 : memref<1x60x128xf32, #tpu.memory_space<vmem>> -> memref<60x128xf32, #tpu.memory_space<vmem>>
    %dma_wait3A_540 = arith.constant 0 : i32
    %dma_wait3A_541 = arith.constant 0 : i32
    %dma_wait3A_542 = tpu.memref_slice %arg4[%dma_wait3A_534, %dma_wait3A_540, %dma_wait3A_541] : memref<1000x60x768xf32, #tpu.memory_space<hbm>> -> memref<1x60x128xf32, #tpu.memory_space<hbm>>
    %dma_wait3A_543 = tpu.memref_squeeze %dma_wait3A_542 : memref<1x60x128xf32, #tpu.memory_space<hbm>> -> memref<60x128xf32, #tpu.memory_space<hbm>>
    %dma_wait3A_544 = arith.constant 0 : i32
    %dma_wait3A_545 = arith.constant 0 : i32
    %dma_wait3A_546 = tpu.memref_slice %arg7[%dma_wait3A_535, %dma_wait3A_544, %dma_wait3A_545] : memref<6x60x128xf32, #tpu.memory_space<vmem>> -> memref<1x60x128xf32, #tpu.memory_space<vmem>>
    %dma_wait3A_547 = tpu.memref_squeeze %dma_wait3A_546 : memref<1x60x128xf32, #tpu.memory_space<vmem>> -> memref<60x128xf32, #tpu.memory_space<vmem>>
    %dma_wait3A_548 = arith.constant 0 : i32
    %dma_wait3A_549 = arith.constant 0 : i32
    %dma_wait3A_550 = tpu.memref_slice %arg4[%dma_wait3A_534, %dma_wait3A_548, %dma_wait3A_549] : memref<1000x60x768xf32, #tpu.memory_space<hbm>> -> memref<1x60x128xf32, #tpu.memory_space<hbm>>
    %dma_wait3A_551 = tpu.memref_squeeze %dma_wait3A_550 : memref<1x60x128xf32, #tpu.memory_space<hbm>> -> memref<60x128xf32, #tpu.memory_space<hbm>>
    tpu.wait_dma2 semaphore(%arg9 : memref<!tpu.dma_semaphore, #tpu.memory_space<semaphore_mem>>) src(%dma_wait3A_551 : memref<60x128xf32, #tpu.memory_space<hbm>>) dst(%dma_wait3A_547 : memref<60x128xf32, #tpu.memory_space<vmem>>)
    return
  }
}

</mosaic_0001>

<sc_bundles>
// kernel: kernel.3.cloned.1.call-start
scs
__scs_entry_jumppad:
0x0: {  	(pc) =	sbr.rel $0x88, $3  }
0x1: {  	(tag) =	ssettag $0x0;
	lr =	simm.s32 $0x1  }
0x2: {  	[smem:$0x3F9E] =	sst lr;
	_ =	strace $0xD0000000  }
0x3: {  	_ = 	snop  }
0x4: {  	_ = 	snop  }
0x5: {  	_ = 	snop  }
0x6: {  	_ = 	snop  }
0x7: {  	_ = 	snop  }
__scs_overlays_trampoline_lowered:
0x8: {  	[smem:$0x3FAD] =	sst s0  }
0x9: {  	[smem:$0x3FAE] =	sst s1  }
0xa: {  	[smem:$0x3FAF] =	sst s2  }
0xb: {  	[smem:$0x3FB0] =	sst s3  }
0xc: {  	[smem:$0x3FB1] =	sst s4  }
0xd: {  	[smem:$0x3FB2] =	sst s5  }
0xe: {  	[smem:$0x3FB3] =	sst s6  }
0xf: {  	[smem:$0x3FB4] =	sst s7  }
0x10: {  	[smem:$0x3FB5] =	sst s8  }
0x11: {  	[smem:$0x3FB6] =	sst s9;
	s0 =	simm.s32 @!p0 $0x0  }
0x12: {  	s1 =	sld [smem:$0x3F9C];
	s0 =	simm.s32 @p0 $0x1  }
0x13: {  	[smem:$0x3FB7] =	sst s0;
	s0 =	simm.s32 @!p1 $0x0  }
0x14: {  	s2 =	sld [smem:$0x3F9B];
	s0 =	simm.s32 @p1 $0x1  }
0x15: {  	[smem:$0x3FB8] =	sst s0;
	s0 =	simm.s32 @!p2 $0x0  }
0x16: {  	s3 =	sld [smem:$0x3FDB];
	s0 =	simm.s32 @p2 $0x1  }
0x17: {  	s4 =	simm.s32 $0x1BF5;
	[smem:$0x3FBA] =	sst s0  }
0x18: {  	s0 =	sld [smem:$0x3F9D];
	_ =	swait.ge [sflag:s4], $0x0  }
0x19: {  	s7 =	sld [smem:$0x3F9E]  }
0x1a: {  	s8 =	sadd.s32 $0xFFFFE003, lr  }
0x1b: {  	s9 =	sadd.s32 $0xFFFFFEF7, lr;
	s5 =	simm.s32 $0xFFFFFFFF;
	p2 =	slt.u32 s8, $0xFFFFF086  }
0x1c: {  	p1 =	slt.u32 s9, $0xF7A;
	s5 =	simm.s32 @!p2 $0x0  }
0x1d: {  	s5 =	simm.s32 @p1 $0x1;
	p0 =	seq.s32 s7, s2  }
0x1e: {  	s7 =	smul.u32 @!p0 $0xF7A, s2;
	p2 =	seq.s32 @!p0 s5, $0x0  }
0x1f: {  	s9 =	smul.u32 $0xF7A, s1;
	s8 =	simm.s32 @!p0 $0x1BF5;
	p2 =	por !p2, p0  }
0x20: {  	[sflag:s8] =	ssyncset.s32 @!p0 $0xFFFFF086;
	s6 =	sadd.s32 @!p0 s3, s7;
	s7 =	simm.s32 @!p0 $0x108  }
0x21: {  	s3 =	sadd.s32 s3, s9;
	s6 =	sadd.s32 @!p0 $0x88, s6;
	s7 =	simm.s32 @p2 $0x1082  }
0x22: {  	[simem:s7], [sflag:s8] =	dma.local @!p0 [hbm:s6], $0xF7A  }
0x23: {  	s9 =	sor.u32 $0xD0000000, s2;
	s6 =	simm.s32 $0x108;
	_ =	swait.ge @!p0 [sflag:s8], $0x0  }
0x24: {  	s3 =	sadd.s32 $0x88, s3;
	s6 =	simm.s32 @!p1 $0x1082;
	[sflag:s4] =	ssyncset.s32 $0xFFFFF086  }
0x25: {  	[simem:s6], [sflag:s4] =	dma.local [hbm:s3], $0xF7A  }
0x26: {  	[smem:$0x3F9E] =	sst s1;
	(tag) =	ssettag s2;
	_ =	strace s9  }
0x27: {  	s1 =	sld [smem:$0x3FAE]  }
0x28: {  	s2 =	sld [smem:$0x3FAF]  }
0x29: {  	s4 =	sld [smem:$0x3FB1]  }
0x2a: {  	p0 =	seq.s32 s5, $0x0;
	s5 =	sld [smem:$0x3FB2]  }
0x2b: {  	s6 =	sld [smem:$0x3FB3]  }
0x2c: {  	s7 =	sld [smem:$0x3FB4]  }
0x2d: {  	s3 =	simm.s32 $0x108;
	s8 =	sld [smem:$0x3FB5]  }
0x2e: {  	s3 =	simm.s32 @!p0 $0x1082;
	s9 =	sld [smem:$0x3FB6]  }
0x2f: {  	lr =	sadd.s32 s0, s3;
	s0 =	sld [smem:$0x3FAD]  }
0x30: {  	s3 =	sld [smem:$0x3FB0]  }
0x31: {  	[smem:$0x3FB9] =	sst s10  }
0x32: {  	s10 =	sld [smem:$0x3FB7];
	_ =	sdelay $0x3  }
0x33: {  	p0 =	seq.s32 s10, $0x1;
	s10 =	sld [smem:$0x3FB9];
	_ =	sdelay $0x3  }
0x34: {  	[smem:$0x3FB9] =	sst s10  }
0x35: {  	s10 =	sld [smem:$0x3FB8];
	_ =	sdelay $0x3  }
0x36: {  	p1 =	seq.s32 s10, $0x1;
	s10 =	sld [smem:$0x3FB9];
	_ =	sdelay $0x3  }
0x37: {  	[smem:$0x3FB9] =	sst s10  }
0x38: {  	s10 =	sld [smem:$0x3FBA]  }
0x39: {  	_ = 	snop;
	(pc) =	sbr.ind lr, $3  }
0x3a: {  	_ = 	snop  }
0x3b: {  	_ = 	snop  }
0x3c: {  	p2 =	seq.s32 s10, $0x1;
	s10 =	sld [smem:$0x3FB9]  }
0x3d: {  	_ =	shalt  }
0x3e: {  	_ =	shalt  }
0x3f: {  	_ =	shalt  }
0x40: {  	_ =	shalt  }
0x41: {  	_ =	shalt  }
0x42: {  	_ =	shalt  }
0x43: {  	_ =	shalt  }
0x44: {  	_ =	shalt  }
0x45: {  	_ =	shalt  }
0x46: {  	_ =	shalt  }
0x47: {  	_ =	shalt  }
0x48: {  	_ =	shalt  }
0x49: {  	_ =	shalt  }
0x4a: {  	_ =	shalt  }
0x4b: {  	_ =	shalt  }
0x4c: {  	_ =	shalt  }
0x4d: {  	_ =	shalt  }
0x4e: {  	_ =	shalt  }
0x4f: {  	_ =	shalt  }
0x50: {  	_ =	shalt  }
0x51: {  	_ =	shalt  }
0x52: {  	_ =	shalt  }
0x53: {  	_ =	shalt  }
0x54: {  	_ =	shalt  }
0x55: {  	_ =	shalt  }
0x56: {  	_ =	shalt  }
0x57: {  	_ =	shalt  }
0x58: {  	_ =	shalt  }
0x59: {  	_ =	shalt  }
0x5a: {  	_ =	shalt  }
0x5b: {  	_ =	shalt  }
0x5c: {  	_ =	shalt  }
0x5d: {  	_ =	shalt  }
0x5e: {  	_ =	shalt  }
0x5f: {  	_ =	shalt  }
0x60: {  	_ =	shalt  }
0x61: {  	_ =	shalt  }
0x62: {  	_ =	shalt  }
0x63: {  	_ =	shalt  }
0x64: {  	_ =	shalt  }
0x65: {  	_ =	shalt  }
0x66: {  	_ =	shalt  }
0x67: {  	_ =	shalt  }
0x68: {  	_ =	shalt  }
0x69: {  	_ =	shalt  }
0x6a: {  	_ =	shalt  }
0x6b: {  	_ =	shalt  }
0x6c: {  	_ =	shalt  }
0x6d: {  	_ =	shalt  }
0x6e: {  	_ =	shalt  }
0x6f: {  	_ =	shalt  }
0x70: {  	_ =	shalt  }
0x71: {  	_ =	shalt  }
0x72: {  	_ =	shalt  }
0x73: {  	_ =	shalt  }
0x74: {  	_ =	shalt  }
0x75: {  	_ =	shalt  }
0x76: {  	_ =	shalt  }
0x77: {  	_ =	shalt  }
0x78: {  	_ =	shalt  }
0x79: {  	_ =	shalt  }
0x7a: {  	_ =	shalt  }
0x7b: {  	_ =	shalt  }
0x7c: {  	_ =	shalt  }
0x7d: {  	_ =	shalt  }
0x7e: {  	_ =	shalt  }
0x7f: {  	_ =	shalt  }
0x80: {  	_ =	shalt  }
0x81: {  	_ =	shalt  }
0x82: {  	_ =	shalt  }
0x83: {  	_ =	shalt  }
0x84: {  	_ =	shalt  }
0x85: {  	_ =	shalt  }
0x86: {  	_ =	shalt  }
0x87: {  	_ =	shalt  }
.Lfunc_end0:
.L_simem_size_0:
called_computation_lowered:
.L_overlay_start_0:
0x88: {  	s2 =	sld [smem:$0x3FD9]  }
0x89: {  	s3 =	sld [smem:$0x3FFE];
	_ =	sdelay $0x1  }
0x8a: {  	s1 =	srdreg.scid  }
0x8b: {  	s0 =	sand.u32 $0x1, s1  }
0x8c: {  	s17 =	sshll.u32 s0, $0xA;
	s2 =	sadd.s32 s3, s2  }
0x8d: {  	s2 =	sadd.s32 s2, s17  }
0x8e: {  	[smem:$0x3FC5] =	sst s2  }
0x8f: {  	_ = 	snop  }
0x90: {  	s2 =	sld [smem:$0x3FC9]  }
0x91: {  	s18 =	sld [smem:$0x3FC8]  }
0x92: {  	s4 =	sld [smem:$0x3FD0];
	(tm) =	ssettm $0x1  }
0x93: {  	s5 =	sld [smem:$0x3FFB];
	_ =	sdelay $0x3  }
0x94: {  	_ =	strace s5  }
0x95: {  	s5 =	sld [smem:$0x3FFC];
	_ =	sdelay $0x3  }
0x96: {  	_ =	strace s5  }
0x97: {  	s5 =	sld [smem:$0x3FFD];
	_ =	sdelay $0x3  }
0x98: {  	_ =	strace s5  }
0x99: {  	_ =	strace $0x8FFFFFFF  }
0x9a: {  	s19 =	sld [smem:$0x3FDB];
	_ =	sdelay $0x1  }
0x9b: {  	s6 =	simm.s32 $_scs_section_size  }
0x9c: {  	s7 =	simm.s32 $_size__tile_overlayer_lowered;
	s8 =	simm.s32 $_tile_overlayer_lowered  }
0x9d: {  	s22 =	simm.s32 $0x1BFF;
	s21 =	sshll.u32 s8, $0x1;
	s5 =	sadd.s32 s6, s19  }
0x9e: {  	s9 =	simm.s32 $0x0;
	s20 =	sshll.u32 s7, $0x1;
	s7 =	sadd.s32 s21, s5  }
0x9f: {  	[timem:s9], [sflag:s22] =	dma.local [hbm:s7], s20  }
0xa0: {  	_ =	swait.ge [sflag:s22], s20  }
0xa1: {  	s6 =	ssub.s32 $0x0, s20;
	[sflag:s22] =	ssyncset.done $0x0  }
0xa2: {  	[sflag:s22] =	ssyncadd.s32 s6;
	_ =	sdelay $0x1  }
0xa3: {  	s23 =	simm.s32 $0x1B8B  }
0xa4: {  	_ =	swait.ge [sflag:s23], $0x1  }
0xa5: {  	[sflag:s23] =	ssyncset.done $0x0  }
0xa6: {  	s25 =	simm.s32 $0x1B8E;
	s24 =	sld [smem:$0x3FFE];
	[sflag:s23] =	ssyncadd.s32 $0xFFFFFFFF  }
0xa7: {  	s26 =	simm.s32 $execute0_lowered;
	[smem:$0x3FD2] =	sst s25  }
0xa8: {  	s7 =	sshll.u32 s26, $0x1;
	_ =	strace $0x80000046;
	[dreg:$0x1] =	wrdreg $0xFFFFFFFF  }
0xa9: {  	s28 =	simm.s32 $_size_execute0_lowered;
	s5 =	sadd.s32 s5, s7;
	[dreg:$0x0] =	wrdreg $0x0  }
0xaa: {  	s7 =	sshll.u32 s28, $0x1;
	[dreg:$0x2] =	wrdreg s5  }
0xab: {  	[dreg:$0x3] =	wrdreg s7  }
0xac: {  	[dreg:$0x4] =	wrdreg $0xC0  }
0xad: {  	_ =	task [dreg:s9], $0x5FFFF  }
0xae: {  	[dreg:$0x1] =	wrdreg $0xFFFFFFFF  }
0xaf: {  	[dreg:$0x0] =	wrdreg $0x60  }
0xb0: {  	[dreg:$0x2] =	wrdreg s2  }
0xb1: {  	[dreg:$0x3] =	wrdreg s18  }
0xb2: {  	[dreg:$0x4] =	wrdreg s4  }
0xb3: {  	[dreg:$0x5] =	wrdreg s24  }
0xb4: {  	[dreg:$0x6] =	wrdreg $0x9  }
0xb5: {  	_ =	task.clear_ibuf [dreg:s9], $0x7FFFF;
	_ =	strace $0x90000046  }
0xb6: {  	s29 =	simm.s32 $0x9;
	_ =	strace $0x80000048  }
0xb7: {  	_ =	swait.ge [sflag:s29], $0x1  }
0xb8: {  	[sflag:s29] =	ssyncadd.s32 $0xFFFFFFFF  }
0xb9: {  	_ =	strace $0x90000048  }
0xba: {  	_ =	sfence  }
0xbb: {  	s30 =	sld [smem:$0x0];
	_ =	sdelay $0x2  }
0xbc: {  	s31 =	sshll.u32 s1, $0xD;
	s1 =	sshrl.u32 s1, $0x2  }
0xbd: {  	s3 =	sand.u32 $0x4000, s31;
	s1 =	sadd.s32 s1, s30  }
0xbe: {  	s0 =	sor.u32 s3, s0;
	s1 =	sshll.u32 s1, $0x11  }
0xbf: {  	s0 =	sor.u32 s1, s0  }
0xc0: {  	s0 =	sadd.s32 $0x8F2B, s0  }
0xc1: {  	[sflag:s0] =	ssyncadd.remote.s32 $0x1  }
0xc2: {  	_ =	sfence.sel $0xFFFF  }
0xc3: {  	[dreg:$0x0] =	wrdreg $0xFFFFFFFF;
	(pc) =	sbr.abs _section_cstart, $3  }
0xc4: {  	[dreg:$0x1] =	wrdreg $0xFFFFFFFF  }
0xc5: {  	_ =	task.clear_ibuf [dreg:s9], $0x2FFFF;
	_ =	strace $0x9FFFFFFF  }
0xc6: {  	(tm) =	ssettm $0x7FFFFFFF  }
0xc7: {  	_ =	shalt  }
tec
execute0_lowered:
.L_overlay_start_1:
0x0: {  	(tag) =	ssettag $0x1  }
0x1: {  	s4 =	rddreg [dreg:$0x0]  }
0x2: {  	s8 =	rddreg [dreg:$0x1]  }
0x3: {  	s9 =	rddreg [dreg:$0x2]  }
0x4: {  	s0 =	rddreg [dreg:$0x3]  }
0x5: {  	s1 =	srdreg.scid;
	s2 =	stileid.u32  }
0x6: {  	s5 =	simm.s32 $0x0;
	s30 =	simm.s32 $0x400;
	s31 =	simm.s32 $0x1800  }
0x7: {  	s15 =	simm.s32 $0x18C00;
	s1 =	sand.u32 $0x1, s1;
	s2 =	sshll.u32 s2, $0x6  }
0x8: {  	[smem:$0x7FF] =	sst s5;
	s7 =	sadd.s32 $0x400, s0;
	s10 =	sadd.s32 $0x80, s4  }
0x9: {  	s19 =	sadd.s32 $0x100, s4;
	s12 =	sadd.s32 $0x80, s9;
	s13 =	sadd.s32 $0x100, s9  }
0xa: {  	s18 =	sadd.s32 $0x200, s9;
	s26 =	sadd.s32 $0x180, s4;
	s28 =	sadd.s32 $0x200, s4  }
0xb: {  	s29 =	sadd.s32 $0x280, s4;
	_ =	strace $0x80000047;
	[dreg:$0x5] =	wrdreg s10  }
0xc: {  	s3 =	sshll.u32 s1, $0x5;
	s1 =	ssub.s32 $0x2, s1;
	[dreg:$0x6] =	wrdreg s19  }
0xd: {  	[dreg:$0xf] =	wrdreg s26;
	s6 =	sor.u32 s3, s2;
	s16 =	sshrl.u32 s1, $0x1  }
0xe: {  	[dreg:$0x10] =	wrdreg s28;
	s3 =	smul.u32 $0x60, s6;
	s1 =	ssub.s32 s1, s16  }
0xf: {  	[dreg:$0x11] =	wrdreg s29;
	s17 =	smul.u32 $0x1800, s6;
	s25 =	smax.u32 s1, $0x1  }
0x10: {  	s4 =	simm.s32 $0x0;
	s3 =	sadd.s32 s8, s3;
	[dreg:$0xe] =	wrdreg s25  }
0x11: {  	s19 =	sadd.s32 $0x280, s9;
	s20 =	sadd.s32 s9, s17;
	[dreg:$0x7] =	wrdreg s3  }
0x12: {  	s10 =	simm.s32 $0x19000;
	s21 =	sadd.s32 s17, s12;
	[dreg:$0x8] =	wrdreg s20  }
0x13: {  	s16 =	sadd.s32 $0x180, s9;
	s22 =	sadd.s32 s17, s13;
	[dreg:$0x9] =	wrdreg s21  }
0x14: {  	s1 =	simm.s32 $0x13000;
	s23 =	sadd.s32 s17, s16;
	[dreg:$0xa] =	wrdreg s22  }
0x15: {  	s24 =	sadd.s32 s17, s18;
	s2 =	sadd.s32 s17, s19;
	[dreg:$0xb] =	wrdreg s23  }
0x16: {  	s8 =	simm.s32 $0x15000;
	s9 =	simm.s32 $0x17000;
	[dreg:$0xc] =	wrdreg s24  }
0x17: {  	s25 =	simm.s32 $0x1;
	s17 =	simm.s32 $0x1AC00;
	[dreg:$0xd] =	wrdreg s2  }
0x18: {  	s22 =	sadd.s32 $0x480, s0;
	s23 =	sadd.s32 $0x500, s0;
	s24 =	sadd.s32 $0x580, s0  }
0x19: {  	s0 =	simm.s32 $0xF000;
	s3 =	simm.s32 $0x11000;
	s20 =	simm.s32 $0x3  }
.LBB2_1:
0x1a: {  	[dreg:$0x12] =	wrdreg s4  }
0x1b: {  	s2 =	rddreg [dreg:$0x0]  }
0x1c: {  	[tilespmem:s0], [sflag:$0x1] =	stream.strided.gather [hbm4b:s2+s30], $0x800, s31, s30, $0x38;
	[tilespmem:$0x1B300] =	vst v63  }
0x1d: {  	s14 =	rddreg [dreg:$0x5]  }
0x1e: {  	[tilespmem:s3], [sflag:$0x1] =	stream.strided.gather [hbm4b:s14+s30], $0x800, s31, s30, $0x38;
	[tilespmem:$0x1B300] =	vst v63  }
0x1f: {  	s21 =	rddreg [dreg:$0x6]  }
0x20: {  	[tilespmem:s1], [sflag:$0x1] =	stream.strided.gather [hbm4b:s21+s30], $0x800, s31, s30, $0x38;
	[tilespmem:$0x1B300] =	vst v63  }
0x21: {  	s26 =	rddreg [dreg:$0xf]  }
0x22: {  	[tilespmem:s8], [sflag:$0x1] =	stream.strided.gather [hbm4b:s26+s30], $0x800, s31, s30, $0x38;
	[tilespmem:$0x1B300] =	vst v63  }
0x23: {  	s28 =	rddreg [dreg:$0x10]  }
0x24: {  	[tilespmem:s9], [sflag:$0x1] =	stream.strided.gather [hbm4b:s28+s30], $0x800, s31, s30, $0x38;
	[tilespmem:$0x1B300] =	vst v63  }
0x25: {  	s29 =	rddreg [dreg:$0x11]  }
0x26: {  	[tilespmem:s10], [sflag:$0x1] =	stream.strided.gather [hbm4b:s29+s30], $0x800, s31, s30, $0x38;
	[tilespmem:$0x1B300] =	vst v63  }
0x27: {  	_ =	swait.ge [sflag:s25], $0x800  }
0x28: {  	[sflag:s25] =	ssyncset.done $0x0  }
0x29: {  	[sflag:s25] =	ssyncadd.s32 $0xFFFFF800  }
0x2a: {  	_ =	swait.ge [sflag:s25], $0x800  }
0x2b: {  	[sflag:s25] =	ssyncset.done $0x0  }
0x2c: {  	[sflag:s25] =	ssyncadd.s32 $0xFFFFF800  }
0x2d: {  	_ =	swait.ge [sflag:s25], $0x800  }
0x2e: {  	[sflag:s25] =	ssyncset.done $0x0  }
0x2f: {  	[sflag:s25] =	ssyncadd.s32 $0xFFFFF800  }
0x30: {  	_ =	swait.ge [sflag:s25], $0x800  }
0x31: {  	[sflag:s25] =	ssyncset.done $0x0  }
0x32: {  	[sflag:s25] =	ssyncadd.s32 $0xFFFFF800  }
0x33: {  	_ =	swait.ge [sflag:s25], $0x800  }
0x34: {  	[sflag:s25] =	ssyncset.done $0x0  }
0x35: {  	[sflag:s25] =	ssyncadd.s32 $0xFFFFF800  }
0x36: {  	_ =	swait.ge [sflag:s25], $0x800  }
0x37: {  	[sflag:s25] =	ssyncset.done $0x0  }
0x38: {  	s2 =	simm.s32 $0x0;
	[sflag:s25] =	ssyncadd.s32 $0xFFFFF800  }
0x39: {  	v0 =	vld [tilespmem:s2+$0x19070]  }
0x3a: {  	v1 =	vld [tilespmem:s2+$0xF000]  }
0x3b: {  	v2 =	vld [tilespmem:s2+$0xF010]  }
0x3c: {  	v3 =	vld [tilespmem:s2+$0xF020]  }
0x3d: {  	v4 =	vld [tilespmem:s2+$0xF030]  }
0x3e: {  	v5 =	vld [tilespmem:s2+$0xF040];
	[tilespmem:s2+$0xC8F0] =	vst v0  }
0x3f: {  	v6 =	vld [tilespmem:s2+$0x19010];
	[tilespmem:s2+$0x80] =	vst v1  }
0x40: {  	v0 =	vld [tilespmem:s2+$0xF050];
	[tilespmem:s2+$0x90] =	vst v2  }
0x41: {  	v1 =	vld [tilespmem:s2+$0xF060];
	[tilespmem:s2+$0xA0] =	vst v3  }
0x42: {  	v2 =	vld [tilespmem:s2+$0xF070];
	[tilespmem:s2+$0xB0] =	vst v4  }
0x43: {  	v3 =	vld [tilespmem:s2+$0x11000];
	[tilespmem:s2+$0xC0] =	vst v5  }
0x44: {  	v4 =	vld [tilespmem:s2+$0x11010];
	[tilespmem:s2+$0xC890] =	vst v6  }
0x45: {  	v5 =	vld [tilespmem:s2+$0x19000];
	[tilespmem:s2+$0xD0] =	vst v0  }
0x46: {  	v0 =	vld [tilespmem:s2+$0x11020];
	[tilespmem:s2+$0xE0] =	vst v1  }
0x47: {  	v1 =	vld [tilespmem:s2+$0x11030];
	[tilespmem:s2+$0xF0] =	vst v2  }
0x48: {  	v2 =	vld [tilespmem:s2+$0x11040];
	[tilespmem:s2+$0x2880] =	vst v3  }
0x49: {  	v3 =	vld [tilespmem:s2+$0x11050];
	[tilespmem:s2+$0x2890] =	vst v4  }
0x4a: {  	v4 =	vld [tilespmem:s2+$0x11060];
	[tilespmem:s2+$0xC880] =	vst v5  }
0x4b: {  	[tilespmem:s2+$0x28A0] =	vst v0;
	v0 =	vld [tilespmem:s2+$0x11070]  }
0x4c: {  	[tilespmem:s2+$0x28B0] =	vst v1;
	v1 =	vld [tilespmem:s2+$0x13000]  }
0x4d: {  	[tilespmem:s2+$0x28C0] =	vst v2;
	v2 =	vld [tilespmem:s2+$0x13010]  }
0x4e: {  	[tilespmem:s2+$0x28D0] =	vst v3;
	v3 =	vld [tilespmem:s2+$0x13020]  }
0x4f: {  	[tilespmem:s2+$0x28E0] =	vst v4;
	v4 =	vld [tilespmem:s2+$0x13030]  }
0x50: {  	[tilespmem:s2+$0x28F0] =	vst v0;
	v0 =	vld [tilespmem:s2+$0x13040]  }
0x51: {  	[tilespmem:s2+$0x5080] =	vst v1;
	v1 =	vld [tilespmem:s2+$0x13050]  }
0x52: {  	[tilespmem:s2+$0x5090] =	vst v2;
	v2 =	vld [tilespmem:s2+$0x13060]  }
0x53: {  	[tilespmem:s2+$0x50A0] =	vst v3;
	v3 =	vld [tilespmem:s2+$0x13070]  }
0x54: {  	[tilespmem:s2+$0x50B0] =	vst v4;
	v4 =	vld [tilespmem:s2+$0x15000]  }
0x55: {  	[tilespmem:s2+$0x50C0] =	vst v0;
	v0 =	vld [tilespmem:s2+$0x15010]  }
0x56: {  	[tilespmem:s2+$0x50D0] =	vst v1;
	v1 =	vld [tilespmem:s2+$0x15020]  }
0x57: {  	[tilespmem:s2+$0x50E0] =	vst v2;
	v2 =	vld [tilespmem:s2+$0x15030]  }
0x58: {  	[tilespmem:s2+$0x50F0] =	vst v3;
	v3 =	vld [tilespmem:s2+$0x15040]  }
0x59: {  	[tilespmem:s2+$0x7880] =	vst v4;
	v4 =	vld [tilespmem:s2+$0x15050]  }
0x5a: {  	[tilespmem:s2+$0x7890] =	vst v0;
	v0 =	vld [tilespmem:s2+$0x15060]  }
0x5b: {  	[tilespmem:s2+$0x78A0] =	vst v1;
	v1 =	vld [tilespmem:s2+$0x15070]  }
0x5c: {  	[tilespmem:s2+$0x78B0] =	vst v2;
	v2 =	vld [tilespmem:s2+$0x17000]  }
0x5d: {  	[tilespmem:s2+$0x78C0] =	vst v3;
	v3 =	vld [tilespmem:s2+$0x17010]  }
0x5e: {  	[tilespmem:s2+$0x78D0] =	vst v4;
	v4 =	vld [tilespmem:s2+$0x17020]  }
0x5f: {  	[tilespmem:s2+$0x78E0] =	vst v0;
	v0 =	vld [tilespmem:s2+$0x17030]  }
0x60: {  	[tilespmem:s2+$0x78F0] =	vst v1;
	v1 =	vld [tilespmem:s2+$0x17040]  }
0x61: {  	[tilespmem:s2+$0xA080] =	vst v2;
	v2 =	vld [tilespmem:s2+$0x17050]  }
0x62: {  	[tilespmem:s2+$0xA090] =	vst v3;
	v3 =	vld [tilespmem:s2+$0x17060]  }
0x63: {  	[tilespmem:s2+$0xA0A0] =	vst v4;
	v4 =	vld [tilespmem:s2+$0x17070]  }
0x64: {  	[tilespmem:s2+$0xA0B0] =	vst v0;
	v0 =	vld [tilespmem:s2+$0x19020]  }
0x65: {  	[tilespmem:s2+$0xA0C0] =	vst v1;
	v1 =	vld [tilespmem:s2+$0x19030]  }
0x66: {  	[tilespmem:s2+$0xA0D0] =	vst v2;
	v2 =	vld [tilespmem:s2+$0x19040]  }
0x67: {  	[tilespmem:s2+$0xA0E0] =	vst v3;
	v3 =	vld [tilespmem:s2+$0x19050]  }
0x68: {  	s4 =	simm.s32 $0x400;
	s21 =	simm.s32 $0x80;
	[tilespmem:s2+$0xA0F0] =	vst v4;
	v4 =	vld [tilespmem:s2+$0x19060]  }
.LBB2_2:
0x69: {  	p0 =	sne.s32 s4, $0x1E00;
	v5 =	vld [tilespmem:s21+$0x19070];
	[tilespmem:s2+$0xC8A0] =	vst v0  }
0x6a: {  	v0 =	vld [tilespmem:s21+$0xF000];
	[tilespmem:s2+$0xC8B0] =	vst v1  }
0x6b: {  	v1 =	vld [tilespmem:s21+$0xF010];
	[tilespmem:s2+$0xC8C0] =	vst v2  }
0x6c: {  	v2 =	vld [tilespmem:s21+$0xF020];
	[tilespmem:s2+$0xC8D0] =	vst v3  }
0x6d: {  	v3 =	vld [tilespmem:s21+$0xF030];
	[tilespmem:s2+$0xC8E0] =	vst v4;
	s2 =	smov.u32 s21  }
0x6e: {  	v4 =	vld [tilespmem:s2+$0xF040];
	[tilespmem:s2+$0xC8F0] =	vst v5  }
0x6f: {  	[tilespmem:s2+$0x80] =	vst v0;
	v0 =	vld [tilespmem:s2+$0xF050]  }
0x70: {  	[tilespmem:s2+$0x90] =	vst v1;
	v1 =	vld [tilespmem:s2+$0xF060]  }
0x71: {  	[tilespmem:s2+$0xA0] =	vst v2;
	v2 =	vld [tilespmem:s2+$0xF070]  }
0x72: {  	[tilespmem:s2+$0xB0] =	vst v3;
	v3 =	vld [tilespmem:s2+$0x11000]  }
0x73: {  	[tilespmem:s2+$0xC0] =	vst v4;
	v4 =	vld [tilespmem:s2+$0x11010]  }
0x74: {  	[tilespmem:s2+$0xD0] =	vst v0;
	v0 =	vld [tilespmem:s2+$0x11020]  }
0x75: {  	[tilespmem:s2+$0xE0] =	vst v1;
	v1 =	vld [tilespmem:s2+$0x11030]  }
0x76: {  	[tilespmem:s2+$0xF0] =	vst v2;
	v2 =	vld [tilespmem:s2+$0x11040]  }
0x77: {  	[tilespmem:s2+$0x2880] =	vst v3;
	v3 =	vld [tilespmem:s2+$0x11050]  }
0x78: {  	[tilespmem:s2+$0x2890] =	vst v4;
	v4 =	vld [tilespmem:s2+$0x11060]  }
0x79: {  	[tilespmem:s2+$0x28A0] =	vst v0;
	v0 =	vld [tilespmem:s2+$0x11070]  }
0x7a: {  	[tilespmem:s2+$0x28B0] =	vst v1;
	v1 =	vld [tilespmem:s2+$0x13000]  }
0x7b: {  	[tilespmem:s2+$0x28C0] =	vst v2;
	v2 =	vld [tilespmem:s2+$0x13010]  }
0x7c: {  	[tilespmem:s2+$0x28D0] =	vst v3;
	v3 =	vld [tilespmem:s2+$0x13020]  }
0x7d: {  	[tilespmem:s2+$0x28E0] =	vst v4;
	v4 =	vld [tilespmem:s2+$0x13030]  }
0x7e: {  	[tilespmem:s2+$0x28F0] =	vst v0;
	v0 =	vld [tilespmem:s2+$0x13040]  }
0x7f: {  	[tilespmem:s2+$0x5080] =	vst v1;
	v1 =	vld [tilespmem:s2+$0x13050]  }
0x80: {  	[tilespmem:s2+$0x5090] =	vst v2;
	v2 =	vld [tilespmem:s2+$0x13060]  }
0x81: {  	[tilespmem:s2+$0x50A0] =	vst v3;
	v3 =	vld [tilespmem:s2+$0x13070]  }
0x82: {  	[tilespmem:s2+$0x50B0] =	vst v4;
	v4 =	vld [tilespmem:s2+$0x15000]  }
0x83: {  	[tilespmem:s2+$0x50C0] =	vst v0;
	v0 =	vld [tilespmem:s2+$0x15010]  }
0x84: {  	[tilespmem:s2+$0x50D0] =	vst v1;
	v1 =	vld [tilespmem:s2+$0x15020]  }
0x85: {  	[tilespmem:s2+$0x50E0] =	vst v2;
	v2 =	vld [tilespmem:s2+$0x15030]  }
0x86: {  	[tilespmem:s2+$0x50F0] =	vst v3;
	v3 =	vld [tilespmem:s2+$0x15040]  }
0x87: {  	[tilespmem:s2+$0x7880] =	vst v4;
	v4 =	vld [tilespmem:s2+$0x15050]  }
0x88: {  	[tilespmem:s2+$0x7890] =	vst v0;
	v0 =	vld [tilespmem:s2+$0x15060]  }
0x89: {  	[tilespmem:s2+$0x78A0] =	vst v1;
	v1 =	vld [tilespmem:s2+$0x15070]  }
0x8a: {  	[tilespmem:s2+$0x78B0] =	vst v2;
	v2 =	vld [tilespmem:s2+$0x17000]  }
0x8b: {  	[tilespmem:s2+$0x78C0] =	vst v3;
	v3 =	vld [tilespmem:s2+$0x17010]  }
0x8c: {  	[tilespmem:s2+$0x78D0] =	vst v4;
	v4 =	vld [tilespmem:s2+$0x17020]  }
0x8d: {  	[tilespmem:s2+$0x78E0] =	vst v0;
	v0 =	vld [tilespmem:s2+$0x17030]  }
0x8e: {  	[tilespmem:s2+$0x78F0] =	vst v1;
	v1 =	vld [tilespmem:s2+$0x17040]  }
0x8f: {  	[tilespmem:s2+$0xA080] =	vst v2;
	v2 =	vld [tilespmem:s2+$0x17050]  }
0x90: {  	[tilespmem:s2+$0xA090] =	vst v3;
	v3 =	vld [tilespmem:s2+$0x17060]  }
0x91: {  	[tilespmem:s2+$0xA0A0] =	vst v4;
	v4 =	vld [tilespmem:s2+$0x17070]  }
0x92: {  	[tilespmem:s2+$0xA0B0] =	vst v0;
	v5 =	vld [tilespmem:s2+$0x19000]  }
0x93: {  	[tilespmem:s2+$0xA0C0] =	vst v1;
	v6 =	vld [tilespmem:s2+$0x19010]  }
.Ltmp0:
0x94: {  	[tilespmem:s2+$0xA0D0] =	vst v2;
	v0 =	vld [tilespmem:s2+$0x19020];
	(pc) =	sbr.rel @p0 .LBB2_2-.Ltmp0, $4  }
0x95: {  	[tilespmem:s2+$0xA0E0] =	vst v3;
	v1 =	vld [tilespmem:s2+$0x19030]  }
0x96: {  	[tilespmem:s2+$0xA0F0] =	vst v4;
	v2 =	vld [tilespmem:s2+$0x19040]  }
0x97: {  	[tilespmem:s2+$0xC880] =	vst v5;
	v3 =	vld [tilespmem:s2+$0x19050]  }
0x98: {  	s21 =	sshra.s32 s4, $0x2;
	s4 =	sadd.s32 $0x200, s4;
	[tilespmem:s2+$0xC890] =	vst v6;
	v4 =	vld [tilespmem:s2+$0x19060]  }
0x99: {  	v5 =	vld [tilespmem:s21+$0x19070];
	[tilespmem:s2+$0xC8A0] =	vst v0  }
0x9a: {  	v0 =	vld [tilespmem:s21+$0xF000];
	[tilespmem:s2+$0xC8B0] =	vst v1  }
0x9b: {  	v1 =	vld [tilespmem:s21+$0xF010];
	[tilespmem:s2+$0xC8C0] =	vst v2  }
0x9c: {  	v2 =	vld [tilespmem:s21+$0xF020];
	[tilespmem:s2+$0xC8D0] =	vst v3  }
0x9d: {  	v3 =	vld [tilespmem:s21+$0xF030];
	[tilespmem:s2+$0xC8E0] =	vst v4  }
0x9e: {  	v4 =	vld [tilespmem:s21+$0xF040];
	[tilespmem:s21+$0xC8F0] =	vst v5  }
0x9f: {  	v22 =	vld [tilespmem:s21+$0xF050];
	[tilespmem:s21+$0x80] =	vst v0  }
0xa0: {  	v23 =	vld [tilespmem:s21+$0xF060];
	[tilespmem:s21+$0x90] =	vst v1  }
0xa1: {  	v24 =	vld [tilespmem:s21+$0xF070];
	[tilespmem:s21+$0xA0] =	vst v2  }
0xa2: {  	v25 =	vld [tilespmem:s21+$0x11000];
	[tilespmem:s21+$0xB0] =	vst v3  }
0xa3: {  	v26 =	vld [tilespmem:s21+$0x11010];
	[tilespmem:s21+$0xC0] =	vst v4  }
0xa4: {  	v27 =	vld [tilespmem:s21+$0x11020];
	[tilespmem:s21+$0xD0] =	vst v22  }
0xa5: {  	v28 =	vld [tilespmem:s21+$0x11030];
	[tilespmem:s21+$0xE0] =	vst v23  }
0xa6: {  	v29 =	vld [tilespmem:s21+$0x11040];
	[tilespmem:s21+$0xF0] =	vst v24  }
0xa7: {  	v30 =	vld [tilespmem:s21+$0x11050];
	[tilespmem:s21+$0x2880] =	vst v25  }
0xa8: {  	v31 =	vld [tilespmem:s21+$0x11060];
	[tilespmem:s21+$0x2890] =	vst v26  }
0xa9: {  	v32 =	vld [tilespmem:s21+$0x11070];
	[tilespmem:s21+$0x28A0] =	vst v27  }
0xaa: {  	v33 =	vld [tilespmem:s21+$0x13000];
	[tilespmem:s21+$0x28B0] =	vst v28  }
0xab: {  	v34 =	vld [tilespmem:s21+$0x13010];
	[tilespmem:s21+$0x28C0] =	vst v29  }
0xac: {  	v35 =	vld [tilespmem:s21+$0x13020];
	[tilespmem:s21+$0x28D0] =	vst v30  }
0xad: {  	v36 =	vld [tilespmem:s21+$0x13030];
	[tilespmem:s21+$0x28E0] =	vst v31  }
0xae: {  	v37 =	vld [tilespmem:s21+$0x13040];
	[tilespmem:s21+$0x28F0] =	vst v32  }
0xaf: {  	v38 =	vld [tilespmem:s21+$0x13050];
	[tilespmem:s21+$0x5080] =	vst v33  }
0xb0: {  	v39 =	vld [tilespmem:s21+$0x13060];
	[tilespmem:s21+$0x5090] =	vst v34  }
0xb1: {  	v40 =	vld [tilespmem:s21+$0x13070];
	[tilespmem:s21+$0x50A0] =	vst v35  }
0xb2: {  	v41 =	vld [tilespmem:s21+$0x15000];
	[tilespmem:s21+$0x50B0] =	vst v36  }
0xb3: {  	v42 =	vld [tilespmem:s21+$0x15010];
	[tilespmem:s21+$0x50C0] =	vst v37  }
0xb4: {  	v43 =	vld [tilespmem:s21+$0x15020];
	[tilespmem:s21+$0x50D0] =	vst v38  }
0xb5: {  	v44 =	vld [tilespmem:s21+$0x15030];
	[tilespmem:s21+$0x50E0] =	vst v39  }
0xb6: {  	v45 =	vld [tilespmem:s21+$0x15040];
	[tilespmem:s21+$0x50F0] =	vst v40  }
0xb7: {  	v46 =	vld [tilespmem:s21+$0x15050];
	[tilespmem:s21+$0x7880] =	vst v41  }
0xb8: {  	v47 =	vld [tilespmem:s21+$0x15060];
	[tilespmem:s21+$0x7890] =	vst v42  }
0xb9: {  	v48 =	vld [tilespmem:s21+$0x15070];
	[tilespmem:s21+$0x78A0] =	vst v43  }
0xba: {  	v49 =	vld [tilespmem:s21+$0x17000];
	[tilespmem:s21+$0x78B0] =	vst v44  }
0xbb: {  	v50 =	vld [tilespmem:s21+$0x17010];
	[tilespmem:s21+$0x78C0] =	vst v45  }
0xbc: {  	v51 =	vld [tilespmem:s21+$0x17020];
	[tilespmem:s21+$0x78D0] =	vst v46  }
0xbd: {  	v52 =	vld [tilespmem:s21+$0x17030];
	[tilespmem:s21+$0x78E0] =	vst v47  }
0xbe: {  	v53 =	vld [tilespmem:s21+$0x17040];
	[tilespmem:s21+$0x78F0] =	vst v48  }
0xbf: {  	v54 =	vld [tilespmem:s21+$0x17050];
	[tilespmem:s21+$0xA080] =	vst v49  }
0xc0: {  	v55 =	vld [tilespmem:s21+$0x17060];
	[tilespmem:s21+$0xA090] =	vst v50  }
0xc1: {  	v56 =	vld [tilespmem:s21+$0x17070];
	[tilespmem:s21+$0xA0A0] =	vst v51  }
0xc2: {  	v57 =	vld [tilespmem:s21+$0x19000];
	[tilespmem:s21+$0xA0B0] =	vst v52  }
0xc3: {  	v58 =	vld [tilespmem:s21+$0x19010];
	[tilespmem:s21+$0xA0C0] =	vst v53  }
0xc4: {  	v59 =	vld [tilespmem:s21+$0x19020];
	[tilespmem:s21+$0xA0D0] =	vst v54  }
0xc5: {  	v60 =	vld [tilespmem:s21+$0x19030];
	[tilespmem:s21+$0xA0E0] =	vst v55  }
0xc6: {  	v61 =	vld [tilespmem:s21+$0x19040];
	[tilespmem:s21+$0xA0F0] =	vst v56  }
0xc7: {  	v62 =	vld [tilespmem:s21+$0x19050];
	[tilespmem:s21+$0xC880] =	vst v57  }
0xc8: {  	v63 =	vld [tilespmem:s21+$0x19060];
	[tilespmem:s21+$0xC890] =	vst v58  }
0xc9: {  	[tilespmem:s21+$0xC8A0] =	vst v59  }
0xca: {  	[tilespmem:s21+$0xC8B0] =	vst v60  }
0xcb: {  	[tilespmem:s21+$0xC8C0] =	vst v61  }
0xcc: {  	[tilespmem:s21+$0xC8D0] =	vst v62  }
0xcd: {  	s4 =	simm.s32 $0x0;
	s14 =	rddreg [dreg:$0x7];
	s11 =	simm.s32 $0x1B000;
	[tilespmem:s21+$0xC8E0] =	vst v63  }
0xce: {  	[tilespmem:s11], [sflag:$0x3] =	stream.linear.gather [hbm4b:s14+s4], $0x300, $0x38;
	[tilespmem:$0x1B300] =	vst v63  }
0xcf: {  	s21 =	rddreg [dreg:$0x8]  }
0xd0: {  	[tilespmem:s0], [sflag:$0x1] =	stream.strided.gather [hbm4b:s21+s30], $0x1C00, s31, s30, $0x38;
	[tilespmem:$0x1B300] =	vst v63  }
0xd1: {  	s26 =	simm.s32 $0x10C00;
	s2 =	sadd.s32 $0x1500, s21  }
0xd2: {  	[tilespmem:s26], [sflag:$0x1] =	stream.linear.gather [hbm4b:s2+s4], $0x200, $0x38;
	[tilespmem:$0x1B300] =	vst v63  }
0xd3: {  	s28 =	rddreg [dreg:$0x9]  }
0xd4: {  	[tilespmem:s3], [sflag:$0x1] =	stream.strided.gather [hbm4b:s28+s30], $0x1C00, s31, s30, $0x38;
	[tilespmem:$0x1B300] =	vst v63  }
0xd5: {  	s29 =	simm.s32 $0x12C00;
	s2 =	sadd.s32 $0x1500, s28  }
0xd6: {  	[tilespmem:s29], [sflag:$0x1] =	stream.linear.gather [hbm4b:s2+s4], $0x200, $0x38;
	[tilespmem:$0x1B300] =	vst v63  }
0xd7: {  	s11 =	rddreg [dreg:$0xa]  }
0xd8: {  	[tilespmem:s1], [sflag:$0x1] =	stream.strided.gather [hbm4b:s11+s30], $0x1C00, s31, s30, $0x38;
	[tilespmem:$0x1B300] =	vst v63  }
0xd9: {  	s14 =	simm.s32 $0x14C00;
	s2 =	sadd.s32 $0x1500, s11  }
0xda: {  	[tilespmem:s14], [sflag:$0x1] =	stream.linear.gather [hbm4b:s2+s4], $0x200, $0x38;
	[tilespmem:$0x1B300] =	vst v63  }
0xdb: {  	s21 =	rddreg [dreg:$0xb]  }
0xdc: {  	[tilespmem:s8], [sflag:$0x1] =	stream.strided.gather [hbm4b:s21+s30], $0x1C00, s31, s30, $0x38;
	[tilespmem:$0x1B300] =	vst v63  }
0xdd: {  	s26 =	simm.s32 $0x16C00;
	s2 =	sadd.s32 $0x1500, s21  }
0xde: {  	[tilespmem:s26], [sflag:$0x1] =	stream.linear.gather [hbm4b:s2+s4], $0x200, $0x38;
	[tilespmem:$0x1B300] =	vst v63  }
0xdf: {  	s28 =	rddreg [dreg:$0xc]  }
0xe0: {  	[tilespmem:s9], [sflag:$0x1] =	stream.strided.gather [hbm4b:s28+s30], $0x1C00, s31, s30, $0x38;
	[tilespmem:$0x1B300] =	vst v63  }
0xe1: {  	s2 =	sadd.s32 $0x1500, s28  }
0xe2: {  	[tilespmem:s15], [sflag:$0x1] =	stream.linear.gather [hbm4b:s2+s4], $0x200, $0x38;
	[tilespmem:$0x1B300] =	vst v63  }
0xe3: {  	s29 =	rddreg [dreg:$0xd]  }
0xe4: {  	[tilespmem:s10], [sflag:$0x1] =	stream.strided.gather [hbm4b:s29+s30], $0x1C00, s31, s30, $0x38;
	[tilespmem:$0x1B300] =	vst v63  }
0xe5: {  	s2 =	sadd.s32 $0x1500, s29  }
0xe6: {  	[tilespmem:s17], [sflag:$0x1] =	stream.linear.gather [hbm4b:s2+s4], $0x200, $0x38;
	[tilespmem:$0x1B300] =	vst v63  }
.LBB2_4:
0xe7: {  	_ =	swait.ge [sflag:s20], $0x300  }
0xe8: {  	[sflag:s20] =	ssyncset.done $0x0  }
0xe9: {  	[sflag:s20] =	ssyncadd.s32 $0xFFFFFD00  }
0xea: {  	_ =	swait.ge [sflag:s25], $0x1E00  }
0xeb: {  	p0 =	seq.s32 s4, $0x0;
	[sflag:s25] =	ssyncset.done $0x0  }
0xec: {  	s2 =	simm.s32 @!p0 $0x2;
	[sflag:s25] =	ssyncadd.s32 $0xFFFFE200  }
0xed: {  	_ =	swait.ge @!p0 [sflag:s2], $0x2680  }
0xee: {  	[sflag:s2] =	ssyncset.done @!p0 $0x0  }
0xef: {  	[sflag:s2] =	ssyncadd.s32 @!p0 $0xFFFFD980  }
0xf0: {  	v0 =	vld [tilespmem:$0x1B000]  }
0xf1: {  	v1 =	vld [tilespmem:$0x1B010]  }
0xf2: {  	v2 =	vld [tilespmem:$0x1B020]  }
0xf3: {  	v3 =	vld [tilespmem:$0x1B030]  }
0xf4: {  	v4 =	vld [tilespmem:$0x1B040]  }
0xf5: {  	[tilespmem:$0x0] =	vst v0;
	v0 =	vld [tilespmem:$0x1B050]  }
0xf6: {  	[tilespmem:$0x10] =	vst v1;
	v1 =	vld [tilespmem:$0x1B060]  }
0xf7: {  	[tilespmem:$0x20] =	vst v2;
	v2 =	vld [tilespmem:$0x1B070]  }
0xf8: {  	[tilespmem:$0x30] =	vst v3  }
0xf9: {  	[tilespmem:$0x40] =	vst v4  }
0xfa: {  	[tilespmem:$0x50] =	vst v0  }
0xfb: {  	[tilespmem:$0x60] =	vst v1  }
0xfc: {  	s2 =	simm.s32 $0x0;
	[tilespmem:$0x70] =	vst v2  }
0xfd: {  	v3 =	vld [tilespmem:s2+$0xF070]  }
0xfe: {  	v4 =	vld [tilespmem:s2+$0xF000]  }
0xff: {  	v5 =	vld [tilespmem:s2+$0xF010]  }
0x100: {  	v2 =	vld [tilespmem:s2+$0xF020]  }
0x101: {  	v0 =	vld [tilespmem:s2+$0xF030]  }
0x102: {  	v1 =	vld [tilespmem:s2+$0xF040];
	[tilespmem:s2+$0x8F0] =	vst v3  }
0x103: {  	[tilespmem:s2+$0x880] =	vst v4;
	v3 =	vld [tilespmem:s2+$0xF050]  }
0x104: {  	s21 =	simm.s32 $0x80;
	s11 =	simm.s32 $0x400;
	[tilespmem:s2+$0x890] =	vst v5;
	v4 =	vld [tilespmem:s2+$0xF060]  }
.LBB2_5:
0x105: {  	p1 =	sne.s32 s11, $0x7600;
	v5 =	vld [tilespmem:s21+$0xF070];
	[tilespmem:s2+$0x8A0] =	vst v2  }
0x106: {  	v6 =	vld [tilespmem:s21+$0xF000];
	[tilespmem:s2+$0x8B0] =	vst v0  }
0x107: {  	v7 =	vld [tilespmem:s21+$0xF010];
	[tilespmem:s2+$0x8C0] =	vst v1  }
.Ltmp1:
0x108: {  	v2 =	vld [tilespmem:s21+$0xF020];
	[tilespmem:s2+$0x8D0] =	vst v3;
	(pc) =	sbr.rel @p1 .LBB2_5-.Ltmp1, $4  }
0x109: {  	v0 =	vld [tilespmem:s21+$0xF030];
	[tilespmem:s2+$0x8E0] =	vst v4;
	s2 =	smov.u32 s21  }
0x10a: {  	v1 =	vld [tilespmem:s2+$0xF040];
	[tilespmem:s2+$0x8F0] =	vst v5  }
0x10b: {  	[tilespmem:s2+$0x880] =	vst v6;
	v3 =	vld [tilespmem:s2+$0xF050]  }
0x10c: {  	s21 =	sshra.s32 s11, $0x2;
	s11 =	sadd.s32 $0x200, s11;
	[tilespmem:s2+$0x890] =	vst v7;
	v4 =	vld [tilespmem:s2+$0xF060]  }
0x10d: {  	v5 =	vld [tilespmem:s21+$0xF070];
	[tilespmem:s2+$0x8A0] =	vst v2  }
0x10e: {  	v2 =	vld [tilespmem:s21+$0xF000];
	[tilespmem:s2+$0x8B0] =	vst v0  }
0x10f: {  	v0 =	vld [tilespmem:s21+$0xF010];
	[tilespmem:s2+$0x8C0] =	vst v1  }
0x110: {  	v1 =	vld [tilespmem:s21+$0xF020];
	[tilespmem:s2+$0x8D0] =	vst v3  }
0x111: {  	v3 =	vld [tilespmem:s21+$0xF030];
	[tilespmem:s2+$0x8E0] =	vst v4  }
0x112: {  	v4 =	vld [tilespmem:s21+$0xF040];
	[tilespmem:s21+$0x8F0] =	vst v5  }
0x113: {  	s2 =	sor.u32 s6, s4;
	[tilespmem:s21+$0x880] =	vst v2;
	v2 =	vld [tilespmem:s21+$0xF050]  }
0x114: {  	p1 =	slt.s32 s2, $0x3E7;
	[tilespmem:s21+$0x890] =	vst v0;
	v0 =	vld [tilespmem:s21+$0xF060]  }
0x115: {  	s2 =	simm.s32 @!p1 $0x3E7;
	[tilespmem:s21+$0x8A0] =	vst v1  }
0x116: {  	s2 =	smul.u32 $0xF000, s2;
	[tilespmem:s21+$0x8B0] =	vst v3  }
0x117: {  	[tilespmem:s21+$0x8C0] =	vst v4  }
0x118: {  	s4 =	sadd.s32 $0x1, s4;
	s28 =	sshrl.u32 s2, $0x3;
	[tilespmem:s21+$0x8D0] =	vst v2  }
0x119: {  	s2 =	sadd.s32 s7, s28;
	[tilespmem:s21+$0x8E0] =	vst v0;
	s21 =	sadd.s32 s6, s4  }
0x11a: {  	[hbm4b:s2+s30] =	stream.strided.scatter [tilespmem:s5], [sflag:$0x2], $0x2400, s31, s30, $0x38;
	[tilespmem:$0x1B300] =	vst v63  }
0x11b: {  	p1 =	slt.s32 s21, $0x3E7  }
0x11c: {  	s21 =	simm.s32 @!p1 $0x3E7  }
0x11d: {  	s14 =	simm.s32 $0x2400;
	s11 =	sadd.s32 $0x1B00, s2;
	s26 =	smul.u32 $0x1800, s21  }
0x11e: {  	[hbm4b:s11+s5] =	stream.linear.scatter [tilespmem:s14], [sflag:$0x2], $0x280, $0x38;
	[tilespmem:$0x1B300] =	vst v63  }
0x11f: {  	s14 =	rddreg [dreg:$0x2]  }
0x120: {  	s11 =	sadd.s32 s14, s26  }
0x121: {  	[tilespmem:s0], [sflag:$0x1] =	stream.strided.gather [hbm4b:s11+s30], $0x1C00, s31, s30, $0x38;
	[tilespmem:$0x1B300] =	vst v63  }
0x122: {  	s14 =	simm.s32 $0x10C00;
	s11 =	sadd.s32 $0x1500, s11  }
0x123: {  	[tilespmem:s14], [sflag:$0x1] =	stream.linear.gather [hbm4b:s11+s5], $0x200, $0x38;
	[tilespmem:$0x1B300] =	vst v63  }
0x124: {  	_ =	swait.ge [sflag:s25], $0x1E00  }
0x125: {  	[sflag:s25] =	ssyncset.done $0x0  }
0x126: {  	s11 =	simm.s32 @!p0 $0x2;
	[sflag:s25] =	ssyncadd.s32 $0xFFFFE200  }
0x127: {  	_ =	swait.ge @!p0 [sflag:s11], $0x2680  }
0x128: {  	[sflag:s11] =	ssyncset.done @!p0 $0x0  }
0x129: {  	[sflag:s11] =	ssyncadd.s32 @!p0 $0xFFFFD980  }
0x12a: {  	v0 =	vld [tilespmem:$0x1B080]  }
0x12b: {  	v1 =	vld [tilespmem:$0x1B090]  }
0x12c: {  	v2 =	vld [tilespmem:$0x1B0A0]  }
0x12d: {  	v3 =	vld [tilespmem:$0x1B0B0]  }
0x12e: {  	v4 =	vld [tilespmem:$0x1B0C0]  }
0x12f: {  	[tilespmem:$0x2800] =	vst v0;
	v0 =	vld [tilespmem:$0x1B0D0]  }
0x130: {  	[tilespmem:$0x2810] =	vst v1;
	v1 =	vld [tilespmem:$0x1B0E0]  }
0x131: {  	[tilespmem:$0x2820] =	vst v2;
	v2 =	vld [tilespmem:$0x1B0F0]  }
0x132: {  	[tilespmem:$0x2830] =	vst v3  }
0x133: {  	[tilespmem:$0x2840] =	vst v4  }
0x134: {  	[tilespmem:$0x2850] =	vst v0  }
0x135: {  	[tilespmem:$0x2860] =	vst v1  }
0x136: {  	s29 =	simm.s32 $0x0;
	[tilespmem:$0x2870] =	vst v2  }
0x137: {  	v3 =	vld [tilespmem:s29+$0x11070]  }
0x138: {  	v4 =	vld [tilespmem:s29+$0x11000]  }
0x139: {  	v5 =	vld [tilespmem:s29+$0x11010]  }
0x13a: {  	v2 =	vld [tilespmem:s29+$0x11020]  }
0x13b: {  	v0 =	vld [tilespmem:s29+$0x11030]  }
0x13c: {  	v1 =	vld [tilespmem:s29+$0x11040];
	[tilespmem:s29+$0x30F0] =	vst v3  }
0x13d: {  	[tilespmem:s29+$0x3080] =	vst v4;
	v3 =	vld [tilespmem:s29+$0x11050]  }
0x13e: {  	s14 =	simm.s32 $0x400;
	s11 =	simm.s32 $0x80;
	[tilespmem:s29+$0x3090] =	vst v5;
	v4 =	vld [tilespmem:s29+$0x11060]  }
.LBB2_7:
0x13f: {  	p1 =	sne.s32 s14, $0x7600;
	v5 =	vld [tilespmem:s11+$0x11070];
	[tilespmem:s29+$0x30A0] =	vst v2  }
0x140: {  	v6 =	vld [tilespmem:s11+$0x11000];
	[tilespmem:s29+$0x30B0] =	vst v0  }
0x141: {  	v7 =	vld [tilespmem:s11+$0x11010];
	[tilespmem:s29+$0x30C0] =	vst v1  }
.Ltmp2:
0x142: {  	v2 =	vld [tilespmem:s11+$0x11020];
	[tilespmem:s29+$0x30D0] =	vst v3;
	(pc) =	sbr.rel @p1 .LBB2_7-.Ltmp2, $4  }
0x143: {  	v0 =	vld [tilespmem:s11+$0x11030];
	[tilespmem:s29+$0x30E0] =	vst v4;
	s29 =	smov.u32 s11  }
0x144: {  	v1 =	vld [tilespmem:s29+$0x11040];
	[tilespmem:s29+$0x30F0] =	vst v5  }
0x145: {  	[tilespmem:s29+$0x3080] =	vst v6;
	v3 =	vld [tilespmem:s29+$0x11050]  }
0x146: {  	s11 =	sshra.s32 s14, $0x2;
	s14 =	sadd.s32 $0x200, s14;
	[tilespmem:s29+$0x3090] =	vst v7;
	v4 =	vld [tilespmem:s29+$0x11060]  }
0x147: {  	v5 =	vld [tilespmem:s11+$0x11070];
	[tilespmem:s29+$0x30A0] =	vst v2  }
0x148: {  	v2 =	vld [tilespmem:s11+$0x11000];
	[tilespmem:s29+$0x30B0] =	vst v0  }
0x149: {  	v0 =	vld [tilespmem:s11+$0x11010];
	[tilespmem:s29+$0x30C0] =	vst v1  }
0x14a: {  	v1 =	vld [tilespmem:s11+$0x11020];
	[tilespmem:s29+$0x30D0] =	vst v3  }
0x14b: {  	v3 =	vld [tilespmem:s11+$0x11030];
	[tilespmem:s29+$0x30E0] =	vst v4  }
0x14c: {  	v4 =	vld [tilespmem:s11+$0x11040];
	[tilespmem:s11+$0x30F0] =	vst v5  }
0x14d: {  	[tilespmem:s11+$0x3080] =	vst v2;
	v2 =	vld [tilespmem:s11+$0x11050]  }
0x14e: {  	[tilespmem:s11+$0x3090] =	vst v0;
	v0 =	vld [tilespmem:s11+$0x11060]  }
0x14f: {  	[tilespmem:s11+$0x30A0] =	vst v1  }
0x150: {  	[tilespmem:s11+$0x30B0] =	vst v3  }
0x151: {  	[tilespmem:s11+$0x30C0] =	vst v4  }
0x152: {  	[tilespmem:s11+$0x30D0] =	vst v2  }
0x153: {  	s14 =	simm.s32 $0x2800;
	[tilespmem:s11+$0x30E0] =	vst v0;
	s11 =	sadd.s32 s28, s22  }
0x154: {  	[hbm4b:s11+s30] =	stream.strided.scatter [tilespmem:s14], [sflag:$0x2], $0x2400, s31, s30, $0x38;
	[tilespmem:$0x1B300] =	vst v63  }
0x155: {  	s11 =	sadd.s32 $0x1B00, s11;
	s14 =	simm.s32 $0x4C00  }
0x156: {  	[hbm4b:s11+s5] =	stream.linear.scatter [tilespmem:s14], [sflag:$0x2], $0x280, $0x38;
	[tilespmem:$0x1B300] =	vst v63  }
0x157: {  	s14 =	sadd.s32 s26, s12  }
0x158: {  	[tilespmem:s3], [sflag:$0x1] =	stream.strided.gather [hbm4b:s14+s30], $0x1C00, s31, s30, $0x38;
	[tilespmem:$0x1B300] =	vst v63  }
0x159: {  	s11 =	sadd.s32 $0x1500, s14;
	s14 =	simm.s32 $0x12C00  }
0x15a: {  	[tilespmem:s14], [sflag:$0x1] =	stream.linear.gather [hbm4b:s11+s5], $0x200, $0x38;
	[tilespmem:$0x1B300] =	vst v63  }
0x15b: {  	_ =	swait.ge [sflag:s25], $0x1E00  }
0x15c: {  	[sflag:s25] =	ssyncset.done $0x0  }
0x15d: {  	s11 =	simm.s32 @!p0 $0x2;
	[sflag:s25] =	ssyncadd.s32 $0xFFFFE200  }
0x15e: {  	_ =	swait.ge @!p0 [sflag:s11], $0x2680  }
0x15f: {  	[sflag:s11] =	ssyncset.done @!p0 $0x0  }
0x160: {  	[sflag:s11] =	ssyncadd.s32 @!p0 $0xFFFFD980  }
0x161: {  	v0 =	vld [tilespmem:$0x1B100]  }
0x162: {  	v1 =	vld [tilespmem:$0x1B110]  }
0x163: {  	v2 =	vld [tilespmem:$0x1B120]  }
0x164: {  	v3 =	vld [tilespmem:$0x1B130]  }
0x165: {  	v4 =	vld [tilespmem:$0x1B140]  }
0x166: {  	[tilespmem:$0x5000] =	vst v0;
	v0 =	vld [tilespmem:$0x1B150]  }
0x167: {  	[tilespmem:$0x5010] =	vst v1;
	v1 =	vld [tilespmem:$0x1B160]  }
0x168: {  	[tilespmem:$0x5020] =	vst v2;
	v2 =	vld [tilespmem:$0x1B170]  }
0x169: {  	[tilespmem:$0x5030] =	vst v3  }
0x16a: {  	[tilespmem:$0x5040] =	vst v4  }
0x16b: {  	[tilespmem:$0x5050] =	vst v0  }
0x16c: {  	[tilespmem:$0x5060] =	vst v1  }
0x16d: {  	s29 =	simm.s32 $0x0;
	[tilespmem:$0x5070] =	vst v2  }
0x16e: {  	v3 =	vld [tilespmem:s29+$0x13070]  }
0x16f: {  	v4 =	vld [tilespmem:s29+$0x13000]  }
0x170: {  	v5 =	vld [tilespmem:s29+$0x13010]  }
0x171: {  	v2 =	vld [tilespmem:s29+$0x13020]  }
0x172: {  	v0 =	vld [tilespmem:s29+$0x13030]  }
0x173: {  	v1 =	vld [tilespmem:s29+$0x13040];
	[tilespmem:s29+$0x58F0] =	vst v3  }
0x174: {  	[tilespmem:s29+$0x5880] =	vst v4;
	v3 =	vld [tilespmem:s29+$0x13050]  }
0x175: {  	s14 =	simm.s32 $0x400;
	s11 =	simm.s32 $0x80;
	[tilespmem:s29+$0x5890] =	vst v5;
	v4 =	vld [tilespmem:s29+$0x13060]  }
.LBB2_9:
0x176: {  	p1 =	sne.s32 s14, $0x7600;
	v5 =	vld [tilespmem:s11+$0x13070];
	[tilespmem:s29+$0x58A0] =	vst v2  }
0x177: {  	v6 =	vld [tilespmem:s11+$0x13000];
	[tilespmem:s29+$0x58B0] =	vst v0  }
0x178: {  	v7 =	vld [tilespmem:s11+$0x13010];
	[tilespmem:s29+$0x58C0] =	vst v1  }
.Ltmp3:
0x179: {  	v2 =	vld [tilespmem:s11+$0x13020];
	[tilespmem:s29+$0x58D0] =	vst v3;
	(pc) =	sbr.rel @p1 .LBB2_9-.Ltmp3, $4  }
0x17a: {  	v0 =	vld [tilespmem:s11+$0x13030];
	[tilespmem:s29+$0x58E0] =	vst v4;
	s29 =	smov.u32 s11  }
0x17b: {  	v1 =	vld [tilespmem:s29+$0x13040];
	[tilespmem:s29+$0x58F0] =	vst v5  }
0x17c: {  	[tilespmem:s29+$0x5880] =	vst v6;
	v3 =	vld [tilespmem:s29+$0x13050]  }
0x17d: {  	s11 =	sshra.s32 s14, $0x2;
	s14 =	sadd.s32 $0x200, s14;
	[tilespmem:s29+$0x5890] =	vst v7;
	v4 =	vld [tilespmem:s29+$0x13060]  }
0x17e: {  	v5 =	vld [tilespmem:s11+$0x13070];
	[tilespmem:s29+$0x58A0] =	vst v2  }
0x17f: {  	v2 =	vld [tilespmem:s11+$0x13000];
	[tilespmem:s29+$0x58B0] =	vst v0  }
0x180: {  	v0 =	vld [tilespmem:s11+$0x13010];
	[tilespmem:s29+$0x58C0] =	vst v1  }
0x181: {  	v1 =	vld [tilespmem:s11+$0x13020];
	[tilespmem:s29+$0x58D0] =	vst v3  }
0x182: {  	v3 =	vld [tilespmem:s11+$0x13030];
	[tilespmem:s29+$0x58E0] =	vst v4  }
0x183: {  	v4 =	vld [tilespmem:s11+$0x13040];
	[tilespmem:s11+$0x58F0] =	vst v5  }
0x184: {  	[tilespmem:s11+$0x5880] =	vst v2;
	v2 =	vld [tilespmem:s11+$0x13050]  }
0x185: {  	[tilespmem:s11+$0x5890] =	vst v0;
	v0 =	vld [tilespmem:s11+$0x13060]  }
0x186: {  	[tilespmem:s11+$0x58A0] =	vst v1  }
0x187: {  	[tilespmem:s11+$0x58B0] =	vst v3  }
0x188: {  	[tilespmem:s11+$0x58C0] =	vst v4  }
0x189: {  	[tilespmem:s11+$0x58D0] =	vst v2  }
0x18a: {  	s14 =	simm.s32 $0x5000;
	[tilespmem:s11+$0x58E0] =	vst v0;
	s11 =	sadd.s32 s28, s23  }
0x18b: {  	[hbm4b:s11+s30] =	stream.strided.scatter [tilespmem:s14], [sflag:$0x2], $0x2400, s31, s30, $0x38;
	[tilespmem:$0x1B300] =	vst v63  }
0x18c: {  	s11 =	sadd.s32 $0x1B00, s11;
	s14 =	simm.s32 $0x7400  }
0x18d: {  	[hbm4b:s11+s5] =	stream.linear.scatter [tilespmem:s14], [sflag:$0x2], $0x280, $0x38;
	[tilespmem:$0x1B300] =	vst v63  }
0x18e: {  	s14 =	sadd.s32 s26, s13  }
0x18f: {  	[tilespmem:s1], [sflag:$0x1] =	stream.strided.gather [hbm4b:s14+s30], $0x1C00, s31, s30, $0x38;
	[tilespmem:$0x1B300] =	vst v63  }
0x190: {  	s11 =	sadd.s32 $0x1500, s14;
	s14 =	simm.s32 $0x14C00  }
0x191: {  	[tilespmem:s14], [sflag:$0x1] =	stream.linear.gather [hbm4b:s11+s5], $0x200, $0x38;
	[tilespmem:$0x1B300] =	vst v63  }
0x192: {  	_ =	swait.ge [sflag:s25], $0x1E00  }
0x193: {  	[sflag:s25] =	ssyncset.done $0x0  }
0x194: {  	s11 =	simm.s32 @!p0 $0x2;
	[sflag:s25] =	ssyncadd.s32 $0xFFFFE200  }
0x195: {  	_ =	swait.ge @!p0 [sflag:s11], $0x2680  }
0x196: {  	[sflag:s11] =	ssyncset.done @!p0 $0x0  }
0x197: {  	[sflag:s11] =	ssyncadd.s32 @!p0 $0xFFFFD980  }
0x198: {  	v0 =	vld [tilespmem:$0x1B180]  }
0x199: {  	v1 =	vld [tilespmem:$0x1B190]  }
0x19a: {  	v2 =	vld [tilespmem:$0x1B1A0]  }
0x19b: {  	v3 =	vld [tilespmem:$0x1B1B0]  }
0x19c: {  	v4 =	vld [tilespmem:$0x1B1C0]  }
0x19d: {  	[tilespmem:$0x7800] =	vst v0;
	v0 =	vld [tilespmem:$0x1B1D0]  }
0x19e: {  	[tilespmem:$0x7810] =	vst v1;
	v1 =	vld [tilespmem:$0x1B1E0]  }
0x19f: {  	[tilespmem:$0x7820] =	vst v2;
	v2 =	vld [tilespmem:$0x1B1F0]  }
0x1a0: {  	[tilespmem:$0x7830] =	vst v3  }
0x1a1: {  	[tilespmem:$0x7840] =	vst v4  }
0x1a2: {  	[tilespmem:$0x7850] =	vst v0  }
0x1a3: {  	[tilespmem:$0x7860] =	vst v1  }
0x1a4: {  	s29 =	simm.s32 $0x0;
	[tilespmem:$0x7870] =	vst v2  }
0x1a5: {  	v3 =	vld [tilespmem:s29+$0x15070]  }
0x1a6: {  	v4 =	vld [tilespmem:s29+$0x15000]  }
0x1a7: {  	v5 =	vld [tilespmem:s29+$0x15010]  }
0x1a8: {  	v2 =	vld [tilespmem:s29+$0x15020]  }
0x1a9: {  	v0 =	vld [tilespmem:s29+$0x15030]  }
0x1aa: {  	v1 =	vld [tilespmem:s29+$0x15040];
	[tilespmem:s29+$0x80F0] =	vst v3  }
0x1ab: {  	[tilespmem:s29+$0x8080] =	vst v4;
	v3 =	vld [tilespmem:s29+$0x15050]  }
0x1ac: {  	s14 =	simm.s32 $0x400;
	s11 =	simm.s32 $0x80;
	[tilespmem:s29+$0x8090] =	vst v5;
	v4 =	vld [tilespmem:s29+$0x15060]  }
.LBB2_11:
0x1ad: {  	p1 =	sne.s32 s14, $0x7600;
	v5 =	vld [tilespmem:s11+$0x15070];
	[tilespmem:s29+$0x80A0] =	vst v2  }
0x1ae: {  	v6 =	vld [tilespmem:s11+$0x15000];
	[tilespmem:s29+$0x80B0] =	vst v0  }
0x1af: {  	v7 =	vld [tilespmem:s11+$0x15010];
	[tilespmem:s29+$0x80C0] =	vst v1  }
.Ltmp4:
0x1b0: {  	v2 =	vld [tilespmem:s11+$0x15020];
	[tilespmem:s29+$0x80D0] =	vst v3;
	(pc) =	sbr.rel @p1 .LBB2_11-.Ltmp4, $4  }
0x1b1: {  	v0 =	vld [tilespmem:s11+$0x15030];
	[tilespmem:s29+$0x80E0] =	vst v4;
	s29 =	smov.u32 s11  }
0x1b2: {  	v1 =	vld [tilespmem:s29+$0x15040];
	[tilespmem:s29+$0x80F0] =	vst v5  }
0x1b3: {  	[tilespmem:s29+$0x8080] =	vst v6;
	v3 =	vld [tilespmem:s29+$0x15050]  }
0x1b4: {  	s11 =	sshra.s32 s14, $0x2;
	s14 =	sadd.s32 $0x200, s14;
	[tilespmem:s29+$0x8090] =	vst v7;
	v4 =	vld [tilespmem:s29+$0x15060]  }
0x1b5: {  	v5 =	vld [tilespmem:s11+$0x15070];
	[tilespmem:s29+$0x80A0] =	vst v2  }
0x1b6: {  	v2 =	vld [tilespmem:s11+$0x15000];
	[tilespmem:s29+$0x80B0] =	vst v0  }
0x1b7: {  	v0 =	vld [tilespmem:s11+$0x15010];
	[tilespmem:s29+$0x80C0] =	vst v1  }
0x1b8: {  	v1 =	vld [tilespmem:s11+$0x15020];
	[tilespmem:s29+$0x80D0] =	vst v3  }
0x1b9: {  	v3 =	vld [tilespmem:s11+$0x15030];
	[tilespmem:s29+$0x80E0] =	vst v4  }
0x1ba: {  	v4 =	vld [tilespmem:s11+$0x15040];
	[tilespmem:s11+$0x80F0] =	vst v5  }
0x1bb: {  	[tilespmem:s11+$0x8080] =	vst v2;
	v2 =	vld [tilespmem:s11+$0x15050]  }
0x1bc: {  	[tilespmem:s11+$0x8090] =	vst v0;
	v0 =	vld [tilespmem:s11+$0x15060]  }
0x1bd: {  	[tilespmem:s11+$0x80A0] =	vst v1  }
0x1be: {  	[tilespmem:s11+$0x80B0] =	vst v3  }
0x1bf: {  	[tilespmem:s11+$0x80C0] =	vst v4  }
0x1c0: {  	[tilespmem:s11+$0x80D0] =	vst v2  }
0x1c1: {  	s14 =	simm.s32 $0x7800;
	s29 =	sadd.s32 s28, s24;
	[tilespmem:s11+$0x80E0] =	vst v0  }
0x1c2: {  	[hbm4b:s29+s30] =	stream.strided.scatter [tilespmem:s14], [sflag:$0x2], $0x2400, s31, s30, $0x38;
	[tilespmem:$0x1B300] =	vst v63  }
0x1c3: {  	s11 =	sadd.s32 $0x1B00, s29;
	s29 =	simm.s32 $0x9C00  }
0x1c4: {  	[hbm4b:s11+s5] =	stream.linear.scatter [tilespmem:s29], [sflag:$0x2], $0x280, $0x38;
	[tilespmem:$0x1B300] =	vst v63  }
0x1c5: {  	s14 =	sadd.s32 s26, s16  }
0x1c6: {  	[tilespmem:s8], [sflag:$0x1] =	stream.strided.gather [hbm4b:s14+s30], $0x1C00, s31, s30, $0x38;
	[tilespmem:$0x1B300] =	vst v63  }
0x1c7: {  	s11 =	sadd.s32 $0x1500, s14;
	s29 =	simm.s32 $0x16C00  }
0x1c8: {  	[tilespmem:s29], [sflag:$0x1] =	stream.linear.gather [hbm4b:s11+s5], $0x200, $0x38;
	[tilespmem:$0x1B300] =	vst v63  }
0x1c9: {  	_ =	swait.ge [sflag:s25], $0x1E00  }
0x1ca: {  	[sflag:s25] =	ssyncset.done $0x0  }
0x1cb: {  	s11 =	simm.s32 @!p0 $0x2;
	[sflag:s25] =	ssyncadd.s32 $0xFFFFE200  }
0x1cc: {  	_ =	swait.ge @!p0 [sflag:s11], $0x2680  }
0x1cd: {  	[sflag:s11] =	ssyncset.done @!p0 $0x0  }
0x1ce: {  	[sflag:s11] =	ssyncadd.s32 @!p0 $0xFFFFD980  }
0x1cf: {  	v0 =	vld [tilespmem:$0x1B200]  }
0x1d0: {  	v1 =	vld [tilespmem:$0x1B210]  }
0x1d1: {  	v2 =	vld [tilespmem:$0x1B220]  }
0x1d2: {  	v3 =	vld [tilespmem:$0x1B230]  }
0x1d3: {  	v4 =	vld [tilespmem:$0x1B240]  }
0x1d4: {  	[tilespmem:$0xA000] =	vst v0;
	v0 =	vld [tilespmem:$0x1B250]  }
0x1d5: {  	[tilespmem:$0xA010] =	vst v1;
	v1 =	vld [tilespmem:$0x1B260]  }
0x1d6: {  	[tilespmem:$0xA020] =	vst v2;
	v2 =	vld [tilespmem:$0x1B270]  }
0x1d7: {  	[tilespmem:$0xA030] =	vst v3  }
0x1d8: {  	[tilespmem:$0xA040] =	vst v4  }
0x1d9: {  	[tilespmem:$0xA050] =	vst v0  }
0x1da: {  	[tilespmem:$0xA060] =	vst v1  }
0x1db: {  	s28 =	simm.s32 $0x0;
	[tilespmem:$0xA070] =	vst v2  }
0x1dc: {  	v3 =	vld [tilespmem:s28+$0x17070]  }
0x1dd: {  	v4 =	vld [tilespmem:s28+$0x17000]  }
0x1de: {  	v5 =	vld [tilespmem:s28+$0x17010]  }
0x1df: {  	v2 =	vld [tilespmem:s28+$0x17020]  }
0x1e0: {  	v0 =	vld [tilespmem:s28+$0x17030]  }
0x1e1: {  	v1 =	vld [tilespmem:s28+$0x17040];
	[tilespmem:s28+$0xA8F0] =	vst v3  }
0x1e2: {  	[tilespmem:s28+$0xA880] =	vst v4;
	v3 =	vld [tilespmem:s28+$0x17050]  }
0x1e3: {  	s14 =	simm.s32 $0x400;
	s11 =	simm.s32 $0x80;
	[tilespmem:s28+$0xA890] =	vst v5;
	v4 =	vld [tilespmem:s28+$0x17060]  }
.LBB2_13:
0x1e4: {  	p1 =	sne.s32 s14, $0x7600;
	v5 =	vld [tilespmem:s11+$0x17070];
	[tilespmem:s28+$0xA8A0] =	vst v2  }
0x1e5: {  	v6 =	vld [tilespmem:s11+$0x17000];
	[tilespmem:s28+$0xA8B0] =	vst v0  }
0x1e6: {  	v7 =	vld [tilespmem:s11+$0x17010];
	[tilespmem:s28+$0xA8C0] =	vst v1  }
.Ltmp5:
0x1e7: {  	v2 =	vld [tilespmem:s11+$0x17020];
	[tilespmem:s28+$0xA8D0] =	vst v3;
	(pc) =	sbr.rel @p1 .LBB2_13-.Ltmp5, $4  }
0x1e8: {  	v0 =	vld [tilespmem:s11+$0x17030];
	[tilespmem:s28+$0xA8E0] =	vst v4;
	s28 =	smov.u32 s11  }
0x1e9: {  	v1 =	vld [tilespmem:s28+$0x17040];
	[tilespmem:s28+$0xA8F0] =	vst v5  }
0x1ea: {  	[tilespmem:s28+$0xA880] =	vst v6;
	v3 =	vld [tilespmem:s28+$0x17050]  }
0x1eb: {  	s11 =	sshra.s32 s14, $0x2;
	s14 =	sadd.s32 $0x200, s14;
	[tilespmem:s28+$0xA890] =	vst v7;
	v4 =	vld [tilespmem:s28+$0x17060]  }
0x1ec: {  	v5 =	vld [tilespmem:s11+$0x17070];
	[tilespmem:s28+$0xA8A0] =	vst v2  }
0x1ed: {  	v2 =	vld [tilespmem:s11+$0x17000];
	[tilespmem:s28+$0xA8B0] =	vst v0  }
0x1ee: {  	v0 =	vld [tilespmem:s11+$0x17010];
	[tilespmem:s28+$0xA8C0] =	vst v1  }
0x1ef: {  	v1 =	vld [tilespmem:s11+$0x17020];
	[tilespmem:s28+$0xA8D0] =	vst v3  }
0x1f0: {  	v3 =	vld [tilespmem:s11+$0x17030];
	[tilespmem:s28+$0xA8E0] =	vst v4  }
0x1f1: {  	v4 =	vld [tilespmem:s11+$0x17040];
	[tilespmem:s11+$0xA8F0] =	vst v5  }
0x1f2: {  	[tilespmem:s11+$0xA880] =	vst v2;
	v2 =	vld [tilespmem:s11+$0x17050]  }
0x1f3: {  	[tilespmem:s11+$0xA890] =	vst v0;
	v0 =	vld [tilespmem:s11+$0x17060]  }
0x1f4: {  	[tilespmem:s11+$0xA8A0] =	vst v1  }
0x1f5: {  	[tilespmem:s11+$0xA8B0] =	vst v3  }
0x1f6: {  	[tilespmem:s11+$0xA8C0] =	vst v4  }
0x1f7: {  	[tilespmem:s11+$0xA8D0] =	vst v2  }
0x1f8: {  	s29 =	sadd.s32 $0x200, s2;
	s14 =	simm.s32 $0xA000;
	[tilespmem:s11+$0xA8E0] =	vst v0  }
0x1f9: {  	[hbm4b:s29+s30] =	stream.strided.scatter [tilespmem:s14], [sflag:$0x2], $0x2400, s31, s30, $0x38;
	[tilespmem:$0x1B300] =	vst v63  }
0x1fa: {  	s14 =	sadd.s32 $0x1D00, s2;
	s29 =	simm.s32 $0xC400  }
0x1fb: {  	[hbm4b:s14+s5] =	stream.linear.scatter [tilespmem:s29], [sflag:$0x2], $0x280, $0x38;
	[tilespmem:$0x1B300] =	vst v63  }
0x1fc: {  	s29 =	sadd.s32 s26, s18  }
0x1fd: {  	[tilespmem:s9], [sflag:$0x1] =	stream.strided.gather [hbm4b:s29+s30], $0x1C00, s31, s30, $0x38;
	[tilespmem:$0x1B300] =	vst v63  }
0x1fe: {  	s11 =	sadd.s32 $0x1500, s29  }
0x1ff: {  	[tilespmem:s15], [sflag:$0x1] =	stream.linear.gather [hbm4b:s11+s5], $0x200, $0x38;
	[tilespmem:$0x1B300] =	vst v63  }
0x200: {  	_ =	swait.ge [sflag:s25], $0x1E00  }
0x201: {  	[sflag:s25] =	ssyncset.done $0x0  }
0x202: {  	s11 =	simm.s32 @!p0 $0x2;
	[sflag:s25] =	ssyncadd.s32 $0xFFFFE200  }
0x203: {  	_ =	swait.ge @!p0 [sflag:s11], $0x2680  }
0x204: {  	[sflag:s11] =	ssyncset.done @!p0 $0x0  }
0x205: {  	[sflag:s11] =	ssyncadd.s32 @!p0 $0xFFFFD980  }
0x206: {  	v0 =	vld [tilespmem:$0x1B280]  }
0x207: {  	v1 =	vld [tilespmem:$0x1B290]  }
0x208: {  	v2 =	vld [tilespmem:$0x1B2A0]  }
0x209: {  	v3 =	vld [tilespmem:$0x1B2B0]  }
0x20a: {  	v4 =	vld [tilespmem:$0x1B2C0]  }
0x20b: {  	[tilespmem:$0xC800] =	vst v0;
	v0 =	vld [tilespmem:$0x1B2D0]  }
0x20c: {  	[tilespmem:$0xC810] =	vst v1;
	v1 =	vld [tilespmem:$0x1B2E0]  }
0x20d: {  	[tilespmem:$0xC820] =	vst v2;
	v2 =	vld [tilespmem:$0x1B2F0]  }
0x20e: {  	[tilespmem:$0xC830] =	vst v3  }
0x20f: {  	[tilespmem:$0xC840] =	vst v4  }
0x210: {  	[tilespmem:$0xC850] =	vst v0  }
0x211: {  	[tilespmem:$0xC860] =	vst v1  }
0x212: {  	s28 =	simm.s32 $0x0;
	[tilespmem:$0xC870] =	vst v2  }
0x213: {  	v3 =	vld [tilespmem:s28+$0x19070]  }
0x214: {  	v4 =	vld [tilespmem:s28+$0x19000]  }
0x215: {  	v5 =	vld [tilespmem:s28+$0x19010]  }
0x216: {  	v2 =	vld [tilespmem:s28+$0x19020]  }
0x217: {  	v0 =	vld [tilespmem:s28+$0x19030]  }
0x218: {  	v1 =	vld [tilespmem:s28+$0x19040];
	[tilespmem:s28+$0xD0F0] =	vst v3  }
0x219: {  	[tilespmem:s28+$0xD080] =	vst v4;
	v3 =	vld [tilespmem:s28+$0x19050]  }
0x21a: {  	s14 =	simm.s32 $0x400;
	s11 =	simm.s32 $0x80;
	[tilespmem:s28+$0xD090] =	vst v5;
	v4 =	vld [tilespmem:s28+$0x19060]  }
.LBB2_15:
0x21b: {  	p0 =	sne.s32 s14, $0x7600;
	v5 =	vld [tilespmem:s11+$0x19070];
	[tilespmem:s28+$0xD0A0] =	vst v2  }
0x21c: {  	v6 =	vld [tilespmem:s11+$0x19000];
	[tilespmem:s28+$0xD0B0] =	vst v0  }
0x21d: {  	v7 =	vld [tilespmem:s11+$0x19010];
	[tilespmem:s28+$0xD0C0] =	vst v1  }
.Ltmp6:
0x21e: {  	v2 =	vld [tilespmem:s11+$0x19020];
	[tilespmem:s28+$0xD0D0] =	vst v3;
	(pc) =	sbr.rel @p0 .LBB2_15-.Ltmp6, $4  }
0x21f: {  	v0 =	vld [tilespmem:s11+$0x19030];
	[tilespmem:s28+$0xD0E0] =	vst v4;
	s28 =	smov.u32 s11  }
0x220: {  	v1 =	vld [tilespmem:s28+$0x19040];
	[tilespmem:s28+$0xD0F0] =	vst v5  }
0x221: {  	[tilespmem:s28+$0xD080] =	vst v6;
	v3 =	vld [tilespmem:s28+$0x19050]  }
0x222: {  	s11 =	sshra.s32 s14, $0x2;
	s14 =	sadd.s32 $0x200, s14;
	[tilespmem:s28+$0xD090] =	vst v7;
	v4 =	vld [tilespmem:s28+$0x19060]  }
0x223: {  	v5 =	vld [tilespmem:s11+$0x19070];
	[tilespmem:s28+$0xD0A0] =	vst v2  }
0x224: {  	v2 =	vld [tilespmem:s11+$0x19000];
	[tilespmem:s28+$0xD0B0] =	vst v0  }
0x225: {  	v0 =	vld [tilespmem:s11+$0x19010];
	[tilespmem:s28+$0xD0C0] =	vst v1  }
0x226: {  	v1 =	vld [tilespmem:s11+$0x19020];
	[tilespmem:s28+$0xD0D0] =	vst v3  }
0x227: {  	v3 =	vld [tilespmem:s11+$0x19030];
	[tilespmem:s28+$0xD0E0] =	vst v4  }
0x228: {  	v4 =	vld [tilespmem:s11+$0x19040];
	[tilespmem:s11+$0xD0F0] =	vst v5  }
0x229: {  	v62 =	vld [tilespmem:s11+$0x19050];
	[tilespmem:s11+$0xD080] =	vst v2  }
0x22a: {  	v63 =	vld [tilespmem:s11+$0x19060];
	[tilespmem:s11+$0xD090] =	vst v0  }
0x22b: {  	[tilespmem:s11+$0xD0A0] =	vst v1  }
0x22c: {  	[tilespmem:s11+$0xD0B0] =	vst v3  }
0x22d: {  	[tilespmem:s11+$0xD0C0] =	vst v4  }
0x22e: {  	[tilespmem:s11+$0xD0D0] =	vst v62  }
0x22f: {  	s29 =	sadd.s32 $0x280, s2;
	s14 =	simm.s32 $0xC800;
	[tilespmem:s11+$0xD0E0] =	vst v63  }
0x230: {  	[hbm4b:s29+s30] =	stream.strided.scatter [tilespmem:s14], [sflag:$0x2], $0x2400, s31, s30, $0x38;
	[tilespmem:$0x1B300] =	vst v63  }
0x231: {  	s28 =	sadd.s32 $0x1D80, s2;
	s29 =	simm.s32 $0xEC00  }
0x232: {  	[hbm4b:s28+s5] =	stream.linear.scatter [tilespmem:s29], [sflag:$0x2], $0x280, $0x38;
	[tilespmem:$0x1B300] =	vst v63  }
0x233: {  	p0 =	sne.s32 s4, $0x20;
	s14 =	sadd.s32 s26, s19  }
0x234: {  	[tilespmem:s10], [sflag:$0x1] =	stream.strided.gather [hbm4b:s14+s30], $0x1C00, s31, s30, $0x38;
	[tilespmem:$0x1B300] =	vst v63  }
.Ltmp7:
0x235: {  	_ = 	snop;
	(pc) =	sbr.rel @p0 .LBB2_4-.Ltmp7, $4  }
0x236: {  	s26 =	smul.u32 $0x60, s21;
	s2 =	sadd.s32 $0x1500, s14;
	s28 =	rddreg [dreg:$0x1]  }
0x237: {  	[tilespmem:s17], [sflag:$0x1] =	stream.linear.gather [hbm4b:s2+s5], $0x200, $0x38;
	[tilespmem:$0x1B300] =	vst v63  }
0x238: {  	s29 =	simm.s32 $0x1B000;
	s2 =	sadd.s32 s28, s26  }
0x239: {  	[tilespmem:s29], [sflag:$0x3] =	stream.linear.gather [hbm4b:s2+s5], $0x300, $0x38;
	[tilespmem:$0x1B300] =	vst v63  }
0x23a: {  	_ =	swait.ge [sflag:s20], $0x300  }
0x23b: {  	[sflag:s20] =	ssyncset.done $0x0  }
0x23c: {  	s2 =	simm.s32 $0x2;
	[sflag:s20] =	ssyncadd.s32 $0xFFFFFD00  }
0x23d: {  	_ =	swait.ge [sflag:s2], $0x2680  }
0x23e: {  	[sflag:s2] =	ssyncset.done $0x0  }
0x23f: {  	[sflag:s2] =	ssyncadd.s32 $0xFFFFD980  }
0x240: {  	_ =	swait.ge [sflag:s25], $0x1E00  }
0x241: {  	[sflag:s25] =	ssyncset.done $0x0  }
0x242: {  	[sflag:s25] =	ssyncadd.s32 $0xFFFFE200  }
0x243: {  	_ =	swait.ge [sflag:s2], $0x2680  }
0x244: {  	[sflag:s2] =	ssyncset.done $0x0  }
0x245: {  	[sflag:s2] =	ssyncadd.s32 $0xFFFFD980  }
0x246: {  	_ =	swait.ge [sflag:s25], $0x1E00  }
0x247: {  	[sflag:s25] =	ssyncset.done $0x0  }
0x248: {  	[sflag:s25] =	ssyncadd.s32 $0xFFFFE200  }
0x249: {  	_ =	swait.ge [sflag:s2], $0x2680  }
0x24a: {  	[sflag:s2] =	ssyncset.done $0x0  }
0x24b: {  	[sflag:s2] =	ssyncadd.s32 $0xFFFFD980  }
0x24c: {  	_ =	swait.ge [sflag:s25], $0x1E00  }
0x24d: {  	[sflag:s25] =	ssyncset.done $0x0  }
0x24e: {  	[sflag:s25] =	ssyncadd.s32 $0xFFFFE200  }
0x24f: {  	_ =	swait.ge [sflag:s2], $0x2680  }
0x250: {  	[sflag:s2] =	ssyncset.done $0x0  }
0x251: {  	[sflag:s2] =	ssyncadd.s32 $0xFFFFD980  }
0x252: {  	_ =	swait.ge [sflag:s25], $0x1E00  }
0x253: {  	[sflag:s25] =	ssyncset.done $0x0  }
0x254: {  	[sflag:s25] =	ssyncadd.s32 $0xFFFFE200  }
0x255: {  	_ =	swait.ge [sflag:s2], $0x2680  }
0x256: {  	[sflag:s2] =	ssyncset.done $0x0  }
0x257: {  	[sflag:s2] =	ssyncadd.s32 $0xFFFFD980  }
0x258: {  	_ =	swait.ge [sflag:s25], $0x1E00  }
0x259: {  	[sflag:s25] =	ssyncset.done $0x0  }
0x25a: {  	[sflag:s25] =	ssyncadd.s32 $0xFFFFE200  }
0x25b: {  	_ =	swait.ge [sflag:s2], $0x2680  }
0x25c: {  	[sflag:s2] =	ssyncset.done $0x0  }
0x25d: {  	[sflag:s2] =	ssyncadd.s32 $0xFFFFD980  }
0x25e: {  	_ =	swait.ge [sflag:s25], $0x1E00  }
0x25f: {  	s4 =	rddreg [dreg:$0x12]  }
0x260: {  	s29 =	rddreg [dreg:$0xe];
	s4 =	sadd.s32 $0x1, s4  }
0x261: {  	p0 =	sne.s32 s4, s29  }
.Ltmp8:
0x262: {  	_ = 	snop;
	(pc) =	sbr.rel @p0 .LBB2_1-.Ltmp8, $3  }
0x263: {  	_ =	sdelay $0x1  }
0x264: {  	[sflag:s25] =	ssyncset.done $0x0  }
0x265: {  	[sflag:s25] =	ssyncadd.s32 $0xFFFFE200  }
0x266: {  	_ =	sfence.sel $0x180000  }
0x267: {  	[bflag:$0x0] =	sbarrier.arrive $0xFFFF  }
0x268: {  	_ =	strace $0x90000047  }
0x269: {  	s0 =	stileid.u32;
	[bflag:$0x2] =	sbarrier.arrive $0xFFFF  }
0x26a: {  	p0 =	sne.s32 s0, $0x0;
	s0 =	rddreg [dreg:$0x4]  }
0x26b: {  	s0 =	sadd.s32 @!p0 $0x100000, s0  }
0x26c: {  	[sflag:s0] =	ssyncadd.tile.s32 @!p0 $0x1;
	_ =	shalt  }
.Lfunc_end2:
_tile_overlayer_lowered:
.L_overlay_start_2:
0x26d: {  	(tag) =	ssettag $0x2  }
0x26e: {  	s0 =	rddreg [dreg:$0x0];
	s2 =	stileid.u32  }
0x26f: {  	s1 =	rddreg [dreg:$0x1];
	p0 =	sne.s32 s2, $0x0  }
0x270: {  	s3 =	rddreg [dreg:$0x2];
	[bflag:$0x3] =	sbarrier.arrive $0xFFFF;
	s2 =	simm.s32 @!p0 $0x1C04  }
0x271: {  	[timem:s3], [sflag:s2] =	dma.local @!p0 [hbm:s0], s1  }
0x272: {  	s0 =	simm.s32 @!p0 $0x4  }
0x273: {  	_ =	swait.ge @!p0 [sflag:s0], s1  }
0x274: {  	s1 =	ssub.s32 @!p0 $0x0, s1;
	[sflag:s0] =	ssyncset.done @!p0 $0x0  }
0x275: {  	[sflag:s0] =	ssyncadd.s32 @!p0 s1  }
0x276: {  	[bflag:$0x3] =	sbarrier.arrive $0xFFFF  }
0x277: {  	_ =	shalt  }

</sc_bundles>
